<compile_context>
chip_gen: v7x
topology: tpu7x:2x2x1
jax: 0.10.2.dev20260603
libtpu: 0.0.44.dev20260713+nightly
codegen_flags: <defaults>
</compile_context>

<pallas_src>
import functools

import jax
import jax.numpy as jnp
import numpy as np
from jax import lax
from jax.experimental import pallas as pl
from jax.experimental.pallas import tpu as pltpu
from jax.experimental.pallas import tpu_sc as plsc

N = 100000
E = 1600000
H = 32
D = 128
FLOAT_MIN = -3.4028235e38
FLOAT_MAX = 3.4028235e38

NC = 2
NS = 16
N2 = N // NC
TRASH = 1200
M = N2 + TRASH
NP = NC * M
PER_TILE = M // NS
WIN = 256
NWIN = 392
E_PAD_T = WIN * NWIN
E_PAD = E_PAD_T * NS

_mesh = plsc.VectorSubcoreMesh(
    core_axis_name="c", subcore_axis_name="s", num_cores=NC, num_subcores=NS
)


def _msgpass_body(with_deg, padded_table, *refs):
    if with_deg:
        (h_hbm, src_hbm, dst_hbm, za_hbm, zd_hbm, agg_hbm, deg_hbm,
         agg_sp, deg_sp,
         src_v0, dst_v0, src2d0, dst2d0, rows0, isem0, gsem0, ssem0,
         src_v1, dst_v1, src2d1, dst2d1, rows1, isem1, gsem1, ssem1,
         ones_v) = refs
    else:
        (h_hbm, src_hbm, dst_hbm, za_hbm, agg_hbm,
         agg_sp,
         src_v0, dst_v0, src2d0, dst2d0, rows0, isem0, gsem0, ssem0,
         src_v1, dst_v1, src2d1, dst2d1, rows1, isem1, gsem1, ssem1,
         ) = refs
        deg_sp = ones_v = None
    bufs = ((src_v0, dst_v0, src2d0, dst2d0, rows0, isem0, gsem0, ssem0),
            (src_v1, dst_v1, src2d1, dst2d1, rows1, isem1, gsem1, ssem1))

    c = lax.axis_index("c")
    s = lax.axis_index("s")
    base = c * N2

    pltpu.sync_copy(za_hbm.at[pl.ds(s * PER_TILE, PER_TILE)],
                    agg_sp.at[pl.ds(s * PER_TILE, PER_TILE)])
    if with_deg:
        pltpu.sync_copy(zd_hbm.at[pl.ds(s * PER_TILE, PER_TILE)],
                        deg_sp.at[pl.ds(s * PER_TILE, PER_TILE)])
        one = jnp.full((16,), 1.0, dtype=jnp.float32)
        for j in range(8):
            ones_v[pl.ds(j * 16, 16)] = one
    plsc.subcore_barrier()

    lanes = lax.broadcasted_iota(jnp.int32, (16,), 0)
    nch = WIN // 128

    def issue_idx(w, b):
        (src_v, dst_v, _, _, _, isem, _, _) = bufs[b]
        e0 = s * E_PAD_T + w * WIN
        return (pltpu.async_copy(src_hbm.at[pl.ds(e0, WIN)], src_v, isem),
                pltpu.async_copy(dst_hbm.at[pl.ds(e0, WIN)], dst_v, isem))

    def stage_and_gather(w, b, idx_cp):
        (src_v, dst_v, src2d, dst2d, rows, _, gsem, _) = bufs[b]
        for cp in idx_cp:
            cp.wait()
        for i in range(WIN // 16):
            sv = src_v[pl.ds(i * 16, 16)]
            if padded_table:
                sv = sv + jnp.where(sv >= N2, TRASH, 0)
            src2d[i // 8, pl.ds((i % 8) * 16, 16)] = sv
        gcopies = []
        for j in range(nch):
            gcopies.append(pltpu.async_copy(
                h_hbm.at[src2d.at[j]], rows.at[pl.ds(j * 128, 128)], gsem))
        for i in range(WIN // 16):
            d = dst_v[pl.ds(i * 16, 16)] - base
            oob = (d < 0) | (d >= N2)
            mix = lanes + (i * 16 + s * 67 + w * 131)
            tr = N2 + (mix & 1023)
            dst2d[i // 8, pl.ds((i % 8) * 16, 16)] = jnp.where(oob, tr, d)
        return gcopies

    def scatter(b, gcopies):
        (_, _, _, dst2d, rows, _, _, ssem) = bufs[b]
        for cp in gcopies:
            cp.wait()
        scopies = []
        for j in range(nch):
            scopies.append(pltpu.async_copy(
                rows.at[pl.ds(j * 128, 128)], agg_sp.at[dst2d.at[j]], ssem,
                add=True))
        if with_deg:
            scopies += [pltpu.async_copy(ones_v, deg_sp.at[dst2d.at[j]],
                                         ssem, add=True) for j in range(nch)]
        return scopies

    def pair(p, carry):
        w0 = p * 2
        i0 = issue_idx(w0, 0)
        i1 = issue_idx(w0 + 1, 1)
        g0 = stage_and_gather(w0, 0, i0)
        g1 = stage_and_gather(w0 + 1, 1, i1)
        s0 = scatter(0, g0)
        s1 = scatter(1, g1)
        for cp in s0 + s1:
            cp.wait()
        return carry

    lax.fori_loop(0, NWIN // 2, pair, 0)
    plsc.subcore_barrier()

    pltpu.sync_copy(agg_sp.at[pl.ds(s * PER_TILE, PER_TILE)],
                    agg_hbm.at[pl.ds(c * M + s * PER_TILE, PER_TILE)])
    if with_deg:
        pltpu.sync_copy(deg_sp.at[pl.ds(s * PER_TILE, PER_TILE)],
                        deg_hbm.at[c, pl.ds(s * PER_TILE, PER_TILE)])


def _make_msgpass(with_deg, padded_table):
    out_type = [jax.ShapeDtypeStruct((NP, H), jnp.float32)]
    scratch = [pltpu.VMEM_SHARED((M, H), jnp.float32)]
    if with_deg:
        out_type.append(jax.ShapeDtypeStruct((NC, M), jnp.float32))
        scratch.append(pltpu.VMEM_SHARED((M,), jnp.float32))
    for _ in range(2):
        scratch += [
            pltpu.VMEM((WIN,), jnp.int32),
            pltpu.VMEM((WIN,), jnp.int32),
            pltpu.VMEM((WIN // 128, 128), jnp.int32),
            pltpu.VMEM((WIN // 128, 128), jnp.int32),
            pltpu.VMEM((WIN, H), jnp.float32),
            pltpu.SemaphoreType.DMA,
            pltpu.SemaphoreType.DMA,
            pltpu.SemaphoreType.DMA,
        ]
    if with_deg:
        scratch.append(pltpu.VMEM((128,), jnp.float32))
    return pl.kernel(
        functools.partial(_msgpass_body, with_deg, padded_table),
        out_type=tuple(out_type) if with_deg else out_type[0],
        mesh=_mesh,
        scratch_types=scratch,
        compiler_params=pltpu.CompilerParams(use_tc_tiling_on_sc=False),
    )


_msgpass_deg = _make_msgpass(True, False)
_msgpass = _make_msgpass(False, True)


def _head_body(h_hbm, didx_hbm, emb_hbm, didx_v, didx_m, rows, gsem):
    c = lax.axis_index("c")
    s = lax.axis_index("s")

    @pl.when((c == 0) & (s == 0))
    def _():
        pltpu.sync_copy(didx_hbm, didx_v)
        for i in range(D // 16):
            dv = didx_v[pl.ds(i * 16, 16)]
            didx_m[pl.ds(i * 16, 16)] = dv + jnp.where(dv >= N2, TRASH, 0)
        pltpu.async_copy(h_hbm.at[didx_m], rows, gsem).wait()
        pltpu.sync_copy(rows, emb_hbm)


_head = pl.kernel(
    _head_body,
    out_type=jax.ShapeDtypeStruct((D, H), jnp.float32),
    mesh=_mesh,
    scratch_types=[
        pltpu.VMEM((D,), jnp.int32),
        pltpu.VMEM((D,), jnp.int32),
        pltpu.VMEM((D, H), jnp.float32),
        pltpu.SemaphoreType.DMA,
    ],
    compiler_params=pltpu.CompilerParams(use_tc_tiling_on_sc=False,
                                         needs_layout_passes=False),
)


def _pol_body(emb_ref, wp_ref, bm_ref, o_ref):
    o_ref[...] = (
        jnp.dot(emb_ref[...], wp_ref[...],
                preferred_element_type=jnp.float32) + bm_ref[...])


_pol = pl.pallas_call(
    _pol_body,
    in_specs=[
        pl.BlockSpec((D, H), lambda: (0, 0)),
        pl.BlockSpec((H, 1), lambda: (0, 0)),
        pl.BlockSpec((D, 1), lambda: (0, 0)),
    ],
    out_specs=pl.BlockSpec((D, 1), lambda: (0, 0)),
    out_shape=jax.ShapeDtypeStruct((D, 1), jnp.float32),
)



BN = 3200
NB = NP // BN


def _embed_body(x_ref, w_ref, b_ref, o_ref):
    o_ref[...] = jnp.tanh(x_ref[...] * w_ref[...] + b_ref[...])


_embed = pl.pallas_call(
    _embed_body,
    grid=(N // 4000,),
    in_specs=[
        pl.BlockSpec((4000, 1), lambda i: (i, 0)),
        pl.BlockSpec((1, H), lambda i: (0, 0)),
        pl.BlockSpec((1, H), lambda i: (0, 0)),
    ],
    out_specs=pl.BlockSpec((4000, H), lambda i: (i, 0)),
    out_shape=jax.ShapeDtypeStruct((N, H), jnp.float32),
)


def _dense_body(agg_ref, deg_ref, w_ref, b_ref, o_ref):
    a = agg_ref[...] / jnp.maximum(deg_ref[...], 1.0)
    o_ref[...] = jnp.maximum(
        jnp.dot(a, w_ref[...], preferred_element_type=jnp.float32)
        + b_ref[...], 0.0)


_dense = pl.pallas_call(
    _dense_body,
    grid=(NB,),
    in_specs=[
        pl.BlockSpec((BN, H), lambda i: (i, 0)),
        pl.BlockSpec((BN, 1), lambda i: (i, 0)),
        pl.BlockSpec((H, H), lambda i: (0, 0)),
        pl.BlockSpec((1, H), lambda i: (0, 0)),
    ],
    out_specs=pl.BlockSpec((BN, H), lambda i: (i, 0)),
    out_shape=jax.ShapeDtypeStruct((NP, H), jnp.float32),
)


def _dense_val_body(agg_ref, deg_ref, w_ref, b_ref, wv_ref, bv_ref,
                    h_ref, val_ref, acc_ref):
    i = pl.program_id(0)
    a = agg_ref[...] / jnp.maximum(deg_ref[...], 1.0)
    hb = jnp.maximum(
        jnp.dot(a, w_ref[...], preferred_element_type=jnp.float32)
        + b_ref[...], 0.0)
    h_ref[...] = hb

    @pl.when(i == 0)
    def _():
        acc_ref[...] = jnp.zeros_like(acc_ref)

    half_blocks = NB // NC
    row_in_half = (i % half_blocks) * BN
    limit = jnp.minimum(jnp.maximum(N2 - row_in_half, 0), BN)
    riota = lax.broadcasted_iota(jnp.int32, (BN, 1), 0)
    hmask = jnp.where(riota < limit, hb, 0.0)
    acc_ref[...] += jnp.sum(hmask, axis=0, keepdims=True)

    @pl.when(i == NB - 1)
    def _():
        val_ref[...] = (
            jnp.dot(acc_ref[...] / np.float32(N), wv_ref[...],
                    preferred_element_type=jnp.float32)
            + bv_ref[...])


_dense_val = pl.pallas_call(
    _dense_val_body,
    grid=(NB,),
    in_specs=[
        pl.BlockSpec((BN, H), lambda i: (i, 0)),
        pl.BlockSpec((BN, 1), lambda i: (i, 0)),
        pl.BlockSpec((H, H), lambda i: (0, 0)),
        pl.BlockSpec((1, H), lambda i: (0, 0)),
        pl.BlockSpec((H, 1), lambda i: (0, 0)),
        pl.BlockSpec((1, 1), lambda i: (0, 0)),
    ],
    out_specs=[
        pl.BlockSpec((BN, H), lambda i: (i, 0)),
        pl.BlockSpec((1, 1), lambda i: (0, 0)),
    ],
    out_shape=[
        jax.ShapeDtypeStruct((NP, H), jnp.float32),
        jax.ShapeDtypeStruct((1, 1), jnp.float32),
    ],
    scratch_shapes=[pltpu.VMEM((1, H), jnp.float32)],
)


def kernel(ids_observation, action_mask, edges, defense_indices, seq_lens,
           W_embed, b_embed, W1, b1, W2, b2, W_pol, b_pol, W_val, b_val):
    x = ids_observation[0].reshape(N, 1)
    src = edges[0, :, 0]
    dst = edges[0, :, 1]
    npad = E_PAD - E
    pad_src = (jnp.arange(npad, dtype=jnp.int32) * 977) % N
    pad_dst = jnp.full((npad,), N, dtype=jnp.int32)
    src_p = jnp.concatenate([src, pad_src])
    dst_p = jnp.concatenate([dst, pad_dst])
    za = jnp.zeros((M, H), jnp.float32)
    zd = jnp.zeros((M,), jnp.float32)

    h0 = _embed(x, W_embed, b_embed.reshape(1, H))
    agg1, deg_raw = _msgpass_deg(h0, src_p, dst_p, za, zd)
    deg = deg_raw.reshape(NP, 1)
    h1 = _dense(agg1, deg, W1, b1.reshape(1, H))
    agg2 = _msgpass(h1, src_p, dst_p, za)
    h2, val = _dense_val(agg2, deg, W2, b2.reshape(1, H),
                         W_val, b_val.reshape(1, 1))

    inf_mask = jnp.clip(jnp.log(action_mask[0]), FLOAT_MIN, FLOAT_MAX)
    bias_mask = (b_pol[0] + inf_mask).reshape(D, 1)
    emb = _head(h2, defense_indices[0])
    pol = _pol(emb, W_pol, bias_mask)
    return pol.reshape(1, D), val.reshape(1, 1)

# --- scband reference (transcript-rebuilt; emitter-appended) ---
"""Pipeline reference for scband-gnndefender-model-40870908789178 (READ-ONLY COPY).

The authoritative reference and input builder live on the scoring server;
editing this copy changes nothing except your own understanding.
"""

import jax, jax.numpy as jnp
import numpy as np

N_NODES = 100000
N_EDGES = 1600000
HIDDEN = 32
NUM_OUTPUTS = 128
BATCH = 1
FLOAT_MIN = -3.4028235e38
FLOAT_MAX = 3.4028235e38


def setup_inputs(seed: int = 0):
    key = jax.random.key(seed)
    ks = jax.random.split(key, 10)
    s = 0.1
    inp = {}
    inp["ids_observation"] = jax.random.uniform(ks[0], (BATCH, N_NODES), dtype=jnp.float32)
    inp["action_mask"] = jnp.ones((BATCH, NUM_OUTPUTS), dtype=jnp.float32)
    inp["edges"] = jax.random.randint(ks[1], (BATCH, N_EDGES, 2), 0, N_NODES, dtype=jnp.int32)
    inp["defense_indices"] = jax.random.randint(ks[2], (BATCH, NUM_OUTPUTS), 0, N_NODES, dtype=jnp.int32)
    inp["seq_lens"] = jnp.ones((BATCH,), dtype=jnp.int32)
    inp["W_embed"] = jax.random.normal(ks[3], (1, HIDDEN), dtype=jnp.float32) * s
    inp["b_embed"] = jnp.zeros((HIDDEN,), dtype=jnp.float32)
    inp["W1"] = jax.random.normal(ks[4], (HIDDEN, HIDDEN), dtype=jnp.float32) * s
    inp["b1"] = jnp.zeros((HIDDEN,), dtype=jnp.float32)
    inp["W2"] = jax.random.normal(ks[5], (HIDDEN, HIDDEN), dtype=jnp.float32) * s
    inp["b2"] = jnp.zeros((HIDDEN,), dtype=jnp.float32)
    inp["W_pol"] = jax.random.normal(ks[6], (HIDDEN, 1), dtype=jnp.float32) * s
    inp["b_pol"] = jnp.zeros((1,), dtype=jnp.float32)
    inp["W_val"] = jax.random.normal(ks[7], (HIDDEN, 1), dtype=jnp.float32) * s
    inp["b_val"] = jnp.zeros((1,), dtype=jnp.float32)
    return inp


def _gnn_single(x, edge_index, defense_idx, W_embed, b_embed, W1, b1, W2, b2, W_pol, b_pol, W_val, b_val):
    # x: [N, 1] node IDS state, edge_index: [2, E], defense_idx: [D]
    src = edge_index[0]
    dst = edge_index[1]
    h = jnp.tanh(x @ W_embed + b_embed)  # [N, H]
    for W, b in ((W1, b1), (W2, b2)):
        msgs = h[src]  # gather: [E, H]
        agg = jax.ops.segment_sum(msgs, dst, num_segments=N_NODES)  # scatter-add
        deg = jax.ops.segment_sum(jnp.ones((dst.shape[0], 1), dtype=h.dtype), dst, num_segments=N_NODES)
        h = jax.nn.relu((agg / jnp.clip(deg, 1.0, None)) @ W + b)
    def_emb = h[defense_idx]  # gather defense node embeddings: [D, H]
    policy = (def_emb @ W_pol + b_pol)[:, 0]  # [D]
    value = jnp.mean(h, axis=0) @ W_val + b_val  # [1]
    return policy, value


def reference(ids_observation, action_mask, edges, defense_indices, seq_lens, W_embed, b_embed, W1, b1, W2, b2, W_pol, b_pol, W_val, b_val):
    sim_state = ids_observation[..., None]  # unsqueeze(-1): [B, N, 1]
    edge_index = jnp.transpose(edges, (0, 2, 1))  # transpose(1, -1): [B, 2, E]
    fn = lambda x, e, d: _gnn_single(x, e, d, W_embed, b_embed, W1, b1, W2, b2, W_pol, b_pol, W_val, b_val)
    policy_out, value_out = jax.vmap(fn)(sim_state, edge_index, defense_indices)
    inf_mask = jnp.clip(jnp.log(action_mask), FLOAT_MIN, FLOAT_MAX)
    return policy_out + inf_mask, value_out

if __name__ == "__main__":
    import jax
    _d = setup_inputs()
    print(jax.jit(kernel)(*tuple(_d.values())))

</pallas_src>

<mosaic_0001>
#map = affine_map<(d0, d1) -> (0, 0)>
#map1 = affine_map<(d0, d1) -> (0)>
module attributes {stable_mosaic.version = 14 : i64} {
  func.func @_head_body(%arg0: i32, %arg1: i32, %arg2: memref<102400x32xf32, #tpu.memory_space<hbm>>, %arg3: memref<128xi32, #tpu.memory_space<hbm>>, %arg4: memref<128x32xf32, #tpu.memory_space<hbm>>, %arg5: memref<128xi32, #tpu.memory_space<vmem>>, %arg6: memref<128xi32, #tpu.memory_space<vmem>>, %arg7: memref<128x32xf32, #tpu.memory_space<vmem>>, %arg8: memref<!tpu.dma_semaphore, #tpu.memory_space<semaphore_mem>>) attributes {dimension_semantics = [#tpu.dimension_semantics<core_parallel>, #tpu.dimension_semantics<subcore_parallel>], iteration_bounds = array<i64: 2, 16>, scalar_prefetch = 0 : i64, scratch_operands = 4 : i64, tpu.core_type = #tpu.core_type<sc_vector_subcore>, window_params = [{transform_indices = #map}, {transform_indices = #map1}, {transform_indices = #map}]} {
    %eq3A = arith.constant 0 : i32
    %eq3A_0 = arith.cmpi eq, %arg0, %eq3A : i32
    %eq3A_1 = arith.constant 0 : i32
    %eq3A_2 = arith.cmpi eq, %arg1, %eq3A_1 : i32
    %and3A = arith.andi %eq3A_0, %eq3A_2 : i1
    %convert_element_type3A = arith.extui %and3A : i1 to i32
    %cond3A = arith.constant 0 : i32
    %cond3A_3 = arith.cmpi ne, %convert_element_type3A, %cond3A : i32
    scf.if %cond3A_3 {
      "tpu.region"() ({
        %run_scoped3A = tpu.sem_alloc : memref<!tpu.dma_semaphore, #tpu.memory_space<semaphore_mem>>
        tpu.enqueue_dma source(%arg3 : memref<128xi32, #tpu.memory_space<hbm>>) target(%arg5 : memref<128xi32, #tpu.memory_space<vmem>>) target_semaphore(%run_scoped3A : memref<!tpu.dma_semaphore, #tpu.memory_space<semaphore_mem>>)
        tpu.wait_dma2 semaphore(%run_scoped3A : memref<!tpu.dma_semaphore, #tpu.memory_space<semaphore_mem>>) src(%arg3 : memref<128xi32, #tpu.memory_space<hbm>>) dst(%arg5 : memref<128xi32, #tpu.memory_space<vmem>>)
        tpu.yield
      }) : () -> ()
      %get3A = arith.constant 0 : index
      %get3A_4 = tpu.vector_load %arg5[%get3A] {strides = array<i32>} : memref<128xi32, #tpu.memory_space<vmem>>, vector<16xi32>,
      %ge3A = arith.constant 50000 : i32
      %ge3A_5 = vector.broadcast %ge3A : i32 to vector<16xi32>
      %ge3A_6 = arith.cmpi sge, %get3A_4, %ge3A_5 : vector<16xi32>
      %jit3A = arith.constant 1200 : i32
      %jit3A_7 = arith.constant 0 : i32
      %broadcast_in_dim3A = vector.broadcast %jit3A : i32 to vector<16xi32>
      %broadcast_in_dim3A_8 = vector.broadcast %jit3A_7 : i32 to vector<16xi32>
      %select_n3A = arith.select %ge3A_6, %broadcast_in_dim3A, %broadcast_in_dim3A_8 : vector<16xi1>, vector<16xi32>
      %add3A = arith.addi %get3A_4, %select_n3A : vector<16xi32>
      %swap3A = arith.constant 0 : index
      %swap3A_9 = tpu.vector_load %arg6[%swap3A] {strides = array<i32>} : memref<128xi32, #tpu.memory_space<vmem>>, vector<16xi32>,
      tpu.vector_store %arg6[%swap3A], %add3A {strides = array<i32>} : memref<128xi32, #tpu.memory_space<vmem>>, vector<16xi32>,
      %get3A_10 = arith.constant 16 : index
      %get3A_11 = tpu.vector_load %arg5[%get3A_10] {strides = array<i32>} : memref<128xi32, #tpu.memory_space<vmem>>, vector<16xi32>,
      %ge3A_12 = arith.constant 50000 : i32
      %ge3A_13 = vector.broadcast %ge3A_12 : i32 to vector<16xi32>
      %ge3A_14 = arith.cmpi sge, %get3A_11, %ge3A_13 : vector<16xi32>
      %jit3A_15 = arith.constant 1200 : i32
      %jit3A_16 = arith.constant 0 : i32
      %broadcast_in_dim3A_17 = vector.broadcast %jit3A_15 : i32 to vector<16xi32>
      %broadcast_in_dim3A_18 = vector.broadcast %jit3A_16 : i32 to vector<16xi32>
      %select_n3A_19 = arith.select %ge3A_14, %broadcast_in_dim3A_17, %broadcast_in_dim3A_18 : vector<16xi1>, vector<16xi32>
      %add3A_20 = arith.addi %get3A_11, %select_n3A_19 : vector<16xi32>
      %swap3A_21 = arith.constant 16 : index
      %swap3A_22 = tpu.vector_load %arg6[%swap3A_21] {strides = array<i32>} : memref<128xi32, #tpu.memory_space<vmem>>, vector<16xi32>,
      tpu.vector_store %arg6[%swap3A_21], %add3A_20 {strides = array<i32>} : memref<128xi32, #tpu.memory_space<vmem>>, vector<16xi32>,
      %get3A_23 = arith.constant 32 : index
      %get3A_24 = tpu.vector_load %arg5[%get3A_23] {strides = array<i32>} : memref<128xi32, #tpu.memory_space<vmem>>, vector<16xi32>,
      %ge3A_25 = arith.constant 50000 : i32
      %ge3A_26 = vector.broadcast %ge3A_25 : i32 to vector<16xi32>
      %ge3A_27 = arith.cmpi sge, %get3A_24, %ge3A_26 : vector<16xi32>
      %jit3A_28 = arith.constant 1200 : i32
      %jit3A_29 = arith.constant 0 : i32
      %broadcast_in_dim3A_30 = vector.broadcast %jit3A_28 : i32 to vector<16xi32>
      %broadcast_in_dim3A_31 = vector.broadcast %jit3A_29 : i32 to vector<16xi32>
      %select_n3A_32 = arith.select %ge3A_27, %broadcast_in_dim3A_30, %broadcast_in_dim3A_31 : vector<16xi1>, vector<16xi32>
      %add3A_33 = arith.addi %get3A_24, %select_n3A_32 : vector<16xi32>
      %swap3A_34 = arith.constant 32 : index
      %swap3A_35 = tpu.vector_load %arg6[%swap3A_34] {strides = array<i32>} : memref<128xi32, #tpu.memory_space<vmem>>, vector<16xi32>,
      tpu.vector_store %arg6[%swap3A_34], %add3A_33 {strides = array<i32>} : memref<128xi32, #tpu.memory_space<vmem>>, vector<16xi32>,
      %get3A_36 = arith.constant 48 : index
      %get3A_37 = tpu.vector_load %arg5[%get3A_36] {strides = array<i32>} : memref<128xi32, #tpu.memory_space<vmem>>, vector<16xi32>,
      %ge3A_38 = arith.constant 50000 : i32
      %ge3A_39 = vector.broadcast %ge3A_38 : i32 to vector<16xi32>
      %ge3A_40 = arith.cmpi sge, %get3A_37, %ge3A_39 : vector<16xi32>
      %jit3A_41 = arith.constant 1200 : i32
      %jit3A_42 = arith.constant 0 : i32
      %broadcast_in_dim3A_43 = vector.broadcast %jit3A_41 : i32 to vector<16xi32>
      %broadcast_in_dim3A_44 = vector.broadcast %jit3A_42 : i32 to vector<16xi32>
      %select_n3A_45 = arith.select %ge3A_40, %broadcast_in_dim3A_43, %broadcast_in_dim3A_44 : vector<16xi1>, vector<16xi32>
      %add3A_46 = arith.addi %get3A_37, %select_n3A_45 : vector<16xi32>
      %swap3A_47 = arith.constant 48 : index
      %swap3A_48 = tpu.vector_load %arg6[%swap3A_47] {strides = array<i32>} : memref<128xi32, #tpu.memory_space<vmem>>, vector<16xi32>,
      tpu.vector_store %arg6[%swap3A_47], %add3A_46 {strides = array<i32>} : memref<128xi32, #tpu.memory_space<vmem>>, vector<16xi32>,
      %get3A_49 = arith.constant 64 : index
      %get3A_50 = tpu.vector_load %arg5[%get3A_49] {strides = array<i32>} : memref<128xi32, #tpu.memory_space<vmem>>, vector<16xi32>,
      %ge3A_51 = arith.constant 50000 : i32
      %ge3A_52 = vector.broadcast %ge3A_51 : i32 to vector<16xi32>
      %ge3A_53 = arith.cmpi sge, %get3A_50, %ge3A_52 : vector<16xi32>
      %jit3A_54 = arith.constant 1200 : i32
      %jit3A_55 = arith.constant 0 : i32
      %broadcast_in_dim3A_56 = vector.broadcast %jit3A_54 : i32 to vector<16xi32>
      %broadcast_in_dim3A_57 = vector.broadcast %jit3A_55 : i32 to vector<16xi32>
      %select_n3A_58 = arith.select %ge3A_53, %broadcast_in_dim3A_56, %broadcast_in_dim3A_57 : vector<16xi1>, vector<16xi32>
      %add3A_59 = arith.addi %get3A_50, %select_n3A_58 : vector<16xi32>
      %swap3A_60 = arith.constant 64 : index
      %swap3A_61 = tpu.vector_load %arg6[%swap3A_60] {strides = array<i32>} : memref<128xi32, #tpu.memory_space<vmem>>, vector<16xi32>,
      tpu.vector_store %arg6[%swap3A_60], %add3A_59 {strides = array<i32>} : memref<128xi32, #tpu.memory_space<vmem>>, vector<16xi32>,
      %get3A_62 = arith.constant 80 : index
      %get3A_63 = tpu.vector_load %arg5[%get3A_62] {strides = array<i32>} : memref<128xi32, #tpu.memory_space<vmem>>, vector<16xi32>,
      %ge3A_64 = arith.constant 50000 : i32
      %ge3A_65 = vector.broadcast %ge3A_64 : i32 to vector<16xi32>
      %ge3A_66 = arith.cmpi sge, %get3A_63, %ge3A_65 : vector<16xi32>
      %jit3A_67 = arith.constant 1200 : i32
      %jit3A_68 = arith.constant 0 : i32
      %broadcast_in_dim3A_69 = vector.broadcast %jit3A_67 : i32 to vector<16xi32>
      %broadcast_in_dim3A_70 = vector.broadcast %jit3A_68 : i32 to vector<16xi32>
      %select_n3A_71 = arith.select %ge3A_66, %broadcast_in_dim3A_69, %broadcast_in_dim3A_70 : vector<16xi1>, vector<16xi32>
      %add3A_72 = arith.addi %get3A_63, %select_n3A_71 : vector<16xi32>
      %swap3A_73 = arith.constant 80 : index
      %swap3A_74 = tpu.vector_load %arg6[%swap3A_73] {strides = array<i32>} : memref<128xi32, #tpu.memory_space<vmem>>, vector<16xi32>,
      tpu.vector_store %arg6[%swap3A_73], %add3A_72 {strides = array<i32>} : memref<128xi32, #tpu.memory_space<vmem>>, vector<16xi32>,
      %get3A_75 = arith.constant 96 : index
      %get3A_76 = tpu.vector_load %arg5[%get3A_75] {strides = array<i32>} : memref<128xi32, #tpu.memory_space<vmem>>, vector<16xi32>,
      %ge3A_77 = arith.constant 50000 : i32
      %ge3A_78 = vector.broadcast %ge3A_77 : i32 to vector<16xi32>
      %ge3A_79 = arith.cmpi sge, %get3A_76, %ge3A_78 : vector<16xi32>
      %jit3A_80 = arith.constant 1200 : i32
      %jit3A_81 = arith.constant 0 : i32
      %broadcast_in_dim3A_82 = vector.broadcast %jit3A_80 : i32 to vector<16xi32>
      %broadcast_in_dim3A_83 = vector.broadcast %jit3A_81 : i32 to vector<16xi32>
      %select_n3A_84 = arith.select %ge3A_79, %broadcast_in_dim3A_82, %broadcast_in_dim3A_83 : vector<16xi1>, vector<16xi32>
      %add3A_85 = arith.addi %get3A_76, %select_n3A_84 : vector<16xi32>
      %swap3A_86 = arith.constant 96 : index
      %swap3A_87 = tpu.vector_load %arg6[%swap3A_86] {strides = array<i32>} : memref<128xi32, #tpu.memory_space<vmem>>, vector<16xi32>,
      tpu.vector_store %arg6[%swap3A_86], %add3A_85 {strides = array<i32>} : memref<128xi32, #tpu.memory_space<vmem>>, vector<16xi32>,
      %get3A_88 = arith.constant 112 : index
      %get3A_89 = tpu.vector_load %arg5[%get3A_88] {strides = array<i32>} : memref<128xi32, #tpu.memory_space<vmem>>, vector<16xi32>,
      %ge3A_90 = arith.constant 50000 : i32
      %ge3A_91 = vector.broadcast %ge3A_90 : i32 to vector<16xi32>
      %ge3A_92 = arith.cmpi sge, %get3A_89, %ge3A_91 : vector<16xi32>
      %jit3A_93 = arith.constant 1200 : i32
      %jit3A_94 = arith.constant 0 : i32
      %broadcast_in_dim3A_95 = vector.broadcast %jit3A_93 : i32 to vector<16xi32>
      %broadcast_in_dim3A_96 = vector.broadcast %jit3A_94 : i32 to vector<16xi32>
      %select_n3A_97 = arith.select %ge3A_92, %broadcast_in_dim3A_95, %broadcast_in_dim3A_96 : vector<16xi1>, vector<16xi32>
      %add3A_98 = arith.addi %get3A_89, %select_n3A_97 : vector<16xi32>
      %swap3A_99 = arith.constant 112 : index
      %swap3A_100 = tpu.vector_load %arg6[%swap3A_99] {strides = array<i32>} : memref<128xi32, #tpu.memory_space<vmem>>, vector<16xi32>,
      tpu.vector_store %arg6[%swap3A_99], %add3A_98 {strides = array<i32>} : memref<128xi32, #tpu.memory_space<vmem>>, vector<16xi32>,
      %dma_start3A = arith.constant 0 : i32
      %dma_start3A_101 = arith.constant 0 : i32
      %dma_start3A_102 = tpu.memref_slice %arg2[%dma_start3A, %dma_start3A_101] : memref<102400x32xf32, #tpu.memory_space<hbm>> -> memref<102400x32xf32, #tpu.memory_space<hbm>>
      tpu.enqueue_indirect_dma source(%dma_start3A_102 : memref<102400x32xf32, #tpu.memory_space<hbm>>) target(%arg7 : memref<128x32xf32, #tpu.memory_space<vmem>>) offsets(%arg6 : memref<128xi32, #tpu.memory_space<vmem>>) semaphore(%arg8 : memref<!tpu.dma_semaphore, #tpu.memory_space<semaphore_mem>>)
      %dma_wait3A = arith.constant 0 : i32
      %dma_wait3A_103 = arith.constant 0 : i32
      %dma_wait3A_104 = tpu.memref_slice %arg2[%dma_wait3A, %dma_wait3A_103] : memref<102400x32xf32, #tpu.memory_space<hbm>> -> memref<102400x32xf32, #tpu.memory_space<hbm>>
      tpu.wait_indirect_dma semaphore(%arg8 : memref<!tpu.dma_semaphore, #tpu.memory_space<semaphore_mem>>) src(%dma_wait3A_104 : memref<102400x32xf32, #tpu.memory_space<hbm>>) dst(%arg7 : memref<128x32xf32, #tpu.memory_space<vmem>>)
      "tpu.region"() ({
        %run_scoped3A = tpu.sem_alloc : memref<!tpu.dma_semaphore, #tpu.memory_space<semaphore_mem>>
        tpu.enqueue_dma source(%arg7 : memref<128x32xf32, #tpu.memory_space<vmem>>) target(%arg4 : memref<128x32xf32, #tpu.memory_space<hbm>>) target_semaphore(%run_scoped3A : memref<!tpu.dma_semaphore, #tpu.memory_space<semaphore_mem>>)
        tpu.wait_dma2 semaphore(%run_scoped3A : memref<!tpu.dma_semaphore, #tpu.memory_space<semaphore_mem>>) src(%arg7 : memref<128x32xf32, #tpu.memory_space<vmem>>) dst(%arg4 : memref<128x32xf32, #tpu.memory_space<hbm>>)
        tpu.yield
      }) : () -> ()
    } else {
    }
    return
  }
}

#map = affine_map<(d0, d1) -> (0, 0)>
#map1 = affine_map<(d0, d1) -> (0)>
module attributes {stable_mosaic.version = 14 : i64} {
  func.func @_msgpass_body(%arg0: i32, %arg1: i32, %arg2: memref<100000x32xf32, #tpu.memory_space<hbm>>, %arg3: memref<1605632xi32, #tpu.memory_space<hbm>>, %arg4: memref<1605632xi32, #tpu.memory_space<hbm>>, %arg5: memref<51200x32xf32, #tpu.memory_space<hbm>>, %arg6: memref<51200xf32, #tpu.memory_space<hbm>>, %arg7: memref<102400x32xf32, #tpu.memory_space<hbm>>, %arg8: memref<2x51200xf32, #tpu.memory_space<hbm>>, %arg9: memref<51200x32xf32, #tpu.memory_space<vmem_shared>>, %arg10: memref<51200xf32, #tpu.memory_space<vmem_shared>>, %arg11: memref<256xi32, #tpu.memory_space<vmem>>, %arg12: memref<256xi32, #tpu.memory_space<vmem>>, %arg13: memref<2x128xi32, #tpu.memory_space<vmem>>, %arg14: memref<2x128xi32, #tpu.memory_space<vmem>>, %arg15: memref<256x32xf32, #tpu.memory_space<vmem>>, %arg16: memref<!tpu.dma_semaphore, #tpu.memory_space<semaphore_mem>>, %arg17: memref<!tpu.dma_semaphore, #tpu.memory_space<semaphore_mem>>, %arg18: memref<!tpu.dma_semaphore, #tpu.memory_space<semaphore_mem>>, %arg19: memref<256xi32, #tpu.memory_space<vmem>>, %arg20: memref<256xi32, #tpu.memory_space<vmem>>, %arg21: memref<2x128xi32, #tpu.memory_space<vmem>>, %arg22: memref<2x128xi32, #tpu.memory_space<vmem>>, %arg23: memref<256x32xf32, #tpu.memory_space<vmem>>, %arg24: memref<!tpu.dma_semaphore, #tpu.memory_space<semaphore_mem>>, %arg25: memref<!tpu.dma_semaphore, #tpu.memory_space<semaphore_mem>>, %arg26: memref<!tpu.dma_semaphore, #tpu.memory_space<semaphore_mem>>, %arg27: memref<128xf32, #tpu.memory_space<vmem>>) attributes {dimension_semantics = [#tpu.dimension_semantics<core_parallel>, #tpu.dimension_semantics<subcore_parallel>], iteration_bounds = array<i64: 2, 16>, scalar_prefetch = 0 : i64, scratch_operands = 19 : i64, tpu.core_type = #tpu.core_type<sc_vector_subcore>, window_params = [{transform_indices = #map}, {transform_indices = #map1}, {transform_indices = #map1}, {transform_indices = #map}, {transform_indices = #map1}, {transform_indices = #map}, {transform_indices = #map}]} {
    %mul3A = arith.constant 50000 : i32
    %mul3A_0 = arith.muli %arg0, %mul3A : i32
    %mul3A_1 = arith.constant 3200 : i32
    %mul3A_2 = arith.muli %arg1, %mul3A_1 : i32
    %mul3A_3 = arith.constant 3200 : i32
    %mul3A_4 = arith.muli %arg1, %mul3A_3 : i32
    "tpu.region"() ({
      %run_scoped3A = tpu.sem_alloc : memref<!tpu.dma_semaphore, #tpu.memory_space<semaphore_mem>>
      %dma_start3A = arith.constant 0 : i32
      %dma_start3A_57 = tpu.memref_slice %arg9[%mul3A_4, %dma_start3A] : memref<51200x32xf32, #tpu.memory_space<vmem_shared>> -> memref<3200x32xf32, #tpu.memory_space<vmem_shared>>
      %dma_start3A_58 = arith.constant 0 : i32
      %dma_start3A_59 = tpu.memref_slice %arg5[%mul3A_2, %dma_start3A_58] : memref<51200x32xf32, #tpu.memory_space<hbm>> -> memref<3200x32xf32, #tpu.memory_space<hbm>>
      tpu.enqueue_dma source(%dma_start3A_59 : memref<3200x32xf32, #tpu.memory_space<hbm>>) target(%dma_start3A_57 : memref<3200x32xf32, #tpu.memory_space<vmem_shared>>) target_semaphore(%run_scoped3A : memref<!tpu.dma_semaphore, #tpu.memory_space<semaphore_mem>>)
      %dma_wait3A = arith.constant 0 : i32
      %dma_wait3A_60 = tpu.memref_slice %arg9[%mul3A_4, %dma_wait3A] : memref<51200x32xf32, #tpu.memory_space<vmem_shared>> -> memref<3200x32xf32, #tpu.memory_space<vmem_shared>>
      %dma_wait3A_61 = arith.constant 0 : i32
      %dma_wait3A_62 = tpu.memref_slice %arg5[%mul3A_2, %dma_wait3A_61] : memref<51200x32xf32, #tpu.memory_space<hbm>> -> memref<3200x32xf32, #tpu.memory_space<hbm>>
      tpu.wait_dma2 semaphore(%run_scoped3A : memref<!tpu.dma_semaphore, #tpu.memory_space<semaphore_mem>>) src(%dma_wait3A_62 : memref<3200x32xf32, #tpu.memory_space<hbm>>) dst(%dma_wait3A_60 : memref<3200x32xf32, #tpu.memory_space<vmem_shared>>)
      tpu.yield
    }) : () -> ()
    %mul3A_5 = arith.constant 3200 : i32
    %mul3A_6 = arith.muli %arg1, %mul3A_5 : i32
    %mul3A_7 = arith.constant 3200 : i32
    %mul3A_8 = arith.muli %arg1, %mul3A_7 : i32
    "tpu.region"() ({
      %run_scoped3A = tpu.sem_alloc : memref<!tpu.dma_semaphore, #tpu.memory_space<semaphore_mem>>
      %dma_start3A = tpu.memref_slice %arg10[%mul3A_8] : memref<51200xf32, #tpu.memory_space<vmem_shared>> -> memref<3200xf32, #tpu.memory_space<vmem_shared>>
      %dma_start3A_57 = tpu.memref_slice %arg6[%mul3A_6] : memref<51200xf32, #tpu.memory_space<hbm>> -> memref<3200xf32, #tpu.memory_space<hbm>>
      tpu.enqueue_dma source(%dma_start3A_57 : memref<3200xf32, #tpu.memory_space<hbm>>) target(%dma_start3A : memref<3200xf32, #tpu.memory_space<vmem_shared>>) target_semaphore(%run_scoped3A : memref<!tpu.dma_semaphore, #tpu.memory_space<semaphore_mem>>)
      %dma_wait3A = tpu.memref_slice %arg10[%mul3A_8] : memref<51200xf32, #tpu.memory_space<vmem_shared>> -> memref<3200xf32, #tpu.memory_space<vmem_shared>>
      %dma_wait3A_58 = tpu.memref_slice %arg6[%mul3A_6] : memref<51200xf32, #tpu.memory_space<hbm>> -> memref<3200xf32, #tpu.memory_space<hbm>>
      tpu.wait_dma2 semaphore(%run_scoped3A : memref<!tpu.dma_semaphore, #tpu.memory_space<semaphore_mem>>) src(%dma_wait3A_58 : memref<3200xf32, #tpu.memory_space<hbm>>) dst(%dma_wait3A : memref<3200xf32, #tpu.memory_space<vmem_shared>>)
      tpu.yield
    }) : () -> ()
    %broadcast_in_dim3A = arith.constant 1.000000e+00 : f32
    %broadcast_in_dim3A_9 = vector.broadcast %broadcast_in_dim3A : f32 to vector<16xf32>
    %swap3A = arith.constant 0 : index
    %swap3A_10 = tpu.vector_load %arg27[%swap3A] {strides = array<i32>} : memref<128xf32, #tpu.memory_space<vmem>>, vector<16xf32>,
    %swap3A_11 = vector.shape_cast %swap3A_10 : vector<16xf32> to vector<16xf32>
    %swap3A_12 = vector.shape_cast %broadcast_in_dim3A_9 : vector<16xf32> to vector<16xf32>
    tpu.vector_store %arg27[%swap3A], %swap3A_12 {strides = array<i32>} : memref<128xf32, #tpu.memory_space<vmem>>, vector<16xf32>,
    %swap3A_13 = arith.constant 16 : index
    %swap3A_14 = tpu.vector_load %arg27[%swap3A_13] {strides = array<i32>} : memref<128xf32, #tpu.memory_space<vmem>>, vector<16xf32>,
    %swap3A_15 = vector.shape_cast %swap3A_14 : vector<16xf32> to vector<16xf32>
    %swap3A_16 = vector.shape_cast %broadcast_in_dim3A_9 : vector<16xf32> to vector<16xf32>
    tpu.vector_store %arg27[%swap3A_13], %swap3A_16 {strides = array<i32>} : memref<128xf32, #tpu.memory_space<vmem>>, vector<16xf32>,
    %swap3A_17 = arith.constant 32 : index
    %swap3A_18 = tpu.vector_load %arg27[%swap3A_17] {strides = array<i32>} : memref<128xf32, #tpu.memory_space<vmem>>, vector<16xf32>,
    %swap3A_19 = vector.shape_cast %swap3A_18 : vector<16xf32> to vector<16xf32>
    %swap3A_20 = vector.shape_cast %broadcast_in_dim3A_9 : vector<16xf32> to vector<16xf32>
    tpu.vector_store %arg27[%swap3A_17], %swap3A_20 {strides = array<i32>} : memref<128xf32, #tpu.memory_space<vmem>>, vector<16xf32>,
    %swap3A_21 = arith.constant 48 : index
    %swap3A_22 = tpu.vector_load %arg27[%swap3A_21] {strides = array<i32>} : memref<128xf32, #tpu.memory_space<vmem>>, vector<16xf32>,
    %swap3A_23 = vector.shape_cast %swap3A_22 : vector<16xf32> to vector<16xf32>
    %swap3A_24 = vector.shape_cast %broadcast_in_dim3A_9 : vector<16xf32> to vector<16xf32>
    tpu.vector_store %arg27[%swap3A_21], %swap3A_24 {strides = array<i32>} : memref<128xf32, #tpu.memory_space<vmem>>, vector<16xf32>,
    %swap3A_25 = arith.constant 64 : index
    %swap3A_26 = tpu.vector_load %arg27[%swap3A_25] {strides = array<i32>} : memref<128xf32, #tpu.memory_space<vmem>>, vector<16xf32>,
    %swap3A_27 = vector.shape_cast %swap3A_26 : vector<16xf32> to vector<16xf32>
    %swap3A_28 = vector.shape_cast %broadcast_in_dim3A_9 : vector<16xf32> to vector<16xf32>
    tpu.vector_store %arg27[%swap3A_25], %swap3A_28 {strides = array<i32>} : memref<128xf32, #tpu.memory_space<vmem>>, vector<16xf32>,
    %swap3A_29 = arith.constant 80 : index
    %swap3A_30 = tpu.vector_load %arg27[%swap3A_29] {strides = array<i32>} : memref<128xf32, #tpu.memory_space<vmem>>, vector<16xf32>,
    %swap3A_31 = vector.shape_cast %swap3A_30 : vector<16xf32> to vector<16xf32>
    %swap3A_32 = vector.shape_cast %broadcast_in_dim3A_9 : vector<16xf32> to vector<16xf32>
    tpu.vector_store %arg27[%swap3A_29], %swap3A_32 {strides = array<i32>} : memref<128xf32, #tpu.memory_space<vmem>>, vector<16xf32>,
    %swap3A_33 = arith.constant 96 : index
    %swap3A_34 = tpu.vector_load %arg27[%swap3A_33] {strides = array<i32>} : memref<128xf32, #tpu.memory_space<vmem>>, vector<16xf32>,
    %swap3A_35 = vector.shape_cast %swap3A_34 : vector<16xf32> to vector<16xf32>
    %swap3A_36 = vector.shape_cast %broadcast_in_dim3A_9 : vector<16xf32> to vector<16xf32>
    tpu.vector_store %arg27[%swap3A_33], %swap3A_36 {strides = array<i32>} : memref<128xf32, #tpu.memory_space<vmem>>, vector<16xf32>,
    %swap3A_37 = arith.constant 112 : index
    %swap3A_38 = tpu.vector_load %arg27[%swap3A_37] {strides = array<i32>} : memref<128xf32, #tpu.memory_space<vmem>>, vector<16xf32>,
    %swap3A_39 = vector.shape_cast %swap3A_38 : vector<16xf32> to vector<16xf32>
    %swap3A_40 = vector.shape_cast %broadcast_in_dim3A_9 : vector<16xf32> to vector<16xf32>
    tpu.vector_store %arg27[%swap3A_37], %swap3A_40 {strides = array<i32>} : memref<128xf32, #tpu.memory_space<vmem>>, vector<16xf32>,
    %barrier3A = arith.constant 0 : index
    tpu.barrier barrier_id(%barrier3A)
    %iota3A = tpu.iota {dimensions = array<i32: 0>} : vector<16xi32>
    %scan3A = arith.constant 0 : i32
    %scan3A_41 = arith.constant 0 : i32
    %scan3A_42 = arith.constant 196 : i32
    %scan3A_43 = arith.addi %scan3A_41, %scan3A_42 : i32
    %scan3A_44 = arith.constant 1 : i32
    scf.for %scan3A_57 = %scan3A_41 to %scan3A_43 step %scan3A_44  : i32 {
      %mul3A_58 = arith.constant 2 : i32
      %mul3A_59 = arith.muli %scan3A_57, %mul3A_58 : i32
      %mul3A_60 = arith.constant 100352 : i32
      %mul3A_61 = arith.muli %arg1, %mul3A_60 : i32
      %mul3A_62 = arith.constant 256 : i32
      %mul3A_63 = arith.muli %mul3A_59, %mul3A_62 : i32
      %add3A_64 = arith.addi %mul3A_61, %mul3A_63 : i32
      %dma_start3A = tpu.memref_slice %arg3[%add3A_64] : memref<1605632xi32, #tpu.memory_space<hbm>> -> memref<256xi32, #tpu.memory_space<hbm>>
      %dma_start3A_65 = tpu.memref_slice %arg3[%add3A_64] : memref<1605632xi32, #tpu.memory_space<hbm>> -> memref<256xi32, #tpu.memory_space<hbm>>
      tpu.enqueue_dma source(%dma_start3A_65 : memref<256xi32, #tpu.memory_space<hbm>>) target(%arg11 : memref<256xi32, #tpu.memory_space<vmem>>) target_semaphore(%arg16 : memref<!tpu.dma_semaphore, #tpu.memory_space<semaphore_mem>>)
      %dma_start3A_66 = tpu.memref_slice %arg4[%add3A_64] : memref<1605632xi32, #tpu.memory_space<hbm>> -> memref<256xi32, #tpu.memory_space<hbm>>
      %dma_start3A_67 = tpu.memref_slice %arg4[%add3A_64] : memref<1605632xi32, #tpu.memory_space<hbm>> -> memref<256xi32, #tpu.memory_space<hbm>>
      tpu.enqueue_dma source(%dma_start3A_67 : memref<256xi32, #tpu.memory_space<hbm>>) target(%arg12 : memref<256xi32, #tpu.memory_space<vmem>>) target_semaphore(%arg16 : memref<!tpu.dma_semaphore, #tpu.memory_space<semaphore_mem>>)
      %add3A_68 = arith.constant 1 : i32
      %add3A_69 = arith.addi %mul3A_59, %add3A_68 : i32
      %mul3A_70 = arith.constant 100352 : i32
      %mul3A_71 = arith.muli %arg1, %mul3A_70 : i32
      %mul3A_72 = arith.constant 256 : i32
      %mul3A_73 = arith.muli %add3A_69, %mul3A_72 : i32
      %add3A_74 = arith.addi %mul3A_71, %mul3A_73 : i32
      %dma_start3A_75 = tpu.memref_slice %arg3[%add3A_74] : memref<1605632xi32, #tpu.memory_space<hbm>> -> memref<256xi32, #tpu.memory_space<hbm>>
      %dma_start3A_76 = tpu.memref_slice %arg3[%add3A_74] : memref<1605632xi32, #tpu.memory_space<hbm>> -> memref<256xi32, #tpu.memory_space<hbm>>
      tpu.enqueue_dma source(%dma_start3A_76 : memref<256xi32, #tpu.memory_space<hbm>>) target(%arg19 : memref<256xi32, #tpu.memory_space<vmem>>) target_semaphore(%arg24 : memref<!tpu.dma_semaphore, #tpu.memory_space<semaphore_mem>>)
      %dma_start3A_77 = tpu.memref_slice %arg4[%add3A_74] : memref<1605632xi32, #tpu.memory_space<hbm>> -> memref<256xi32, #tpu.memory_space<hbm>>
      %dma_start3A_78 = tpu.memref_slice %arg4[%add3A_74] : memref<1605632xi32, #tpu.memory_space<hbm>> -> memref<256xi32, #tpu.memory_space<hbm>>
      tpu.enqueue_dma source(%dma_start3A_78 : memref<256xi32, #tpu.memory_space<hbm>>) target(%arg20 : memref<256xi32, #tpu.memory_space<vmem>>) target_semaphore(%arg24 : memref<!tpu.dma_semaphore, #tpu.memory_space<semaphore_mem>>)
      %dma_wait3A = tpu.memref_slice %arg3[%add3A_64] : memref<1605632xi32, #tpu.memory_space<hbm>> -> memref<256xi32, #tpu.memory_space<hbm>>
      %dma_wait3A_79 = tpu.memref_slice %arg3[%add3A_64] : memref<1605632xi32, #tpu.memory_space<hbm>> -> memref<256xi32, #tpu.memory_space<hbm>>
      tpu.wait_dma2 semaphore(%arg16 : memref<!tpu.dma_semaphore, #tpu.memory_space<semaphore_mem>>) src(%dma_wait3A_79 : memref<256xi32, #tpu.memory_space<hbm>>) dst(%arg11 : memref<256xi32, #tpu.memory_space<vmem>>)
      %dma_wait3A_80 = tpu.memref_slice %arg4[%add3A_64] : memref<1605632xi32, #tpu.memory_space<hbm>> -> memref<256xi32, #tpu.memory_space<hbm>>
      %dma_wait3A_81 = tpu.memref_slice %arg4[%add3A_64] : memref<1605632xi32, #tpu.memory_space<hbm>> -> memref<256xi32, #tpu.memory_space<hbm>>
      tpu.wait_dma2 semaphore(%arg16 : memref<!tpu.dma_semaphore, #tpu.memory_space<semaphore_mem>>) src(%dma_wait3A_81 : memref<256xi32, #tpu.memory_space<hbm>>) dst(%arg12 : memref<256xi32, #tpu.memory_space<vmem>>)
      %get3A = arith.constant 0 : index
      %get3A_82 = tpu.vector_load %arg11[%get3A] {strides = array<i32>} : memref<256xi32, #tpu.memory_space<vmem>>, vector<16xi32>,
      %get3A_83 = vector.shape_cast %get3A_82 : vector<16xi32> to vector<16xi32>
      %swap3A_84 = arith.constant 0 : i32
      %swap3A_85 = arith.index_cast %swap3A_84 : i32 to index
      %swap3A_86 = arith.constant 0 : index
      %swap3A_87 = tpu.vector_load %arg13[%swap3A_85, %swap3A_86] {strides = array<i32>} : memref<2x128xi32, #tpu.memory_space<vmem>>, vector<1x16xi32>,
      %swap3A_88 = vector.shape_cast %swap3A_87 : vector<1x16xi32> to vector<16xi32>
      %swap3A_89 = vector.shape_cast %get3A_83 : vector<16xi32> to vector<1x16xi32>
      tpu.vector_store %arg13[%swap3A_85, %swap3A_86], %swap3A_89 {strides = array<i32>} : memref<2x128xi32, #tpu.memory_space<vmem>>, vector<1x16xi32>,
      %get3A_90 = arith.constant 16 : index
      %get3A_91 = tpu.vector_load %arg11[%get3A_90] {strides = array<i32>} : memref<256xi32, #tpu.memory_space<vmem>>, vector<16xi32>,
      %get3A_92 = vector.shape_cast %get3A_91 : vector<16xi32> to vector<16xi32>
      %swap3A_93 = arith.constant 0 : i32
      %swap3A_94 = arith.index_cast %swap3A_93 : i32 to index
      %swap3A_95 = arith.constant 16 : index
      %swap3A_96 = tpu.vector_load %arg13[%swap3A_94, %swap3A_95] {strides = array<i32>} : memref<2x128xi32, #tpu.memory_space<vmem>>, vector<1x16xi32>,
      %swap3A_97 = vector.shape_cast %swap3A_96 : vector<1x16xi32> to vector<16xi32>
      %swap3A_98 = vector.shape_cast %get3A_92 : vector<16xi32> to vector<1x16xi32>
      tpu.vector_store %arg13[%swap3A_94, %swap3A_95], %swap3A_98 {strides = array<i32>} : memref<2x128xi32, #tpu.memory_space<vmem>>, vector<1x16xi32>,
      %get3A_99 = arith.constant 32 : index
      %get3A_100 = tpu.vector_load %arg11[%get3A_99] {strides = array<i32>} : memref<256xi32, #tpu.memory_space<vmem>>, vector<16xi32>,
      %get3A_101 = vector.shape_cast %get3A_100 : vector<16xi32> to vector<16xi32>
      %swap3A_102 = arith.constant 0 : i32
      %swap3A_103 = arith.index_cast %swap3A_102 : i32 to index
      %swap3A_104 = arith.constant 32 : index
      %swap3A_105 = tpu.vector_load %arg13[%swap3A_103, %swap3A_104] {strides = array<i32>} : memref<2x128xi32, #tpu.memory_space<vmem>>, vector<1x16xi32>,
      %swap3A_106 = vector.shape_cast %swap3A_105 : vector<1x16xi32> to vector<16xi32>
      %swap3A_107 = vector.shape_cast %get3A_101 : vector<16xi32> to vector<1x16xi32>
      tpu.vector_store %arg13[%swap3A_103, %swap3A_104], %swap3A_107 {strides = array<i32>} : memref<2x128xi32, #tpu.memory_space<vmem>>, vector<1x16xi32>,
      %get3A_108 = arith.constant 48 : index
      %get3A_109 = tpu.vector_load %arg11[%get3A_108] {strides = array<i32>} : memref<256xi32, #tpu.memory_space<vmem>>, vector<16xi32>,
      %get3A_110 = vector.shape_cast %get3A_109 : vector<16xi32> to vector<16xi32>
      %swap3A_111 = arith.constant 0 : i32
      %swap3A_112 = arith.index_cast %swap3A_111 : i32 to index
      %swap3A_113 = arith.constant 48 : index
      %swap3A_114 = tpu.vector_load %arg13[%swap3A_112, %swap3A_113] {strides = array<i32>} : memref<2x128xi32, #tpu.memory_space<vmem>>, vector<1x16xi32>,
      %swap3A_115 = vector.shape_cast %swap3A_114 : vector<1x16xi32> to vector<16xi32>
      %swap3A_116 = vector.shape_cast %get3A_110 : vector<16xi32> to vector<1x16xi32>
      tpu.vector_store %arg13[%swap3A_112, %swap3A_113], %swap3A_116 {strides = array<i32>} : memref<2x128xi32, #tpu.memory_space<vmem>>, vector<1x16xi32>,
      %get3A_117 = arith.constant 64 : index
      %get3A_118 = tpu.vector_load %arg11[%get3A_117] {strides = array<i32>} : memref<256xi32, #tpu.memory_space<vmem>>, vector<16xi32>,
      %get3A_119 = vector.shape_cast %get3A_118 : vector<16xi32> to vector<16xi32>
      %swap3A_120 = arith.constant 0 : i32
      %swap3A_121 = arith.index_cast %swap3A_120 : i32 to index
      %swap3A_122 = arith.constant 64 : index
      %swap3A_123 = tpu.vector_load %arg13[%swap3A_121, %swap3A_122] {strides = array<i32>} : memref<2x128xi32, #tpu.memory_space<vmem>>, vector<1x16xi32>,
      %swap3A_124 = vector.shape_cast %swap3A_123 : vector<1x16xi32> to vector<16xi32>
      %swap3A_125 = vector.shape_cast %get3A_119 : vector<16xi32> to vector<1x16xi32>
      tpu.vector_store %arg13[%swap3A_121, %swap3A_122], %swap3A_125 {strides = array<i32>} : memref<2x128xi32, #tpu.memory_space<vmem>>, vector<1x16xi32>,
      %get3A_126 = arith.constant 80 : index
      %get3A_127 = tpu.vector_load %arg11[%get3A_126] {strides = array<i32>} : memref<256xi32, #tpu.memory_space<vmem>>, vector<16xi32>,
      %get3A_128 = vector.shape_cast %get3A_127 : vector<16xi32> to vector<16xi32>
      %swap3A_129 = arith.constant 0 : i32
      %swap3A_130 = arith.index_cast %swap3A_129 : i32 to index
      %swap3A_131 = arith.constant 80 : index
      %swap3A_132 = tpu.vector_load %arg13[%swap3A_130, %swap3A_131] {strides = array<i32>} : memref<2x128xi32, #tpu.memory_space<vmem>>, vector<1x16xi32>,
      %swap3A_133 = vector.shape_cast %swap3A_132 : vector<1x16xi32> to vector<16xi32>
      %swap3A_134 = vector.shape_cast %get3A_128 : vector<16xi32> to vector<1x16xi32>
      tpu.vector_store %arg13[%swap3A_130, %swap3A_131], %swap3A_134 {strides = array<i32>} : memref<2x128xi32, #tpu.memory_space<vmem>>, vector<1x16xi32>,
      %get3A_135 = arith.constant 96 : index
      %get3A_136 = tpu.vector_load %arg11[%get3A_135] {strides = array<i32>} : memref<256xi32, #tpu.memory_space<vmem>>, vector<16xi32>,
      %get3A_137 = vector.shape_cast %get3A_136 : vector<16xi32> to vector<16xi32>
      %swap3A_138 = arith.constant 0 : i32
      %swap3A_139 = arith.index_cast %swap3A_138 : i32 to index
      %swap3A_140 = arith.constant 96 : index
      %swap3A_141 = tpu.vector_load %arg13[%swap3A_139, %swap3A_140] {strides = array<i32>} : memref<2x128xi32, #tpu.memory_space<vmem>>, vector<1x16xi32>,
      %swap3A_142 = vector.shape_cast %swap3A_141 : vector<1x16xi32> to vector<16xi32>
      %swap3A_143 = vector.shape_cast %get3A_137 : vector<16xi32> to vector<1x16xi32>
      tpu.vector_store %arg13[%swap3A_139, %swap3A_140], %swap3A_143 {strides = array<i32>} : memref<2x128xi32, #tpu.memory_space<vmem>>, vector<1x16xi32>,
      %get3A_144 = arith.constant 112 : index
      %get3A_145 = tpu.vector_load %arg11[%get3A_144] {strides = array<i32>} : memref<256xi32, #tpu.memory_space<vmem>>, vector<16xi32>,
      %get3A_146 = vector.shape_cast %get3A_145 : vector<16xi32> to vector<16xi32>
      %swap3A_147 = arith.constant 0 : i32
      %swap3A_148 = arith.index_cast %swap3A_147 : i32 to index
      %swap3A_149 = arith.constant 112 : index
      %swap3A_150 = tpu.vector_load %arg13[%swap3A_148, %swap3A_149] {strides = array<i32>} : memref<2x128xi32, #tpu.memory_space<vmem>>, vector<1x16xi32>,
      %swap3A_151 = vector.shape_cast %swap3A_150 : vector<1x16xi32> to vector<16xi32>
      %swap3A_152 = vector.shape_cast %get3A_146 : vector<16xi32> to vector<1x16xi32>
      tpu.vector_store %arg13[%swap3A_148, %swap3A_149], %swap3A_152 {strides = array<i32>} : memref<2x128xi32, #tpu.memory_space<vmem>>, vector<1x16xi32>,
      %get3A_153 = arith.constant 128 : index
      %get3A_154 = tpu.vector_load %arg11[%get3A_153] {strides = array<i32>} : memref<256xi32, #tpu.memory_space<vmem>>, vector<16xi32>,
      %get3A_155 = vector.shape_cast %get3A_154 : vector<16xi32> to vector<16xi32>
      %swap3A_156 = arith.constant 1 : i32
      %swap3A_157 = arith.index_cast %swap3A_156 : i32 to index
      %swap3A_158 = arith.constant 0 : index
      %swap3A_159 = tpu.vector_load %arg13[%swap3A_157, %swap3A_158] {strides = array<i32>} : memref<2x128xi32, #tpu.memory_space<vmem>>, vector<1x16xi32>,
      %swap3A_160 = vector.shape_cast %swap3A_159 : vector<1x16xi32> to vector<16xi32>
      %swap3A_161 = vector.shape_cast %get3A_155 : vector<16xi32> to vector<1x16xi32>
      tpu.vector_store %arg13[%swap3A_157, %swap3A_158], %swap3A_161 {strides = array<i32>} : memref<2x128xi32, #tpu.memory_space<vmem>>, vector<1x16xi32>,
      %get3A_162 = arith.constant 144 : index
      %get3A_163 = tpu.vector_load %arg11[%get3A_162] {strides = array<i32>} : memref<256xi32, #tpu.memory_space<vmem>>, vector<16xi32>,
      %get3A_164 = vector.shape_cast %get3A_163 : vector<16xi32> to vector<16xi32>
      %swap3A_165 = arith.constant 1 : i32
      %swap3A_166 = arith.index_cast %swap3A_165 : i32 to index
      %swap3A_167 = arith.constant 16 : index
      %swap3A_168 = tpu.vector_load %arg13[%swap3A_166, %swap3A_167] {strides = array<i32>} : memref<2x128xi32, #tpu.memory_space<vmem>>, vector<1x16xi32>,
      %swap3A_169 = vector.shape_cast %swap3A_168 : vector<1x16xi32> to vector<16xi32>
      %swap3A_170 = vector.shape_cast %get3A_164 : vector<16xi32> to vector<1x16xi32>
      tpu.vector_store %arg13[%swap3A_166, %swap3A_167], %swap3A_170 {strides = array<i32>} : memref<2x128xi32, #tpu.memory_space<vmem>>, vector<1x16xi32>,
      %get3A_171 = arith.constant 160 : index
      %get3A_172 = tpu.vector_load %arg11[%get3A_171] {strides = array<i32>} : memref<256xi32, #tpu.memory_space<vmem>>, vector<16xi32>,
      %get3A_173 = vector.shape_cast %get3A_172 : vector<16xi32> to vector<16xi32>
      %swap3A_174 = arith.constant 1 : i32
      %swap3A_175 = arith.index_cast %swap3A_174 : i32 to index
      %swap3A_176 = arith.constant 32 : index
      %swap3A_177 = tpu.vector_load %arg13[%swap3A_175, %swap3A_176] {strides = array<i32>} : memref<2x128xi32, #tpu.memory_space<vmem>>, vector<1x16xi32>,
      %swap3A_178 = vector.shape_cast %swap3A_177 : vector<1x16xi32> to vector<16xi32>
      %swap3A_179 = vector.shape_cast %get3A_173 : vector<16xi32> to vector<1x16xi32>
      tpu.vector_store %arg13[%swap3A_175, %swap3A_176], %swap3A_179 {strides = array<i32>} : memref<2x128xi32, #tpu.memory_space<vmem>>, vector<1x16xi32>,
      %get3A_180 = arith.constant 176 : index
      %get3A_181 = tpu.vector_load %arg11[%get3A_180] {strides = array<i32>} : memref<256xi32, #tpu.memory_space<vmem>>, vector<16xi32>,
      %get3A_182 = vector.shape_cast %get3A_181 : vector<16xi32> to vector<16xi32>
      %swap3A_183 = arith.constant 1 : i32
      %swap3A_184 = arith.index_cast %swap3A_183 : i32 to index
      %swap3A_185 = arith.constant 48 : index
      %swap3A_186 = tpu.vector_load %arg13[%swap3A_184, %swap3A_185] {strides = array<i32>} : memref<2x128xi32, #tpu.memory_space<vmem>>, vector<1x16xi32>,
      %swap3A_187 = vector.shape_cast %swap3A_186 : vector<1x16xi32> to vector<16xi32>
      %swap3A_188 = vector.shape_cast %get3A_182 : vector<16xi32> to vector<1x16xi32>
      tpu.vector_store %arg13[%swap3A_184, %swap3A_185], %swap3A_188 {strides = array<i32>} : memref<2x128xi32, #tpu.memory_space<vmem>>, vector<1x16xi32>,
      %get3A_189 = arith.constant 192 : index
      %get3A_190 = tpu.vector_load %arg11[%get3A_189] {strides = array<i32>} : memref<256xi32, #tpu.memory_space<vmem>>, vector<16xi32>,
      %get3A_191 = vector.shape_cast %get3A_190 : vector<16xi32> to vector<16xi32>
      %swap3A_192 = arith.constant 1 : i32
      %swap3A_193 = arith.index_cast %swap3A_192 : i32 to index
      %swap3A_194 = arith.constant 64 : index
      %swap3A_195 = tpu.vector_load %arg13[%swap3A_193, %swap3A_194] {strides = array<i32>} : memref<2x128xi32, #tpu.memory_space<vmem>>, vector<1x16xi32>,
      %swap3A_196 = vector.shape_cast %swap3A_195 : vector<1x16xi32> to vector<16xi32>
      %swap3A_197 = vector.shape_cast %get3A_191 : vector<16xi32> to vector<1x16xi32>
      tpu.vector_store %arg13[%swap3A_193, %swap3A_194], %swap3A_197 {strides = array<i32>} : memref<2x128xi32, #tpu.memory_space<vmem>>, vector<1x16xi32>,
      %get3A_198 = arith.constant 208 : index
      %get3A_199 = tpu.vector_load %arg11[%get3A_198] {strides = array<i32>} : memref<256xi32, #tpu.memory_space<vmem>>, vector<16xi32>,
      %get3A_200 = vector.shape_cast %get3A_199 : vector<16xi32> to vector<16xi32>
      %swap3A_201 = arith.constant 1 : i32
      %swap3A_202 = arith.index_cast %swap3A_201 : i32 to index
      %swap3A_203 = arith.constant 80 : index
      %swap3A_204 = tpu.vector_load %arg13[%swap3A_202, %swap3A_203] {strides = array<i32>} : memref<2x128xi32, #tpu.memory_space<vmem>>, vector<1x16xi32>,
      %swap3A_205 = vector.shape_cast %swap3A_204 : vector<1x16xi32> to vector<16xi32>
      %swap3A_206 = vector.shape_cast %get3A_200 : vector<16xi32> to vector<1x16xi32>
      tpu.vector_store %arg13[%swap3A_202, %swap3A_203], %swap3A_206 {strides = array<i32>} : memref<2x128xi32, #tpu.memory_space<vmem>>, vector<1x16xi32>,
      %get3A_207 = arith.constant 224 : index
      %get3A_208 = tpu.vector_load %arg11[%get3A_207] {strides = array<i32>} : memref<256xi32, #tpu.memory_space<vmem>>, vector<16xi32>,
      %get3A_209 = vector.shape_cast %get3A_208 : vector<16xi32> to vector<16xi32>
      %swap3A_210 = arith.constant 1 : i32
      %swap3A_211 = arith.index_cast %swap3A_210 : i32 to index
      %swap3A_212 = arith.constant 96 : index
      %swap3A_213 = tpu.vector_load %arg13[%swap3A_211, %swap3A_212] {strides = array<i32>} : memref<2x128xi32, #tpu.memory_space<vmem>>, vector<1x16xi32>,
      %swap3A_214 = vector.shape_cast %swap3A_213 : vector<1x16xi32> to vector<16xi32>
      %swap3A_215 = vector.shape_cast %get3A_209 : vector<16xi32> to vector<1x16xi32>
      tpu.vector_store %arg13[%swap3A_211, %swap3A_212], %swap3A_215 {strides = array<i32>} : memref<2x128xi32, #tpu.memory_space<vmem>>, vector<1x16xi32>,
      %get3A_216 = arith.constant 240 : index
      %get3A_217 = tpu.vector_load %arg11[%get3A_216] {strides = array<i32>} : memref<256xi32, #tpu.memory_space<vmem>>, vector<16xi32>,
      %get3A_218 = vector.shape_cast %get3A_217 : vector<16xi32> to vector<16xi32>
      %swap3A_219 = arith.constant 1 : i32
      %swap3A_220 = arith.index_cast %swap3A_219 : i32 to index
      %swap3A_221 = arith.constant 112 : index
      %swap3A_222 = tpu.vector_load %arg13[%swap3A_220, %swap3A_221] {strides = array<i32>} : memref<2x128xi32, #tpu.memory_space<vmem>>, vector<1x16xi32>,
      %swap3A_223 = vector.shape_cast %swap3A_222 : vector<1x16xi32> to vector<16xi32>
      %swap3A_224 = vector.shape_cast %get3A_218 : vector<16xi32> to vector<1x16xi32>
      tpu.vector_store %arg13[%swap3A_220, %swap3A_221], %swap3A_224 {strides = array<i32>} : memref<2x128xi32, #tpu.memory_space<vmem>>, vector<1x16xi32>,
      %dma_start3A_225 = arith.constant 0 : i32
      %dma_start3A_226 = arith.constant 0 : i32
      %dma_start3A_227 = arith.constant 0 : i32
      %dma_start3A_228 = tpu.memref_slice %arg15[%dma_start3A_226, %dma_start3A_227] : memref<256x32xf32, #tpu.memory_space<vmem>> -> memref<128x32xf32, #tpu.memory_space<vmem>>
      %dma_start3A_229 = arith.constant 0 : i32
      %dma_start3A_230 = tpu.memref_slice %arg13[%dma_start3A_225, %dma_start3A_229] : memref<2x128xi32, #tpu.memory_space<vmem>> -> memref<1x128xi32, #tpu.memory_space<vmem>>
      %dma_start3A_231 = tpu.memref_squeeze %dma_start3A_230 : memref<1x128xi32, #tpu.memory_space<vmem>> -> memref<128xi32, #tpu.memory_space<vmem>>
      %dma_start3A_232 = arith.constant 0 : i32
      %dma_start3A_233 = arith.constant 0 : i32
      %dma_start3A_234 = tpu.memref_slice %arg2[%dma_start3A_232, %dma_start3A_233] : memref<100000x32xf32, #tpu.memory_space<hbm>> -> memref<100000x32xf32, #tpu.memory_space<hbm>>
      tpu.enqueue_indirect_dma source(%dma_start3A_234 : memref<100000x32xf32, #tpu.memory_space<hbm>>) target(%dma_start3A_228 : memref<128x32xf32, #tpu.memory_space<vmem>>) offsets(%dma_start3A_231 : memref<128xi32, #tpu.memory_space<vmem>>) semaphore(%arg17 : memref<!tpu.dma_semaphore, #tpu.memory_space<semaphore_mem>>)
      %dma_start3A_235 = arith.constant 1 : i32
      %dma_start3A_236 = arith.constant 128 : i32
      %dma_start3A_237 = arith.constant 0 : i32
      %dma_start3A_238 = tpu.memref_slice %arg15[%dma_start3A_236, %dma_start3A_237] : memref<256x32xf32, #tpu.memory_space<vmem>> -> memref<128x32xf32, #tpu.memory_space<vmem>>
      %dma_start3A_239 = arith.constant 0 : i32
      %dma_start3A_240 = tpu.memref_slice %arg13[%dma_start3A_235, %dma_start3A_239] : memref<2x128xi32, #tpu.memory_space<vmem>> -> memref<1x128xi32, #tpu.memory_space<vmem>>
      %dma_start3A_241 = tpu.memref_squeeze %dma_start3A_240 : memref<1x128xi32, #tpu.memory_space<vmem>> -> memref<128xi32, #tpu.memory_space<vmem>>
      %dma_start3A_242 = arith.constant 0 : i32
      %dma_start3A_243 = arith.constant 0 : i32
      %dma_start3A_244 = tpu.memref_slice %arg2[%dma_start3A_242, %dma_start3A_243] : memref<100000x32xf32, #tpu.memory_space<hbm>> -> memref<100000x32xf32, #tpu.memory_space<hbm>>
      tpu.enqueue_indirect_dma source(%dma_start3A_244 : memref<100000x32xf32, #tpu.memory_space<hbm>>) target(%dma_start3A_238 : memref<128x32xf32, #tpu.memory_space<vmem>>) offsets(%dma_start3A_241 : memref<128xi32, #tpu.memory_space<vmem>>) semaphore(%arg17 : memref<!tpu.dma_semaphore, #tpu.memory_space<semaphore_mem>>)
      %get3A_245 = arith.constant 0 : index
      %get3A_246 = tpu.vector_load %arg12[%get3A_245] {strides = array<i32>} : memref<256xi32, #tpu.memory_space<vmem>>, vector<16xi32>,
      %get3A_247 = vector.shape_cast %get3A_246 : vector<16xi32> to vector<16xi32>
      %sub3A = vector.broadcast %mul3A_0 : i32 to vector<16xi32>
      %sub3A_248 = arith.subi %get3A_247, %sub3A : vector<16xi32>
      %lt3A = arith.constant 0 : i32
      %lt3A_249 = vector.broadcast %lt3A : i32 to vector<16xi32>
      %lt3A_250 = arith.cmpi slt, %sub3A_248, %lt3A_249 : vector<16xi32>
      %ge3A = arith.constant 50000 : i32
      %ge3A_251 = vector.broadcast %ge3A : i32 to vector<16xi32>
      %ge3A_252 = arith.cmpi sge, %sub3A_248, %ge3A_251 : vector<16xi32>
      %or3A = arith.ori %lt3A_250, %ge3A_252 : vector<16xi1>
      %mul3A_253 = arith.constant 67 : i32
      %mul3A_254 = arith.muli %arg1, %mul3A_253 : i32
      %add3A_255 = arith.constant 0 : i32
      %add3A_256 = arith.addi %add3A_255, %mul3A_254 : i32
      %mul3A_257 = arith.constant 131 : i32
      %mul3A_258 = arith.muli %mul3A_59, %mul3A_257 : i32
      %add3A_259 = arith.addi %add3A_256, %mul3A_258 : i32
      %add3A_260 = vector.broadcast %add3A_259 : i32 to vector<16xi32>
      %add3A_261 = arith.addi %iota3A, %add3A_260 : vector<16xi32>
      %and3A = arith.constant 1023 : i32
      %and3A_262 = vector.broadcast %and3A : i32 to vector<16xi32>
      %and3A_263 = arith.andi %add3A_261, %and3A_262 : vector<16xi32>
      %add3A_264 = arith.constant 50000 : i32
      %add3A_265 = vector.broadcast %add3A_264 : i32 to vector<16xi32>
      %add3A_266 = arith.addi %add3A_265, %and3A_263 : vector<16xi32>
      %select_n3A = arith.select %or3A, %add3A_266, %sub3A_248 : vector<16xi1>, vector<16xi32>
      %swap3A_267 = arith.constant 0 : i32
      %swap3A_268 = arith.index_cast %swap3A_267 : i32 to index
      %swap3A_269 = arith.constant 0 : index
      %swap3A_270 = tpu.vector_load %arg14[%swap3A_268, %swap3A_269] {strides = array<i32>} : memref<2x128xi32, #tpu.memory_space<vmem>>, vector<1x16xi32>,
      %swap3A_271 = vector.shape_cast %swap3A_270 : vector<1x16xi32> to vector<16xi32>
      %swap3A_272 = vector.shape_cast %select_n3A : vector<16xi32> to vector<1x16xi32>
      tpu.vector_store %arg14[%swap3A_268, %swap3A_269], %swap3A_272 {strides = array<i32>} : memref<2x128xi32, #tpu.memory_space<vmem>>, vector<1x16xi32>,
      %get3A_273 = arith.constant 16 : index
      %get3A_274 = tpu.vector_load %arg12[%get3A_273] {strides = array<i32>} : memref<256xi32, #tpu.memory_space<vmem>>, vector<16xi32>,
      %get3A_275 = vector.shape_cast %get3A_274 : vector<16xi32> to vector<16xi32>
      %sub3A_276 = vector.broadcast %mul3A_0 : i32 to vector<16xi32>
      %sub3A_277 = arith.subi %get3A_275, %sub3A_276 : vector<16xi32>
      %lt3A_278 = arith.constant 0 : i32
      %lt3A_279 = vector.broadcast %lt3A_278 : i32 to vector<16xi32>
      %lt3A_280 = arith.cmpi slt, %sub3A_277, %lt3A_279 : vector<16xi32>
      %ge3A_281 = arith.constant 50000 : i32
      %ge3A_282 = vector.broadcast %ge3A_281 : i32 to vector<16xi32>
      %ge3A_283 = arith.cmpi sge, %sub3A_277, %ge3A_282 : vector<16xi32>
      %or3A_284 = arith.ori %lt3A_280, %ge3A_283 : vector<16xi1>
      %mul3A_285 = arith.constant 67 : i32
      %mul3A_286 = arith.muli %arg1, %mul3A_285 : i32
      %add3A_287 = arith.constant 16 : i32
      %add3A_288 = arith.addi %add3A_287, %mul3A_286 : i32
      %mul3A_289 = arith.constant 131 : i32
      %mul3A_290 = arith.muli %mul3A_59, %mul3A_289 : i32
      %add3A_291 = arith.addi %add3A_288, %mul3A_290 : i32
      %add3A_292 = vector.broadcast %add3A_291 : i32 to vector<16xi32>
      %add3A_293 = arith.addi %iota3A, %add3A_292 : vector<16xi32>
      %and3A_294 = arith.constant 1023 : i32
      %and3A_295 = vector.broadcast %and3A_294 : i32 to vector<16xi32>
      %and3A_296 = arith.andi %add3A_293, %and3A_295 : vector<16xi32>
      %add3A_297 = arith.constant 50000 : i32
      %add3A_298 = vector.broadcast %add3A_297 : i32 to vector<16xi32>
      %add3A_299 = arith.addi %add3A_298, %and3A_296 : vector<16xi32>
      %select_n3A_300 = arith.select %or3A_284, %add3A_299, %sub3A_277 : vector<16xi1>, vector<16xi32>
      %swap3A_301 = arith.constant 0 : i32
      %swap3A_302 = arith.index_cast %swap3A_301 : i32 to index
      %swap3A_303 = arith.constant 16 : index
      %swap3A_304 = tpu.vector_load %arg14[%swap3A_302, %swap3A_303] {strides = array<i32>} : memref<2x128xi32, #tpu.memory_space<vmem>>, vector<1x16xi32>,
      %swap3A_305 = vector.shape_cast %swap3A_304 : vector<1x16xi32> to vector<16xi32>
      %swap3A_306 = vector.shape_cast %select_n3A_300 : vector<16xi32> to vector<1x16xi32>
      tpu.vector_store %arg14[%swap3A_302, %swap3A_303], %swap3A_306 {strides = array<i32>} : memref<2x128xi32, #tpu.memory_space<vmem>>, vector<1x16xi32>,
      %get3A_307 = arith.constant 32 : index
      %get3A_308 = tpu.vector_load %arg12[%get3A_307] {strides = array<i32>} : memref<256xi32, #tpu.memory_space<vmem>>, vector<16xi32>,
      %get3A_309 = vector.shape_cast %get3A_308 : vector<16xi32> to vector<16xi32>
      %sub3A_310 = vector.broadcast %mul3A_0 : i32 to vector<16xi32>
      %sub3A_311 = arith.subi %get3A_309, %sub3A_310 : vector<16xi32>
      %lt3A_312 = arith.constant 0 : i32
      %lt3A_313 = vector.broadcast %lt3A_312 : i32 to vector<16xi32>
      %lt3A_314 = arith.cmpi slt, %sub3A_311, %lt3A_313 : vector<16xi32>
      %ge3A_315 = arith.constant 50000 : i32
      %ge3A_316 = vector.broadcast %ge3A_315 : i32 to vector<16xi32>
      %ge3A_317 = arith.cmpi sge, %sub3A_311, %ge3A_316 : vector<16xi32>
      %or3A_318 = arith.ori %lt3A_314, %ge3A_317 : vector<16xi1>
      %mul3A_319 = arith.constant 67 : i32
      %mul3A_320 = arith.muli %arg1, %mul3A_319 : i32
      %add3A_321 = arith.constant 32 : i32
      %add3A_322 = arith.addi %add3A_321, %mul3A_320 : i32
      %mul3A_323 = arith.constant 131 : i32
      %mul3A_324 = arith.muli %mul3A_59, %mul3A_323 : i32
      %add3A_325 = arith.addi %add3A_322, %mul3A_324 : i32
      %add3A_326 = vector.broadcast %add3A_325 : i32 to vector<16xi32>
      %add3A_327 = arith.addi %iota3A, %add3A_326 : vector<16xi32>
      %and3A_328 = arith.constant 1023 : i32
      %and3A_329 = vector.broadcast %and3A_328 : i32 to vector<16xi32>
      %and3A_330 = arith.andi %add3A_327, %and3A_329 : vector<16xi32>
      %add3A_331 = arith.constant 50000 : i32
      %add3A_332 = vector.broadcast %add3A_331 : i32 to vector<16xi32>
      %add3A_333 = arith.addi %add3A_332, %and3A_330 : vector<16xi32>
      %select_n3A_334 = arith.select %or3A_318, %add3A_333, %sub3A_311 : vector<16xi1>, vector<16xi32>
      %swap3A_335 = arith.constant 0 : i32
      %swap3A_336 = arith.index_cast %swap3A_335 : i32 to index
      %swap3A_337 = arith.constant 32 : index
      %swap3A_338 = tpu.vector_load %arg14[%swap3A_336, %swap3A_337] {strides = array<i32>} : memref<2x128xi32, #tpu.memory_space<vmem>>, vector<1x16xi32>,
      %swap3A_339 = vector.shape_cast %swap3A_338 : vector<1x16xi32> to vector<16xi32>
      %swap3A_340 = vector.shape_cast %select_n3A_334 : vector<16xi32> to vector<1x16xi32>
      tpu.vector_store %arg14[%swap3A_336, %swap3A_337], %swap3A_340 {strides = array<i32>} : memref<2x128xi32, #tpu.memory_space<vmem>>, vector<1x16xi32>,
      %get3A_341 = arith.constant 48 : index
      %get3A_342 = tpu.vector_load %arg12[%get3A_341] {strides = array<i32>} : memref<256xi32, #tpu.memory_space<vmem>>, vector<16xi32>,
      %get3A_343 = vector.shape_cast %get3A_342 : vector<16xi32> to vector<16xi32>
      %sub3A_344 = vector.broadcast %mul3A_0 : i32 to vector<16xi32>
      %sub3A_345 = arith.subi %get3A_343, %sub3A_344 : vector<16xi32>
      %lt3A_346 = arith.constant 0 : i32
      %lt3A_347 = vector.broadcast %lt3A_346 : i32 to vector<16xi32>
      %lt3A_348 = arith.cmpi slt, %sub3A_345, %lt3A_347 : vector<16xi32>
      %ge3A_349 = arith.constant 50000 : i32
      %ge3A_350 = vector.broadcast %ge3A_349 : i32 to vector<16xi32>
      %ge3A_351 = arith.cmpi sge, %sub3A_345, %ge3A_350 : vector<16xi32>
      %or3A_352 = arith.ori %lt3A_348, %ge3A_351 : vector<16xi1>
      %mul3A_353 = arith.constant 67 : i32
      %mul3A_354 = arith.muli %arg1, %mul3A_353 : i32
      %add3A_355 = arith.constant 48 : i32
      %add3A_356 = arith.addi %add3A_355, %mul3A_354 : i32
      %mul3A_357 = arith.constant 131 : i32
      %mul3A_358 = arith.muli %mul3A_59, %mul3A_357 : i32
      %add3A_359 = arith.addi %add3A_356, %mul3A_358 : i32
      %add3A_360 = vector.broadcast %add3A_359 : i32 to vector<16xi32>
      %add3A_361 = arith.addi %iota3A, %add3A_360 : vector<16xi32>
      %and3A_362 = arith.constant 1023 : i32
      %and3A_363 = vector.broadcast %and3A_362 : i32 to vector<16xi32>
      %and3A_364 = arith.andi %add3A_361, %and3A_363 : vector<16xi32>
      %add3A_365 = arith.constant 50000 : i32
      %add3A_366 = vector.broadcast %add3A_365 : i32 to vector<16xi32>
      %add3A_367 = arith.addi %add3A_366, %and3A_364 : vector<16xi32>
      %select_n3A_368 = arith.select %or3A_352, %add3A_367, %sub3A_345 : vector<16xi1>, vector<16xi32>
      %swap3A_369 = arith.constant 0 : i32
      %swap3A_370 = arith.index_cast %swap3A_369 : i32 to index
      %swap3A_371 = arith.constant 48 : index
      %swap3A_372 = tpu.vector_load %arg14[%swap3A_370, %swap3A_371] {strides = array<i32>} : memref<2x128xi32, #tpu.memory_space<vmem>>, vector<1x16xi32>,
      %swap3A_373 = vector.shape_cast %swap3A_372 : vector<1x16xi32> to vector<16xi32>
      %swap3A_374 = vector.shape_cast %select_n3A_368 : vector<16xi32> to vector<1x16xi32>
      tpu.vector_store %arg14[%swap3A_370, %swap3A_371], %swap3A_374 {strides = array<i32>} : memref<2x128xi32, #tpu.memory_space<vmem>>, vector<1x16xi32>,
      %get3A_375 = arith.constant 64 : index
      %get3A_376 = tpu.vector_load %arg12[%get3A_375] {strides = array<i32>} : memref<256xi32, #tpu.memory_space<vmem>>, vector<16xi32>,
      %get3A_377 = vector.shape_cast %get3A_376 : vector<16xi32> to vector<16xi32>
      %sub3A_378 = vector.broadcast %mul3A_0 : i32 to vector<16xi32>
      %sub3A_379 = arith.subi %get3A_377, %sub3A_378 : vector<16xi32>
      %lt3A_380 = arith.constant 0 : i32
      %lt3A_381 = vector.broadcast %lt3A_380 : i32 to vector<16xi32>
      %lt3A_382 = arith.cmpi slt, %sub3A_379, %lt3A_381 : vector<16xi32>
      %ge3A_383 = arith.constant 50000 : i32
      %ge3A_384 = vector.broadcast %ge3A_383 : i32 to vector<16xi32>
      %ge3A_385 = arith.cmpi sge, %sub3A_379, %ge3A_384 : vector<16xi32>
      %or3A_386 = arith.ori %lt3A_382, %ge3A_385 : vector<16xi1>
      %mul3A_387 = arith.constant 67 : i32
      %mul3A_388 = arith.muli %arg1, %mul3A_387 : i32
      %add3A_389 = arith.constant 64 : i32
      %add3A_390 = arith.addi %add3A_389, %mul3A_388 : i32
      %mul3A_391 = arith.constant 131 : i32
      %mul3A_392 = arith.muli %mul3A_59, %mul3A_391 : i32
      %add3A_393 = arith.addi %add3A_390, %mul3A_392 : i32
      %add3A_394 = vector.broadcast %add3A_393 : i32 to vector<16xi32>
      %add3A_395 = arith.addi %iota3A, %add3A_394 : vector<16xi32>
      %and3A_396 = arith.constant 1023 : i32
      %and3A_397 = vector.broadcast %and3A_396 : i32 to vector<16xi32>
      %and3A_398 = arith.andi %add3A_395, %and3A_397 : vector<16xi32>
      %add3A_399 = arith.constant 50000 : i32
      %add3A_400 = vector.broadcast %add3A_399 : i32 to vector<16xi32>
      %add3A_401 = arith.addi %add3A_400, %and3A_398 : vector<16xi32>
      %select_n3A_402 = arith.select %or3A_386, %add3A_401, %sub3A_379 : vector<16xi1>, vector<16xi32>
      %swap3A_403 = arith.constant 0 : i32
      %swap3A_404 = arith.index_cast %swap3A_403 : i32 to index
      %swap3A_405 = arith.constant 64 : index
      %swap3A_406 = tpu.vector_load %arg14[%swap3A_404, %swap3A_405] {strides = array<i32>} : memref<2x128xi32, #tpu.memory_space<vmem>>, vector<1x16xi32>,
      %swap3A_407 = vector.shape_cast %swap3A_406 : vector<1x16xi32> to vector<16xi32>
      %swap3A_408 = vector.shape_cast %select_n3A_402 : vector<16xi32> to vector<1x16xi32>
      tpu.vector_store %arg14[%swap3A_404, %swap3A_405], %swap3A_408 {strides = array<i32>} : memref<2x128xi32, #tpu.memory_space<vmem>>, vector<1x16xi32>,
      %get3A_409 = arith.constant 80 : index
      %get3A_410 = tpu.vector_load %arg12[%get3A_409] {strides = array<i32>} : memref<256xi32, #tpu.memory_space<vmem>>, vector<16xi32>,
      %get3A_411 = vector.shape_cast %get3A_410 : vector<16xi32> to vector<16xi32>
      %sub3A_412 = vector.broadcast %mul3A_0 : i32 to vector<16xi32>
      %sub3A_413 = arith.subi %get3A_411, %sub3A_412 : vector<16xi32>
      %lt3A_414 = arith.constant 0 : i32
      %lt3A_415 = vector.broadcast %lt3A_414 : i32 to vector<16xi32>
      %lt3A_416 = arith.cmpi slt, %sub3A_413, %lt3A_415 : vector<16xi32>
      %ge3A_417 = arith.constant 50000 : i32
      %ge3A_418 = vector.broadcast %ge3A_417 : i32 to vector<16xi32>
      %ge3A_419 = arith.cmpi sge, %sub3A_413, %ge3A_418 : vector<16xi32>
      %or3A_420 = arith.ori %lt3A_416, %ge3A_419 : vector<16xi1>
      %mul3A_421 = arith.constant 67 : i32
      %mul3A_422 = arith.muli %arg1, %mul3A_421 : i32
      %add3A_423 = arith.constant 80 : i32
      %add3A_424 = arith.addi %add3A_423, %mul3A_422 : i32
      %mul3A_425 = arith.constant 131 : i32
      %mul3A_426 = arith.muli %mul3A_59, %mul3A_425 : i32
      %add3A_427 = arith.addi %add3A_424, %mul3A_426 : i32
      %add3A_428 = vector.broadcast %add3A_427 : i32 to vector<16xi32>
      %add3A_429 = arith.addi %iota3A, %add3A_428 : vector<16xi32>
      %and3A_430 = arith.constant 1023 : i32
      %and3A_431 = vector.broadcast %and3A_430 : i32 to vector<16xi32>
      %and3A_432 = arith.andi %add3A_429, %and3A_431 : vector<16xi32>
      %add3A_433 = arith.constant 50000 : i32
      %add3A_434 = vector.broadcast %add3A_433 : i32 to vector<16xi32>
      %add3A_435 = arith.addi %add3A_434, %and3A_432 : vector<16xi32>
      %select_n3A_436 = arith.select %or3A_420, %add3A_435, %sub3A_413 : vector<16xi1>, vector<16xi32>
      %swap3A_437 = arith.constant 0 : i32
      %swap3A_438 = arith.index_cast %swap3A_437 : i32 to index
      %swap3A_439 = arith.constant 80 : index
      %swap3A_440 = tpu.vector_load %arg14[%swap3A_438, %swap3A_439] {strides = array<i32>} : memref<2x128xi32, #tpu.memory_space<vmem>>, vector<1x16xi32>,
      %swap3A_441 = vector.shape_cast %swap3A_440 : vector<1x16xi32> to vector<16xi32>
      %swap3A_442 = vector.shape_cast %select_n3A_436 : vector<16xi32> to vector<1x16xi32>
      tpu.vector_store %arg14[%swap3A_438, %swap3A_439], %swap3A_442 {strides = array<i32>} : memref<2x128xi32, #tpu.memory_space<vmem>>, vector<1x16xi32>,
      %get3A_443 = arith.constant 96 : index
      %get3A_444 = tpu.vector_load %arg12[%get3A_443] {strides = array<i32>} : memref<256xi32, #tpu.memory_space<vmem>>, vector<16xi32>,
      %get3A_445 = vector.shape_cast %get3A_444 : vector<16xi32> to vector<16xi32>
      %sub3A_446 = vector.broadcast %mul3A_0 : i32 to vector<16xi32>
      %sub3A_447 = arith.subi %get3A_445, %sub3A_446 : vector<16xi32>
      %lt3A_448 = arith.constant 0 : i32
      %lt3A_449 = vector.broadcast %lt3A_448 : i32 to vector<16xi32>
      %lt3A_450 = arith.cmpi slt, %sub3A_447, %lt3A_449 : vector<16xi32>
      %ge3A_451 = arith.constant 50000 : i32
      %ge3A_452 = vector.broadcast %ge3A_451 : i32 to vector<16xi32>
      %ge3A_453 = arith.cmpi sge, %sub3A_447, %ge3A_452 : vector<16xi32>
      %or3A_454 = arith.ori %lt3A_450, %ge3A_453 : vector<16xi1>
      %mul3A_455 = arith.constant 67 : i32
      %mul3A_456 = arith.muli %arg1, %mul3A_455 : i32
      %add3A_457 = arith.constant 96 : i32
      %add3A_458 = arith.addi %add3A_457, %mul3A_456 : i32
      %mul3A_459 = arith.constant 131 : i32
      %mul3A_460 = arith.muli %mul3A_59, %mul3A_459 : i32
      %add3A_461 = arith.addi %add3A_458, %mul3A_460 : i32
      %add3A_462 = vector.broadcast %add3A_461 : i32 to vector<16xi32>
      %add3A_463 = arith.addi %iota3A, %add3A_462 : vector<16xi32>
      %and3A_464 = arith.constant 1023 : i32
      %and3A_465 = vector.broadcast %and3A_464 : i32 to vector<16xi32>
      %and3A_466 = arith.andi %add3A_463, %and3A_465 : vector<16xi32>
      %add3A_467 = arith.constant 50000 : i32
      %add3A_468 = vector.broadcast %add3A_467 : i32 to vector<16xi32>
      %add3A_469 = arith.addi %add3A_468, %and3A_466 : vector<16xi32>
      %select_n3A_470 = arith.select %or3A_454, %add3A_469, %sub3A_447 : vector<16xi1>, vector<16xi32>
      %swap3A_471 = arith.constant 0 : i32
      %swap3A_472 = arith.index_cast %swap3A_471 : i32 to index
      %swap3A_473 = arith.constant 96 : index
      %swap3A_474 = tpu.vector_load %arg14[%swap3A_472, %swap3A_473] {strides = array<i32>} : memref<2x128xi32, #tpu.memory_space<vmem>>, vector<1x16xi32>,
      %swap3A_475 = vector.shape_cast %swap3A_474 : vector<1x16xi32> to vector<16xi32>
      %swap3A_476 = vector.shape_cast %select_n3A_470 : vector<16xi32> to vector<1x16xi32>
      tpu.vector_store %arg14[%swap3A_472, %swap3A_473], %swap3A_476 {strides = array<i32>} : memref<2x128xi32, #tpu.memory_space<vmem>>, vector<1x16xi32>,
      %get3A_477 = arith.constant 112 : index
      %get3A_478 = tpu.vector_load %arg12[%get3A_477] {strides = array<i32>} : memref<256xi32, #tpu.memory_space<vmem>>, vector<16xi32>,
      %get3A_479 = vector.shape_cast %get3A_478 : vector<16xi32> to vector<16xi32>
      %sub3A_480 = vector.broadcast %mul3A_0 : i32 to vector<16xi32>
      %sub3A_481 = arith.subi %get3A_479, %sub3A_480 : vector<16xi32>
      %lt3A_482 = arith.constant 0 : i32
      %lt3A_483 = vector.broadcast %lt3A_482 : i32 to vector<16xi32>
      %lt3A_484 = arith.cmpi slt, %sub3A_481, %lt3A_483 : vector<16xi32>
      %ge3A_485 = arith.constant 50000 : i32
      %ge3A_486 = vector.broadcast %ge3A_485 : i32 to vector<16xi32>
      %ge3A_487 = arith.cmpi sge, %sub3A_481, %ge3A_486 : vector<16xi32>
      %or3A_488 = arith.ori %lt3A_484, %ge3A_487 : vector<16xi1>
      %mul3A_489 = arith.constant 67 : i32
      %mul3A_490 = arith.muli %arg1, %mul3A_489 : i32
      %add3A_491 = arith.constant 112 : i32
      %add3A_492 = arith.addi %add3A_491, %mul3A_490 : i32
      %mul3A_493 = arith.constant 131 : i32
      %mul3A_494 = arith.muli %mul3A_59, %mul3A_493 : i32
      %add3A_495 = arith.addi %add3A_492, %mul3A_494 : i32
      %add3A_496 = vector.broadcast %add3A_495 : i32 to vector<16xi32>
      %add3A_497 = arith.addi %iota3A, %add3A_496 : vector<16xi32>
      %and3A_498 = arith.constant 1023 : i32
      %and3A_499 = vector.broadcast %and3A_498 : i32 to vector<16xi32>
      %and3A_500 = arith.andi %add3A_497, %and3A_499 : vector<16xi32>
      %add3A_501 = arith.constant 50000 : i32
      %add3A_502 = vector.broadcast %add3A_501 : i32 to vector<16xi32>
      %add3A_503 = arith.addi %add3A_502, %and3A_500 : vector<16xi32>
      %select_n3A_504 = arith.select %or3A_488, %add3A_503, %sub3A_481 : vector<16xi1>, vector<16xi32>
      %swap3A_505 = arith.constant 0 : i32
      %swap3A_506 = arith.index_cast %swap3A_505 : i32 to index
      %swap3A_507 = arith.constant 112 : index
      %swap3A_508 = tpu.vector_load %arg14[%swap3A_506, %swap3A_507] {strides = array<i32>} : memref<2x128xi32, #tpu.memory_space<vmem>>, vector<1x16xi32>,
      %swap3A_509 = vector.shape_cast %swap3A_508 : vector<1x16xi32> to vector<16xi32>
      %swap3A_510 = vector.shape_cast %select_n3A_504 : vector<16xi32> to vector<1x16xi32>
      tpu.vector_store %arg14[%swap3A_506, %swap3A_507], %swap3A_510 {strides = array<i32>} : memref<2x128xi32, #tpu.memory_space<vmem>>, vector<1x16xi32>,
      %get3A_511 = arith.constant 128 : index
      %get3A_512 = tpu.vector_load %arg12[%get3A_511] {strides = array<i32>} : memref<256xi32, #tpu.memory_space<vmem>>, vector<16xi32>,
      %get3A_513 = vector.shape_cast %get3A_512 : vector<16xi32> to vector<16xi32>
      %sub3A_514 = vector.broadcast %mul3A_0 : i32 to vector<16xi32>
      %sub3A_515 = arith.subi %get3A_513, %sub3A_514 : vector<16xi32>
      %lt3A_516 = arith.constant 0 : i32
      %lt3A_517 = vector.broadcast %lt3A_516 : i32 to vector<16xi32>
      %lt3A_518 = arith.cmpi slt, %sub3A_515, %lt3A_517 : vector<16xi32>
      %ge3A_519 = arith.constant 50000 : i32
      %ge3A_520 = vector.broadcast %ge3A_519 : i32 to vector<16xi32>
      %ge3A_521 = arith.cmpi sge, %sub3A_515, %ge3A_520 : vector<16xi32>
      %or3A_522 = arith.ori %lt3A_518, %ge3A_521 : vector<16xi1>
      %mul3A_523 = arith.constant 67 : i32
      %mul3A_524 = arith.muli %arg1, %mul3A_523 : i32
      %add3A_525 = arith.constant 128 : i32
      %add3A_526 = arith.addi %add3A_525, %mul3A_524 : i32
      %mul3A_527 = arith.constant 131 : i32
      %mul3A_528 = arith.muli %mul3A_59, %mul3A_527 : i32
      %add3A_529 = arith.addi %add3A_526, %mul3A_528 : i32
      %add3A_530 = vector.broadcast %add3A_529 : i32 to vector<16xi32>
      %add3A_531 = arith.addi %iota3A, %add3A_530 : vector<16xi32>
      %and3A_532 = arith.constant 1023 : i32
      %and3A_533 = vector.broadcast %and3A_532 : i32 to vector<16xi32>
      %and3A_534 = arith.andi %add3A_531, %and3A_533 : vector<16xi32>
      %add3A_535 = arith.constant 50000 : i32
      %add3A_536 = vector.broadcast %add3A_535 : i32 to vector<16xi32>
      %add3A_537 = arith.addi %add3A_536, %and3A_534 : vector<16xi32>
      %select_n3A_538 = arith.select %or3A_522, %add3A_537, %sub3A_515 : vector<16xi1>, vector<16xi32>
      %swap3A_539 = arith.constant 1 : i32
      %swap3A_540 = arith.index_cast %swap3A_539 : i32 to index
      %swap3A_541 = arith.constant 0 : index
      %swap3A_542 = tpu.vector_load %arg14[%swap3A_540, %swap3A_541] {strides = array<i32>} : memref<2x128xi32, #tpu.memory_space<vmem>>, vector<1x16xi32>,
      %swap3A_543 = vector.shape_cast %swap3A_542 : vector<1x16xi32> to vector<16xi32>
      %swap3A_544 = vector.shape_cast %select_n3A_538 : vector<16xi32> to vector<1x16xi32>
      tpu.vector_store %arg14[%swap3A_540, %swap3A_541], %swap3A_544 {strides = array<i32>} : memref<2x128xi32, #tpu.memory_space<vmem>>, vector<1x16xi32>,
      %get3A_545 = arith.constant 144 : index
      %get3A_546 = tpu.vector_load %arg12[%get3A_545] {strides = array<i32>} : memref<256xi32, #tpu.memory_space<vmem>>, vector<16xi32>,
      %get3A_547 = vector.shape_cast %get3A_546 : vector<16xi32> to vector<16xi32>
      %sub3A_548 = vector.broadcast %mul3A_0 : i32 to vector<16xi32>
      %sub3A_549 = arith.subi %get3A_547, %sub3A_548 : vector<16xi32>
      %lt3A_550 = arith.constant 0 : i32
      %lt3A_551 = vector.broadcast %lt3A_550 : i32 to vector<16xi32>
      %lt3A_552 = arith.cmpi slt, %sub3A_549, %lt3A_551 : vector<16xi32>
      %ge3A_553 = arith.constant 50000 : i32
      %ge3A_554 = vector.broadcast %ge3A_553 : i32 to vector<16xi32>
      %ge3A_555 = arith.cmpi sge, %sub3A_549, %ge3A_554 : vector<16xi32>
      %or3A_556 = arith.ori %lt3A_552, %ge3A_555 : vector<16xi1>
      %mul3A_557 = arith.constant 67 : i32
      %mul3A_558 = arith.muli %arg1, %mul3A_557 : i32
      %add3A_559 = arith.constant 144 : i32
      %add3A_560 = arith.addi %add3A_559, %mul3A_558 : i32
      %mul3A_561 = arith.constant 131 : i32
      %mul3A_562 = arith.muli %mul3A_59, %mul3A_561 : i32
      %add3A_563 = arith.addi %add3A_560, %mul3A_562 : i32
      %add3A_564 = vector.broadcast %add3A_563 : i32 to vector<16xi32>
      %add3A_565 = arith.addi %iota3A, %add3A_564 : vector<16xi32>
      %and3A_566 = arith.constant 1023 : i32
      %and3A_567 = vector.broadcast %and3A_566 : i32 to vector<16xi32>
      %and3A_568 = arith.andi %add3A_565, %and3A_567 : vector<16xi32>
      %add3A_569 = arith.constant 50000 : i32
      %add3A_570 = vector.broadcast %add3A_569 : i32 to vector<16xi32>
      %add3A_571 = arith.addi %add3A_570, %and3A_568 : vector<16xi32>
      %select_n3A_572 = arith.select %or3A_556, %add3A_571, %sub3A_549 : vector<16xi1>, vector<16xi32>
      %swap3A_573 = arith.constant 1 : i32
      %swap3A_574 = arith.index_cast %swap3A_573 : i32 to index
      %swap3A_575 = arith.constant 16 : index
      %swap3A_576 = tpu.vector_load %arg14[%swap3A_574, %swap3A_575] {strides = array<i32>} : memref<2x128xi32, #tpu.memory_space<vmem>>, vector<1x16xi32>,
      %swap3A_577 = vector.shape_cast %swap3A_576 : vector<1x16xi32> to vector<16xi32>
      %swap3A_578 = vector.shape_cast %select_n3A_572 : vector<16xi32> to vector<1x16xi32>
      tpu.vector_store %arg14[%swap3A_574, %swap3A_575], %swap3A_578 {strides = array<i32>} : memref<2x128xi32, #tpu.memory_space<vmem>>, vector<1x16xi32>,
      %get3A_579 = arith.constant 160 : index
      %get3A_580 = tpu.vector_load %arg12[%get3A_579] {strides = array<i32>} : memref<256xi32, #tpu.memory_space<vmem>>, vector<16xi32>,
      %get3A_581 = vector.shape_cast %get3A_580 : vector<16xi32> to vector<16xi32>
      %sub3A_582 = vector.broadcast %mul3A_0 : i32 to vector<16xi32>
      %sub3A_583 = arith.subi %get3A_581, %sub3A_582 : vector<16xi32>
      %lt3A_584 = arith.constant 0 : i32
      %lt3A_585 = vector.broadcast %lt3A_584 : i32 to vector<16xi32>
      %lt3A_586 = arith.cmpi slt, %sub3A_583, %lt3A_585 : vector<16xi32>
      %ge3A_587 = arith.constant 50000 : i32
      %ge3A_588 = vector.broadcast %ge3A_587 : i32 to vector<16xi32>
      %ge3A_589 = arith.cmpi sge, %sub3A_583, %ge3A_588 : vector<16xi32>
      %or3A_590 = arith.ori %lt3A_586, %ge3A_589 : vector<16xi1>
      %mul3A_591 = arith.constant 67 : i32
      %mul3A_592 = arith.muli %arg1, %mul3A_591 : i32
      %add3A_593 = arith.constant 160 : i32
      %add3A_594 = arith.addi %add3A_593, %mul3A_592 : i32
      %mul3A_595 = arith.constant 131 : i32
      %mul3A_596 = arith.muli %mul3A_59, %mul3A_595 : i32
      %add3A_597 = arith.addi %add3A_594, %mul3A_596 : i32
      %add3A_598 = vector.broadcast %add3A_597 : i32 to vector<16xi32>
      %add3A_599 = arith.addi %iota3A, %add3A_598 : vector<16xi32>
      %and3A_600 = arith.constant 1023 : i32
      %and3A_601 = vector.broadcast %and3A_600 : i32 to vector<16xi32>
      %and3A_602 = arith.andi %add3A_599, %and3A_601 : vector<16xi32>
      %add3A_603 = arith.constant 50000 : i32
      %add3A_604 = vector.broadcast %add3A_603 : i32 to vector<16xi32>
      %add3A_605 = arith.addi %add3A_604, %and3A_602 : vector<16xi32>
      %select_n3A_606 = arith.select %or3A_590, %add3A_605, %sub3A_583 : vector<16xi1>, vector<16xi32>
      %swap3A_607 = arith.constant 1 : i32
      %swap3A_608 = arith.index_cast %swap3A_607 : i32 to index
      %swap3A_609 = arith.constant 32 : index
      %swap3A_610 = tpu.vector_load %arg14[%swap3A_608, %swap3A_609] {strides = array<i32>} : memref<2x128xi32, #tpu.memory_space<vmem>>, vector<1x16xi32>,
      %swap3A_611 = vector.shape_cast %swap3A_610 : vector<1x16xi32> to vector<16xi32>
      %swap3A_612 = vector.shape_cast %select_n3A_606 : vector<16xi32> to vector<1x16xi32>
      tpu.vector_store %arg14[%swap3A_608, %swap3A_609], %swap3A_612 {strides = array<i32>} : memref<2x128xi32, #tpu.memory_space<vmem>>, vector<1x16xi32>,
      %get3A_613 = arith.constant 176 : index
      %get3A_614 = tpu.vector_load %arg12[%get3A_613] {strides = array<i32>} : memref<256xi32, #tpu.memory_space<vmem>>, vector<16xi32>,
      %get3A_615 = vector.shape_cast %get3A_614 : vector<16xi32> to vector<16xi32>
      %sub3A_616 = vector.broadcast %mul3A_0 : i32 to vector<16xi32>
      %sub3A_617 = arith.subi %get3A_615, %sub3A_616 : vector<16xi32>
      %lt3A_618 = arith.constant 0 : i32
      %lt3A_619 = vector.broadcast %lt3A_618 : i32 to vector<16xi32>
      %lt3A_620 = arith.cmpi slt, %sub3A_617, %lt3A_619 : vector<16xi32>
      %ge3A_621 = arith.constant 50000 : i32
      %ge3A_622 = vector.broadcast %ge3A_621 : i32 to vector<16xi32>
      %ge3A_623 = arith.cmpi sge, %sub3A_617, %ge3A_622 : vector<16xi32>
      %or3A_624 = arith.ori %lt3A_620, %ge3A_623 : vector<16xi1>
      %mul3A_625 = arith.constant 67 : i32
      %mul3A_626 = arith.muli %arg1, %mul3A_625 : i32
      %add3A_627 = arith.constant 176 : i32
      %add3A_628 = arith.addi %add3A_627, %mul3A_626 : i32
      %mul3A_629 = arith.constant 131 : i32
      %mul3A_630 = arith.muli %mul3A_59, %mul3A_629 : i32
      %add3A_631 = arith.addi %add3A_628, %mul3A_630 : i32
      %add3A_632 = vector.broadcast %add3A_631 : i32 to vector<16xi32>
      %add3A_633 = arith.addi %iota3A, %add3A_632 : vector<16xi32>
      %and3A_634 = arith.constant 1023 : i32
      %and3A_635 = vector.broadcast %and3A_634 : i32 to vector<16xi32>
      %and3A_636 = arith.andi %add3A_633, %and3A_635 : vector<16xi32>
      %add3A_637 = arith.constant 50000 : i32
      %add3A_638 = vector.broadcast %add3A_637 : i32 to vector<16xi32>
      %add3A_639 = arith.addi %add3A_638, %and3A_636 : vector<16xi32>
      %select_n3A_640 = arith.select %or3A_624, %add3A_639, %sub3A_617 : vector<16xi1>, vector<16xi32>
      %swap3A_641 = arith.constant 1 : i32
      %swap3A_642 = arith.index_cast %swap3A_641 : i32 to index
      %swap3A_643 = arith.constant 48 : index
      %swap3A_644 = tpu.vector_load %arg14[%swap3A_642, %swap3A_643] {strides = array<i32>} : memref<2x128xi32, #tpu.memory_space<vmem>>, vector<1x16xi32>,
      %swap3A_645 = vector.shape_cast %swap3A_644 : vector<1x16xi32> to vector<16xi32>
      %swap3A_646 = vector.shape_cast %select_n3A_640 : vector<16xi32> to vector<1x16xi32>
      tpu.vector_store %arg14[%swap3A_642, %swap3A_643], %swap3A_646 {strides = array<i32>} : memref<2x128xi32, #tpu.memory_space<vmem>>, vector<1x16xi32>,
      %get3A_647 = arith.constant 192 : index
      %get3A_648 = tpu.vector_load %arg12[%get3A_647] {strides = array<i32>} : memref<256xi32, #tpu.memory_space<vmem>>, vector<16xi32>,
      %get3A_649 = vector.shape_cast %get3A_648 : vector<16xi32> to vector<16xi32>
      %sub3A_650 = vector.broadcast %mul3A_0 : i32 to vector<16xi32>
      %sub3A_651 = arith.subi %get3A_649, %sub3A_650 : vector<16xi32>
      %lt3A_652 = arith.constant 0 : i32
      %lt3A_653 = vector.broadcast %lt3A_652 : i32 to vector<16xi32>
      %lt3A_654 = arith.cmpi slt, %sub3A_651, %lt3A_653 : vector<16xi32>
      %ge3A_655 = arith.constant 50000 : i32
      %ge3A_656 = vector.broadcast %ge3A_655 : i32 to vector<16xi32>
      %ge3A_657 = arith.cmpi sge, %sub3A_651, %ge3A_656 : vector<16xi32>
      %or3A_658 = arith.ori %lt3A_654, %ge3A_657 : vector<16xi1>
      %mul3A_659 = arith.constant 67 : i32
      %mul3A_660 = arith.muli %arg1, %mul3A_659 : i32
      %add3A_661 = arith.constant 192 : i32
      %add3A_662 = arith.addi %add3A_661, %mul3A_660 : i32
      %mul3A_663 = arith.constant 131 : i32
      %mul3A_664 = arith.muli %mul3A_59, %mul3A_663 : i32
      %add3A_665 = arith.addi %add3A_662, %mul3A_664 : i32
      %add3A_666 = vector.broadcast %add3A_665 : i32 to vector<16xi32>
      %add3A_667 = arith.addi %iota3A, %add3A_666 : vector<16xi32>
      %and3A_668 = arith.constant 1023 : i32
      %and3A_669 = vector.broadcast %and3A_668 : i32 to vector<16xi32>
      %and3A_670 = arith.andi %add3A_667, %and3A_669 : vector<16xi32>
      %add3A_671 = arith.constant 50000 : i32
      %add3A_672 = vector.broadcast %add3A_671 : i32 to vector<16xi32>
      %add3A_673 = arith.addi %add3A_672, %and3A_670 : vector<16xi32>
      %select_n3A_674 = arith.select %or3A_658, %add3A_673, %sub3A_651 : vector<16xi1>, vector<16xi32>
      %swap3A_675 = arith.constant 1 : i32
      %swap3A_676 = arith.index_cast %swap3A_675 : i32 to index
      %swap3A_677 = arith.constant 64 : index
      %swap3A_678 = tpu.vector_load %arg14[%swap3A_676, %swap3A_677] {strides = array<i32>} : memref<2x128xi32, #tpu.memory_space<vmem>>, vector<1x16xi32>,
      %swap3A_679 = vector.shape_cast %swap3A_678 : vector<1x16xi32> to vector<16xi32>
      %swap3A_680 = vector.shape_cast %select_n3A_674 : vector<16xi32> to vector<1x16xi32>
      tpu.vector_store %arg14[%swap3A_676, %swap3A_677], %swap3A_680 {strides = array<i32>} : memref<2x128xi32, #tpu.memory_space<vmem>>, vector<1x16xi32>,
      %get3A_681 = arith.constant 208 : index
      %get3A_682 = tpu.vector_load %arg12[%get3A_681] {strides = array<i32>} : memref<256xi32, #tpu.memory_space<vmem>>, vector<16xi32>,
      %get3A_683 = vector.shape_cast %get3A_682 : vector<16xi32> to vector<16xi32>
      %sub3A_684 = vector.broadcast %mul3A_0 : i32 to vector<16xi32>
      %sub3A_685 = arith.subi %get3A_683, %sub3A_684 : vector<16xi32>
      %lt3A_686 = arith.constant 0 : i32
      %lt3A_687 = vector.broadcast %lt3A_686 : i32 to vector<16xi32>
      %lt3A_688 = arith.cmpi slt, %sub3A_685, %lt3A_687 : vector<16xi32>
      %ge3A_689 = arith.constant 50000 : i32
      %ge3A_690 = vector.broadcast %ge3A_689 : i32 to vector<16xi32>
      %ge3A_691 = arith.cmpi sge, %sub3A_685, %ge3A_690 : vector<16xi32>
      %or3A_692 = arith.ori %lt3A_688, %ge3A_691 : vector<16xi1>
      %mul3A_693 = arith.constant 67 : i32
      %mul3A_694 = arith.muli %arg1, %mul3A_693 : i32
      %add3A_695 = arith.constant 208 : i32
      %add3A_696 = arith.addi %add3A_695, %mul3A_694 : i32
      %mul3A_697 = arith.constant 131 : i32
      %mul3A_698 = arith.muli %mul3A_59, %mul3A_697 : i32
      %add3A_699 = arith.addi %add3A_696, %mul3A_698 : i32
      %add3A_700 = vector.broadcast %add3A_699 : i32 to vector<16xi32>
      %add3A_701 = arith.addi %iota3A, %add3A_700 : vector<16xi32>
      %and3A_702 = arith.constant 1023 : i32
      %and3A_703 = vector.broadcast %and3A_702 : i32 to vector<16xi32>
      %and3A_704 = arith.andi %add3A_701, %and3A_703 : vector<16xi32>
      %add3A_705 = arith.constant 50000 : i32
      %add3A_706 = vector.broadcast %add3A_705 : i32 to vector<16xi32>
      %add3A_707 = arith.addi %add3A_706, %and3A_704 : vector<16xi32>
      %select_n3A_708 = arith.select %or3A_692, %add3A_707, %sub3A_685 : vector<16xi1>, vector<16xi32>
      %swap3A_709 = arith.constant 1 : i32
      %swap3A_710 = arith.index_cast %swap3A_709 : i32 to index
      %swap3A_711 = arith.constant 80 : index
      %swap3A_712 = tpu.vector_load %arg14[%swap3A_710, %swap3A_711] {strides = array<i32>} : memref<2x128xi32, #tpu.memory_space<vmem>>, vector<1x16xi32>,
      %swap3A_713 = vector.shape_cast %swap3A_712 : vector<1x16xi32> to vector<16xi32>
      %swap3A_714 = vector.shape_cast %select_n3A_708 : vector<16xi32> to vector<1x16xi32>
      tpu.vector_store %arg14[%swap3A_710, %swap3A_711], %swap3A_714 {strides = array<i32>} : memref<2x128xi32, #tpu.memory_space<vmem>>, vector<1x16xi32>,
      %get3A_715 = arith.constant 224 : index
      %get3A_716 = tpu.vector_load %arg12[%get3A_715] {strides = array<i32>} : memref<256xi32, #tpu.memory_space<vmem>>, vector<16xi32>,
      %get3A_717 = vector.shape_cast %get3A_716 : vector<16xi32> to vector<16xi32>
      %sub3A_718 = vector.broadcast %mul3A_0 : i32 to vector<16xi32>
      %sub3A_719 = arith.subi %get3A_717, %sub3A_718 : vector<16xi32>
      %lt3A_720 = arith.constant 0 : i32
      %lt3A_721 = vector.broadcast %lt3A_720 : i32 to vector<16xi32>
      %lt3A_722 = arith.cmpi slt, %sub3A_719, %lt3A_721 : vector<16xi32>
      %ge3A_723 = arith.constant 50000 : i32
      %ge3A_724 = vector.broadcast %ge3A_723 : i32 to vector<16xi32>
      %ge3A_725 = arith.cmpi sge, %sub3A_719, %ge3A_724 : vector<16xi32>
      %or3A_726 = arith.ori %lt3A_722, %ge3A_725 : vector<16xi1>
      %mul3A_727 = arith.constant 67 : i32
      %mul3A_728 = arith.muli %arg1, %mul3A_727 : i32
      %add3A_729 = arith.constant 224 : i32
      %add3A_730 = arith.addi %add3A_729, %mul3A_728 : i32
      %mul3A_731 = arith.constant 131 : i32
      %mul3A_732 = arith.muli %mul3A_59, %mul3A_731 : i32
      %add3A_733 = arith.addi %add3A_730, %mul3A_732 : i32
      %add3A_734 = vector.broadcast %add3A_733 : i32 to vector<16xi32>
      %add3A_735 = arith.addi %iota3A, %add3A_734 : vector<16xi32>
      %and3A_736 = arith.constant 1023 : i32
      %and3A_737 = vector.broadcast %and3A_736 : i32 to vector<16xi32>
      %and3A_738 = arith.andi %add3A_735, %and3A_737 : vector<16xi32>
      %add3A_739 = arith.constant 50000 : i32
      %add3A_740 = vector.broadcast %add3A_739 : i32 to vector<16xi32>
      %add3A_741 = arith.addi %add3A_740, %and3A_738 : vector<16xi32>
      %select_n3A_742 = arith.select %or3A_726, %add3A_741, %sub3A_719 : vector<16xi1>, vector<16xi32>
      %swap3A_743 = arith.constant 1 : i32
      %swap3A_744 = arith.index_cast %swap3A_743 : i32 to index
      %swap3A_745 = arith.constant 96 : index
      %swap3A_746 = tpu.vector_load %arg14[%swap3A_744, %swap3A_745] {strides = array<i32>} : memref<2x128xi32, #tpu.memory_space<vmem>>, vector<1x16xi32>,
      %swap3A_747 = vector.shape_cast %swap3A_746 : vector<1x16xi32> to vector<16xi32>
      %swap3A_748 = vector.shape_cast %select_n3A_742 : vector<16xi32> to vector<1x16xi32>
      tpu.vector_store %arg14[%swap3A_744, %swap3A_745], %swap3A_748 {strides = array<i32>} : memref<2x128xi32, #tpu.memory_space<vmem>>, vector<1x16xi32>,
      %get3A_749 = arith.constant 240 : index
      %get3A_750 = tpu.vector_load %arg12[%get3A_749] {strides = array<i32>} : memref<256xi32, #tpu.memory_space<vmem>>, vector<16xi32>,
      %get3A_751 = vector.shape_cast %get3A_750 : vector<16xi32> to vector<16xi32>
      %sub3A_752 = vector.broadcast %mul3A_0 : i32 to vector<16xi32>
      %sub3A_753 = arith.subi %get3A_751, %sub3A_752 : vector<16xi32>
      %lt3A_754 = arith.constant 0 : i32
      %lt3A_755 = vector.broadcast %lt3A_754 : i32 to vector<16xi32>
      %lt3A_756 = arith.cmpi slt, %sub3A_753, %lt3A_755 : vector<16xi32>
      %ge3A_757 = arith.constant 50000 : i32
      %ge3A_758 = vector.broadcast %ge3A_757 : i32 to vector<16xi32>
      %ge3A_759 = arith.cmpi sge, %sub3A_753, %ge3A_758 : vector<16xi32>
      %or3A_760 = arith.ori %lt3A_756, %ge3A_759 : vector<16xi1>
      %mul3A_761 = arith.constant 67 : i32
      %mul3A_762 = arith.muli %arg1, %mul3A_761 : i32
      %add3A_763 = arith.constant 240 : i32
      %add3A_764 = arith.addi %add3A_763, %mul3A_762 : i32
      %mul3A_765 = arith.constant 131 : i32
      %mul3A_766 = arith.muli %mul3A_59, %mul3A_765 : i32
      %add3A_767 = arith.addi %add3A_764, %mul3A_766 : i32
      %add3A_768 = vector.broadcast %add3A_767 : i32 to vector<16xi32>
      %add3A_769 = arith.addi %iota3A, %add3A_768 : vector<16xi32>
      %and3A_770 = arith.constant 1023 : i32
      %and3A_771 = vector.broadcast %and3A_770 : i32 to vector<16xi32>
      %and3A_772 = arith.andi %add3A_769, %and3A_771 : vector<16xi32>
      %add3A_773 = arith.constant 50000 : i32
      %add3A_774 = vector.broadcast %add3A_773 : i32 to vector<16xi32>
      %add3A_775 = arith.addi %add3A_774, %and3A_772 : vector<16xi32>
      %select_n3A_776 = arith.select %or3A_760, %add3A_775, %sub3A_753 : vector<16xi1>, vector<16xi32>
      %swap3A_777 = arith.constant 1 : i32
      %swap3A_778 = arith.index_cast %swap3A_777 : i32 to index
      %swap3A_779 = arith.constant 112 : index
      %swap3A_780 = tpu.vector_load %arg14[%swap3A_778, %swap3A_779] {strides = array<i32>} : memref<2x128xi32, #tpu.memory_space<vmem>>, vector<1x16xi32>,
      %swap3A_781 = vector.shape_cast %swap3A_780 : vector<1x16xi32> to vector<16xi32>
      %swap3A_782 = vector.shape_cast %select_n3A_776 : vector<16xi32> to vector<1x16xi32>
      tpu.vector_store %arg14[%swap3A_778, %swap3A_779], %swap3A_782 {strides = array<i32>} : memref<2x128xi32, #tpu.memory_space<vmem>>, vector<1x16xi32>,
      %add3A_783 = arith.constant 1 : i32
      %add3A_784 = arith.addi %mul3A_59, %add3A_783 : i32
      %dma_wait3A_785 = tpu.memref_slice %arg3[%add3A_74] : memref<1605632xi32, #tpu.memory_space<hbm>> -> memref<256xi32, #tpu.memory_space<hbm>>
      %dma_wait3A_786 = tpu.memref_slice %arg3[%add3A_74] : memref<1605632xi32, #tpu.memory_space<hbm>> -> memref<256xi32, #tpu.memory_space<hbm>>
      tpu.wait_dma2 semaphore(%arg24 : memref<!tpu.dma_semaphore, #tpu.memory_space<semaphore_mem>>) src(%dma_wait3A_786 : memref<256xi32, #tpu.memory_space<hbm>>) dst(%arg19 : memref<256xi32, #tpu.memory_space<vmem>>)
      %dma_wait3A_787 = tpu.memref_slice %arg4[%add3A_74] : memref<1605632xi32, #tpu.memory_space<hbm>> -> memref<256xi32, #tpu.memory_space<hbm>>
      %dma_wait3A_788 = tpu.memref_slice %arg4[%add3A_74] : memref<1605632xi32, #tpu.memory_space<hbm>> -> memref<256xi32, #tpu.memory_space<hbm>>
      tpu.wait_dma2 semaphore(%arg24 : memref<!tpu.dma_semaphore, #tpu.memory_space<semaphore_mem>>) src(%dma_wait3A_788 : memref<256xi32, #tpu.memory_space<hbm>>) dst(%arg20 : memref<256xi32, #tpu.memory_space<vmem>>)
      %get3A_789 = arith.constant 0 : index
      %get3A_790 = tpu.vector_load %arg19[%get3A_789] {strides = array<i32>} : memref<256xi32, #tpu.memory_space<vmem>>, vector<16xi32>,
      %get3A_791 = vector.shape_cast %get3A_790 : vector<16xi32> to vector<16xi32>
      %swap3A_792 = arith.constant 0 : i32
      %swap3A_793 = arith.index_cast %swap3A_792 : i32 to index
      %swap3A_794 = arith.constant 0 : index
      %swap3A_795 = tpu.vector_load %arg21[%swap3A_793, %swap3A_794] {strides = array<i32>} : memref<2x128xi32, #tpu.memory_space<vmem>>, vector<1x16xi32>,
      %swap3A_796 = vector.shape_cast %swap3A_795 : vector<1x16xi32> to vector<16xi32>
      %swap3A_797 = vector.shape_cast %get3A_791 : vector<16xi32> to vector<1x16xi32>
      tpu.vector_store %arg21[%swap3A_793, %swap3A_794], %swap3A_797 {strides = array<i32>} : memref<2x128xi32, #tpu.memory_space<vmem>>, vector<1x16xi32>,
      %get3A_798 = arith.constant 16 : index
      %get3A_799 = tpu.vector_load %arg19[%get3A_798] {strides = array<i32>} : memref<256xi32, #tpu.memory_space<vmem>>, vector<16xi32>,
      %get3A_800 = vector.shape_cast %get3A_799 : vector<16xi32> to vector<16xi32>
      %swap3A_801 = arith.constant 0 : i32
      %swap3A_802 = arith.index_cast %swap3A_801 : i32 to index
      %swap3A_803 = arith.constant 16 : index
      %swap3A_804 = tpu.vector_load %arg21[%swap3A_802, %swap3A_803] {strides = array<i32>} : memref<2x128xi32, #tpu.memory_space<vmem>>, vector<1x16xi32>,
      %swap3A_805 = vector.shape_cast %swap3A_804 : vector<1x16xi32> to vector<16xi32>
      %swap3A_806 = vector.shape_cast %get3A_800 : vector<16xi32> to vector<1x16xi32>
      tpu.vector_store %arg21[%swap3A_802, %swap3A_803], %swap3A_806 {strides = array<i32>} : memref<2x128xi32, #tpu.memory_space<vmem>>, vector<1x16xi32>,
      %get3A_807 = arith.constant 32 : index
      %get3A_808 = tpu.vector_load %arg19[%get3A_807] {strides = array<i32>} : memref<256xi32, #tpu.memory_space<vmem>>, vector<16xi32>,
      %get3A_809 = vector.shape_cast %get3A_808 : vector<16xi32> to vector<16xi32>
      %swap3A_810 = arith.constant 0 : i32
      %swap3A_811 = arith.index_cast %swap3A_810 : i32 to index
      %swap3A_812 = arith.constant 32 : index
      %swap3A_813 = tpu.vector_load %arg21[%swap3A_811, %swap3A_812] {strides = array<i32>} : memref<2x128xi32, #tpu.memory_space<vmem>>, vector<1x16xi32>,
      %swap3A_814 = vector.shape_cast %swap3A_813 : vector<1x16xi32> to vector<16xi32>
      %swap3A_815 = vector.shape_cast %get3A_809 : vector<16xi32> to vector<1x16xi32>
      tpu.vector_store %arg21[%swap3A_811, %swap3A_812], %swap3A_815 {strides = array<i32>} : memref<2x128xi32, #tpu.memory_space<vmem>>, vector<1x16xi32>,
      %get3A_816 = arith.constant 48 : index
      %get3A_817 = tpu.vector_load %arg19[%get3A_816] {strides = array<i32>} : memref<256xi32, #tpu.memory_space<vmem>>, vector<16xi32>,
      %get3A_818 = vector.shape_cast %get3A_817 : vector<16xi32> to vector<16xi32>
      %swap3A_819 = arith.constant 0 : i32
      %swap3A_820 = arith.index_cast %swap3A_819 : i32 to index
      %swap3A_821 = arith.constant 48 : index
      %swap3A_822 = tpu.vector_load %arg21[%swap3A_820, %swap3A_821] {strides = array<i32>} : memref<2x128xi32, #tpu.memory_space<vmem>>, vector<1x16xi32>,
      %swap3A_823 = vector.shape_cast %swap3A_822 : vector<1x16xi32> to vector<16xi32>
      %swap3A_824 = vector.shape_cast %get3A_818 : vector<16xi32> to vector<1x16xi32>
      tpu.vector_store %arg21[%swap3A_820, %swap3A_821], %swap3A_824 {strides = array<i32>} : memref<2x128xi32, #tpu.memory_space<vmem>>, vector<1x16xi32>,
      %get3A_825 = arith.constant 64 : index
      %get3A_826 = tpu.vector_load %arg19[%get3A_825] {strides = array<i32>} : memref<256xi32, #tpu.memory_space<vmem>>, vector<16xi32>,
      %get3A_827 = vector.shape_cast %get3A_826 : vector<16xi32> to vector<16xi32>
      %swap3A_828 = arith.constant 0 : i32
      %swap3A_829 = arith.index_cast %swap3A_828 : i32 to index
      %swap3A_830 = arith.constant 64 : index
      %swap3A_831 = tpu.vector_load %arg21[%swap3A_829, %swap3A_830] {strides = array<i32>} : memref<2x128xi32, #tpu.memory_space<vmem>>, vector<1x16xi32>,
      %swap3A_832 = vector.shape_cast %swap3A_831 : vector<1x16xi32> to vector<16xi32>
      %swap3A_833 = vector.shape_cast %get3A_827 : vector<16xi32> to vector<1x16xi32>
      tpu.vector_store %arg21[%swap3A_829, %swap3A_830], %swap3A_833 {strides = array<i32>} : memref<2x128xi32, #tpu.memory_space<vmem>>, vector<1x16xi32>,
      %get3A_834 = arith.constant 80 : index
      %get3A_835 = tpu.vector_load %arg19[%get3A_834] {strides = array<i32>} : memref<256xi32, #tpu.memory_space<vmem>>, vector<16xi32>,
      %get3A_836 = vector.shape_cast %get3A_835 : vector<16xi32> to vector<16xi32>
      %swap3A_837 = arith.constant 0 : i32
      %swap3A_838 = arith.index_cast %swap3A_837 : i32 to index
      %swap3A_839 = arith.constant 80 : index
      %swap3A_840 = tpu.vector_load %arg21[%swap3A_838, %swap3A_839] {strides = array<i32>} : memref<2x128xi32, #tpu.memory_space<vmem>>, vector<1x16xi32>,
      %swap3A_841 = vector.shape_cast %swap3A_840 : vector<1x16xi32> to vector<16xi32>
      %swap3A_842 = vector.shape_cast %get3A_836 : vector<16xi32> to vector<1x16xi32>
      tpu.vector_store %arg21[%swap3A_838, %swap3A_839], %swap3A_842 {strides = array<i32>} : memref<2x128xi32, #tpu.memory_space<vmem>>, vector<1x16xi32>,
      %get3A_843 = arith.constant 96 : index
      %get3A_844 = tpu.vector_load %arg19[%get3A_843] {strides = array<i32>} : memref<256xi32, #tpu.memory_space<vmem>>, vector<16xi32>,
      %get3A_845 = vector.shape_cast %get3A_844 : vector<16xi32> to vector<16xi32>
      %swap3A_846 = arith.constant 0 : i32
      %swap3A_847 = arith.index_cast %swap3A_846 : i32 to index
      %swap3A_848 = arith.constant 96 : index
      %swap3A_849 = tpu.vector_load %arg21[%swap3A_847, %swap3A_848] {strides = array<i32>} : memref<2x128xi32, #tpu.memory_space<vmem>>, vector<1x16xi32>,
      %swap3A_850 = vector.shape_cast %swap3A_849 : vector<1x16xi32> to vector<16xi32>
      %swap3A_851 = vector.shape_cast %get3A_845 : vector<16xi32> to vector<1x16xi32>
      tpu.vector_store %arg21[%swap3A_847, %swap3A_848], %swap3A_851 {strides = array<i32>} : memref<2x128xi32, #tpu.memory_space<vmem>>, vector<1x16xi32>,
      %get3A_852 = arith.constant 112 : index
      %get3A_853 = tpu.vector_load %arg19[%get3A_852] {strides = array<i32>} : memref<256xi32, #tpu.memory_space<vmem>>, vector<16xi32>,
      %get3A_854 = vector.shape_cast %get3A_853 : vector<16xi32> to vector<16xi32>
      %swap3A_855 = arith.constant 0 : i32
      %swap3A_856 = arith.index_cast %swap3A_855 : i32 to index
      %swap3A_857 = arith.constant 112 : index
      %swap3A_858 = tpu.vector_load %arg21[%swap3A_856, %swap3A_857] {strides = array<i32>} : memref<2x128xi32, #tpu.memory_space<vmem>>, vector<1x16xi32>,
      %swap3A_859 = vector.shape_cast %swap3A_858 : vector<1x16xi32> to vector<16xi32>
      %swap3A_860 = vector.shape_cast %get3A_854 : vector<16xi32> to vector<1x16xi32>
      tpu.vector_store %arg21[%swap3A_856, %swap3A_857], %swap3A_860 {strides = array<i32>} : memref<2x128xi32, #tpu.memory_space<vmem>>, vector<1x16xi32>,
      %get3A_861 = arith.constant 128 : index
      %get3A_862 = tpu.vector_load %arg19[%get3A_861] {strides = array<i32>} : memref<256xi32, #tpu.memory_space<vmem>>, vector<16xi32>,
      %get3A_863 = vector.shape_cast %get3A_862 : vector<16xi32> to vector<16xi32>
      %swap3A_864 = arith.constant 1 : i32
      %swap3A_865 = arith.index_cast %swap3A_864 : i32 to index
      %swap3A_866 = arith.constant 0 : index
      %swap3A_867 = tpu.vector_load %arg21[%swap3A_865, %swap3A_866] {strides = array<i32>} : memref<2x128xi32, #tpu.memory_space<vmem>>, vector<1x16xi32>,
      %swap3A_868 = vector.shape_cast %swap3A_867 : vector<1x16xi32> to vector<16xi32>
      %swap3A_869 = vector.shape_cast %get3A_863 : vector<16xi32> to vector<1x16xi32>
      tpu.vector_store %arg21[%swap3A_865, %swap3A_866], %swap3A_869 {strides = array<i32>} : memref<2x128xi32, #tpu.memory_space<vmem>>, vector<1x16xi32>,
      %get3A_870 = arith.constant 144 : index
      %get3A_871 = tpu.vector_load %arg19[%get3A_870] {strides = array<i32>} : memref<256xi32, #tpu.memory_space<vmem>>, vector<16xi32>,
      %get3A_872 = vector.shape_cast %get3A_871 : vector<16xi32> to vector<16xi32>
      %swap3A_873 = arith.constant 1 : i32
      %swap3A_874 = arith.index_cast %swap3A_873 : i32 to index
      %swap3A_875 = arith.constant 16 : index
      %swap3A_876 = tpu.vector_load %arg21[%swap3A_874, %swap3A_875] {strides = array<i32>} : memref<2x128xi32, #tpu.memory_space<vmem>>, vector<1x16xi32>,
      %swap3A_877 = vector.shape_cast %swap3A_876 : vector<1x16xi32> to vector<16xi32>
      %swap3A_878 = vector.shape_cast %get3A_872 : vector<16xi32> to vector<1x16xi32>
      tpu.vector_store %arg21[%swap3A_874, %swap3A_875], %swap3A_878 {strides = array<i32>} : memref<2x128xi32, #tpu.memory_space<vmem>>, vector<1x16xi32>,
      %get3A_879 = arith.constant 160 : index
      %get3A_880 = tpu.vector_load %arg19[%get3A_879] {strides = array<i32>} : memref<256xi32, #tpu.memory_space<vmem>>, vector<16xi32>,
      %get3A_881 = vector.shape_cast %get3A_880 : vector<16xi32> to vector<16xi32>
      %swap3A_882 = arith.constant 1 : i32
      %swap3A_883 = arith.index_cast %swap3A_882 : i32 to index
      %swap3A_884 = arith.constant 32 : index
      %swap3A_885 = tpu.vector_load %arg21[%swap3A_883, %swap3A_884] {strides = array<i32>} : memref<2x128xi32, #tpu.memory_space<vmem>>, vector<1x16xi32>,
      %swap3A_886 = vector.shape_cast %swap3A_885 : vector<1x16xi32> to vector<16xi32>
      %swap3A_887 = vector.shape_cast %get3A_881 : vector<16xi32> to vector<1x16xi32>
      tpu.vector_store %arg21[%swap3A_883, %swap3A_884], %swap3A_887 {strides = array<i32>} : memref<2x128xi32, #tpu.memory_space<vmem>>, vector<1x16xi32>,
      %get3A_888 = arith.constant 176 : index
      %get3A_889 = tpu.vector_load %arg19[%get3A_888] {strides = array<i32>} : memref<256xi32, #tpu.memory_space<vmem>>, vector<16xi32>,
      %get3A_890 = vector.shape_cast %get3A_889 : vector<16xi32> to vector<16xi32>
      %swap3A_891 = arith.constant 1 : i32
      %swap3A_892 = arith.index_cast %swap3A_891 : i32 to index
      %swap3A_893 = arith.constant 48 : index
      %swap3A_894 = tpu.vector_load %arg21[%swap3A_892, %swap3A_893] {strides = array<i32>} : memref<2x128xi32, #tpu.memory_space<vmem>>, vector<1x16xi32>,
      %swap3A_895 = vector.shape_cast %swap3A_894 : vector<1x16xi32> to vector<16xi32>
      %swap3A_896 = vector.shape_cast %get3A_890 : vector<16xi32> to vector<1x16xi32>
      tpu.vector_store %arg21[%swap3A_892, %swap3A_893], %swap3A_896 {strides = array<i32>} : memref<2x128xi32, #tpu.memory_space<vmem>>, vector<1x16xi32>,
      %get3A_897 = arith.constant 192 : index
      %get3A_898 = tpu.vector_load %arg19[%get3A_897] {strides = array<i32>} : memref<256xi32, #tpu.memory_space<vmem>>, vector<16xi32>,
      %get3A_899 = vector.shape_cast %get3A_898 : vector<16xi32> to vector<16xi32>
      %swap3A_900 = arith.constant 1 : i32
      %swap3A_901 = arith.index_cast %swap3A_900 : i32 to index
      %swap3A_902 = arith.constant 64 : index
      %swap3A_903 = tpu.vector_load %arg21[%swap3A_901, %swap3A_902] {strides = array<i32>} : memref<2x128xi32, #tpu.memory_space<vmem>>, vector<1x16xi32>,
      %swap3A_904 = vector.shape_cast %swap3A_903 : vector<1x16xi32> to vector<16xi32>
      %swap3A_905 = vector.shape_cast %get3A_899 : vector<16xi32> to vector<1x16xi32>
      tpu.vector_store %arg21[%swap3A_901, %swap3A_902], %swap3A_905 {strides = array<i32>} : memref<2x128xi32, #tpu.memory_space<vmem>>, vector<1x16xi32>,
      %get3A_906 = arith.constant 208 : index
      %get3A_907 = tpu.vector_load %arg19[%get3A_906] {strides = array<i32>} : memref<256xi32, #tpu.memory_space<vmem>>, vector<16xi32>,
      %get3A_908 = vector.shape_cast %get3A_907 : vector<16xi32> to vector<16xi32>
      %swap3A_909 = arith.constant 1 : i32
      %swap3A_910 = arith.index_cast %swap3A_909 : i32 to index
      %swap3A_911 = arith.constant 80 : index
      %swap3A_912 = tpu.vector_load %arg21[%swap3A_910, %swap3A_911] {strides = array<i32>} : memref<2x128xi32, #tpu.memory_space<vmem>>, vector<1x16xi32>,
      %swap3A_913 = vector.shape_cast %swap3A_912 : vector<1x16xi32> to vector<16xi32>
      %swap3A_914 = vector.shape_cast %get3A_908 : vector<16xi32> to vector<1x16xi32>
      tpu.vector_store %arg21[%swap3A_910, %swap3A_911], %swap3A_914 {strides = array<i32>} : memref<2x128xi32, #tpu.memory_space<vmem>>, vector<1x16xi32>,
      %get3A_915 = arith.constant 224 : index
      %get3A_916 = tpu.vector_load %arg19[%get3A_915] {strides = array<i32>} : memref<256xi32, #tpu.memory_space<vmem>>, vector<16xi32>,
      %get3A_917 = vector.shape_cast %get3A_916 : vector<16xi32> to vector<16xi32>
      %swap3A_918 = arith.constant 1 : i32
      %swap3A_919 = arith.index_cast %swap3A_918 : i32 to index
      %swap3A_920 = arith.constant 96 : index
      %swap3A_921 = tpu.vector_load %arg21[%swap3A_919, %swap3A_920] {strides = array<i32>} : memref<2x128xi32, #tpu.memory_space<vmem>>, vector<1x16xi32>,
      %swap3A_922 = vector.shape_cast %swap3A_921 : vector<1x16xi32> to vector<16xi32>
      %swap3A_923 = vector.shape_cast %get3A_917 : vector<16xi32> to vector<1x16xi32>
      tpu.vector_store %arg21[%swap3A_919, %swap3A_920], %swap3A_923 {strides = array<i32>} : memref<2x128xi32, #tpu.memory_space<vmem>>, vector<1x16xi32>,
      %get3A_924 = arith.constant 240 : index
      %get3A_925 = tpu.vector_load %arg19[%get3A_924] {strides = array<i32>} : memref<256xi32, #tpu.memory_space<vmem>>, vector<16xi32>,
      %get3A_926 = vector.shape_cast %get3A_925 : vector<16xi32> to vector<16xi32>
      %swap3A_927 = arith.constant 1 : i32
      %swap3A_928 = arith.index_cast %swap3A_927 : i32 to index
      %swap3A_929 = arith.constant 112 : index
      %swap3A_930 = tpu.vector_load %arg21[%swap3A_928, %swap3A_929] {strides = array<i32>} : memref<2x128xi32, #tpu.memory_space<vmem>>, vector<1x16xi32>,
      %swap3A_931 = vector.shape_cast %swap3A_930 : vector<1x16xi32> to vector<16xi32>
      %swap3A_932 = vector.shape_cast %get3A_926 : vector<16xi32> to vector<1x16xi32>
      tpu.vector_store %arg21[%swap3A_928, %swap3A_929], %swap3A_932 {strides = array<i32>} : memref<2x128xi32, #tpu.memory_space<vmem>>, vector<1x16xi32>,
      %dma_start3A_933 = arith.constant 0 : i32
      %dma_start3A_934 = arith.constant 0 : i32
      %dma_start3A_935 = arith.constant 0 : i32
      %dma_start3A_936 = tpu.memref_slice %arg23[%dma_start3A_934, %dma_start3A_935] : memref<256x32xf32, #tpu.memory_space<vmem>> -> memref<128x32xf32, #tpu.memory_space<vmem>>
      %dma_start3A_937 = arith.constant 0 : i32
      %dma_start3A_938 = tpu.memref_slice %arg21[%dma_start3A_933, %dma_start3A_937] : memref<2x128xi32, #tpu.memory_space<vmem>> -> memref<1x128xi32, #tpu.memory_space<vmem>>
      %dma_start3A_939 = tpu.memref_squeeze %dma_start3A_938 : memref<1x128xi32, #tpu.memory_space<vmem>> -> memref<128xi32, #tpu.memory_space<vmem>>
      %dma_start3A_940 = arith.constant 0 : i32
      %dma_start3A_941 = arith.constant 0 : i32
      %dma_start3A_942 = tpu.memref_slice %arg2[%dma_start3A_940, %dma_start3A_941] : memref<100000x32xf32, #tpu.memory_space<hbm>> -> memref<100000x32xf32, #tpu.memory_space<hbm>>
      tpu.enqueue_indirect_dma source(%dma_start3A_942 : memref<100000x32xf32, #tpu.memory_space<hbm>>) target(%dma_start3A_936 : memref<128x32xf32, #tpu.memory_space<vmem>>) offsets(%dma_start3A_939 : memref<128xi32, #tpu.memory_space<vmem>>) semaphore(%arg25 : memref<!tpu.dma_semaphore, #tpu.memory_space<semaphore_mem>>)
      %dma_start3A_943 = arith.constant 1 : i32
      %dma_start3A_944 = arith.constant 128 : i32
      %dma_start3A_945 = arith.constant 0 : i32
      %dma_start3A_946 = tpu.memref_slice %arg23[%dma_start3A_944, %dma_start3A_945] : memref<256x32xf32, #tpu.memory_space<vmem>> -> memref<128x32xf32, #tpu.memory_space<vmem>>
      %dma_start3A_947 = arith.constant 0 : i32
      %dma_start3A_948 = tpu.memref_slice %arg21[%dma_start3A_943, %dma_start3A_947] : memref<2x128xi32, #tpu.memory_space<vmem>> -> memref<1x128xi32, #tpu.memory_space<vmem>>
      %dma_start3A_949 = tpu.memref_squeeze %dma_start3A_948 : memref<1x128xi32, #tpu.memory_space<vmem>> -> memref<128xi32, #tpu.memory_space<vmem>>
      %dma_start3A_950 = arith.constant 0 : i32
      %dma_start3A_951 = arith.constant 0 : i32
      %dma_start3A_952 = tpu.memref_slice %arg2[%dma_start3A_950, %dma_start3A_951] : memref<100000x32xf32, #tpu.memory_space<hbm>> -> memref<100000x32xf32, #tpu.memory_space<hbm>>
      tpu.enqueue_indirect_dma source(%dma_start3A_952 : memref<100000x32xf32, #tpu.memory_space<hbm>>) target(%dma_start3A_946 : memref<128x32xf32, #tpu.memory_space<vmem>>) offsets(%dma_start3A_949 : memref<128xi32, #tpu.memory_space<vmem>>) semaphore(%arg25 : memref<!tpu.dma_semaphore, #tpu.memory_space<semaphore_mem>>)
      %get3A_953 = arith.constant 0 : index
      %get3A_954 = tpu.vector_load %arg20[%get3A_953] {strides = array<i32>} : memref<256xi32, #tpu.memory_space<vmem>>, vector<16xi32>,
      %get3A_955 = vector.shape_cast %get3A_954 : vector<16xi32> to vector<16xi32>
      %sub3A_956 = vector.broadcast %mul3A_0 : i32 to vector<16xi32>
      %sub3A_957 = arith.subi %get3A_955, %sub3A_956 : vector<16xi32>
      %lt3A_958 = arith.constant 0 : i32
      %lt3A_959 = vector.broadcast %lt3A_958 : i32 to vector<16xi32>
      %lt3A_960 = arith.cmpi slt, %sub3A_957, %lt3A_959 : vector<16xi32>
      %ge3A_961 = arith.constant 50000 : i32
      %ge3A_962 = vector.broadcast %ge3A_961 : i32 to vector<16xi32>
      %ge3A_963 = arith.cmpi sge, %sub3A_957, %ge3A_962 : vector<16xi32>
      %or3A_964 = arith.ori %lt3A_960, %ge3A_963 : vector<16xi1>
      %mul3A_965 = arith.constant 67 : i32
      %mul3A_966 = arith.muli %arg1, %mul3A_965 : i32
      %add3A_967 = arith.constant 0 : i32
      %add3A_968 = arith.addi %add3A_967, %mul3A_966 : i32
      %mul3A_969 = arith.constant 131 : i32
      %mul3A_970 = arith.muli %add3A_784, %mul3A_969 : i32
      %add3A_971 = arith.addi %add3A_968, %mul3A_970 : i32
      %add3A_972 = vector.broadcast %add3A_971 : i32 to vector<16xi32>
      %add3A_973 = arith.addi %iota3A, %add3A_972 : vector<16xi32>
      %and3A_974 = arith.constant 1023 : i32
      %and3A_975 = vector.broadcast %and3A_974 : i32 to vector<16xi32>
      %and3A_976 = arith.andi %add3A_973, %and3A_975 : vector<16xi32>
      %add3A_977 = arith.constant 50000 : i32
      %add3A_978 = vector.broadcast %add3A_977 : i32 to vector<16xi32>
      %add3A_979 = arith.addi %add3A_978, %and3A_976 : vector<16xi32>
      %select_n3A_980 = arith.select %or3A_964, %add3A_979, %sub3A_957 : vector<16xi1>, vector<16xi32>
      %swap3A_981 = arith.constant 0 : i32
      %swap3A_982 = arith.index_cast %swap3A_981 : i32 to index
      %swap3A_983 = arith.constant 0 : index
      %swap3A_984 = tpu.vector_load %arg22[%swap3A_982, %swap3A_983] {strides = array<i32>} : memref<2x128xi32, #tpu.memory_space<vmem>>, vector<1x16xi32>,
      %swap3A_985 = vector.shape_cast %swap3A_984 : vector<1x16xi32> to vector<16xi32>
      %swap3A_986 = vector.shape_cast %select_n3A_980 : vector<16xi32> to vector<1x16xi32>
      tpu.vector_store %arg22[%swap3A_982, %swap3A_983], %swap3A_986 {strides = array<i32>} : memref<2x128xi32, #tpu.memory_space<vmem>>, vector<1x16xi32>,
      %get3A_987 = arith.constant 16 : index
      %get3A_988 = tpu.vector_load %arg20[%get3A_987] {strides = array<i32>} : memref<256xi32, #tpu.memory_space<vmem>>, vector<16xi32>,
      %get3A_989 = vector.shape_cast %get3A_988 : vector<16xi32> to vector<16xi32>
      %sub3A_990 = vector.broadcast %mul3A_0 : i32 to vector<16xi32>
      %sub3A_991 = arith.subi %get3A_989, %sub3A_990 : vector<16xi32>
      %lt3A_992 = arith.constant 0 : i32
      %lt3A_993 = vector.broadcast %lt3A_992 : i32 to vector<16xi32>
      %lt3A_994 = arith.cmpi slt, %sub3A_991, %lt3A_993 : vector<16xi32>
      %ge3A_995 = arith.constant 50000 : i32
      %ge3A_996 = vector.broadcast %ge3A_995 : i32 to vector<16xi32>
      %ge3A_997 = arith.cmpi sge, %sub3A_991, %ge3A_996 : vector<16xi32>
      %or3A_998 = arith.ori %lt3A_994, %ge3A_997 : vector<16xi1>
      %mul3A_999 = arith.constant 67 : i32
      %mul3A_1000 = arith.muli %arg1, %mul3A_999 : i32
      %add3A_1001 = arith.constant 16 : i32
      %add3A_1002 = arith.addi %add3A_1001, %mul3A_1000 : i32
      %mul3A_1003 = arith.constant 131 : i32
      %mul3A_1004 = arith.muli %add3A_784, %mul3A_1003 : i32
      %add3A_1005 = arith.addi %add3A_1002, %mul3A_1004 : i32
      %add3A_1006 = vector.broadcast %add3A_1005 : i32 to vector<16xi32>
      %add3A_1007 = arith.addi %iota3A, %add3A_1006 : vector<16xi32>
      %and3A_1008 = arith.constant 1023 : i32
      %and3A_1009 = vector.broadcast %and3A_1008 : i32 to vector<16xi32>
      %and3A_1010 = arith.andi %add3A_1007, %and3A_1009 : vector<16xi32>
      %add3A_1011 = arith.constant 50000 : i32
      %add3A_1012 = vector.broadcast %add3A_1011 : i32 to vector<16xi32>
      %add3A_1013 = arith.addi %add3A_1012, %and3A_1010 : vector<16xi32>
      %select_n3A_1014 = arith.select %or3A_998, %add3A_1013, %sub3A_991 : vector<16xi1>, vector<16xi32>
      %swap3A_1015 = arith.constant 0 : i32
      %swap3A_1016 = arith.index_cast %swap3A_1015 : i32 to index
      %swap3A_1017 = arith.constant 16 : index
      %swap3A_1018 = tpu.vector_load %arg22[%swap3A_1016, %swap3A_1017] {strides = array<i32>} : memref<2x128xi32, #tpu.memory_space<vmem>>, vector<1x16xi32>,
      %swap3A_1019 = vector.shape_cast %swap3A_1018 : vector<1x16xi32> to vector<16xi32>
      %swap3A_1020 = vector.shape_cast %select_n3A_1014 : vector<16xi32> to vector<1x16xi32>
      tpu.vector_store %arg22[%swap3A_1016, %swap3A_1017], %swap3A_1020 {strides = array<i32>} : memref<2x128xi32, #tpu.memory_space<vmem>>, vector<1x16xi32>,
      %get3A_1021 = arith.constant 32 : index
      %get3A_1022 = tpu.vector_load %arg20[%get3A_1021] {strides = array<i32>} : memref<256xi32, #tpu.memory_space<vmem>>, vector<16xi32>,
      %get3A_1023 = vector.shape_cast %get3A_1022 : vector<16xi32> to vector<16xi32>
      %sub3A_1024 = vector.broadcast %mul3A_0 : i32 to vector<16xi32>
      %sub3A_1025 = arith.subi %get3A_1023, %sub3A_1024 : vector<16xi32>
      %lt3A_1026 = arith.constant 0 : i32
      %lt3A_1027 = vector.broadcast %lt3A_1026 : i32 to vector<16xi32>
      %lt3A_1028 = arith.cmpi slt, %sub3A_1025, %lt3A_1027 : vector<16xi32>
      %ge3A_1029 = arith.constant 50000 : i32
      %ge3A_1030 = vector.broadcast %ge3A_1029 : i32 to vector<16xi32>
      %ge3A_1031 = arith.cmpi sge, %sub3A_1025, %ge3A_1030 : vector<16xi32>
      %or3A_1032 = arith.ori %lt3A_1028, %ge3A_1031 : vector<16xi1>
      %mul3A_1033 = arith.constant 67 : i32
      %mul3A_1034 = arith.muli %arg1, %mul3A_1033 : i32
      %add3A_1035 = arith.constant 32 : i32
      %add3A_1036 = arith.addi %add3A_1035, %mul3A_1034 : i32
      %mul3A_1037 = arith.constant 131 : i32
      %mul3A_1038 = arith.muli %add3A_784, %mul3A_1037 : i32
      %add3A_1039 = arith.addi %add3A_1036, %mul3A_1038 : i32
      %add3A_1040 = vector.broadcast %add3A_1039 : i32 to vector<16xi32>
      %add3A_1041 = arith.addi %iota3A, %add3A_1040 : vector<16xi32>
      %and3A_1042 = arith.constant 1023 : i32
      %and3A_1043 = vector.broadcast %and3A_1042 : i32 to vector<16xi32>
      %and3A_1044 = arith.andi %add3A_1041, %and3A_1043 : vector<16xi32>
      %add3A_1045 = arith.constant 50000 : i32
      %add3A_1046 = vector.broadcast %add3A_1045 : i32 to vector<16xi32>
      %add3A_1047 = arith.addi %add3A_1046, %and3A_1044 : vector<16xi32>
      %select_n3A_1048 = arith.select %or3A_1032, %add3A_1047, %sub3A_1025 : vector<16xi1>, vector<16xi32>
      %swap3A_1049 = arith.constant 0 : i32
      %swap3A_1050 = arith.index_cast %swap3A_1049 : i32 to index
      %swap3A_1051 = arith.constant 32 : index
      %swap3A_1052 = tpu.vector_load %arg22[%swap3A_1050, %swap3A_1051] {strides = array<i32>} : memref<2x128xi32, #tpu.memory_space<vmem>>, vector<1x16xi32>,
      %swap3A_1053 = vector.shape_cast %swap3A_1052 : vector<1x16xi32> to vector<16xi32>
      %swap3A_1054 = vector.shape_cast %select_n3A_1048 : vector<16xi32> to vector<1x16xi32>
      tpu.vector_store %arg22[%swap3A_1050, %swap3A_1051], %swap3A_1054 {strides = array<i32>} : memref<2x128xi32, #tpu.memory_space<vmem>>, vector<1x16xi32>,
      %get3A_1055 = arith.constant 48 : index
      %get3A_1056 = tpu.vector_load %arg20[%get3A_1055] {strides = array<i32>} : memref<256xi32, #tpu.memory_space<vmem>>, vector<16xi32>,
      %get3A_1057 = vector.shape_cast %get3A_1056 : vector<16xi32> to vector<16xi32>
      %sub3A_1058 = vector.broadcast %mul3A_0 : i32 to vector<16xi32>
      %sub3A_1059 = arith.subi %get3A_1057, %sub3A_1058 : vector<16xi32>
      %lt3A_1060 = arith.constant 0 : i32
      %lt3A_1061 = vector.broadcast %lt3A_1060 : i32 to vector<16xi32>
      %lt3A_1062 = arith.cmpi slt, %sub3A_1059, %lt3A_1061 : vector<16xi32>
      %ge3A_1063 = arith.constant 50000 : i32
      %ge3A_1064 = vector.broadcast %ge3A_1063 : i32 to vector<16xi32>
      %ge3A_1065 = arith.cmpi sge, %sub3A_1059, %ge3A_1064 : vector<16xi32>
      %or3A_1066 = arith.ori %lt3A_1062, %ge3A_1065 : vector<16xi1>
      %mul3A_1067 = arith.constant 67 : i32
      %mul3A_1068 = arith.muli %arg1, %mul3A_1067 : i32
      %add3A_1069 = arith.constant 48 : i32
      %add3A_1070 = arith.addi %add3A_1069, %mul3A_1068 : i32
      %mul3A_1071 = arith.constant 131 : i32
      %mul3A_1072 = arith.muli %add3A_784, %mul3A_1071 : i32
      %add3A_1073 = arith.addi %add3A_1070, %mul3A_1072 : i32
      %add3A_1074 = vector.broadcast %add3A_1073 : i32 to vector<16xi32>
      %add3A_1075 = arith.addi %iota3A, %add3A_1074 : vector<16xi32>
      %and3A_1076 = arith.constant 1023 : i32
      %and3A_1077 = vector.broadcast %and3A_1076 : i32 to vector<16xi32>
      %and3A_1078 = arith.andi %add3A_1075, %and3A_1077 : vector<16xi32>
      %add3A_1079 = arith.constant 50000 : i32
      %add3A_1080 = vector.broadcast %add3A_1079 : i32 to vector<16xi32>
      %add3A_1081 = arith.addi %add3A_1080, %and3A_1078 : vector<16xi32>
      %select_n3A_1082 = arith.select %or3A_1066, %add3A_1081, %sub3A_1059 : vector<16xi1>, vector<16xi32>
      %swap3A_1083 = arith.constant 0 : i32
      %swap3A_1084 = arith.index_cast %swap3A_1083 : i32 to index
      %swap3A_1085 = arith.constant 48 : index
      %swap3A_1086 = tpu.vector_load %arg22[%swap3A_1084, %swap3A_1085] {strides = array<i32>} : memref<2x128xi32, #tpu.memory_space<vmem>>, vector<1x16xi32>,
      %swap3A_1087 = vector.shape_cast %swap3A_1086 : vector<1x16xi32> to vector<16xi32>
      %swap3A_1088 = vector.shape_cast %select_n3A_1082 : vector<16xi32> to vector<1x16xi32>
      tpu.vector_store %arg22[%swap3A_1084, %swap3A_1085], %swap3A_1088 {strides = array<i32>} : memref<2x128xi32, #tpu.memory_space<vmem>>, vector<1x16xi32>,
      %get3A_1089 = arith.constant 64 : index
      %get3A_1090 = tpu.vector_load %arg20[%get3A_1089] {strides = array<i32>} : memref<256xi32, #tpu.memory_space<vmem>>, vector<16xi32>,
      %get3A_1091 = vector.shape_cast %get3A_1090 : vector<16xi32> to vector<16xi32>
      %sub3A_1092 = vector.broadcast %mul3A_0 : i32 to vector<16xi32>
      %sub3A_1093 = arith.subi %get3A_1091, %sub3A_1092 : vector<16xi32>
      %lt3A_1094 = arith.constant 0 : i32
      %lt3A_1095 = vector.broadcast %lt3A_1094 : i32 to vector<16xi32>
      %lt3A_1096 = arith.cmpi slt, %sub3A_1093, %lt3A_1095 : vector<16xi32>
      %ge3A_1097 = arith.constant 50000 : i32
      %ge3A_1098 = vector.broadcast %ge3A_1097 : i32 to vector<16xi32>
      %ge3A_1099 = arith.cmpi sge, %sub3A_1093, %ge3A_1098 : vector<16xi32>
      %or3A_1100 = arith.ori %lt3A_1096, %ge3A_1099 : vector<16xi1>
      %mul3A_1101 = arith.constant 67 : i32
      %mul3A_1102 = arith.muli %arg1, %mul3A_1101 : i32
      %add3A_1103 = arith.constant 64 : i32
      %add3A_1104 = arith.addi %add3A_1103, %mul3A_1102 : i32
      %mul3A_1105 = arith.constant 131 : i32
      %mul3A_1106 = arith.muli %add3A_784, %mul3A_1105 : i32
      %add3A_1107 = arith.addi %add3A_1104, %mul3A_1106 : i32
      %add3A_1108 = vector.broadcast %add3A_1107 : i32 to vector<16xi32>
      %add3A_1109 = arith.addi %iota3A, %add3A_1108 : vector<16xi32>
      %and3A_1110 = arith.constant 1023 : i32
      %and3A_1111 = vector.broadcast %and3A_1110 : i32 to vector<16xi32>
      %and3A_1112 = arith.andi %add3A_1109, %and3A_1111 : vector<16xi32>
      %add3A_1113 = arith.constant 50000 : i32
      %add3A_1114 = vector.broadcast %add3A_1113 : i32 to vector<16xi32>
      %add3A_1115 = arith.addi %add3A_1114, %and3A_1112 : vector<16xi32>
      %select_n3A_1116 = arith.select %or3A_1100, %add3A_1115, %sub3A_1093 : vector<16xi1>, vector<16xi32>
      %swap3A_1117 = arith.constant 0 : i32
      %swap3A_1118 = arith.index_cast %swap3A_1117 : i32 to index
      %swap3A_1119 = arith.constant 64 : index
      %swap3A_1120 = tpu.vector_load %arg22[%swap3A_1118, %swap3A_1119] {strides = array<i32>} : memref<2x128xi32, #tpu.memory_space<vmem>>, vector<1x16xi32>,
      %swap3A_1121 = vector.shape_cast %swap3A_1120 : vector<1x16xi32> to vector<16xi32>
      %swap3A_1122 = vector.shape_cast %select_n3A_1116 : vector<16xi32> to vector<1x16xi32>
      tpu.vector_store %arg22[%swap3A_1118, %swap3A_1119], %swap3A_1122 {strides = array<i32>} : memref<2x128xi32, #tpu.memory_space<vmem>>, vector<1x16xi32>,
      %get3A_1123 = arith.constant 80 : index
      %get3A_1124 = tpu.vector_load %arg20[%get3A_1123] {strides = array<i32>} : memref<256xi32, #tpu.memory_space<vmem>>, vector<16xi32>,
      %get3A_1125 = vector.shape_cast %get3A_1124 : vector<16xi32> to vector<16xi32>
      %sub3A_1126 = vector.broadcast %mul3A_0 : i32 to vector<16xi32>
      %sub3A_1127 = arith.subi %get3A_1125, %sub3A_1126 : vector<16xi32>
      %lt3A_1128 = arith.constant 0 : i32
      %lt3A_1129 = vector.broadcast %lt3A_1128 : i32 to vector<16xi32>
      %lt3A_1130 = arith.cmpi slt, %sub3A_1127, %lt3A_1129 : vector<16xi32>
      %ge3A_1131 = arith.constant 50000 : i32
      %ge3A_1132 = vector.broadcast %ge3A_1131 : i32 to vector<16xi32>
      %ge3A_1133 = arith.cmpi sge, %sub3A_1127, %ge3A_1132 : vector<16xi32>
      %or3A_1134 = arith.ori %lt3A_1130, %ge3A_1133 : vector<16xi1>
      %mul3A_1135 = arith.constant 67 : i32
      %mul3A_1136 = arith.muli %arg1, %mul3A_1135 : i32
      %add3A_1137 = arith.constant 80 : i32
      %add3A_1138 = arith.addi %add3A_1137, %mul3A_1136 : i32
      %mul3A_1139 = arith.constant 131 : i32
      %mul3A_1140 = arith.muli %add3A_784, %mul3A_1139 : i32
      %add3A_1141 = arith.addi %add3A_1138, %mul3A_1140 : i32
      %add3A_1142 = vector.broadcast %add3A_1141 : i32 to vector<16xi32>
      %add3A_1143 = arith.addi %iota3A, %add3A_1142 : vector<16xi32>
      %and3A_1144 = arith.constant 1023 : i32
      %and3A_1145 = vector.broadcast %and3A_1144 : i32 to vector<16xi32>
      %and3A_1146 = arith.andi %add3A_1143, %and3A_1145 : vector<16xi32>
      %add3A_1147 = arith.constant 50000 : i32
      %add3A_1148 = vector.broadcast %add3A_1147 : i32 to vector<16xi32>
      %add3A_1149 = arith.addi %add3A_1148, %and3A_1146 : vector<16xi32>
      %select_n3A_1150 = arith.select %or3A_1134, %add3A_1149, %sub3A_1127 : vector<16xi1>, vector<16xi32>
      %swap3A_1151 = arith.constant 0 : i32
      %swap3A_1152 = arith.index_cast %swap3A_1151 : i32 to index
      %swap3A_1153 = arith.constant 80 : index
      %swap3A_1154 = tpu.vector_load %arg22[%swap3A_1152, %swap3A_1153] {strides = array<i32>} : memref<2x128xi32, #tpu.memory_space<vmem>>, vector<1x16xi32>,
      %swap3A_1155 = vector.shape_cast %swap3A_1154 : vector<1x16xi32> to vector<16xi32>
      %swap3A_1156 = vector.shape_cast %select_n3A_1150 : vector<16xi32> to vector<1x16xi32>
      tpu.vector_store %arg22[%swap3A_1152, %swap3A_1153], %swap3A_1156 {strides = array<i32>} : memref<2x128xi32, #tpu.memory_space<vmem>>, vector<1x16xi32>,
      %get3A_1157 = arith.constant 96 : index
      %get3A_1158 = tpu.vector_load %arg20[%get3A_1157] {strides = array<i32>} : memref<256xi32, #tpu.memory_space<vmem>>, vector<16xi32>,
      %get3A_1159 = vector.shape_cast %get3A_1158 : vector<16xi32> to vector<16xi32>
      %sub3A_1160 = vector.broadcast %mul3A_0 : i32 to vector<16xi32>
      %sub3A_1161 = arith.subi %get3A_1159, %sub3A_1160 : vector<16xi32>
      %lt3A_1162 = arith.constant 0 : i32
      %lt3A_1163 = vector.broadcast %lt3A_1162 : i32 to vector<16xi32>
      %lt3A_1164 = arith.cmpi slt, %sub3A_1161, %lt3A_1163 : vector<16xi32>
      %ge3A_1165 = arith.constant 50000 : i32
      %ge3A_1166 = vector.broadcast %ge3A_1165 : i32 to vector<16xi32>
      %ge3A_1167 = arith.cmpi sge, %sub3A_1161, %ge3A_1166 : vector<16xi32>
      %or3A_1168 = arith.ori %lt3A_1164, %ge3A_1167 : vector<16xi1>
      %mul3A_1169 = arith.constant 67 : i32
      %mul3A_1170 = arith.muli %arg1, %mul3A_1169 : i32
      %add3A_1171 = arith.constant 96 : i32
      %add3A_1172 = arith.addi %add3A_1171, %mul3A_1170 : i32
      %mul3A_1173 = arith.constant 131 : i32
      %mul3A_1174 = arith.muli %add3A_784, %mul3A_1173 : i32
      %add3A_1175 = arith.addi %add3A_1172, %mul3A_1174 : i32
      %add3A_1176 = vector.broadcast %add3A_1175 : i32 to vector<16xi32>
      %add3A_1177 = arith.addi %iota3A, %add3A_1176 : vector<16xi32>
      %and3A_1178 = arith.constant 1023 : i32
      %and3A_1179 = vector.broadcast %and3A_1178 : i32 to vector<16xi32>
      %and3A_1180 = arith.andi %add3A_1177, %and3A_1179 : vector<16xi32>
      %add3A_1181 = arith.constant 50000 : i32
      %add3A_1182 = vector.broadcast %add3A_1181 : i32 to vector<16xi32>
      %add3A_1183 = arith.addi %add3A_1182, %and3A_1180 : vector<16xi32>
      %select_n3A_1184 = arith.select %or3A_1168, %add3A_1183, %sub3A_1161 : vector<16xi1>, vector<16xi32>
      %swap3A_1185 = arith.constant 0 : i32
      %swap3A_1186 = arith.index_cast %swap3A_1185 : i32 to index
      %swap3A_1187 = arith.constant 96 : index
      %swap3A_1188 = tpu.vector_load %arg22[%swap3A_1186, %swap3A_1187] {strides = array<i32>} : memref<2x128xi32, #tpu.memory_space<vmem>>, vector<1x16xi32>,
      %swap3A_1189 = vector.shape_cast %swap3A_1188 : vector<1x16xi32> to vector<16xi32>
      %swap3A_1190 = vector.shape_cast %select_n3A_1184 : vector<16xi32> to vector<1x16xi32>
      tpu.vector_store %arg22[%swap3A_1186, %swap3A_1187], %swap3A_1190 {strides = array<i32>} : memref<2x128xi32, #tpu.memory_space<vmem>>, vector<1x16xi32>,
      %get3A_1191 = arith.constant 112 : index
      %get3A_1192 = tpu.vector_load %arg20[%get3A_1191] {strides = array<i32>} : memref<256xi32, #tpu.memory_space<vmem>>, vector<16xi32>,
      %get3A_1193 = vector.shape_cast %get3A_1192 : vector<16xi32> to vector<16xi32>
      %sub3A_1194 = vector.broadcast %mul3A_0 : i32 to vector<16xi32>
      %sub3A_1195 = arith.subi %get3A_1193, %sub3A_1194 : vector<16xi32>
      %lt3A_1196 = arith.constant 0 : i32
      %lt3A_1197 = vector.broadcast %lt3A_1196 : i32 to vector<16xi32>
      %lt3A_1198 = arith.cmpi slt, %sub3A_1195, %lt3A_1197 : vector<16xi32>
      %ge3A_1199 = arith.constant 50000 : i32
      %ge3A_1200 = vector.broadcast %ge3A_1199 : i32 to vector<16xi32>
      %ge3A_1201 = arith.cmpi sge, %sub3A_1195, %ge3A_1200 : vector<16xi32>
      %or3A_1202 = arith.ori %lt3A_1198, %ge3A_1201 : vector<16xi1>
      %mul3A_1203 = arith.constant 67 : i32
      %mul3A_1204 = arith.muli %arg1, %mul3A_1203 : i32
      %add3A_1205 = arith.constant 112 : i32
      %add3A_1206 = arith.addi %add3A_1205, %mul3A_1204 : i32
      %mul3A_1207 = arith.constant 131 : i32
      %mul3A_1208 = arith.muli %add3A_784, %mul3A_1207 : i32
      %add3A_1209 = arith.addi %add3A_1206, %mul3A_1208 : i32
      %add3A_1210 = vector.broadcast %add3A_1209 : i32 to vector<16xi32>
      %add3A_1211 = arith.addi %iota3A, %add3A_1210 : vector<16xi32>
      %and3A_1212 = arith.constant 1023 : i32
      %and3A_1213 = vector.broadcast %and3A_1212 : i32 to vector<16xi32>
      %and3A_1214 = arith.andi %add3A_1211, %and3A_1213 : vector<16xi32>
      %add3A_1215 = arith.constant 50000 : i32
      %add3A_1216 = vector.broadcast %add3A_1215 : i32 to vector<16xi32>
      %add3A_1217 = arith.addi %add3A_1216, %and3A_1214 : vector<16xi32>
      %select_n3A_1218 = arith.select %or3A_1202, %add3A_1217, %sub3A_1195 : vector<16xi1>, vector<16xi32>
      %swap3A_1219 = arith.constant 0 : i32
      %swap3A_1220 = arith.index_cast %swap3A_1219 : i32 to index
      %swap3A_1221 = arith.constant 112 : index
      %swap3A_1222 = tpu.vector_load %arg22[%swap3A_1220, %swap3A_1221] {strides = array<i32>} : memref<2x128xi32, #tpu.memory_space<vmem>>, vector<1x16xi32>,
      %swap3A_1223 = vector.shape_cast %swap3A_1222 : vector<1x16xi32> to vector<16xi32>
      %swap3A_1224 = vector.shape_cast %select_n3A_1218 : vector<16xi32> to vector<1x16xi32>
      tpu.vector_store %arg22[%swap3A_1220, %swap3A_1221], %swap3A_1224 {strides = array<i32>} : memref<2x128xi32, #tpu.memory_space<vmem>>, vector<1x16xi32>,
      %get3A_1225 = arith.constant 128 : index
      %get3A_1226 = tpu.vector_load %arg20[%get3A_1225] {strides = array<i32>} : memref<256xi32, #tpu.memory_space<vmem>>, vector<16xi32>,
      %get3A_1227 = vector.shape_cast %get3A_1226 : vector<16xi32> to vector<16xi32>
      %sub3A_1228 = vector.broadcast %mul3A_0 : i32 to vector<16xi32>
      %sub3A_1229 = arith.subi %get3A_1227, %sub3A_1228 : vector<16xi32>
      %lt3A_1230 = arith.constant 0 : i32
      %lt3A_1231 = vector.broadcast %lt3A_1230 : i32 to vector<16xi32>
      %lt3A_1232 = arith.cmpi slt, %sub3A_1229, %lt3A_1231 : vector<16xi32>
      %ge3A_1233 = arith.constant 50000 : i32
      %ge3A_1234 = vector.broadcast %ge3A_1233 : i32 to vector<16xi32>
      %ge3A_1235 = arith.cmpi sge, %sub3A_1229, %ge3A_1234 : vector<16xi32>
      %or3A_1236 = arith.ori %lt3A_1232, %ge3A_1235 : vector<16xi1>
      %mul3A_1237 = arith.constant 67 : i32
      %mul3A_1238 = arith.muli %arg1, %mul3A_1237 : i32
      %add3A_1239 = arith.constant 128 : i32
      %add3A_1240 = arith.addi %add3A_1239, %mul3A_1238 : i32
      %mul3A_1241 = arith.constant 131 : i32
      %mul3A_1242 = arith.muli %add3A_784, %mul3A_1241 : i32
      %add3A_1243 = arith.addi %add3A_1240, %mul3A_1242 : i32
      %add3A_1244 = vector.broadcast %add3A_1243 : i32 to vector<16xi32>
      %add3A_1245 = arith.addi %iota3A, %add3A_1244 : vector<16xi32>
      %and3A_1246 = arith.constant 1023 : i32
      %and3A_1247 = vector.broadcast %and3A_1246 : i32 to vector<16xi32>
      %and3A_1248 = arith.andi %add3A_1245, %and3A_1247 : vector<16xi32>
      %add3A_1249 = arith.constant 50000 : i32
      %add3A_1250 = vector.broadcast %add3A_1249 : i32 to vector<16xi32>
      %add3A_1251 = arith.addi %add3A_1250, %and3A_1248 : vector<16xi32>
      %select_n3A_1252 = arith.select %or3A_1236, %add3A_1251, %sub3A_1229 : vector<16xi1>, vector<16xi32>
      %swap3A_1253 = arith.constant 1 : i32
      %swap3A_1254 = arith.index_cast %swap3A_1253 : i32 to index
      %swap3A_1255 = arith.constant 0 : index
      %swap3A_1256 = tpu.vector_load %arg22[%swap3A_1254, %swap3A_1255] {strides = array<i32>} : memref<2x128xi32, #tpu.memory_space<vmem>>, vector<1x16xi32>,
      %swap3A_1257 = vector.shape_cast %swap3A_1256 : vector<1x16xi32> to vector<16xi32>
      %swap3A_1258 = vector.shape_cast %select_n3A_1252 : vector<16xi32> to vector<1x16xi32>
      tpu.vector_store %arg22[%swap3A_1254, %swap3A_1255], %swap3A_1258 {strides = array<i32>} : memref<2x128xi32, #tpu.memory_space<vmem>>, vector<1x16xi32>,
      %get3A_1259 = arith.constant 144 : index
      %get3A_1260 = tpu.vector_load %arg20[%get3A_1259] {strides = array<i32>} : memref<256xi32, #tpu.memory_space<vmem>>, vector<16xi32>,
      %get3A_1261 = vector.shape_cast %get3A_1260 : vector<16xi32> to vector<16xi32>
      %sub3A_1262 = vector.broadcast %mul3A_0 : i32 to vector<16xi32>
      %sub3A_1263 = arith.subi %get3A_1261, %sub3A_1262 : vector<16xi32>
      %lt3A_1264 = arith.constant 0 : i32
      %lt3A_1265 = vector.broadcast %lt3A_1264 : i32 to vector<16xi32>
      %lt3A_1266 = arith.cmpi slt, %sub3A_1263, %lt3A_1265 : vector<16xi32>
      %ge3A_1267 = arith.constant 50000 : i32
      %ge3A_1268 = vector.broadcast %ge3A_1267 : i32 to vector<16xi32>
      %ge3A_1269 = arith.cmpi sge, %sub3A_1263, %ge3A_1268 : vector<16xi32>
      %or3A_1270 = arith.ori %lt3A_1266, %ge3A_1269 : vector<16xi1>
      %mul3A_1271 = arith.constant 67 : i32
      %mul3A_1272 = arith.muli %arg1, %mul3A_1271 : i32
      %add3A_1273 = arith.constant 144 : i32
      %add3A_1274 = arith.addi %add3A_1273, %mul3A_1272 : i32
      %mul3A_1275 = arith.constant 131 : i32
      %mul3A_1276 = arith.muli %add3A_784, %mul3A_1275 : i32
      %add3A_1277 = arith.addi %add3A_1274, %mul3A_1276 : i32
      %add3A_1278 = vector.broadcast %add3A_1277 : i32 to vector<16xi32>
      %add3A_1279 = arith.addi %iota3A, %add3A_1278 : vector<16xi32>
      %and3A_1280 = arith.constant 1023 : i32
      %and3A_1281 = vector.broadcast %and3A_1280 : i32 to vector<16xi32>
      %and3A_1282 = arith.andi %add3A_1279, %and3A_1281 : vector<16xi32>
      %add3A_1283 = arith.constant 50000 : i32
      %add3A_1284 = vector.broadcast %add3A_1283 : i32 to vector<16xi32>
      %add3A_1285 = arith.addi %add3A_1284, %and3A_1282 : vector<16xi32>
      %select_n3A_1286 = arith.select %or3A_1270, %add3A_1285, %sub3A_1263 : vector<16xi1>, vector<16xi32>
      %swap3A_1287 = arith.constant 1 : i32
      %swap3A_1288 = arith.index_cast %swap3A_1287 : i32 to index
      %swap3A_1289 = arith.constant 16 : index
      %swap3A_1290 = tpu.vector_load %arg22[%swap3A_1288, %swap3A_1289] {strides = array<i32>} : memref<2x128xi32, #tpu.memory_space<vmem>>, vector<1x16xi32>,
      %swap3A_1291 = vector.shape_cast %swap3A_1290 : vector<1x16xi32> to vector<16xi32>
      %swap3A_1292 = vector.shape_cast %select_n3A_1286 : vector<16xi32> to vector<1x16xi32>
      tpu.vector_store %arg22[%swap3A_1288, %swap3A_1289], %swap3A_1292 {strides = array<i32>} : memref<2x128xi32, #tpu.memory_space<vmem>>, vector<1x16xi32>,
      %get3A_1293 = arith.constant 160 : index
      %get3A_1294 = tpu.vector_load %arg20[%get3A_1293] {strides = array<i32>} : memref<256xi32, #tpu.memory_space<vmem>>, vector<16xi32>,
      %get3A_1295 = vector.shape_cast %get3A_1294 : vector<16xi32> to vector<16xi32>
      %sub3A_1296 = vector.broadcast %mul3A_0 : i32 to vector<16xi32>
      %sub3A_1297 = arith.subi %get3A_1295, %sub3A_1296 : vector<16xi32>
      %lt3A_1298 = arith.constant 0 : i32
      %lt3A_1299 = vector.broadcast %lt3A_1298 : i32 to vector<16xi32>
      %lt3A_1300 = arith.cmpi slt, %sub3A_1297, %lt3A_1299 : vector<16xi32>
      %ge3A_1301 = arith.constant 50000 : i32
      %ge3A_1302 = vector.broadcast %ge3A_1301 : i32 to vector<16xi32>
      %ge3A_1303 = arith.cmpi sge, %sub3A_1297, %ge3A_1302 : vector<16xi32>
      %or3A_1304 = arith.ori %lt3A_1300, %ge3A_1303 : vector<16xi1>
      %mul3A_1305 = arith.constant 67 : i32
      %mul3A_1306 = arith.muli %arg1, %mul3A_1305 : i32
      %add3A_1307 = arith.constant 160 : i32
      %add3A_1308 = arith.addi %add3A_1307, %mul3A_1306 : i32
      %mul3A_1309 = arith.constant 131 : i32
      %mul3A_1310 = arith.muli %add3A_784, %mul3A_1309 : i32
      %add3A_1311 = arith.addi %add3A_1308, %mul3A_1310 : i32
      %add3A_1312 = vector.broadcast %add3A_1311 : i32 to vector<16xi32>
      %add3A_1313 = arith.addi %iota3A, %add3A_1312 : vector<16xi32>
      %and3A_1314 = arith.constant 1023 : i32
      %and3A_1315 = vector.broadcast %and3A_1314 : i32 to vector<16xi32>
      %and3A_1316 = arith.andi %add3A_1313, %and3A_1315 : vector<16xi32>
      %add3A_1317 = arith.constant 50000 : i32
      %add3A_1318 = vector.broadcast %add3A_1317 : i32 to vector<16xi32>
      %add3A_1319 = arith.addi %add3A_1318, %and3A_1316 : vector<16xi32>
      %select_n3A_1320 = arith.select %or3A_1304, %add3A_1319, %sub3A_1297 : vector<16xi1>, vector<16xi32>
      %swap3A_1321 = arith.constant 1 : i32
      %swap3A_1322 = arith.index_cast %swap3A_1321 : i32 to index
      %swap3A_1323 = arith.constant 32 : index
      %swap3A_1324 = tpu.vector_load %arg22[%swap3A_1322, %swap3A_1323] {strides = array<i32>} : memref<2x128xi32, #tpu.memory_space<vmem>>, vector<1x16xi32>,
      %swap3A_1325 = vector.shape_cast %swap3A_1324 : vector<1x16xi32> to vector<16xi32>
      %swap3A_1326 = vector.shape_cast %select_n3A_1320 : vector<16xi32> to vector<1x16xi32>
      tpu.vector_store %arg22[%swap3A_1322, %swap3A_1323], %swap3A_1326 {strides = array<i32>} : memref<2x128xi32, #tpu.memory_space<vmem>>, vector<1x16xi32>,
      %get3A_1327 = arith.constant 176 : index
      %get3A_1328 = tpu.vector_load %arg20[%get3A_1327] {strides = array<i32>} : memref<256xi32, #tpu.memory_space<vmem>>, vector<16xi32>,
      %get3A_1329 = vector.shape_cast %get3A_1328 : vector<16xi32> to vector<16xi32>
      %sub3A_1330 = vector.broadcast %mul3A_0 : i32 to vector<16xi32>
      %sub3A_1331 = arith.subi %get3A_1329, %sub3A_1330 : vector<16xi32>
      %lt3A_1332 = arith.constant 0 : i32
      %lt3A_1333 = vector.broadcast %lt3A_1332 : i32 to vector<16xi32>
      %lt3A_1334 = arith.cmpi slt, %sub3A_1331, %lt3A_1333 : vector<16xi32>
      %ge3A_1335 = arith.constant 50000 : i32
      %ge3A_1336 = vector.broadcast %ge3A_1335 : i32 to vector<16xi32>
      %ge3A_1337 = arith.cmpi sge, %sub3A_1331, %ge3A_1336 : vector<16xi32>
      %or3A_1338 = arith.ori %lt3A_1334, %ge3A_1337 : vector<16xi1>
      %mul3A_1339 = arith.constant 67 : i32
      %mul3A_1340 = arith.muli %arg1, %mul3A_1339 : i32
      %add3A_1341 = arith.constant 176 : i32
      %add3A_1342 = arith.addi %add3A_1341, %mul3A_1340 : i32
      %mul3A_1343 = arith.constant 131 : i32
      %mul3A_1344 = arith.muli %add3A_784, %mul3A_1343 : i32
      %add3A_1345 = arith.addi %add3A_1342, %mul3A_1344 : i32
      %add3A_1346 = vector.broadcast %add3A_1345 : i32 to vector<16xi32>
      %add3A_1347 = arith.addi %iota3A, %add3A_1346 : vector<16xi32>
      %and3A_1348 = arith.constant 1023 : i32
      %and3A_1349 = vector.broadcast %and3A_1348 : i32 to vector<16xi32>
      %and3A_1350 = arith.andi %add3A_1347, %and3A_1349 : vector<16xi32>
      %add3A_1351 = arith.constant 50000 : i32
      %add3A_1352 = vector.broadcast %add3A_1351 : i32 to vector<16xi32>
      %add3A_1353 = arith.addi %add3A_1352, %and3A_1350 : vector<16xi32>
      %select_n3A_1354 = arith.select %or3A_1338, %add3A_1353, %sub3A_1331 : vector<16xi1>, vector<16xi32>
      %swap3A_1355 = arith.constant 1 : i32
      %swap3A_1356 = arith.index_cast %swap3A_1355 : i32 to index
      %swap3A_1357 = arith.constant 48 : index
      %swap3A_1358 = tpu.vector_load %arg22[%swap3A_1356, %swap3A_1357] {strides = array<i32>} : memref<2x128xi32, #tpu.memory_space<vmem>>, vector<1x16xi32>,
      %swap3A_1359 = vector.shape_cast %swap3A_1358 : vector<1x16xi32> to vector<16xi32>
      %swap3A_1360 = vector.shape_cast %select_n3A_1354 : vector<16xi32> to vector<1x16xi32>
      tpu.vector_store %arg22[%swap3A_1356, %swap3A_1357], %swap3A_1360 {strides = array<i32>} : memref<2x128xi32, #tpu.memory_space<vmem>>, vector<1x16xi32>,
      %get3A_1361 = arith.constant 192 : index
      %get3A_1362 = tpu.vector_load %arg20[%get3A_1361] {strides = array<i32>} : memref<256xi32, #tpu.memory_space<vmem>>, vector<16xi32>,
      %get3A_1363 = vector.shape_cast %get3A_1362 : vector<16xi32> to vector<16xi32>
      %sub3A_1364 = vector.broadcast %mul3A_0 : i32 to vector<16xi32>
      %sub3A_1365 = arith.subi %get3A_1363, %sub3A_1364 : vector<16xi32>
      %lt3A_1366 = arith.constant 0 : i32
      %lt3A_1367 = vector.broadcast %lt3A_1366 : i32 to vector<16xi32>
      %lt3A_1368 = arith.cmpi slt, %sub3A_1365, %lt3A_1367 : vector<16xi32>
      %ge3A_1369 = arith.constant 50000 : i32
      %ge3A_1370 = vector.broadcast %ge3A_1369 : i32 to vector<16xi32>
      %ge3A_1371 = arith.cmpi sge, %sub3A_1365, %ge3A_1370 : vector<16xi32>
      %or3A_1372 = arith.ori %lt3A_1368, %ge3A_1371 : vector<16xi1>
      %mul3A_1373 = arith.constant 67 : i32
      %mul3A_1374 = arith.muli %arg1, %mul3A_1373 : i32
      %add3A_1375 = arith.constant 192 : i32
      %add3A_1376 = arith.addi %add3A_1375, %mul3A_1374 : i32
      %mul3A_1377 = arith.constant 131 : i32
      %mul3A_1378 = arith.muli %add3A_784, %mul3A_1377 : i32
      %add3A_1379 = arith.addi %add3A_1376, %mul3A_1378 : i32
      %add3A_1380 = vector.broadcast %add3A_1379 : i32 to vector<16xi32>
      %add3A_1381 = arith.addi %iota3A, %add3A_1380 : vector<16xi32>
      %and3A_1382 = arith.constant 1023 : i32
      %and3A_1383 = vector.broadcast %and3A_1382 : i32 to vector<16xi32>
      %and3A_1384 = arith.andi %add3A_1381, %and3A_1383 : vector<16xi32>
      %add3A_1385 = arith.constant 50000 : i32
      %add3A_1386 = vector.broadcast %add3A_1385 : i32 to vector<16xi32>
      %add3A_1387 = arith.addi %add3A_1386, %and3A_1384 : vector<16xi32>
      %select_n3A_1388 = arith.select %or3A_1372, %add3A_1387, %sub3A_1365 : vector<16xi1>, vector<16xi32>
      %swap3A_1389 = arith.constant 1 : i32
      %swap3A_1390 = arith.index_cast %swap3A_1389 : i32 to index
      %swap3A_1391 = arith.constant 64 : index
      %swap3A_1392 = tpu.vector_load %arg22[%swap3A_1390, %swap3A_1391] {strides = array<i32>} : memref<2x128xi32, #tpu.memory_space<vmem>>, vector<1x16xi32>,
      %swap3A_1393 = vector.shape_cast %swap3A_1392 : vector<1x16xi32> to vector<16xi32>
      %swap3A_1394 = vector.shape_cast %select_n3A_1388 : vector<16xi32> to vector<1x16xi32>
      tpu.vector_store %arg22[%swap3A_1390, %swap3A_1391], %swap3A_1394 {strides = array<i32>} : memref<2x128xi32, #tpu.memory_space<vmem>>, vector<1x16xi32>,
      %get3A_1395 = arith.constant 208 : index
      %get3A_1396 = tpu.vector_load %arg20[%get3A_1395] {strides = array<i32>} : memref<256xi32, #tpu.memory_space<vmem>>, vector<16xi32>,
      %get3A_1397 = vector.shape_cast %get3A_1396 : vector<16xi32> to vector<16xi32>
      %sub3A_1398 = vector.broadcast %mul3A_0 : i32 to vector<16xi32>
      %sub3A_1399 = arith.subi %get3A_1397, %sub3A_1398 : vector<16xi32>
      %lt3A_1400 = arith.constant 0 : i32
      %lt3A_1401 = vector.broadcast %lt3A_1400 : i32 to vector<16xi32>
      %lt3A_1402 = arith.cmpi slt, %sub3A_1399, %lt3A_1401 : vector<16xi32>
      %ge3A_1403 = arith.constant 50000 : i32
      %ge3A_1404 = vector.broadcast %ge3A_1403 : i32 to vector<16xi32>
      %ge3A_1405 = arith.cmpi sge, %sub3A_1399, %ge3A_1404 : vector<16xi32>
      %or3A_1406 = arith.ori %lt3A_1402, %ge3A_1405 : vector<16xi1>
      %mul3A_1407 = arith.constant 67 : i32
      %mul3A_1408 = arith.muli %arg1, %mul3A_1407 : i32
      %add3A_1409 = arith.constant 208 : i32
      %add3A_1410 = arith.addi %add3A_1409, %mul3A_1408 : i32
      %mul3A_1411 = arith.constant 131 : i32
      %mul3A_1412 = arith.muli %add3A_784, %mul3A_1411 : i32
      %add3A_1413 = arith.addi %add3A_1410, %mul3A_1412 : i32
      %add3A_1414 = vector.broadcast %add3A_1413 : i32 to vector<16xi32>
      %add3A_1415 = arith.addi %iota3A, %add3A_1414 : vector<16xi32>
      %and3A_1416 = arith.constant 1023 : i32
      %and3A_1417 = vector.broadcast %and3A_1416 : i32 to vector<16xi32>
      %and3A_1418 = arith.andi %add3A_1415, %and3A_1417 : vector<16xi32>
      %add3A_1419 = arith.constant 50000 : i32
      %add3A_1420 = vector.broadcast %add3A_1419 : i32 to vector<16xi32>
      %add3A_1421 = arith.addi %add3A_1420, %and3A_1418 : vector<16xi32>
      %select_n3A_1422 = arith.select %or3A_1406, %add3A_1421, %sub3A_1399 : vector<16xi1>, vector<16xi32>
      %swap3A_1423 = arith.constant 1 : i32
      %swap3A_1424 = arith.index_cast %swap3A_1423 : i32 to index
      %swap3A_1425 = arith.constant 80 : index
      %swap3A_1426 = tpu.vector_load %arg22[%swap3A_1424, %swap3A_1425] {strides = array<i32>} : memref<2x128xi32, #tpu.memory_space<vmem>>, vector<1x16xi32>,
      %swap3A_1427 = vector.shape_cast %swap3A_1426 : vector<1x16xi32> to vector<16xi32>
      %swap3A_1428 = vector.shape_cast %select_n3A_1422 : vector<16xi32> to vector<1x16xi32>
      tpu.vector_store %arg22[%swap3A_1424, %swap3A_1425], %swap3A_1428 {strides = array<i32>} : memref<2x128xi32, #tpu.memory_space<vmem>>, vector<1x16xi32>,
      %get3A_1429 = arith.constant 224 : index
      %get3A_1430 = tpu.vector_load %arg20[%get3A_1429] {strides = array<i32>} : memref<256xi32, #tpu.memory_space<vmem>>, vector<16xi32>,
      %get3A_1431 = vector.shape_cast %get3A_1430 : vector<16xi32> to vector<16xi32>
      %sub3A_1432 = vector.broadcast %mul3A_0 : i32 to vector<16xi32>
      %sub3A_1433 = arith.subi %get3A_1431, %sub3A_1432 : vector<16xi32>
      %lt3A_1434 = arith.constant 0 : i32
      %lt3A_1435 = vector.broadcast %lt3A_1434 : i32 to vector<16xi32>
      %lt3A_1436 = arith.cmpi slt, %sub3A_1433, %lt3A_1435 : vector<16xi32>
      %ge3A_1437 = arith.constant 50000 : i32
      %ge3A_1438 = vector.broadcast %ge3A_1437 : i32 to vector<16xi32>
      %ge3A_1439 = arith.cmpi sge, %sub3A_1433, %ge3A_1438 : vector<16xi32>
      %or3A_1440 = arith.ori %lt3A_1436, %ge3A_1439 : vector<16xi1>
      %mul3A_1441 = arith.constant 67 : i32
      %mul3A_1442 = arith.muli %arg1, %mul3A_1441 : i32
      %add3A_1443 = arith.constant 224 : i32
      %add3A_1444 = arith.addi %add3A_1443, %mul3A_1442 : i32
      %mul3A_1445 = arith.constant 131 : i32
      %mul3A_1446 = arith.muli %add3A_784, %mul3A_1445 : i32
      %add3A_1447 = arith.addi %add3A_1444, %mul3A_1446 : i32
      %add3A_1448 = vector.broadcast %add3A_1447 : i32 to vector<16xi32>
      %add3A_1449 = arith.addi %iota3A, %add3A_1448 : vector<16xi32>
      %and3A_1450 = arith.constant 1023 : i32
      %and3A_1451 = vector.broadcast %and3A_1450 : i32 to vector<16xi32>
      %and3A_1452 = arith.andi %add3A_1449, %and3A_1451 : vector<16xi32>
      %add3A_1453 = arith.constant 50000 : i32
      %add3A_1454 = vector.broadcast %add3A_1453 : i32 to vector<16xi32>
      %add3A_1455 = arith.addi %add3A_1454, %and3A_1452 : vector<16xi32>
      %select_n3A_1456 = arith.select %or3A_1440, %add3A_1455, %sub3A_1433 : vector<16xi1>, vector<16xi32>
      %swap3A_1457 = arith.constant 1 : i32
      %swap3A_1458 = arith.index_cast %swap3A_1457 : i32 to index
      %swap3A_1459 = arith.constant 96 : index
      %swap3A_1460 = tpu.vector_load %arg22[%swap3A_1458, %swap3A_1459] {strides = array<i32>} : memref<2x128xi32, #tpu.memory_space<vmem>>, vector<1x16xi32>,
      %swap3A_1461 = vector.shape_cast %swap3A_1460 : vector<1x16xi32> to vector<16xi32>
      %swap3A_1462 = vector.shape_cast %select_n3A_1456 : vector<16xi32> to vector<1x16xi32>
      tpu.vector_store %arg22[%swap3A_1458, %swap3A_1459], %swap3A_1462 {strides = array<i32>} : memref<2x128xi32, #tpu.memory_space<vmem>>, vector<1x16xi32>,
      %get3A_1463 = arith.constant 240 : index
      %get3A_1464 = tpu.vector_load %arg20[%get3A_1463] {strides = array<i32>} : memref<256xi32, #tpu.memory_space<vmem>>, vector<16xi32>,
      %get3A_1465 = vector.shape_cast %get3A_1464 : vector<16xi32> to vector<16xi32>
      %sub3A_1466 = vector.broadcast %mul3A_0 : i32 to vector<16xi32>
      %sub3A_1467 = arith.subi %get3A_1465, %sub3A_1466 : vector<16xi32>
      %lt3A_1468 = arith.constant 0 : i32
      %lt3A_1469 = vector.broadcast %lt3A_1468 : i32 to vector<16xi32>
      %lt3A_1470 = arith.cmpi slt, %sub3A_1467, %lt3A_1469 : vector<16xi32>
      %ge3A_1471 = arith.constant 50000 : i32
      %ge3A_1472 = vector.broadcast %ge3A_1471 : i32 to vector<16xi32>
      %ge3A_1473 = arith.cmpi sge, %sub3A_1467, %ge3A_1472 : vector<16xi32>
      %or3A_1474 = arith.ori %lt3A_1470, %ge3A_1473 : vector<16xi1>
      %mul3A_1475 = arith.constant 67 : i32
      %mul3A_1476 = arith.muli %arg1, %mul3A_1475 : i32
      %add3A_1477 = arith.constant 240 : i32
      %add3A_1478 = arith.addi %add3A_1477, %mul3A_1476 : i32
      %mul3A_1479 = arith.constant 131 : i32
      %mul3A_1480 = arith.muli %add3A_784, %mul3A_1479 : i32
      %add3A_1481 = arith.addi %add3A_1478, %mul3A_1480 : i32
      %add3A_1482 = vector.broadcast %add3A_1481 : i32 to vector<16xi32>
      %add3A_1483 = arith.addi %iota3A, %add3A_1482 : vector<16xi32>
      %and3A_1484 = arith.constant 1023 : i32
      %and3A_1485 = vector.broadcast %and3A_1484 : i32 to vector<16xi32>
      %and3A_1486 = arith.andi %add3A_1483, %and3A_1485 : vector<16xi32>
      %add3A_1487 = arith.constant 50000 : i32
      %add3A_1488 = vector.broadcast %add3A_1487 : i32 to vector<16xi32>
      %add3A_1489 = arith.addi %add3A_1488, %and3A_1486 : vector<16xi32>
      %select_n3A_1490 = arith.select %or3A_1474, %add3A_1489, %sub3A_1467 : vector<16xi1>, vector<16xi32>
      %swap3A_1491 = arith.constant 1 : i32
      %swap3A_1492 = arith.index_cast %swap3A_1491 : i32 to index
      %swap3A_1493 = arith.constant 112 : index
      %swap3A_1494 = tpu.vector_load %arg22[%swap3A_1492, %swap3A_1493] {strides = array<i32>} : memref<2x128xi32, #tpu.memory_space<vmem>>, vector<1x16xi32>,
      %swap3A_1495 = vector.shape_cast %swap3A_1494 : vector<1x16xi32> to vector<16xi32>
      %swap3A_1496 = vector.shape_cast %select_n3A_1490 : vector<16xi32> to vector<1x16xi32>
      tpu.vector_store %arg22[%swap3A_1492, %swap3A_1493], %swap3A_1496 {strides = array<i32>} : memref<2x128xi32, #tpu.memory_space<vmem>>, vector<1x16xi32>,
      %dma_wait3A_1497 = arith.constant 0 : i32
      %dma_wait3A_1498 = arith.constant 0 : i32
      %dma_wait3A_1499 = arith.constant 0 : i32
      %dma_wait3A_1500 = tpu.memref_slice %arg15[%dma_wait3A_1498, %dma_wait3A_1499] : memref<256x32xf32, #tpu.memory_space<vmem>> -> memref<128x32xf32, #tpu.memory_space<vmem>>
      %dma_wait3A_1501 = arith.constant 0 : i32
      %dma_wait3A_1502 = tpu.memref_slice %arg13[%dma_wait3A_1497, %dma_wait3A_1501] : memref<2x128xi32, #tpu.memory_space<vmem>> -> memref<1x128xi32, #tpu.memory_space<vmem>>
      %dma_wait3A_1503 = tpu.memref_squeeze %dma_wait3A_1502 : memref<1x128xi32, #tpu.memory_space<vmem>> -> memref<128xi32, #tpu.memory_space<vmem>>
      %dma_wait3A_1504 = arith.constant 0 : i32
      %dma_wait3A_1505 = arith.constant 0 : i32
      %dma_wait3A_1506 = tpu.memref_slice %arg2[%dma_wait3A_1504, %dma_wait3A_1505] : memref<100000x32xf32, #tpu.memory_space<hbm>> -> memref<100000x32xf32, #tpu.memory_space<hbm>>
      tpu.wait_indirect_dma semaphore(%arg17 : memref<!tpu.dma_semaphore, #tpu.memory_space<semaphore_mem>>) src(%dma_wait3A_1506 : memref<100000x32xf32, #tpu.memory_space<hbm>>) dst(%dma_wait3A_1500 : memref<128x32xf32, #tpu.memory_space<vmem>>)
      %dma_wait3A_1507 = arith.constant 1 : i32
      %dma_wait3A_1508 = arith.constant 128 : i32
      %dma_wait3A_1509 = arith.constant 0 : i32
      %dma_wait3A_1510 = tpu.memref_slice %arg15[%dma_wait3A_1508, %dma_wait3A_1509] : memref<256x32xf32, #tpu.memory_space<vmem>> -> memref<128x32xf32, #tpu.memory_space<vmem>>
      %dma_wait3A_1511 = arith.constant 0 : i32
      %dma_wait3A_1512 = tpu.memref_slice %arg13[%dma_wait3A_1507, %dma_wait3A_1511] : memref<2x128xi32, #tpu.memory_space<vmem>> -> memref<1x128xi32, #tpu.memory_space<vmem>>
      %dma_wait3A_1513 = tpu.memref_squeeze %dma_wait3A_1512 : memref<1x128xi32, #tpu.memory_space<vmem>> -> memref<128xi32, #tpu.memory_space<vmem>>
      %dma_wait3A_1514 = arith.constant 0 : i32
      %dma_wait3A_1515 = arith.constant 0 : i32
      %dma_wait3A_1516 = tpu.memref_slice %arg2[%dma_wait3A_1514, %dma_wait3A_1515] : memref<100000x32xf32, #tpu.memory_space<hbm>> -> memref<100000x32xf32, #tpu.memory_space<hbm>>
      tpu.wait_indirect_dma semaphore(%arg17 : memref<!tpu.dma_semaphore, #tpu.memory_space<semaphore_mem>>) src(%dma_wait3A_1516 : memref<100000x32xf32, #tpu.memory_space<hbm>>) dst(%dma_wait3A_1510 : memref<128x32xf32, #tpu.memory_space<vmem>>)
      %dma_start3A_1517 = arith.constant 0 : i32
      %dma_start3A_1518 = arith.constant 0 : i32
      %dma_start3A_1519 = arith.constant 0 : i32
      %dma_start3A_1520 = tpu.memref_slice %arg15[%dma_start3A_1518, %dma_start3A_1519] : memref<256x32xf32, #tpu.memory_space<vmem>> -> memref<128x32xf32, #tpu.memory_space<vmem>>
      %dma_start3A_1521 = arith.constant 0 : i32
      %dma_start3A_1522 = tpu.memref_slice %arg14[%dma_start3A_1517, %dma_start3A_1521] : memref<2x128xi32, #tpu.memory_space<vmem>> -> memref<1x128xi32, #tpu.memory_space<vmem>>
      %dma_start3A_1523 = tpu.memref_squeeze %dma_start3A_1522 : memref<1x128xi32, #tpu.memory_space<vmem>> -> memref<128xi32, #tpu.memory_space<vmem>>
      %dma_start3A_1524 = arith.constant 0 : i32
      %dma_start3A_1525 = arith.constant 0 : i32
      %dma_start3A_1526 = tpu.memref_slice %arg9[%dma_start3A_1524, %dma_start3A_1525] : memref<51200x32xf32, #tpu.memory_space<vmem_shared>> -> memref<51200x32xf32, #tpu.memory_space<vmem_shared>>
      tpu.enqueue_indirect_dma source(%dma_start3A_1520 : memref<128x32xf32, #tpu.memory_space<vmem>>) target(%dma_start3A_1526 : memref<51200x32xf32, #tpu.memory_space<vmem_shared>>) offsets(%dma_start3A_1523 : memref<128xi32, #tpu.memory_space<vmem>>) semaphore(%arg18 : memref<!tpu.dma_semaphore, #tpu.memory_space<semaphore_mem>>) {add = true}
      %dma_start3A_1527 = arith.constant 1 : i32
      %dma_start3A_1528 = arith.constant 128 : i32
      %dma_start3A_1529 = arith.constant 0 : i32
      %dma_start3A_1530 = tpu.memref_slice %arg15[%dma_start3A_1528, %dma_start3A_1529] : memref<256x32xf32, #tpu.memory_space<vmem>> -> memref<128x32xf32, #tpu.memory_space<vmem>>
      %dma_start3A_1531 = arith.constant 0 : i32
      %dma_start3A_1532 = tpu.memref_slice %arg14[%dma_start3A_1527, %dma_start3A_1531] : memref<2x128xi32, #tpu.memory_space<vmem>> -> memref<1x128xi32, #tpu.memory_space<vmem>>
      %dma_start3A_1533 = tpu.memref_squeeze %dma_start3A_1532 : memref<1x128xi32, #tpu.memory_space<vmem>> -> memref<128xi32, #tpu.memory_space<vmem>>
      %dma_start3A_1534 = arith.constant 0 : i32
      %dma_start3A_1535 = arith.constant 0 : i32
      %dma_start3A_1536 = tpu.memref_slice %arg9[%dma_start3A_1534, %dma_start3A_1535] : memref<51200x32xf32, #tpu.memory_space<vmem_shared>> -> memref<51200x32xf32, #tpu.memory_space<vmem_shared>>
      tpu.enqueue_indirect_dma source(%dma_start3A_1530 : memref<128x32xf32, #tpu.memory_space<vmem>>) target(%dma_start3A_1536 : memref<51200x32xf32, #tpu.memory_space<vmem_shared>>) offsets(%dma_start3A_1533 : memref<128xi32, #tpu.memory_space<vmem>>) semaphore(%arg18 : memref<!tpu.dma_semaphore, #tpu.memory_space<semaphore_mem>>) {add = true}
      %dma_start3A_1537 = arith.constant 0 : i32
      %dma_start3A_1538 = arith.constant 0 : i32
      %dma_start3A_1539 = tpu.memref_slice %arg14[%dma_start3A_1537, %dma_start3A_1538] : memref<2x128xi32, #tpu.memory_space<vmem>> -> memref<1x128xi32, #tpu.memory_space<vmem>>
      %dma_start3A_1540 = tpu.memref_squeeze %dma_start3A_1539 : memref<1x128xi32, #tpu.memory_space<vmem>> -> memref<128xi32, #tpu.memory_space<vmem>>
      %dma_start3A_1541 = arith.constant 0 : i32
      %dma_start3A_1542 = tpu.memref_slice %arg10[%dma_start3A_1541] : memref<51200xf32, #tpu.memory_space<vmem_shared>> -> memref<51200xf32, #tpu.memory_space<vmem_shared>>
      tpu.enqueue_indirect_dma source(%arg27 : memref<128xf32, #tpu.memory_space<vmem>>) target(%dma_start3A_1542 : memref<51200xf32, #tpu.memory_space<vmem_shared>>) offsets(%dma_start3A_1540 : memref<128xi32, #tpu.memory_space<vmem>>) semaphore(%arg18 : memref<!tpu.dma_semaphore, #tpu.memory_space<semaphore_mem>>) {add = true}
      %dma_start3A_1543 = arith.constant 1 : i32
      %dma_start3A_1544 = arith.constant 0 : i32
      %dma_start3A_1545 = tpu.memref_slice %arg14[%dma_start3A_1543, %dma_start3A_1544] : memref<2x128xi32, #tpu.memory_space<vmem>> -> memref<1x128xi32, #tpu.memory_space<vmem>>
      %dma_start3A_1546 = tpu.memref_squeeze %dma_start3A_1545 : memref<1x128xi32, #tpu.memory_space<vmem>> -> memref<128xi32, #tpu.memory_space<vmem>>
      %dma_start3A_1547 = arith.constant 0 : i32
      %dma_start3A_1548 = tpu.memref_slice %arg10[%dma_start3A_1547] : memref<51200xf32, #tpu.memory_space<vmem_shared>> -> memref<51200xf32, #tpu.memory_space<vmem_shared>>
      tpu.enqueue_indirect_dma source(%arg27 : memref<128xf32, #tpu.memory_space<vmem>>) target(%dma_start3A_1548 : memref<51200xf32, #tpu.memory_space<vmem_shared>>) offsets(%dma_start3A_1546 : memref<128xi32, #tpu.memory_space<vmem>>) semaphore(%arg18 : memref<!tpu.dma_semaphore, #tpu.memory_space<semaphore_mem>>) {add = true}
      %dma_wait3A_1549 = arith.constant 0 : i32
      %dma_wait3A_1550 = arith.constant 0 : i32
      %dma_wait3A_1551 = arith.constant 0 : i32
      %dma_wait3A_1552 = tpu.memref_slice %arg23[%dma_wait3A_1550, %dma_wait3A_1551] : memref<256x32xf32, #tpu.memory_space<vmem>> -> memref<128x32xf32, #tpu.memory_space<vmem>>
      %dma_wait3A_1553 = arith.constant 0 : i32
      %dma_wait3A_1554 = tpu.memref_slice %arg21[%dma_wait3A_1549, %dma_wait3A_1553] : memref<2x128xi32, #tpu.memory_space<vmem>> -> memref<1x128xi32, #tpu.memory_space<vmem>>
      %dma_wait3A_1555 = tpu.memref_squeeze %dma_wait3A_1554 : memref<1x128xi32, #tpu.memory_space<vmem>> -> memref<128xi32, #tpu.memory_space<vmem>>
      %dma_wait3A_1556 = arith.constant 0 : i32
      %dma_wait3A_1557 = arith.constant 0 : i32
      %dma_wait3A_1558 = tpu.memref_slice %arg2[%dma_wait3A_1556, %dma_wait3A_1557] : memref<100000x32xf32, #tpu.memory_space<hbm>> -> memref<100000x32xf32, #tpu.memory_space<hbm>>
      tpu.wait_indirect_dma semaphore(%arg25 : memref<!tpu.dma_semaphore, #tpu.memory_space<semaphore_mem>>) src(%dma_wait3A_1558 : memref<100000x32xf32, #tpu.memory_space<hbm>>) dst(%dma_wait3A_1552 : memref<128x32xf32, #tpu.memory_space<vmem>>)
      %dma_wait3A_1559 = arith.constant 1 : i32
      %dma_wait3A_1560 = arith.constant 128 : i32
      %dma_wait3A_1561 = arith.constant 0 : i32
      %dma_wait3A_1562 = tpu.memref_slice %arg23[%dma_wait3A_1560, %dma_wait3A_1561] : memref<256x32xf32, #tpu.memory_space<vmem>> -> memref<128x32xf32, #tpu.memory_space<vmem>>
      %dma_wait3A_1563 = arith.constant 0 : i32
      %dma_wait3A_1564 = tpu.memref_slice %arg21[%dma_wait3A_1559, %dma_wait3A_1563] : memref<2x128xi32, #tpu.memory_space<vmem>> -> memref<1x128xi32, #tpu.memory_space<vmem>>
      %dma_wait3A_1565 = tpu.memref_squeeze %dma_wait3A_1564 : memref<1x128xi32, #tpu.memory_space<vmem>> -> memref<128xi32, #tpu.memory_space<vmem>>
      %dma_wait3A_1566 = arith.constant 0 : i32
      %dma_wait3A_1567 = arith.constant 0 : i32
      %dma_wait3A_1568 = tpu.memref_slice %arg2[%dma_wait3A_1566, %dma_wait3A_1567] : memref<100000x32xf32, #tpu.memory_space<hbm>> -> memref<100000x32xf32, #tpu.memory_space<hbm>>
      tpu.wait_indirect_dma semaphore(%arg25 : memref<!tpu.dma_semaphore, #tpu.memory_space<semaphore_mem>>) src(%dma_wait3A_1568 : memref<100000x32xf32, #tpu.memory_space<hbm>>) dst(%dma_wait3A_1562 : memref<128x32xf32, #tpu.memory_space<vmem>>)
      %dma_start3A_1569 = arith.constant 0 : i32
      %dma_start3A_1570 = arith.constant 0 : i32
      %dma_start3A_1571 = arith.constant 0 : i32
      %dma_start3A_1572 = tpu.memref_slice %arg23[%dma_start3A_1570, %dma_start3A_1571] : memref<256x32xf32, #tpu.memory_space<vmem>> -> memref<128x32xf32, #tpu.memory_space<vmem>>
      %dma_start3A_1573 = arith.constant 0 : i32
      %dma_start3A_1574 = tpu.memref_slice %arg22[%dma_start3A_1569, %dma_start3A_1573] : memref<2x128xi32, #tpu.memory_space<vmem>> -> memref<1x128xi32, #tpu.memory_space<vmem>>
      %dma_start3A_1575 = tpu.memref_squeeze %dma_start3A_1574 : memref<1x128xi32, #tpu.memory_space<vmem>> -> memref<128xi32, #tpu.memory_space<vmem>>
      %dma_start3A_1576 = arith.constant 0 : i32
      %dma_start3A_1577 = arith.constant 0 : i32
      %dma_start3A_1578 = tpu.memref_slice %arg9[%dma_start3A_1576, %dma_start3A_1577] : memref<51200x32xf32, #tpu.memory_space<vmem_shared>> -> memref<51200x32xf32, #tpu.memory_space<vmem_shared>>
      tpu.enqueue_indirect_dma source(%dma_start3A_1572 : memref<128x32xf32, #tpu.memory_space<vmem>>) target(%dma_start3A_1578 : memref<51200x32xf32, #tpu.memory_space<vmem_shared>>) offsets(%dma_start3A_1575 : memref<128xi32, #tpu.memory_space<vmem>>) semaphore(%arg26 : memref<!tpu.dma_semaphore, #tpu.memory_space<semaphore_mem>>) {add = true}
      %dma_start3A_1579 = arith.constant 1 : i32
      %dma_start3A_1580 = arith.constant 128 : i32
      %dma_start3A_1581 = arith.constant 0 : i32
      %dma_start3A_1582 = tpu.memref_slice %arg23[%dma_start3A_1580, %dma_start3A_1581] : memref<256x32xf32, #tpu.memory_space<vmem>> -> memref<128x32xf32, #tpu.memory_space<vmem>>
      %dma_start3A_1583 = arith.constant 0 : i32
      %dma_start3A_1584 = tpu.memref_slice %arg22[%dma_start3A_1579, %dma_start3A_1583] : memref<2x128xi32, #tpu.memory_space<vmem>> -> memref<1x128xi32, #tpu.memory_space<vmem>>
      %dma_start3A_1585 = tpu.memref_squeeze %dma_start3A_1584 : memref<1x128xi32, #tpu.memory_space<vmem>> -> memref<128xi32, #tpu.memory_space<vmem>>
      %dma_start3A_1586 = arith.constant 0 : i32
      %dma_start3A_1587 = arith.constant 0 : i32
      %dma_start3A_1588 = tpu.memref_slice %arg9[%dma_start3A_1586, %dma_start3A_1587] : memref<51200x32xf32, #tpu.memory_space<vmem_shared>> -> memref<51200x32xf32, #tpu.memory_space<vmem_shared>>
      tpu.enqueue_indirect_dma source(%dma_start3A_1582 : memref<128x32xf32, #tpu.memory_space<vmem>>) target(%dma_start3A_1588 : memref<51200x32xf32, #tpu.memory_space<vmem_shared>>) offsets(%dma_start3A_1585 : memref<128xi32, #tpu.memory_space<vmem>>) semaphore(%arg26 : memref<!tpu.dma_semaphore, #tpu.memory_space<semaphore_mem>>) {add = true}
      %dma_start3A_1589 = arith.constant 0 : i32
      %dma_start3A_1590 = arith.constant 0 : i32
      %dma_start3A_1591 = tpu.memref_slice %arg22[%dma_start3A_1589, %dma_start3A_1590] : memref<2x128xi32, #tpu.memory_space<vmem>> -> memref<1x128xi32, #tpu.memory_space<vmem>>
      %dma_start3A_1592 = tpu.memref_squeeze %dma_start3A_1591 : memref<1x128xi32, #tpu.memory_space<vmem>> -> memref<128xi32, #tpu.memory_space<vmem>>
      %dma_start3A_1593 = arith.constant 0 : i32
      %dma_start3A_1594 = tpu.memref_slice %arg10[%dma_start3A_1593] : memref<51200xf32, #tpu.memory_space<vmem_shared>> -> memref<51200xf32, #tpu.memory_space<vmem_shared>>
      tpu.enqueue_indirect_dma source(%arg27 : memref<128xf32, #tpu.memory_space<vmem>>) target(%dma_start3A_1594 : memref<51200xf32, #tpu.memory_space<vmem_shared>>) offsets(%dma_start3A_1592 : memref<128xi32, #tpu.memory_space<vmem>>) semaphore(%arg26 : memref<!tpu.dma_semaphore, #tpu.memory_space<semaphore_mem>>) {add = true}
      %dma_start3A_1595 = arith.constant 1 : i32
      %dma_start3A_1596 = arith.constant 0 : i32
      %dma_start3A_1597 = tpu.memref_slice %arg22[%dma_start3A_1595, %dma_start3A_1596] : memref<2x128xi32, #tpu.memory_space<vmem>> -> memref<1x128xi32, #tpu.memory_space<vmem>>
      %dma_start3A_1598 = tpu.memref_squeeze %dma_start3A_1597 : memref<1x128xi32, #tpu.memory_space<vmem>> -> memref<128xi32, #tpu.memory_space<vmem>>
      %dma_start3A_1599 = arith.constant 0 : i32
      %dma_start3A_1600 = tpu.memref_slice %arg10[%dma_start3A_1599] : memref<51200xf32, #tpu.memory_space<vmem_shared>> -> memref<51200xf32, #tpu.memory_space<vmem_shared>>
      tpu.enqueue_indirect_dma source(%arg27 : memref<128xf32, #tpu.memory_space<vmem>>) target(%dma_start3A_1600 : memref<51200xf32, #tpu.memory_space<vmem_shared>>) offsets(%dma_start3A_1598 : memref<128xi32, #tpu.memory_space<vmem>>) semaphore(%arg26 : memref<!tpu.dma_semaphore, #tpu.memory_space<semaphore_mem>>) {add = true}
      %dma_wait3A_1601 = arith.constant 0 : i32
      %dma_wait3A_1602 = arith.constant 0 : i32
      %dma_wait3A_1603 = arith.constant 0 : i32
      %dma_wait3A_1604 = tpu.memref_slice %arg15[%dma_wait3A_1602, %dma_wait3A_1603] : memref<256x32xf32, #tpu.memory_space<vmem>> -> memref<128x32xf32, #tpu.memory_space<vmem>>
      %dma_wait3A_1605 = arith.constant 0 : i32
      %dma_wait3A_1606 = tpu.memref_slice %arg14[%dma_wait3A_1601, %dma_wait3A_1605] : memref<2x128xi32, #tpu.memory_space<vmem>> -> memref<1x128xi32, #tpu.memory_space<vmem>>
      %dma_wait3A_1607 = tpu.memref_squeeze %dma_wait3A_1606 : memref<1x128xi32, #tpu.memory_space<vmem>> -> memref<128xi32, #tpu.memory_space<vmem>>
      %dma_wait3A_1608 = arith.constant 0 : i32
      %dma_wait3A_1609 = arith.constant 0 : i32
      %dma_wait3A_1610 = tpu.memref_slice %arg9[%dma_wait3A_1608, %dma_wait3A_1609] : memref<51200x32xf32, #tpu.memory_space<vmem_shared>> -> memref<51200x32xf32, #tpu.memory_space<vmem_shared>>
      tpu.wait_indirect_dma semaphore(%arg18 : memref<!tpu.dma_semaphore, #tpu.memory_space<semaphore_mem>>) src(%dma_wait3A_1604 : memref<128x32xf32, #tpu.memory_space<vmem>>) dst(%dma_wait3A_1610 : memref<51200x32xf32, #tpu.memory_space<vmem_shared>>)
      %dma_wait3A_1611 = arith.constant 1 : i32
      %dma_wait3A_1612 = arith.constant 128 : i32
      %dma_wait3A_1613 = arith.constant 0 : i32
      %dma_wait3A_1614 = tpu.memref_slice %arg15[%dma_wait3A_1612, %dma_wait3A_1613] : memref<256x32xf32, #tpu.memory_space<vmem>> -> memref<128x32xf32, #tpu.memory_space<vmem>>
      %dma_wait3A_1615 = arith.constant 0 : i32
      %dma_wait3A_1616 = tpu.memref_slice %arg14[%dma_wait3A_1611, %dma_wait3A_1615] : memref<2x128xi32, #tpu.memory_space<vmem>> -> memref<1x128xi32, #tpu.memory_space<vmem>>
      %dma_wait3A_1617 = tpu.memref_squeeze %dma_wait3A_1616 : memref<1x128xi32, #tpu.memory_space<vmem>> -> memref<128xi32, #tpu.memory_space<vmem>>
      %dma_wait3A_1618 = arith.constant 0 : i32
      %dma_wait3A_1619 = arith.constant 0 : i32
      %dma_wait3A_1620 = tpu.memref_slice %arg9[%dma_wait3A_1618, %dma_wait3A_1619] : memref<51200x32xf32, #tpu.memory_space<vmem_shared>> -> memref<51200x32xf32, #tpu.memory_space<vmem_shared>>
      tpu.wait_indirect_dma semaphore(%arg18 : memref<!tpu.dma_semaphore, #tpu.memory_space<semaphore_mem>>) src(%dma_wait3A_1614 : memref<128x32xf32, #tpu.memory_space<vmem>>) dst(%dma_wait3A_1620 : memref<51200x32xf32, #tpu.memory_space<vmem_shared>>)
      %dma_wait3A_1621 = arith.constant 0 : i32
      %dma_wait3A_1622 = arith.constant 0 : i32
      %dma_wait3A_1623 = tpu.memref_slice %arg14[%dma_wait3A_1621, %dma_wait3A_1622] : memref<2x128xi32, #tpu.memory_space<vmem>> -> memref<1x128xi32, #tpu.memory_space<vmem>>
      %dma_wait3A_1624 = tpu.memref_squeeze %dma_wait3A_1623 : memref<1x128xi32, #tpu.memory_space<vmem>> -> memref<128xi32, #tpu.memory_space<vmem>>
      %dma_wait3A_1625 = arith.constant 0 : i32
      %dma_wait3A_1626 = tpu.memref_slice %arg10[%dma_wait3A_1625] : memref<51200xf32, #tpu.memory_space<vmem_shared>> -> memref<51200xf32, #tpu.memory_space<vmem_shared>>
      tpu.wait_indirect_dma semaphore(%arg18 : memref<!tpu.dma_semaphore, #tpu.memory_space<semaphore_mem>>) src(%arg27 : memref<128xf32, #tpu.memory_space<vmem>>) dst(%dma_wait3A_1626 : memref<51200xf32, #tpu.memory_space<vmem_shared>>)
      %dma_wait3A_1627 = arith.constant 1 : i32
      %dma_wait3A_1628 = arith.constant 0 : i32
      %dma_wait3A_1629 = tpu.memref_slice %arg14[%dma_wait3A_1627, %dma_wait3A_1628] : memref<2x128xi32, #tpu.memory_space<vmem>> -> memref<1x128xi32, #tpu.memory_space<vmem>>
      %dma_wait3A_1630 = tpu.memref_squeeze %dma_wait3A_1629 : memref<1x128xi32, #tpu.memory_space<vmem>> -> memref<128xi32, #tpu.memory_space<vmem>>
      %dma_wait3A_1631 = arith.constant 0 : i32
      %dma_wait3A_1632 = tpu.memref_slice %arg10[%dma_wait3A_1631] : memref<51200xf32, #tpu.memory_space<vmem_shared>> -> memref<51200xf32, #tpu.memory_space<vmem_shared>>
      tpu.wait_indirect_dma semaphore(%arg18 : memref<!tpu.dma_semaphore, #tpu.memory_space<semaphore_mem>>) src(%arg27 : memref<128xf32, #tpu.memory_space<vmem>>) dst(%dma_wait3A_1632 : memref<51200xf32, #tpu.memory_space<vmem_shared>>)
      %dma_wait3A_1633 = arith.constant 0 : i32
      %dma_wait3A_1634 = arith.constant 0 : i32
      %dma_wait3A_1635 = arith.constant 0 : i32
      %dma_wait3A_1636 = tpu.memref_slice %arg23[%dma_wait3A_1634, %dma_wait3A_1635] : memref<256x32xf32, #tpu.memory_space<vmem>> -> memref<128x32xf32, #tpu.memory_space<vmem>>
      %dma_wait3A_1637 = arith.constant 0 : i32
      %dma_wait3A_1638 = tpu.memref_slice %arg22[%dma_wait3A_1633, %dma_wait3A_1637] : memref<2x128xi32, #tpu.memory_space<vmem>> -> memref<1x128xi32, #tpu.memory_space<vmem>>
      %dma_wait3A_1639 = tpu.memref_squeeze %dma_wait3A_1638 : memref<1x128xi32, #tpu.memory_space<vmem>> -> memref<128xi32, #tpu.memory_space<vmem>>
      %dma_wait3A_1640 = arith.constant 0 : i32
      %dma_wait3A_1641 = arith.constant 0 : i32
      %dma_wait3A_1642 = tpu.memref_slice %arg9[%dma_wait3A_1640, %dma_wait3A_1641] : memref<51200x32xf32, #tpu.memory_space<vmem_shared>> -> memref<51200x32xf32, #tpu.memory_space<vmem_shared>>
      tpu.wait_indirect_dma semaphore(%arg26 : memref<!tpu.dma_semaphore, #tpu.memory_space<semaphore_mem>>) src(%dma_wait3A_1636 : memref<128x32xf32, #tpu.memory_space<vmem>>) dst(%dma_wait3A_1642 : memref<51200x32xf32, #tpu.memory_space<vmem_shared>>)
      %dma_wait3A_1643 = arith.constant 1 : i32
      %dma_wait3A_1644 = arith.constant 128 : i32
      %dma_wait3A_1645 = arith.constant 0 : i32
      %dma_wait3A_1646 = tpu.memref_slice %arg23[%dma_wait3A_1644, %dma_wait3A_1645] : memref<256x32xf32, #tpu.memory_space<vmem>> -> memref<128x32xf32, #tpu.memory_space<vmem>>
      %dma_wait3A_1647 = arith.constant 0 : i32
      %dma_wait3A_1648 = tpu.memref_slice %arg22[%dma_wait3A_1643, %dma_wait3A_1647] : memref<2x128xi32, #tpu.memory_space<vmem>> -> memref<1x128xi32, #tpu.memory_space<vmem>>
      %dma_wait3A_1649 = tpu.memref_squeeze %dma_wait3A_1648 : memref<1x128xi32, #tpu.memory_space<vmem>> -> memref<128xi32, #tpu.memory_space<vmem>>
      %dma_wait3A_1650 = arith.constant 0 : i32
      %dma_wait3A_1651 = arith.constant 0 : i32
      %dma_wait3A_1652 = tpu.memref_slice %arg9[%dma_wait3A_1650, %dma_wait3A_1651] : memref<51200x32xf32, #tpu.memory_space<vmem_shared>> -> memref<51200x32xf32, #tpu.memory_space<vmem_shared>>
      tpu.wait_indirect_dma semaphore(%arg26 : memref<!tpu.dma_semaphore, #tpu.memory_space<semaphore_mem>>) src(%dma_wait3A_1646 : memref<128x32xf32, #tpu.memory_space<vmem>>) dst(%dma_wait3A_1652 : memref<51200x32xf32, #tpu.memory_space<vmem_shared>>)
      %dma_wait3A_1653 = arith.constant 0 : i32
      %dma_wait3A_1654 = arith.constant 0 : i32
      %dma_wait3A_1655 = tpu.memref_slice %arg22[%dma_wait3A_1653, %dma_wait3A_1654] : memref<2x128xi32, #tpu.memory_space<vmem>> -> memref<1x128xi32, #tpu.memory_space<vmem>>
      %dma_wait3A_1656 = tpu.memref_squeeze %dma_wait3A_1655 : memref<1x128xi32, #tpu.memory_space<vmem>> -> memref<128xi32, #tpu.memory_space<vmem>>
      %dma_wait3A_1657 = arith.constant 0 : i32
      %dma_wait3A_1658 = tpu.memref_slice %arg10[%dma_wait3A_1657] : memref<51200xf32, #tpu.memory_space<vmem_shared>> -> memref<51200xf32, #tpu.memory_space<vmem_shared>>
      tpu.wait_indirect_dma semaphore(%arg26 : memref<!tpu.dma_semaphore, #tpu.memory_space<semaphore_mem>>) src(%arg27 : memref<128xf32, #tpu.memory_space<vmem>>) dst(%dma_wait3A_1658 : memref<51200xf32, #tpu.memory_space<vmem_shared>>)
      %dma_wait3A_1659 = arith.constant 1 : i32
      %dma_wait3A_1660 = arith.constant 0 : i32
      %dma_wait3A_1661 = tpu.memref_slice %arg22[%dma_wait3A_1659, %dma_wait3A_1660] : memref<2x128xi32, #tpu.memory_space<vmem>> -> memref<1x128xi32, #tpu.memory_space<vmem>>
      %dma_wait3A_1662 = tpu.memref_squeeze %dma_wait3A_1661 : memref<1x128xi32, #tpu.memory_space<vmem>> -> memref<128xi32, #tpu.memory_space<vmem>>
      %dma_wait3A_1663 = arith.constant 0 : i32
      %dma_wait3A_1664 = tpu.memref_slice %arg10[%dma_wait3A_1663] : memref<51200xf32, #tpu.memory_space<vmem_shared>> -> memref<51200xf32, #tpu.memory_space<vmem_shared>>
      tpu.wait_indirect_dma semaphore(%arg26 : memref<!tpu.dma_semaphore, #tpu.memory_space<semaphore_mem>>) src(%arg27 : memref<128xf32, #tpu.memory_space<vmem>>) dst(%dma_wait3A_1664 : memref<51200xf32, #tpu.memory_space<vmem_shared>>)
    }
    %scan3A_45 = arith.constant 196 : i32
    %barrier3A_46 = arith.constant 0 : index
    tpu.barrier barrier_id(%barrier3A_46)
    %mul3A_47 = arith.constant 3200 : i32
    %mul3A_48 = arith.muli %arg1, %mul3A_47 : i32
    %mul3A_49 = arith.constant 51200 : i32
    %mul3A_50 = arith.muli %arg0, %mul3A_49 : i32
    %mul3A_51 = arith.constant 3200 : i32
    %mul3A_52 = arith.muli %arg1, %mul3A_51 : i32
    %add3A = arith.addi %mul3A_50, %mul3A_52 : i32
    "tpu.region"() ({
      %run_scoped3A = tpu.sem_alloc : memref<!tpu.dma_semaphore, #tpu.memory_space<semaphore_mem>>
      %dma_start3A = arith.constant 0 : i32
      %dma_start3A_57 = tpu.memref_slice %arg7[%add3A, %dma_start3A] : memref<102400x32xf32, #tpu.memory_space<hbm>> -> memref<3200x32xf32, #tpu.memory_space<hbm>>
      %dma_start3A_58 = arith.constant 0 : i32
      %dma_start3A_59 = tpu.memref_slice %arg9[%mul3A_48, %dma_start3A_58] : memref<51200x32xf32, #tpu.memory_space<vmem_shared>> -> memref<3200x32xf32, #tpu.memory_space<vmem_shared>>
      tpu.enqueue_dma source(%dma_start3A_59 : memref<3200x32xf32, #tpu.memory_space<vmem_shared>>) target(%dma_start3A_57 : memref<3200x32xf32, #tpu.memory_space<hbm>>) target_semaphore(%run_scoped3A : memref<!tpu.dma_semaphore, #tpu.memory_space<semaphore_mem>>)
      %dma_wait3A = arith.constant 0 : i32
      %dma_wait3A_60 = tpu.memref_slice %arg7[%add3A, %dma_wait3A] : memref<102400x32xf32, #tpu.memory_space<hbm>> -> memref<3200x32xf32, #tpu.memory_space<hbm>>
      %dma_wait3A_61 = arith.constant 0 : i32
      %dma_wait3A_62 = tpu.memref_slice %arg9[%mul3A_48, %dma_wait3A_61] : memref<51200x32xf32, #tpu.memory_space<vmem_shared>> -> memref<3200x32xf32, #tpu.memory_space<vmem_shared>>
      tpu.wait_dma2 semaphore(%run_scoped3A : memref<!tpu.dma_semaphore, #tpu.memory_space<semaphore_mem>>) src(%dma_wait3A_62 : memref<3200x32xf32, #tpu.memory_space<vmem_shared>>) dst(%dma_wait3A_60 : memref<3200x32xf32, #tpu.memory_space<hbm>>)
      tpu.yield
    }) : () -> ()
    %mul3A_53 = arith.constant 3200 : i32
    %mul3A_54 = arith.muli %arg1, %mul3A_53 : i32
    %mul3A_55 = arith.constant 3200 : i32
    %mul3A_56 = arith.muli %arg1, %mul3A_55 : i32
    "tpu.region"() ({
      %run_scoped3A = tpu.sem_alloc : memref<!tpu.dma_semaphore, #tpu.memory_space<semaphore_mem>>
      %dma_start3A = tpu.memref_slice %arg8[%arg0, %mul3A_56] : memref<2x51200xf32, #tpu.memory_space<hbm>> -> memref<1x3200xf32, #tpu.memory_space<hbm>>
      %dma_start3A_57 = tpu.memref_squeeze %dma_start3A : memref<1x3200xf32, #tpu.memory_space<hbm>> -> memref<3200xf32, #tpu.memory_space<hbm>>
      %dma_start3A_58 = tpu.memref_slice %arg10[%mul3A_54] : memref<51200xf32, #tpu.memory_space<vmem_shared>> -> memref<3200xf32, #tpu.memory_space<vmem_shared>>
      tpu.enqueue_dma source(%dma_start3A_58 : memref<3200xf32, #tpu.memory_space<vmem_shared>>) target(%dma_start3A_57 : memref<3200xf32, #tpu.memory_space<hbm>>) target_semaphore(%run_scoped3A : memref<!tpu.dma_semaphore, #tpu.memory_space<semaphore_mem>>)
      %dma_wait3A = tpu.memref_slice %arg8[%arg0, %mul3A_56] : memref<2x51200xf32, #tpu.memory_space<hbm>> -> memref<1x3200xf32, #tpu.memory_space<hbm>>
      %dma_wait3A_59 = tpu.memref_squeeze %dma_wait3A : memref<1x3200xf32, #tpu.memory_space<hbm>> -> memref<3200xf32, #tpu.memory_space<hbm>>
      %dma_wait3A_60 = tpu.memref_slice %arg10[%mul3A_54] : memref<51200xf32, #tpu.memory_space<vmem_shared>> -> memref<3200xf32, #tpu.memory_space<vmem_shared>>
      tpu.wait_dma2 semaphore(%run_scoped3A : memref<!tpu.dma_semaphore, #tpu.memory_space<semaphore_mem>>) src(%dma_wait3A_60 : memref<3200xf32, #tpu.memory_space<vmem_shared>>) dst(%dma_wait3A_59 : memref<3200xf32, #tpu.memory_space<hbm>>)
      tpu.yield
    }) : () -> ()
    return
  }
}

#map = affine_map<(d0, d1) -> (0, 0)>
#map1 = affine_map<(d0, d1) -> (0)>
module attributes {stable_mosaic.version = 14 : i64} {
  func.func @_msgpass_body(%arg0: i32, %arg1: i32, %arg2: memref<102400x32xf32, #tpu.memory_space<hbm>>, %arg3: memref<1605632xi32, #tpu.memory_space<hbm>>, %arg4: memref<1605632xi32, #tpu.memory_space<hbm>>, %arg5: memref<51200x32xf32, #tpu.memory_space<hbm>>, %arg6: memref<102400x32xf32, #tpu.memory_space<hbm>>, %arg7: memref<51200x32xf32, #tpu.memory_space<vmem_shared>>, %arg8: memref<256xi32, #tpu.memory_space<vmem>>, %arg9: memref<256xi32, #tpu.memory_space<vmem>>, %arg10: memref<2x128xi32, #tpu.memory_space<vmem>>, %arg11: memref<2x128xi32, #tpu.memory_space<vmem>>, %arg12: memref<256x32xf32, #tpu.memory_space<vmem>>, %arg13: memref<!tpu.dma_semaphore, #tpu.memory_space<semaphore_mem>>, %arg14: memref<!tpu.dma_semaphore, #tpu.memory_space<semaphore_mem>>, %arg15: memref<!tpu.dma_semaphore, #tpu.memory_space<semaphore_mem>>, %arg16: memref<256xi32, #tpu.memory_space<vmem>>, %arg17: memref<256xi32, #tpu.memory_space<vmem>>, %arg18: memref<2x128xi32, #tpu.memory_space<vmem>>, %arg19: memref<2x128xi32, #tpu.memory_space<vmem>>, %arg20: memref<256x32xf32, #tpu.memory_space<vmem>>, %arg21: memref<!tpu.dma_semaphore, #tpu.memory_space<semaphore_mem>>, %arg22: memref<!tpu.dma_semaphore, #tpu.memory_space<semaphore_mem>>, %arg23: memref<!tpu.dma_semaphore, #tpu.memory_space<semaphore_mem>>) attributes {dimension_semantics = [#tpu.dimension_semantics<core_parallel>, #tpu.dimension_semantics<subcore_parallel>], iteration_bounds = array<i64: 2, 16>, scalar_prefetch = 0 : i64, scratch_operands = 17 : i64, tpu.core_type = #tpu.core_type<sc_vector_subcore>, window_params = [{transform_indices = #map}, {transform_indices = #map1}, {transform_indices = #map1}, {transform_indices = #map}, {transform_indices = #map}]} {
    %mul3A = arith.constant 50000 : i32
    %mul3A_0 = arith.muli %arg0, %mul3A : i32
    %mul3A_1 = arith.constant 3200 : i32
    %mul3A_2 = arith.muli %arg1, %mul3A_1 : i32
    %mul3A_3 = arith.constant 3200 : i32
    %mul3A_4 = arith.muli %arg1, %mul3A_3 : i32
    "tpu.region"() ({
      %run_scoped3A = tpu.sem_alloc : memref<!tpu.dma_semaphore, #tpu.memory_space<semaphore_mem>>
      %dma_start3A = arith.constant 0 : i32
      %dma_start3A_17 = tpu.memref_slice %arg7[%mul3A_4, %dma_start3A] : memref<51200x32xf32, #tpu.memory_space<vmem_shared>> -> memref<3200x32xf32, #tpu.memory_space<vmem_shared>>
      %dma_start3A_18 = arith.constant 0 : i32
      %dma_start3A_19 = tpu.memref_slice %arg5[%mul3A_2, %dma_start3A_18] : memref<51200x32xf32, #tpu.memory_space<hbm>> -> memref<3200x32xf32, #tpu.memory_space<hbm>>
      tpu.enqueue_dma source(%dma_start3A_19 : memref<3200x32xf32, #tpu.memory_space<hbm>>) target(%dma_start3A_17 : memref<3200x32xf32, #tpu.memory_space<vmem_shared>>) target_semaphore(%run_scoped3A : memref<!tpu.dma_semaphore, #tpu.memory_space<semaphore_mem>>)
      %dma_wait3A = arith.constant 0 : i32
      %dma_wait3A_20 = tpu.memref_slice %arg7[%mul3A_4, %dma_wait3A] : memref<51200x32xf32, #tpu.memory_space<vmem_shared>> -> memref<3200x32xf32, #tpu.memory_space<vmem_shared>>
      %dma_wait3A_21 = arith.constant 0 : i32
      %dma_wait3A_22 = tpu.memref_slice %arg5[%mul3A_2, %dma_wait3A_21] : memref<51200x32xf32, #tpu.memory_space<hbm>> -> memref<3200x32xf32, #tpu.memory_space<hbm>>
      tpu.wait_dma2 semaphore(%run_scoped3A : memref<!tpu.dma_semaphore, #tpu.memory_space<semaphore_mem>>) src(%dma_wait3A_22 : memref<3200x32xf32, #tpu.memory_space<hbm>>) dst(%dma_wait3A_20 : memref<3200x32xf32, #tpu.memory_space<vmem_shared>>)
      tpu.yield
    }) : () -> ()
    %barrier3A = arith.constant 0 : index
    tpu.barrier barrier_id(%barrier3A)
    %iota3A = tpu.iota {dimensions = array<i32: 0>} : vector<16xi32>
    %scan3A = arith.constant 0 : i32
    %scan3A_5 = arith.constant 0 : i32
    %scan3A_6 = arith.constant 196 : i32
    %scan3A_7 = arith.addi %scan3A_5, %scan3A_6 : i32
    %scan3A_8 = arith.constant 1 : i32
    scf.for %scan3A_17 = %scan3A_5 to %scan3A_7 step %scan3A_8  : i32 {
      %mul3A_18 = arith.constant 2 : i32
      %mul3A_19 = arith.muli %scan3A_17, %mul3A_18 : i32
      %mul3A_20 = arith.constant 100352 : i32
      %mul3A_21 = arith.muli %arg1, %mul3A_20 : i32
      %mul3A_22 = arith.constant 256 : i32
      %mul3A_23 = arith.muli %mul3A_19, %mul3A_22 : i32
      %add3A_24 = arith.addi %mul3A_21, %mul3A_23 : i32
      %dma_start3A = tpu.memref_slice %arg3[%add3A_24] : memref<1605632xi32, #tpu.memory_space<hbm>> -> memref<256xi32, #tpu.memory_space<hbm>>
      %dma_start3A_25 = tpu.memref_slice %arg3[%add3A_24] : memref<1605632xi32, #tpu.memory_space<hbm>> -> memref<256xi32, #tpu.memory_space<hbm>>
      tpu.enqueue_dma source(%dma_start3A_25 : memref<256xi32, #tpu.memory_space<hbm>>) target(%arg8 : memref<256xi32, #tpu.memory_space<vmem>>) target_semaphore(%arg13 : memref<!tpu.dma_semaphore, #tpu.memory_space<semaphore_mem>>)
      %dma_start3A_26 = tpu.memref_slice %arg4[%add3A_24] : memref<1605632xi32, #tpu.memory_space<hbm>> -> memref<256xi32, #tpu.memory_space<hbm>>
      %dma_start3A_27 = tpu.memref_slice %arg4[%add3A_24] : memref<1605632xi32, #tpu.memory_space<hbm>> -> memref<256xi32, #tpu.memory_space<hbm>>
      tpu.enqueue_dma source(%dma_start3A_27 : memref<256xi32, #tpu.memory_space<hbm>>) target(%arg9 : memref<256xi32, #tpu.memory_space<vmem>>) target_semaphore(%arg13 : memref<!tpu.dma_semaphore, #tpu.memory_space<semaphore_mem>>)
      %add3A_28 = arith.constant 1 : i32
      %add3A_29 = arith.addi %mul3A_19, %add3A_28 : i32
      %mul3A_30 = arith.constant 100352 : i32
      %mul3A_31 = arith.muli %arg1, %mul3A_30 : i32
      %mul3A_32 = arith.constant 256 : i32
      %mul3A_33 = arith.muli %add3A_29, %mul3A_32 : i32
      %add3A_34 = arith.addi %mul3A_31, %mul3A_33 : i32
      %dma_start3A_35 = tpu.memref_slice %arg3[%add3A_34] : memref<1605632xi32, #tpu.memory_space<hbm>> -> memref<256xi32, #tpu.memory_space<hbm>>
      %dma_start3A_36 = tpu.memref_slice %arg3[%add3A_34] : memref<1605632xi32, #tpu.memory_space<hbm>> -> memref<256xi32, #tpu.memory_space<hbm>>
      tpu.enqueue_dma source(%dma_start3A_36 : memref<256xi32, #tpu.memory_space<hbm>>) target(%arg16 : memref<256xi32, #tpu.memory_space<vmem>>) target_semaphore(%arg21 : memref<!tpu.dma_semaphore, #tpu.memory_space<semaphore_mem>>)
      %dma_start3A_37 = tpu.memref_slice %arg4[%add3A_34] : memref<1605632xi32, #tpu.memory_space<hbm>> -> memref<256xi32, #tpu.memory_space<hbm>>
      %dma_start3A_38 = tpu.memref_slice %arg4[%add3A_34] : memref<1605632xi32, #tpu.memory_space<hbm>> -> memref<256xi32, #tpu.memory_space<hbm>>
      tpu.enqueue_dma source(%dma_start3A_38 : memref<256xi32, #tpu.memory_space<hbm>>) target(%arg17 : memref<256xi32, #tpu.memory_space<vmem>>) target_semaphore(%arg21 : memref<!tpu.dma_semaphore, #tpu.memory_space<semaphore_mem>>)
      %dma_wait3A = tpu.memref_slice %arg3[%add3A_24] : memref<1605632xi32, #tpu.memory_space<hbm>> -> memref<256xi32, #tpu.memory_space<hbm>>
      %dma_wait3A_39 = tpu.memref_slice %arg3[%add3A_24] : memref<1605632xi32, #tpu.memory_space<hbm>> -> memref<256xi32, #tpu.memory_space<hbm>>
      tpu.wait_dma2 semaphore(%arg13 : memref<!tpu.dma_semaphore, #tpu.memory_space<semaphore_mem>>) src(%dma_wait3A_39 : memref<256xi32, #tpu.memory_space<hbm>>) dst(%arg8 : memref<256xi32, #tpu.memory_space<vmem>>)
      %dma_wait3A_40 = tpu.memref_slice %arg4[%add3A_24] : memref<1605632xi32, #tpu.memory_space<hbm>> -> memref<256xi32, #tpu.memory_space<hbm>>
      %dma_wait3A_41 = tpu.memref_slice %arg4[%add3A_24] : memref<1605632xi32, #tpu.memory_space<hbm>> -> memref<256xi32, #tpu.memory_space<hbm>>
      tpu.wait_dma2 semaphore(%arg13 : memref<!tpu.dma_semaphore, #tpu.memory_space<semaphore_mem>>) src(%dma_wait3A_41 : memref<256xi32, #tpu.memory_space<hbm>>) dst(%arg9 : memref<256xi32, #tpu.memory_space<vmem>>)
      %get3A = arith.constant 0 : index
      %get3A_42 = tpu.vector_load %arg8[%get3A] {strides = array<i32>} : memref<256xi32, #tpu.memory_space<vmem>>, vector<16xi32>,
      %get3A_43 = vector.shape_cast %get3A_42 : vector<16xi32> to vector<16xi32>
      %ge3A = arith.constant 50000 : i32
      %ge3A_44 = vector.broadcast %ge3A : i32 to vector<16xi32>
      %ge3A_45 = arith.cmpi sge, %get3A_43, %ge3A_44 : vector<16xi32>
      %jit3A = arith.constant 1200 : i32
      %jit3A_46 = arith.constant 0 : i32
      %broadcast_in_dim3A = vector.broadcast %jit3A : i32 to vector<16xi32>
      %broadcast_in_dim3A_47 = vector.broadcast %jit3A_46 : i32 to vector<16xi32>
      %select_n3A = arith.select %ge3A_45, %broadcast_in_dim3A, %broadcast_in_dim3A_47 : vector<16xi1>, vector<16xi32>
      %add3A_48 = arith.addi %get3A_43, %select_n3A : vector<16xi32>
      %swap3A = arith.constant 0 : i32
      %swap3A_49 = arith.index_cast %swap3A : i32 to index
      %swap3A_50 = arith.constant 0 : index
      %swap3A_51 = tpu.vector_load %arg10[%swap3A_49, %swap3A_50] {strides = array<i32>} : memref<2x128xi32, #tpu.memory_space<vmem>>, vector<1x16xi32>,
      %swap3A_52 = vector.shape_cast %swap3A_51 : vector<1x16xi32> to vector<16xi32>
      %swap3A_53 = vector.shape_cast %add3A_48 : vector<16xi32> to vector<1x16xi32>
      tpu.vector_store %arg10[%swap3A_49, %swap3A_50], %swap3A_53 {strides = array<i32>} : memref<2x128xi32, #tpu.memory_space<vmem>>, vector<1x16xi32>,
      %get3A_54 = arith.constant 16 : index
      %get3A_55 = tpu.vector_load %arg8[%get3A_54] {strides = array<i32>} : memref<256xi32, #tpu.memory_space<vmem>>, vector<16xi32>,
      %get3A_56 = vector.shape_cast %get3A_55 : vector<16xi32> to vector<16xi32>
      %ge3A_57 = arith.constant 50000 : i32
      %ge3A_58 = vector.broadcast %ge3A_57 : i32 to vector<16xi32>
      %ge3A_59 = arith.cmpi sge, %get3A_56, %ge3A_58 : vector<16xi32>
      %jit3A_60 = arith.constant 1200 : i32
      %jit3A_61 = arith.constant 0 : i32
      %broadcast_in_dim3A_62 = vector.broadcast %jit3A_60 : i32 to vector<16xi32>
      %broadcast_in_dim3A_63 = vector.broadcast %jit3A_61 : i32 to vector<16xi32>
      %select_n3A_64 = arith.select %ge3A_59, %broadcast_in_dim3A_62, %broadcast_in_dim3A_63 : vector<16xi1>, vector<16xi32>
      %add3A_65 = arith.addi %get3A_56, %select_n3A_64 : vector<16xi32>
      %swap3A_66 = arith.constant 0 : i32
      %swap3A_67 = arith.index_cast %swap3A_66 : i32 to index
      %swap3A_68 = arith.constant 16 : index
      %swap3A_69 = tpu.vector_load %arg10[%swap3A_67, %swap3A_68] {strides = array<i32>} : memref<2x128xi32, #tpu.memory_space<vmem>>, vector<1x16xi32>,
      %swap3A_70 = vector.shape_cast %swap3A_69 : vector<1x16xi32> to vector<16xi32>
      %swap3A_71 = vector.shape_cast %add3A_65 : vector<16xi32> to vector<1x16xi32>
      tpu.vector_store %arg10[%swap3A_67, %swap3A_68], %swap3A_71 {strides = array<i32>} : memref<2x128xi32, #tpu.memory_space<vmem>>, vector<1x16xi32>,
      %get3A_72 = arith.constant 32 : index
      %get3A_73 = tpu.vector_load %arg8[%get3A_72] {strides = array<i32>} : memref<256xi32, #tpu.memory_space<vmem>>, vector<16xi32>,
      %get3A_74 = vector.shape_cast %get3A_73 : vector<16xi32> to vector<16xi32>
      %ge3A_75 = arith.constant 50000 : i32
      %ge3A_76 = vector.broadcast %ge3A_75 : i32 to vector<16xi32>
      %ge3A_77 = arith.cmpi sge, %get3A_74, %ge3A_76 : vector<16xi32>
      %jit3A_78 = arith.constant 1200 : i32
      %jit3A_79 = arith.constant 0 : i32
      %broadcast_in_dim3A_80 = vector.broadcast %jit3A_78 : i32 to vector<16xi32>
      %broadcast_in_dim3A_81 = vector.broadcast %jit3A_79 : i32 to vector<16xi32>
      %select_n3A_82 = arith.select %ge3A_77, %broadcast_in_dim3A_80, %broadcast_in_dim3A_81 : vector<16xi1>, vector<16xi32>
      %add3A_83 = arith.addi %get3A_74, %select_n3A_82 : vector<16xi32>
      %swap3A_84 = arith.constant 0 : i32
      %swap3A_85 = arith.index_cast %swap3A_84 : i32 to index
      %swap3A_86 = arith.constant 32 : index
      %swap3A_87 = tpu.vector_load %arg10[%swap3A_85, %swap3A_86] {strides = array<i32>} : memref<2x128xi32, #tpu.memory_space<vmem>>, vector<1x16xi32>,
      %swap3A_88 = vector.shape_cast %swap3A_87 : vector<1x16xi32> to vector<16xi32>
      %swap3A_89 = vector.shape_cast %add3A_83 : vector<16xi32> to vector<1x16xi32>
      tpu.vector_store %arg10[%swap3A_85, %swap3A_86], %swap3A_89 {strides = array<i32>} : memref<2x128xi32, #tpu.memory_space<vmem>>, vector<1x16xi32>,
      %get3A_90 = arith.constant 48 : index
      %get3A_91 = tpu.vector_load %arg8[%get3A_90] {strides = array<i32>} : memref<256xi32, #tpu.memory_space<vmem>>, vector<16xi32>,
      %get3A_92 = vector.shape_cast %get3A_91 : vector<16xi32> to vector<16xi32>
      %ge3A_93 = arith.constant 50000 : i32
      %ge3A_94 = vector.broadcast %ge3A_93 : i32 to vector<16xi32>
      %ge3A_95 = arith.cmpi sge, %get3A_92, %ge3A_94 : vector<16xi32>
      %jit3A_96 = arith.constant 1200 : i32
      %jit3A_97 = arith.constant 0 : i32
      %broadcast_in_dim3A_98 = vector.broadcast %jit3A_96 : i32 to vector<16xi32>
      %broadcast_in_dim3A_99 = vector.broadcast %jit3A_97 : i32 to vector<16xi32>
      %select_n3A_100 = arith.select %ge3A_95, %broadcast_in_dim3A_98, %broadcast_in_dim3A_99 : vector<16xi1>, vector<16xi32>
      %add3A_101 = arith.addi %get3A_92, %select_n3A_100 : vector<16xi32>
      %swap3A_102 = arith.constant 0 : i32
      %swap3A_103 = arith.index_cast %swap3A_102 : i32 to index
      %swap3A_104 = arith.constant 48 : index
      %swap3A_105 = tpu.vector_load %arg10[%swap3A_103, %swap3A_104] {strides = array<i32>} : memref<2x128xi32, #tpu.memory_space<vmem>>, vector<1x16xi32>,
      %swap3A_106 = vector.shape_cast %swap3A_105 : vector<1x16xi32> to vector<16xi32>
      %swap3A_107 = vector.shape_cast %add3A_101 : vector<16xi32> to vector<1x16xi32>
      tpu.vector_store %arg10[%swap3A_103, %swap3A_104], %swap3A_107 {strides = array<i32>} : memref<2x128xi32, #tpu.memory_space<vmem>>, vector<1x16xi32>,
      %get3A_108 = arith.constant 64 : index
      %get3A_109 = tpu.vector_load %arg8[%get3A_108] {strides = array<i32>} : memref<256xi32, #tpu.memory_space<vmem>>, vector<16xi32>,
      %get3A_110 = vector.shape_cast %get3A_109 : vector<16xi32> to vector<16xi32>
      %ge3A_111 = arith.constant 50000 : i32
      %ge3A_112 = vector.broadcast %ge3A_111 : i32 to vector<16xi32>
      %ge3A_113 = arith.cmpi sge, %get3A_110, %ge3A_112 : vector<16xi32>
      %jit3A_114 = arith.constant 1200 : i32
      %jit3A_115 = arith.constant 0 : i32
      %broadcast_in_dim3A_116 = vector.broadcast %jit3A_114 : i32 to vector<16xi32>
      %broadcast_in_dim3A_117 = vector.broadcast %jit3A_115 : i32 to vector<16xi32>
      %select_n3A_118 = arith.select %ge3A_113, %broadcast_in_dim3A_116, %broadcast_in_dim3A_117 : vector<16xi1>, vector<16xi32>
      %add3A_119 = arith.addi %get3A_110, %select_n3A_118 : vector<16xi32>
      %swap3A_120 = arith.constant 0 : i32
      %swap3A_121 = arith.index_cast %swap3A_120 : i32 to index
      %swap3A_122 = arith.constant 64 : index
      %swap3A_123 = tpu.vector_load %arg10[%swap3A_121, %swap3A_122] {strides = array<i32>} : memref<2x128xi32, #tpu.memory_space<vmem>>, vector<1x16xi32>,
      %swap3A_124 = vector.shape_cast %swap3A_123 : vector<1x16xi32> to vector<16xi32>
      %swap3A_125 = vector.shape_cast %add3A_119 : vector<16xi32> to vector<1x16xi32>
      tpu.vector_store %arg10[%swap3A_121, %swap3A_122], %swap3A_125 {strides = array<i32>} : memref<2x128xi32, #tpu.memory_space<vmem>>, vector<1x16xi32>,
      %get3A_126 = arith.constant 80 : index
      %get3A_127 = tpu.vector_load %arg8[%get3A_126] {strides = array<i32>} : memref<256xi32, #tpu.memory_space<vmem>>, vector<16xi32>,
      %get3A_128 = vector.shape_cast %get3A_127 : vector<16xi32> to vector<16xi32>
      %ge3A_129 = arith.constant 50000 : i32
      %ge3A_130 = vector.broadcast %ge3A_129 : i32 to vector<16xi32>
      %ge3A_131 = arith.cmpi sge, %get3A_128, %ge3A_130 : vector<16xi32>
      %jit3A_132 = arith.constant 1200 : i32
      %jit3A_133 = arith.constant 0 : i32
      %broadcast_in_dim3A_134 = vector.broadcast %jit3A_132 : i32 to vector<16xi32>
      %broadcast_in_dim3A_135 = vector.broadcast %jit3A_133 : i32 to vector<16xi32>
      %select_n3A_136 = arith.select %ge3A_131, %broadcast_in_dim3A_134, %broadcast_in_dim3A_135 : vector<16xi1>, vector<16xi32>
      %add3A_137 = arith.addi %get3A_128, %select_n3A_136 : vector<16xi32>
      %swap3A_138 = arith.constant 0 : i32
      %swap3A_139 = arith.index_cast %swap3A_138 : i32 to index
      %swap3A_140 = arith.constant 80 : index
      %swap3A_141 = tpu.vector_load %arg10[%swap3A_139, %swap3A_140] {strides = array<i32>} : memref<2x128xi32, #tpu.memory_space<vmem>>, vector<1x16xi32>,
      %swap3A_142 = vector.shape_cast %swap3A_141 : vector<1x16xi32> to vector<16xi32>
      %swap3A_143 = vector.shape_cast %add3A_137 : vector<16xi32> to vector<1x16xi32>
      tpu.vector_store %arg10[%swap3A_139, %swap3A_140], %swap3A_143 {strides = array<i32>} : memref<2x128xi32, #tpu.memory_space<vmem>>, vector<1x16xi32>,
      %get3A_144 = arith.constant 96 : index
      %get3A_145 = tpu.vector_load %arg8[%get3A_144] {strides = array<i32>} : memref<256xi32, #tpu.memory_space<vmem>>, vector<16xi32>,
      %get3A_146 = vector.shape_cast %get3A_145 : vector<16xi32> to vector<16xi32>
      %ge3A_147 = arith.constant 50000 : i32
      %ge3A_148 = vector.broadcast %ge3A_147 : i32 to vector<16xi32>
      %ge3A_149 = arith.cmpi sge, %get3A_146, %ge3A_148 : vector<16xi32>
      %jit3A_150 = arith.constant 1200 : i32
      %jit3A_151 = arith.constant 0 : i32
      %broadcast_in_dim3A_152 = vector.broadcast %jit3A_150 : i32 to vector<16xi32>
      %broadcast_in_dim3A_153 = vector.broadcast %jit3A_151 : i32 to vector<16xi32>
      %select_n3A_154 = arith.select %ge3A_149, %broadcast_in_dim3A_152, %broadcast_in_dim3A_153 : vector<16xi1>, vector<16xi32>
      %add3A_155 = arith.addi %get3A_146, %select_n3A_154 : vector<16xi32>
      %swap3A_156 = arith.constant 0 : i32
      %swap3A_157 = arith.index_cast %swap3A_156 : i32 to index
      %swap3A_158 = arith.constant 96 : index
      %swap3A_159 = tpu.vector_load %arg10[%swap3A_157, %swap3A_158] {strides = array<i32>} : memref<2x128xi32, #tpu.memory_space<vmem>>, vector<1x16xi32>,
      %swap3A_160 = vector.shape_cast %swap3A_159 : vector<1x16xi32> to vector<16xi32>
      %swap3A_161 = vector.shape_cast %add3A_155 : vector<16xi32> to vector<1x16xi32>
      tpu.vector_store %arg10[%swap3A_157, %swap3A_158], %swap3A_161 {strides = array<i32>} : memref<2x128xi32, #tpu.memory_space<vmem>>, vector<1x16xi32>,
      %get3A_162 = arith.constant 112 : index
      %get3A_163 = tpu.vector_load %arg8[%get3A_162] {strides = array<i32>} : memref<256xi32, #tpu.memory_space<vmem>>, vector<16xi32>,
      %get3A_164 = vector.shape_cast %get3A_163 : vector<16xi32> to vector<16xi32>
      %ge3A_165 = arith.constant 50000 : i32
      %ge3A_166 = vector.broadcast %ge3A_165 : i32 to vector<16xi32>
      %ge3A_167 = arith.cmpi sge, %get3A_164, %ge3A_166 : vector<16xi32>
      %jit3A_168 = arith.constant 1200 : i32
      %jit3A_169 = arith.constant 0 : i32
      %broadcast_in_dim3A_170 = vector.broadcast %jit3A_168 : i32 to vector<16xi32>
      %broadcast_in_dim3A_171 = vector.broadcast %jit3A_169 : i32 to vector<16xi32>
      %select_n3A_172 = arith.select %ge3A_167, %broadcast_in_dim3A_170, %broadcast_in_dim3A_171 : vector<16xi1>, vector<16xi32>
      %add3A_173 = arith.addi %get3A_164, %select_n3A_172 : vector<16xi32>
      %swap3A_174 = arith.constant 0 : i32
      %swap3A_175 = arith.index_cast %swap3A_174 : i32 to index
      %swap3A_176 = arith.constant 112 : index
      %swap3A_177 = tpu.vector_load %arg10[%swap3A_175, %swap3A_176] {strides = array<i32>} : memref<2x128xi32, #tpu.memory_space<vmem>>, vector<1x16xi32>,
      %swap3A_178 = vector.shape_cast %swap3A_177 : vector<1x16xi32> to vector<16xi32>
      %swap3A_179 = vector.shape_cast %add3A_173 : vector<16xi32> to vector<1x16xi32>
      tpu.vector_store %arg10[%swap3A_175, %swap3A_176], %swap3A_179 {strides = array<i32>} : memref<2x128xi32, #tpu.memory_space<vmem>>, vector<1x16xi32>,
      %get3A_180 = arith.constant 128 : index
      %get3A_181 = tpu.vector_load %arg8[%get3A_180] {strides = array<i32>} : memref<256xi32, #tpu.memory_space<vmem>>, vector<16xi32>,
      %get3A_182 = vector.shape_cast %get3A_181 : vector<16xi32> to vector<16xi32>
      %ge3A_183 = arith.constant 50000 : i32
      %ge3A_184 = vector.broadcast %ge3A_183 : i32 to vector<16xi32>
      %ge3A_185 = arith.cmpi sge, %get3A_182, %ge3A_184 : vector<16xi32>
      %jit3A_186 = arith.constant 1200 : i32
      %jit3A_187 = arith.constant 0 : i32
      %broadcast_in_dim3A_188 = vector.broadcast %jit3A_186 : i32 to vector<16xi32>
      %broadcast_in_dim3A_189 = vector.broadcast %jit3A_187 : i32 to vector<16xi32>
      %select_n3A_190 = arith.select %ge3A_185, %broadcast_in_dim3A_188, %broadcast_in_dim3A_189 : vector<16xi1>, vector<16xi32>
      %add3A_191 = arith.addi %get3A_182, %select_n3A_190 : vector<16xi32>
      %swap3A_192 = arith.constant 1 : i32
      %swap3A_193 = arith.index_cast %swap3A_192 : i32 to index
      %swap3A_194 = arith.constant 0 : index
      %swap3A_195 = tpu.vector_load %arg10[%swap3A_193, %swap3A_194] {strides = array<i32>} : memref<2x128xi32, #tpu.memory_space<vmem>>, vector<1x16xi32>,
      %swap3A_196 = vector.shape_cast %swap3A_195 : vector<1x16xi32> to vector<16xi32>
      %swap3A_197 = vector.shape_cast %add3A_191 : vector<16xi32> to vector<1x16xi32>
      tpu.vector_store %arg10[%swap3A_193, %swap3A_194], %swap3A_197 {strides = array<i32>} : memref<2x128xi32, #tpu.memory_space<vmem>>, vector<1x16xi32>,
      %get3A_198 = arith.constant 144 : index
      %get3A_199 = tpu.vector_load %arg8[%get3A_198] {strides = array<i32>} : memref<256xi32, #tpu.memory_space<vmem>>, vector<16xi32>,
      %get3A_200 = vector.shape_cast %get3A_199 : vector<16xi32> to vector<16xi32>
      %ge3A_201 = arith.constant 50000 : i32
      %ge3A_202 = vector.broadcast %ge3A_201 : i32 to vector<16xi32>
      %ge3A_203 = arith.cmpi sge, %get3A_200, %ge3A_202 : vector<16xi32>
      %jit3A_204 = arith.constant 1200 : i32
      %jit3A_205 = arith.constant 0 : i32
      %broadcast_in_dim3A_206 = vector.broadcast %jit3A_204 : i32 to vector<16xi32>
      %broadcast_in_dim3A_207 = vector.broadcast %jit3A_205 : i32 to vector<16xi32>
      %select_n3A_208 = arith.select %ge3A_203, %broadcast_in_dim3A_206, %broadcast_in_dim3A_207 : vector<16xi1>, vector<16xi32>
      %add3A_209 = arith.addi %get3A_200, %select_n3A_208 : vector<16xi32>
      %swap3A_210 = arith.constant 1 : i32
      %swap3A_211 = arith.index_cast %swap3A_210 : i32 to index
      %swap3A_212 = arith.constant 16 : index
      %swap3A_213 = tpu.vector_load %arg10[%swap3A_211, %swap3A_212] {strides = array<i32>} : memref<2x128xi32, #tpu.memory_space<vmem>>, vector<1x16xi32>,
      %swap3A_214 = vector.shape_cast %swap3A_213 : vector<1x16xi32> to vector<16xi32>
      %swap3A_215 = vector.shape_cast %add3A_209 : vector<16xi32> to vector<1x16xi32>
      tpu.vector_store %arg10[%swap3A_211, %swap3A_212], %swap3A_215 {strides = array<i32>} : memref<2x128xi32, #tpu.memory_space<vmem>>, vector<1x16xi32>,
      %get3A_216 = arith.constant 160 : index
      %get3A_217 = tpu.vector_load %arg8[%get3A_216] {strides = array<i32>} : memref<256xi32, #tpu.memory_space<vmem>>, vector<16xi32>,
      %get3A_218 = vector.shape_cast %get3A_217 : vector<16xi32> to vector<16xi32>
      %ge3A_219 = arith.constant 50000 : i32
      %ge3A_220 = vector.broadcast %ge3A_219 : i32 to vector<16xi32>
      %ge3A_221 = arith.cmpi sge, %get3A_218, %ge3A_220 : vector<16xi32>
      %jit3A_222 = arith.constant 1200 : i32
      %jit3A_223 = arith.constant 0 : i32
      %broadcast_in_dim3A_224 = vector.broadcast %jit3A_222 : i32 to vector<16xi32>
      %broadcast_in_dim3A_225 = vector.broadcast %jit3A_223 : i32 to vector<16xi32>
      %select_n3A_226 = arith.select %ge3A_221, %broadcast_in_dim3A_224, %broadcast_in_dim3A_225 : vector<16xi1>, vector<16xi32>
      %add3A_227 = arith.addi %get3A_218, %select_n3A_226 : vector<16xi32>
      %swap3A_228 = arith.constant 1 : i32
      %swap3A_229 = arith.index_cast %swap3A_228 : i32 to index
      %swap3A_230 = arith.constant 32 : index
      %swap3A_231 = tpu.vector_load %arg10[%swap3A_229, %swap3A_230] {strides = array<i32>} : memref<2x128xi32, #tpu.memory_space<vmem>>, vector<1x16xi32>,
      %swap3A_232 = vector.shape_cast %swap3A_231 : vector<1x16xi32> to vector<16xi32>
      %swap3A_233 = vector.shape_cast %add3A_227 : vector<16xi32> to vector<1x16xi32>
      tpu.vector_store %arg10[%swap3A_229, %swap3A_230], %swap3A_233 {strides = array<i32>} : memref<2x128xi32, #tpu.memory_space<vmem>>, vector<1x16xi32>,
      %get3A_234 = arith.constant 176 : index
      %get3A_235 = tpu.vector_load %arg8[%get3A_234] {strides = array<i32>} : memref<256xi32, #tpu.memory_space<vmem>>, vector<16xi32>,
      %get3A_236 = vector.shape_cast %get3A_235 : vector<16xi32> to vector<16xi32>
      %ge3A_237 = arith.constant 50000 : i32
      %ge3A_238 = vector.broadcast %ge3A_237 : i32 to vector<16xi32>
      %ge3A_239 = arith.cmpi sge, %get3A_236, %ge3A_238 : vector<16xi32>
      %jit3A_240 = arith.constant 1200 : i32
      %jit3A_241 = arith.constant 0 : i32
      %broadcast_in_dim3A_242 = vector.broadcast %jit3A_240 : i32 to vector<16xi32>
      %broadcast_in_dim3A_243 = vector.broadcast %jit3A_241 : i32 to vector<16xi32>
      %select_n3A_244 = arith.select %ge3A_239, %broadcast_in_dim3A_242, %broadcast_in_dim3A_243 : vector<16xi1>, vector<16xi32>
      %add3A_245 = arith.addi %get3A_236, %select_n3A_244 : vector<16xi32>
      %swap3A_246 = arith.constant 1 : i32
      %swap3A_247 = arith.index_cast %swap3A_246 : i32 to index
      %swap3A_248 = arith.constant 48 : index
      %swap3A_249 = tpu.vector_load %arg10[%swap3A_247, %swap3A_248] {strides = array<i32>} : memref<2x128xi32, #tpu.memory_space<vmem>>, vector<1x16xi32>,
      %swap3A_250 = vector.shape_cast %swap3A_249 : vector<1x16xi32> to vector<16xi32>
      %swap3A_251 = vector.shape_cast %add3A_245 : vector<16xi32> to vector<1x16xi32>
      tpu.vector_store %arg10[%swap3A_247, %swap3A_248], %swap3A_251 {strides = array<i32>} : memref<2x128xi32, #tpu.memory_space<vmem>>, vector<1x16xi32>,
      %get3A_252 = arith.constant 192 : index
      %get3A_253 = tpu.vector_load %arg8[%get3A_252] {strides = array<i32>} : memref<256xi32, #tpu.memory_space<vmem>>, vector<16xi32>,
      %get3A_254 = vector.shape_cast %get3A_253 : vector<16xi32> to vector<16xi32>
      %ge3A_255 = arith.constant 50000 : i32
      %ge3A_256 = vector.broadcast %ge3A_255 : i32 to vector<16xi32>
      %ge3A_257 = arith.cmpi sge, %get3A_254, %ge3A_256 : vector<16xi32>
      %jit3A_258 = arith.constant 1200 : i32
      %jit3A_259 = arith.constant 0 : i32
      %broadcast_in_dim3A_260 = vector.broadcast %jit3A_258 : i32 to vector<16xi32>
      %broadcast_in_dim3A_261 = vector.broadcast %jit3A_259 : i32 to vector<16xi32>
      %select_n3A_262 = arith.select %ge3A_257, %broadcast_in_dim3A_260, %broadcast_in_dim3A_261 : vector<16xi1>, vector<16xi32>
      %add3A_263 = arith.addi %get3A_254, %select_n3A_262 : vector<16xi32>
      %swap3A_264 = arith.constant 1 : i32
      %swap3A_265 = arith.index_cast %swap3A_264 : i32 to index
      %swap3A_266 = arith.constant 64 : index
      %swap3A_267 = tpu.vector_load %arg10[%swap3A_265, %swap3A_266] {strides = array<i32>} : memref<2x128xi32, #tpu.memory_space<vmem>>, vector<1x16xi32>,
      %swap3A_268 = vector.shape_cast %swap3A_267 : vector<1x16xi32> to vector<16xi32>
      %swap3A_269 = vector.shape_cast %add3A_263 : vector<16xi32> to vector<1x16xi32>
      tpu.vector_store %arg10[%swap3A_265, %swap3A_266], %swap3A_269 {strides = array<i32>} : memref<2x128xi32, #tpu.memory_space<vmem>>, vector<1x16xi32>,
      %get3A_270 = arith.constant 208 : index
      %get3A_271 = tpu.vector_load %arg8[%get3A_270] {strides = array<i32>} : memref<256xi32, #tpu.memory_space<vmem>>, vector<16xi32>,
      %get3A_272 = vector.shape_cast %get3A_271 : vector<16xi32> to vector<16xi32>
      %ge3A_273 = arith.constant 50000 : i32
      %ge3A_274 = vector.broadcast %ge3A_273 : i32 to vector<16xi32>
      %ge3A_275 = arith.cmpi sge, %get3A_272, %ge3A_274 : vector<16xi32>
      %jit3A_276 = arith.constant 1200 : i32
      %jit3A_277 = arith.constant 0 : i32
      %broadcast_in_dim3A_278 = vector.broadcast %jit3A_276 : i32 to vector<16xi32>
      %broadcast_in_dim3A_279 = vector.broadcast %jit3A_277 : i32 to vector<16xi32>
      %select_n3A_280 = arith.select %ge3A_275, %broadcast_in_dim3A_278, %broadcast_in_dim3A_279 : vector<16xi1>, vector<16xi32>
      %add3A_281 = arith.addi %get3A_272, %select_n3A_280 : vector<16xi32>
      %swap3A_282 = arith.constant 1 : i32
      %swap3A_283 = arith.index_cast %swap3A_282 : i32 to index
      %swap3A_284 = arith.constant 80 : index
      %swap3A_285 = tpu.vector_load %arg10[%swap3A_283, %swap3A_284] {strides = array<i32>} : memref<2x128xi32, #tpu.memory_space<vmem>>, vector<1x16xi32>,
      %swap3A_286 = vector.shape_cast %swap3A_285 : vector<1x16xi32> to vector<16xi32>
      %swap3A_287 = vector.shape_cast %add3A_281 : vector<16xi32> to vector<1x16xi32>
      tpu.vector_store %arg10[%swap3A_283, %swap3A_284], %swap3A_287 {strides = array<i32>} : memref<2x128xi32, #tpu.memory_space<vmem>>, vector<1x16xi32>,
      %get3A_288 = arith.constant 224 : index
      %get3A_289 = tpu.vector_load %arg8[%get3A_288] {strides = array<i32>} : memref<256xi32, #tpu.memory_space<vmem>>, vector<16xi32>,
      %get3A_290 = vector.shape_cast %get3A_289 : vector<16xi32> to vector<16xi32>
      %ge3A_291 = arith.constant 50000 : i32
      %ge3A_292 = vector.broadcast %ge3A_291 : i32 to vector<16xi32>
      %ge3A_293 = arith.cmpi sge, %get3A_290, %ge3A_292 : vector<16xi32>
      %jit3A_294 = arith.constant 1200 : i32
      %jit3A_295 = arith.constant 0 : i32
      %broadcast_in_dim3A_296 = vector.broadcast %jit3A_294 : i32 to vector<16xi32>
      %broadcast_in_dim3A_297 = vector.broadcast %jit3A_295 : i32 to vector<16xi32>
      %select_n3A_298 = arith.select %ge3A_293, %broadcast_in_dim3A_296, %broadcast_in_dim3A_297 : vector<16xi1>, vector<16xi32>
      %add3A_299 = arith.addi %get3A_290, %select_n3A_298 : vector<16xi32>
      %swap3A_300 = arith.constant 1 : i32
      %swap3A_301 = arith.index_cast %swap3A_300 : i32 to index
      %swap3A_302 = arith.constant 96 : index
      %swap3A_303 = tpu.vector_load %arg10[%swap3A_301, %swap3A_302] {strides = array<i32>} : memref<2x128xi32, #tpu.memory_space<vmem>>, vector<1x16xi32>,
      %swap3A_304 = vector.shape_cast %swap3A_303 : vector<1x16xi32> to vector<16xi32>
      %swap3A_305 = vector.shape_cast %add3A_299 : vector<16xi32> to vector<1x16xi32>
      tpu.vector_store %arg10[%swap3A_301, %swap3A_302], %swap3A_305 {strides = array<i32>} : memref<2x128xi32, #tpu.memory_space<vmem>>, vector<1x16xi32>,
      %get3A_306 = arith.constant 240 : index
      %get3A_307 = tpu.vector_load %arg8[%get3A_306] {strides = array<i32>} : memref<256xi32, #tpu.memory_space<vmem>>, vector<16xi32>,
      %get3A_308 = vector.shape_cast %get3A_307 : vector<16xi32> to vector<16xi32>
      %ge3A_309 = arith.constant 50000 : i32
      %ge3A_310 = vector.broadcast %ge3A_309 : i32 to vector<16xi32>
      %ge3A_311 = arith.cmpi sge, %get3A_308, %ge3A_310 : vector<16xi32>
      %jit3A_312 = arith.constant 1200 : i32
      %jit3A_313 = arith.constant 0 : i32
      %broadcast_in_dim3A_314 = vector.broadcast %jit3A_312 : i32 to vector<16xi32>
      %broadcast_in_dim3A_315 = vector.broadcast %jit3A_313 : i32 to vector<16xi32>
      %select_n3A_316 = arith.select %ge3A_311, %broadcast_in_dim3A_314, %broadcast_in_dim3A_315 : vector<16xi1>, vector<16xi32>
      %add3A_317 = arith.addi %get3A_308, %select_n3A_316 : vector<16xi32>
      %swap3A_318 = arith.constant 1 : i32
      %swap3A_319 = arith.index_cast %swap3A_318 : i32 to index
      %swap3A_320 = arith.constant 112 : index
      %swap3A_321 = tpu.vector_load %arg10[%swap3A_319, %swap3A_320] {strides = array<i32>} : memref<2x128xi32, #tpu.memory_space<vmem>>, vector<1x16xi32>,
      %swap3A_322 = vector.shape_cast %swap3A_321 : vector<1x16xi32> to vector<16xi32>
      %swap3A_323 = vector.shape_cast %add3A_317 : vector<16xi32> to vector<1x16xi32>
      tpu.vector_store %arg10[%swap3A_319, %swap3A_320], %swap3A_323 {strides = array<i32>} : memref<2x128xi32, #tpu.memory_space<vmem>>, vector<1x16xi32>,
      %dma_start3A_324 = arith.constant 0 : i32
      %dma_start3A_325 = arith.constant 0 : i32
      %dma_start3A_326 = arith.constant 0 : i32
      %dma_start3A_327 = tpu.memref_slice %arg12[%dma_start3A_325, %dma_start3A_326] : memref<256x32xf32, #tpu.memory_space<vmem>> -> memref<128x32xf32, #tpu.memory_space<vmem>>
      %dma_start3A_328 = arith.constant 0 : i32
      %dma_start3A_329 = tpu.memref_slice %arg10[%dma_start3A_324, %dma_start3A_328] : memref<2x128xi32, #tpu.memory_space<vmem>> -> memref<1x128xi32, #tpu.memory_space<vmem>>
      %dma_start3A_330 = tpu.memref_squeeze %dma_start3A_329 : memref<1x128xi32, #tpu.memory_space<vmem>> -> memref<128xi32, #tpu.memory_space<vmem>>
      %dma_start3A_331 = arith.constant 0 : i32
      %dma_start3A_332 = arith.constant 0 : i32
      %dma_start3A_333 = tpu.memref_slice %arg2[%dma_start3A_331, %dma_start3A_332] : memref<102400x32xf32, #tpu.memory_space<hbm>> -> memref<102400x32xf32, #tpu.memory_space<hbm>>
      tpu.enqueue_indirect_dma source(%dma_start3A_333 : memref<102400x32xf32, #tpu.memory_space<hbm>>) target(%dma_start3A_327 : memref<128x32xf32, #tpu.memory_space<vmem>>) offsets(%dma_start3A_330 : memref<128xi32, #tpu.memory_space<vmem>>) semaphore(%arg14 : memref<!tpu.dma_semaphore, #tpu.memory_space<semaphore_mem>>)
      %dma_start3A_334 = arith.constant 1 : i32
      %dma_start3A_335 = arith.constant 128 : i32
      %dma_start3A_336 = arith.constant 0 : i32
      %dma_start3A_337 = tpu.memref_slice %arg12[%dma_start3A_335, %dma_start3A_336] : memref<256x32xf32, #tpu.memory_space<vmem>> -> memref<128x32xf32, #tpu.memory_space<vmem>>
      %dma_start3A_338 = arith.constant 0 : i32
      %dma_start3A_339 = tpu.memref_slice %arg10[%dma_start3A_334, %dma_start3A_338] : memref<2x128xi32, #tpu.memory_space<vmem>> -> memref<1x128xi32, #tpu.memory_space<vmem>>
      %dma_start3A_340 = tpu.memref_squeeze %dma_start3A_339 : memref<1x128xi32, #tpu.memory_space<vmem>> -> memref<128xi32, #tpu.memory_space<vmem>>
      %dma_start3A_341 = arith.constant 0 : i32
      %dma_start3A_342 = arith.constant 0 : i32
      %dma_start3A_343 = tpu.memref_slice %arg2[%dma_start3A_341, %dma_start3A_342] : memref<102400x32xf32, #tpu.memory_space<hbm>> -> memref<102400x32xf32, #tpu.memory_space<hbm>>
      tpu.enqueue_indirect_dma source(%dma_start3A_343 : memref<102400x32xf32, #tpu.memory_space<hbm>>) target(%dma_start3A_337 : memref<128x32xf32, #tpu.memory_space<vmem>>) offsets(%dma_start3A_340 : memref<128xi32, #tpu.memory_space<vmem>>) semaphore(%arg14 : memref<!tpu.dma_semaphore, #tpu.memory_space<semaphore_mem>>)
      %get3A_344 = arith.constant 0 : index
      %get3A_345 = tpu.vector_load %arg9[%get3A_344] {strides = array<i32>} : memref<256xi32, #tpu.memory_space<vmem>>, vector<16xi32>,
      %get3A_346 = vector.shape_cast %get3A_345 : vector<16xi32> to vector<16xi32>
      %sub3A = vector.broadcast %mul3A_0 : i32 to vector<16xi32>
      %sub3A_347 = arith.subi %get3A_346, %sub3A : vector<16xi32>
      %lt3A = arith.constant 0 : i32
      %lt3A_348 = vector.broadcast %lt3A : i32 to vector<16xi32>
      %lt3A_349 = arith.cmpi slt, %sub3A_347, %lt3A_348 : vector<16xi32>
      %ge3A_350 = arith.constant 50000 : i32
      %ge3A_351 = vector.broadcast %ge3A_350 : i32 to vector<16xi32>
      %ge3A_352 = arith.cmpi sge, %sub3A_347, %ge3A_351 : vector<16xi32>
      %or3A = arith.ori %lt3A_349, %ge3A_352 : vector<16xi1>
      %mul3A_353 = arith.constant 67 : i32
      %mul3A_354 = arith.muli %arg1, %mul3A_353 : i32
      %add3A_355 = arith.constant 0 : i32
      %add3A_356 = arith.addi %add3A_355, %mul3A_354 : i32
      %mul3A_357 = arith.constant 131 : i32
      %mul3A_358 = arith.muli %mul3A_19, %mul3A_357 : i32
      %add3A_359 = arith.addi %add3A_356, %mul3A_358 : i32
      %add3A_360 = vector.broadcast %add3A_359 : i32 to vector<16xi32>
      %add3A_361 = arith.addi %iota3A, %add3A_360 : vector<16xi32>
      %and3A = arith.constant 1023 : i32
      %and3A_362 = vector.broadcast %and3A : i32 to vector<16xi32>
      %and3A_363 = arith.andi %add3A_361, %and3A_362 : vector<16xi32>
      %add3A_364 = arith.constant 50000 : i32
      %add3A_365 = vector.broadcast %add3A_364 : i32 to vector<16xi32>
      %add3A_366 = arith.addi %add3A_365, %and3A_363 : vector<16xi32>
      %select_n3A_367 = arith.select %or3A, %add3A_366, %sub3A_347 : vector<16xi1>, vector<16xi32>
      %swap3A_368 = arith.constant 0 : i32
      %swap3A_369 = arith.index_cast %swap3A_368 : i32 to index
      %swap3A_370 = arith.constant 0 : index
      %swap3A_371 = tpu.vector_load %arg11[%swap3A_369, %swap3A_370] {strides = array<i32>} : memref<2x128xi32, #tpu.memory_space<vmem>>, vector<1x16xi32>,
      %swap3A_372 = vector.shape_cast %swap3A_371 : vector<1x16xi32> to vector<16xi32>
      %swap3A_373 = vector.shape_cast %select_n3A_367 : vector<16xi32> to vector<1x16xi32>
      tpu.vector_store %arg11[%swap3A_369, %swap3A_370], %swap3A_373 {strides = array<i32>} : memref<2x128xi32, #tpu.memory_space<vmem>>, vector<1x16xi32>,
      %get3A_374 = arith.constant 16 : index
      %get3A_375 = tpu.vector_load %arg9[%get3A_374] {strides = array<i32>} : memref<256xi32, #tpu.memory_space<vmem>>, vector<16xi32>,
      %get3A_376 = vector.shape_cast %get3A_375 : vector<16xi32> to vector<16xi32>
      %sub3A_377 = vector.broadcast %mul3A_0 : i32 to vector<16xi32>
      %sub3A_378 = arith.subi %get3A_376, %sub3A_377 : vector<16xi32>
      %lt3A_379 = arith.constant 0 : i32
      %lt3A_380 = vector.broadcast %lt3A_379 : i32 to vector<16xi32>
      %lt3A_381 = arith.cmpi slt, %sub3A_378, %lt3A_380 : vector<16xi32>
      %ge3A_382 = arith.constant 50000 : i32
      %ge3A_383 = vector.broadcast %ge3A_382 : i32 to vector<16xi32>
      %ge3A_384 = arith.cmpi sge, %sub3A_378, %ge3A_383 : vector<16xi32>
      %or3A_385 = arith.ori %lt3A_381, %ge3A_384 : vector<16xi1>
      %mul3A_386 = arith.constant 67 : i32
      %mul3A_387 = arith.muli %arg1, %mul3A_386 : i32
      %add3A_388 = arith.constant 16 : i32
      %add3A_389 = arith.addi %add3A_388, %mul3A_387 : i32
      %mul3A_390 = arith.constant 131 : i32
      %mul3A_391 = arith.muli %mul3A_19, %mul3A_390 : i32
      %add3A_392 = arith.addi %add3A_389, %mul3A_391 : i32
      %add3A_393 = vector.broadcast %add3A_392 : i32 to vector<16xi32>
      %add3A_394 = arith.addi %iota3A, %add3A_393 : vector<16xi32>
      %and3A_395 = arith.constant 1023 : i32
      %and3A_396 = vector.broadcast %and3A_395 : i32 to vector<16xi32>
      %and3A_397 = arith.andi %add3A_394, %and3A_396 : vector<16xi32>
      %add3A_398 = arith.constant 50000 : i32
      %add3A_399 = vector.broadcast %add3A_398 : i32 to vector<16xi32>
      %add3A_400 = arith.addi %add3A_399, %and3A_397 : vector<16xi32>
      %select_n3A_401 = arith.select %or3A_385, %add3A_400, %sub3A_378 : vector<16xi1>, vector<16xi32>
      %swap3A_402 = arith.constant 0 : i32
      %swap3A_403 = arith.index_cast %swap3A_402 : i32 to index
      %swap3A_404 = arith.constant 16 : index
      %swap3A_405 = tpu.vector_load %arg11[%swap3A_403, %swap3A_404] {strides = array<i32>} : memref<2x128xi32, #tpu.memory_space<vmem>>, vector<1x16xi32>,
      %swap3A_406 = vector.shape_cast %swap3A_405 : vector<1x16xi32> to vector<16xi32>
      %swap3A_407 = vector.shape_cast %select_n3A_401 : vector<16xi32> to vector<1x16xi32>
      tpu.vector_store %arg11[%swap3A_403, %swap3A_404], %swap3A_407 {strides = array<i32>} : memref<2x128xi32, #tpu.memory_space<vmem>>, vector<1x16xi32>,
      %get3A_408 = arith.constant 32 : index
      %get3A_409 = tpu.vector_load %arg9[%get3A_408] {strides = array<i32>} : memref<256xi32, #tpu.memory_space<vmem>>, vector<16xi32>,
      %get3A_410 = vector.shape_cast %get3A_409 : vector<16xi32> to vector<16xi32>
      %sub3A_411 = vector.broadcast %mul3A_0 : i32 to vector<16xi32>
      %sub3A_412 = arith.subi %get3A_410, %sub3A_411 : vector<16xi32>
      %lt3A_413 = arith.constant 0 : i32
      %lt3A_414 = vector.broadcast %lt3A_413 : i32 to vector<16xi32>
      %lt3A_415 = arith.cmpi slt, %sub3A_412, %lt3A_414 : vector<16xi32>
      %ge3A_416 = arith.constant 50000 : i32
      %ge3A_417 = vector.broadcast %ge3A_416 : i32 to vector<16xi32>
      %ge3A_418 = arith.cmpi sge, %sub3A_412, %ge3A_417 : vector<16xi32>
      %or3A_419 = arith.ori %lt3A_415, %ge3A_418 : vector<16xi1>
      %mul3A_420 = arith.constant 67 : i32
      %mul3A_421 = arith.muli %arg1, %mul3A_420 : i32
      %add3A_422 = arith.constant 32 : i32
      %add3A_423 = arith.addi %add3A_422, %mul3A_421 : i32
      %mul3A_424 = arith.constant 131 : i32
      %mul3A_425 = arith.muli %mul3A_19, %mul3A_424 : i32
      %add3A_426 = arith.addi %add3A_423, %mul3A_425 : i32
      %add3A_427 = vector.broadcast %add3A_426 : i32 to vector<16xi32>
      %add3A_428 = arith.addi %iota3A, %add3A_427 : vector<16xi32>
      %and3A_429 = arith.constant 1023 : i32
      %and3A_430 = vector.broadcast %and3A_429 : i32 to vector<16xi32>
      %and3A_431 = arith.andi %add3A_428, %and3A_430 : vector<16xi32>
      %add3A_432 = arith.constant 50000 : i32
      %add3A_433 = vector.broadcast %add3A_432 : i32 to vector<16xi32>
      %add3A_434 = arith.addi %add3A_433, %and3A_431 : vector<16xi32>
      %select_n3A_435 = arith.select %or3A_419, %add3A_434, %sub3A_412 : vector<16xi1>, vector<16xi32>
      %swap3A_436 = arith.constant 0 : i32
      %swap3A_437 = arith.index_cast %swap3A_436 : i32 to index
      %swap3A_438 = arith.constant 32 : index
      %swap3A_439 = tpu.vector_load %arg11[%swap3A_437, %swap3A_438] {strides = array<i32>} : memref<2x128xi32, #tpu.memory_space<vmem>>, vector<1x16xi32>,
      %swap3A_440 = vector.shape_cast %swap3A_439 : vector<1x16xi32> to vector<16xi32>
      %swap3A_441 = vector.shape_cast %select_n3A_435 : vector<16xi32> to vector<1x16xi32>
      tpu.vector_store %arg11[%swap3A_437, %swap3A_438], %swap3A_441 {strides = array<i32>} : memref<2x128xi32, #tpu.memory_space<vmem>>, vector<1x16xi32>,
      %get3A_442 = arith.constant 48 : index
      %get3A_443 = tpu.vector_load %arg9[%get3A_442] {strides = array<i32>} : memref<256xi32, #tpu.memory_space<vmem>>, vector<16xi32>,
      %get3A_444 = vector.shape_cast %get3A_443 : vector<16xi32> to vector<16xi32>
      %sub3A_445 = vector.broadcast %mul3A_0 : i32 to vector<16xi32>
      %sub3A_446 = arith.subi %get3A_444, %sub3A_445 : vector<16xi32>
      %lt3A_447 = arith.constant 0 : i32
      %lt3A_448 = vector.broadcast %lt3A_447 : i32 to vector<16xi32>
      %lt3A_449 = arith.cmpi slt, %sub3A_446, %lt3A_448 : vector<16xi32>
      %ge3A_450 = arith.constant 50000 : i32
      %ge3A_451 = vector.broadcast %ge3A_450 : i32 to vector<16xi32>
      %ge3A_452 = arith.cmpi sge, %sub3A_446, %ge3A_451 : vector<16xi32>
      %or3A_453 = arith.ori %lt3A_449, %ge3A_452 : vector<16xi1>
      %mul3A_454 = arith.constant 67 : i32
      %mul3A_455 = arith.muli %arg1, %mul3A_454 : i32
      %add3A_456 = arith.constant 48 : i32
      %add3A_457 = arith.addi %add3A_456, %mul3A_455 : i32
      %mul3A_458 = arith.constant 131 : i32
      %mul3A_459 = arith.muli %mul3A_19, %mul3A_458 : i32
      %add3A_460 = arith.addi %add3A_457, %mul3A_459 : i32
      %add3A_461 = vector.broadcast %add3A_460 : i32 to vector<16xi32>
      %add3A_462 = arith.addi %iota3A, %add3A_461 : vector<16xi32>
      %and3A_463 = arith.constant 1023 : i32
      %and3A_464 = vector.broadcast %and3A_463 : i32 to vector<16xi32>
      %and3A_465 = arith.andi %add3A_462, %and3A_464 : vector<16xi32>
      %add3A_466 = arith.constant 50000 : i32
      %add3A_467 = vector.broadcast %add3A_466 : i32 to vector<16xi32>
      %add3A_468 = arith.addi %add3A_467, %and3A_465 : vector<16xi32>
      %select_n3A_469 = arith.select %or3A_453, %add3A_468, %sub3A_446 : vector<16xi1>, vector<16xi32>
      %swap3A_470 = arith.constant 0 : i32
      %swap3A_471 = arith.index_cast %swap3A_470 : i32 to index
      %swap3A_472 = arith.constant 48 : index
      %swap3A_473 = tpu.vector_load %arg11[%swap3A_471, %swap3A_472] {strides = array<i32>} : memref<2x128xi32, #tpu.memory_space<vmem>>, vector<1x16xi32>,
      %swap3A_474 = vector.shape_cast %swap3A_473 : vector<1x16xi32> to vector<16xi32>
      %swap3A_475 = vector.shape_cast %select_n3A_469 : vector<16xi32> to vector<1x16xi32>
      tpu.vector_store %arg11[%swap3A_471, %swap3A_472], %swap3A_475 {strides = array<i32>} : memref<2x128xi32, #tpu.memory_space<vmem>>, vector<1x16xi32>,
      %get3A_476 = arith.constant 64 : index
      %get3A_477 = tpu.vector_load %arg9[%get3A_476] {strides = array<i32>} : memref<256xi32, #tpu.memory_space<vmem>>, vector<16xi32>,
      %get3A_478 = vector.shape_cast %get3A_477 : vector<16xi32> to vector<16xi32>
      %sub3A_479 = vector.broadcast %mul3A_0 : i32 to vector<16xi32>
      %sub3A_480 = arith.subi %get3A_478, %sub3A_479 : vector<16xi32>
      %lt3A_481 = arith.constant 0 : i32
      %lt3A_482 = vector.broadcast %lt3A_481 : i32 to vector<16xi32>
      %lt3A_483 = arith.cmpi slt, %sub3A_480, %lt3A_482 : vector<16xi32>
      %ge3A_484 = arith.constant 50000 : i32
      %ge3A_485 = vector.broadcast %ge3A_484 : i32 to vector<16xi32>
      %ge3A_486 = arith.cmpi sge, %sub3A_480, %ge3A_485 : vector<16xi32>
      %or3A_487 = arith.ori %lt3A_483, %ge3A_486 : vector<16xi1>
      %mul3A_488 = arith.constant 67 : i32
      %mul3A_489 = arith.muli %arg1, %mul3A_488 : i32
      %add3A_490 = arith.constant 64 : i32
      %add3A_491 = arith.addi %add3A_490, %mul3A_489 : i32
      %mul3A_492 = arith.constant 131 : i32
      %mul3A_493 = arith.muli %mul3A_19, %mul3A_492 : i32
      %add3A_494 = arith.addi %add3A_491, %mul3A_493 : i32
      %add3A_495 = vector.broadcast %add3A_494 : i32 to vector<16xi32>
      %add3A_496 = arith.addi %iota3A, %add3A_495 : vector<16xi32>
      %and3A_497 = arith.constant 1023 : i32
      %and3A_498 = vector.broadcast %and3A_497 : i32 to vector<16xi32>
      %and3A_499 = arith.andi %add3A_496, %and3A_498 : vector<16xi32>
      %add3A_500 = arith.constant 50000 : i32
      %add3A_501 = vector.broadcast %add3A_500 : i32 to vector<16xi32>
      %add3A_502 = arith.addi %add3A_501, %and3A_499 : vector<16xi32>
      %select_n3A_503 = arith.select %or3A_487, %add3A_502, %sub3A_480 : vector<16xi1>, vector<16xi32>
      %swap3A_504 = arith.constant 0 : i32
      %swap3A_505 = arith.index_cast %swap3A_504 : i32 to index
      %swap3A_506 = arith.constant 64 : index
      %swap3A_507 = tpu.vector_load %arg11[%swap3A_505, %swap3A_506] {strides = array<i32>} : memref<2x128xi32, #tpu.memory_space<vmem>>, vector<1x16xi32>,
      %swap3A_508 = vector.shape_cast %swap3A_507 : vector<1x16xi32> to vector<16xi32>
      %swap3A_509 = vector.shape_cast %select_n3A_503 : vector<16xi32> to vector<1x16xi32>
      tpu.vector_store %arg11[%swap3A_505, %swap3A_506], %swap3A_509 {strides = array<i32>} : memref<2x128xi32, #tpu.memory_space<vmem>>, vector<1x16xi32>,
      %get3A_510 = arith.constant 80 : index
      %get3A_511 = tpu.vector_load %arg9[%get3A_510] {strides = array<i32>} : memref<256xi32, #tpu.memory_space<vmem>>, vector<16xi32>,
      %get3A_512 = vector.shape_cast %get3A_511 : vector<16xi32> to vector<16xi32>
      %sub3A_513 = vector.broadcast %mul3A_0 : i32 to vector<16xi32>
      %sub3A_514 = arith.subi %get3A_512, %sub3A_513 : vector<16xi32>
      %lt3A_515 = arith.constant 0 : i32
      %lt3A_516 = vector.broadcast %lt3A_515 : i32 to vector<16xi32>
      %lt3A_517 = arith.cmpi slt, %sub3A_514, %lt3A_516 : vector<16xi32>
      %ge3A_518 = arith.constant 50000 : i32
      %ge3A_519 = vector.broadcast %ge3A_518 : i32 to vector<16xi32>
      %ge3A_520 = arith.cmpi sge, %sub3A_514, %ge3A_519 : vector<16xi32>
      %or3A_521 = arith.ori %lt3A_517, %ge3A_520 : vector<16xi1>
      %mul3A_522 = arith.constant 67 : i32
      %mul3A_523 = arith.muli %arg1, %mul3A_522 : i32
      %add3A_524 = arith.constant 80 : i32
      %add3A_525 = arith.addi %add3A_524, %mul3A_523 : i32
      %mul3A_526 = arith.constant 131 : i32
      %mul3A_527 = arith.muli %mul3A_19, %mul3A_526 : i32
      %add3A_528 = arith.addi %add3A_525, %mul3A_527 : i32
      %add3A_529 = vector.broadcast %add3A_528 : i32 to vector<16xi32>
      %add3A_530 = arith.addi %iota3A, %add3A_529 : vector<16xi32>
      %and3A_531 = arith.constant 1023 : i32
      %and3A_532 = vector.broadcast %and3A_531 : i32 to vector<16xi32>
      %and3A_533 = arith.andi %add3A_530, %and3A_532 : vector<16xi32>
      %add3A_534 = arith.constant 50000 : i32
      %add3A_535 = vector.broadcast %add3A_534 : i32 to vector<16xi32>
      %add3A_536 = arith.addi %add3A_535, %and3A_533 : vector<16xi32>
      %select_n3A_537 = arith.select %or3A_521, %add3A_536, %sub3A_514 : vector<16xi1>, vector<16xi32>
      %swap3A_538 = arith.constant 0 : i32
      %swap3A_539 = arith.index_cast %swap3A_538 : i32 to index
      %swap3A_540 = arith.constant 80 : index
      %swap3A_541 = tpu.vector_load %arg11[%swap3A_539, %swap3A_540] {strides = array<i32>} : memref<2x128xi32, #tpu.memory_space<vmem>>, vector<1x16xi32>,
      %swap3A_542 = vector.shape_cast %swap3A_541 : vector<1x16xi32> to vector<16xi32>
      %swap3A_543 = vector.shape_cast %select_n3A_537 : vector<16xi32> to vector<1x16xi32>
      tpu.vector_store %arg11[%swap3A_539, %swap3A_540], %swap3A_543 {strides = array<i32>} : memref<2x128xi32, #tpu.memory_space<vmem>>, vector<1x16xi32>,
      %get3A_544 = arith.constant 96 : index
      %get3A_545 = tpu.vector_load %arg9[%get3A_544] {strides = array<i32>} : memref<256xi32, #tpu.memory_space<vmem>>, vector<16xi32>,
      %get3A_546 = vector.shape_cast %get3A_545 : vector<16xi32> to vector<16xi32>
      %sub3A_547 = vector.broadcast %mul3A_0 : i32 to vector<16xi32>
      %sub3A_548 = arith.subi %get3A_546, %sub3A_547 : vector<16xi32>
      %lt3A_549 = arith.constant 0 : i32
      %lt3A_550 = vector.broadcast %lt3A_549 : i32 to vector<16xi32>
      %lt3A_551 = arith.cmpi slt, %sub3A_548, %lt3A_550 : vector<16xi32>
      %ge3A_552 = arith.constant 50000 : i32
      %ge3A_553 = vector.broadcast %ge3A_552 : i32 to vector<16xi32>
      %ge3A_554 = arith.cmpi sge, %sub3A_548, %ge3A_553 : vector<16xi32>
      %or3A_555 = arith.ori %lt3A_551, %ge3A_554 : vector<16xi1>
      %mul3A_556 = arith.constant 67 : i32
      %mul3A_557 = arith.muli %arg1, %mul3A_556 : i32
      %add3A_558 = arith.constant 96 : i32
      %add3A_559 = arith.addi %add3A_558, %mul3A_557 : i32
      %mul3A_560 = arith.constant 131 : i32
      %mul3A_561 = arith.muli %mul3A_19, %mul3A_560 : i32
      %add3A_562 = arith.addi %add3A_559, %mul3A_561 : i32
      %add3A_563 = vector.broadcast %add3A_562 : i32 to vector<16xi32>
      %add3A_564 = arith.addi %iota3A, %add3A_563 : vector<16xi32>
      %and3A_565 = arith.constant 1023 : i32
      %and3A_566 = vector.broadcast %and3A_565 : i32 to vector<16xi32>
      %and3A_567 = arith.andi %add3A_564, %and3A_566 : vector<16xi32>
      %add3A_568 = arith.constant 50000 : i32
      %add3A_569 = vector.broadcast %add3A_568 : i32 to vector<16xi32>
      %add3A_570 = arith.addi %add3A_569, %and3A_567 : vector<16xi32>
      %select_n3A_571 = arith.select %or3A_555, %add3A_570, %sub3A_548 : vector<16xi1>, vector<16xi32>
      %swap3A_572 = arith.constant 0 : i32
      %swap3A_573 = arith.index_cast %swap3A_572 : i32 to index
      %swap3A_574 = arith.constant 96 : index
      %swap3A_575 = tpu.vector_load %arg11[%swap3A_573, %swap3A_574] {strides = array<i32>} : memref<2x128xi32, #tpu.memory_space<vmem>>, vector<1x16xi32>,
      %swap3A_576 = vector.shape_cast %swap3A_575 : vector<1x16xi32> to vector<16xi32>
      %swap3A_577 = vector.shape_cast %select_n3A_571 : vector<16xi32> to vector<1x16xi32>
      tpu.vector_store %arg11[%swap3A_573, %swap3A_574], %swap3A_577 {strides = array<i32>} : memref<2x128xi32, #tpu.memory_space<vmem>>, vector<1x16xi32>,
      %get3A_578 = arith.constant 112 : index
      %get3A_579 = tpu.vector_load %arg9[%get3A_578] {strides = array<i32>} : memref<256xi32, #tpu.memory_space<vmem>>, vector<16xi32>,
      %get3A_580 = vector.shape_cast %get3A_579 : vector<16xi32> to vector<16xi32>
      %sub3A_581 = vector.broadcast %mul3A_0 : i32 to vector<16xi32>
      %sub3A_582 = arith.subi %get3A_580, %sub3A_581 : vector<16xi32>
      %lt3A_583 = arith.constant 0 : i32
      %lt3A_584 = vector.broadcast %lt3A_583 : i32 to vector<16xi32>
      %lt3A_585 = arith.cmpi slt, %sub3A_582, %lt3A_584 : vector<16xi32>
      %ge3A_586 = arith.constant 50000 : i32
      %ge3A_587 = vector.broadcast %ge3A_586 : i32 to vector<16xi32>
      %ge3A_588 = arith.cmpi sge, %sub3A_582, %ge3A_587 : vector<16xi32>
      %or3A_589 = arith.ori %lt3A_585, %ge3A_588 : vector<16xi1>
      %mul3A_590 = arith.constant 67 : i32
      %mul3A_591 = arith.muli %arg1, %mul3A_590 : i32
      %add3A_592 = arith.constant 112 : i32
      %add3A_593 = arith.addi %add3A_592, %mul3A_591 : i32
      %mul3A_594 = arith.constant 131 : i32
      %mul3A_595 = arith.muli %mul3A_19, %mul3A_594 : i32
      %add3A_596 = arith.addi %add3A_593, %mul3A_595 : i32
      %add3A_597 = vector.broadcast %add3A_596 : i32 to vector<16xi32>
      %add3A_598 = arith.addi %iota3A, %add3A_597 : vector<16xi32>
      %and3A_599 = arith.constant 1023 : i32
      %and3A_600 = vector.broadcast %and3A_599 : i32 to vector<16xi32>
      %and3A_601 = arith.andi %add3A_598, %and3A_600 : vector<16xi32>
      %add3A_602 = arith.constant 50000 : i32
      %add3A_603 = vector.broadcast %add3A_602 : i32 to vector<16xi32>
      %add3A_604 = arith.addi %add3A_603, %and3A_601 : vector<16xi32>
      %select_n3A_605 = arith.select %or3A_589, %add3A_604, %sub3A_582 : vector<16xi1>, vector<16xi32>
      %swap3A_606 = arith.constant 0 : i32
      %swap3A_607 = arith.index_cast %swap3A_606 : i32 to index
      %swap3A_608 = arith.constant 112 : index
      %swap3A_609 = tpu.vector_load %arg11[%swap3A_607, %swap3A_608] {strides = array<i32>} : memref<2x128xi32, #tpu.memory_space<vmem>>, vector<1x16xi32>,
      %swap3A_610 = vector.shape_cast %swap3A_609 : vector<1x16xi32> to vector<16xi32>
      %swap3A_611 = vector.shape_cast %select_n3A_605 : vector<16xi32> to vector<1x16xi32>
      tpu.vector_store %arg11[%swap3A_607, %swap3A_608], %swap3A_611 {strides = array<i32>} : memref<2x128xi32, #tpu.memory_space<vmem>>, vector<1x16xi32>,
      %get3A_612 = arith.constant 128 : index
      %get3A_613 = tpu.vector_load %arg9[%get3A_612] {strides = array<i32>} : memref<256xi32, #tpu.memory_space<vmem>>, vector<16xi32>,
      %get3A_614 = vector.shape_cast %get3A_613 : vector<16xi32> to vector<16xi32>
      %sub3A_615 = vector.broadcast %mul3A_0 : i32 to vector<16xi32>
      %sub3A_616 = arith.subi %get3A_614, %sub3A_615 : vector<16xi32>
      %lt3A_617 = arith.constant 0 : i32
      %lt3A_618 = vector.broadcast %lt3A_617 : i32 to vector<16xi32>
      %lt3A_619 = arith.cmpi slt, %sub3A_616, %lt3A_618 : vector<16xi32>
      %ge3A_620 = arith.constant 50000 : i32
      %ge3A_621 = vector.broadcast %ge3A_620 : i32 to vector<16xi32>
      %ge3A_622 = arith.cmpi sge, %sub3A_616, %ge3A_621 : vector<16xi32>
      %or3A_623 = arith.ori %lt3A_619, %ge3A_622 : vector<16xi1>
      %mul3A_624 = arith.constant 67 : i32
      %mul3A_625 = arith.muli %arg1, %mul3A_624 : i32
      %add3A_626 = arith.constant 128 : i32
      %add3A_627 = arith.addi %add3A_626, %mul3A_625 : i32
      %mul3A_628 = arith.constant 131 : i32
      %mul3A_629 = arith.muli %mul3A_19, %mul3A_628 : i32
      %add3A_630 = arith.addi %add3A_627, %mul3A_629 : i32
      %add3A_631 = vector.broadcast %add3A_630 : i32 to vector<16xi32>
      %add3A_632 = arith.addi %iota3A, %add3A_631 : vector<16xi32>
      %and3A_633 = arith.constant 1023 : i32
      %and3A_634 = vector.broadcast %and3A_633 : i32 to vector<16xi32>
      %and3A_635 = arith.andi %add3A_632, %and3A_634 : vector<16xi32>
      %add3A_636 = arith.constant 50000 : i32
      %add3A_637 = vector.broadcast %add3A_636 : i32 to vector<16xi32>
      %add3A_638 = arith.addi %add3A_637, %and3A_635 : vector<16xi32>
      %select_n3A_639 = arith.select %or3A_623, %add3A_638, %sub3A_616 : vector<16xi1>, vector<16xi32>
      %swap3A_640 = arith.constant 1 : i32
      %swap3A_641 = arith.index_cast %swap3A_640 : i32 to index
      %swap3A_642 = arith.constant 0 : index
      %swap3A_643 = tpu.vector_load %arg11[%swap3A_641, %swap3A_642] {strides = array<i32>} : memref<2x128xi32, #tpu.memory_space<vmem>>, vector<1x16xi32>,
      %swap3A_644 = vector.shape_cast %swap3A_643 : vector<1x16xi32> to vector<16xi32>
      %swap3A_645 = vector.shape_cast %select_n3A_639 : vector<16xi32> to vector<1x16xi32>
      tpu.vector_store %arg11[%swap3A_641, %swap3A_642], %swap3A_645 {strides = array<i32>} : memref<2x128xi32, #tpu.memory_space<vmem>>, vector<1x16xi32>,
      %get3A_646 = arith.constant 144 : index
      %get3A_647 = tpu.vector_load %arg9[%get3A_646] {strides = array<i32>} : memref<256xi32, #tpu.memory_space<vmem>>, vector<16xi32>,
      %get3A_648 = vector.shape_cast %get3A_647 : vector<16xi32> to vector<16xi32>
      %sub3A_649 = vector.broadcast %mul3A_0 : i32 to vector<16xi32>
      %sub3A_650 = arith.subi %get3A_648, %sub3A_649 : vector<16xi32>
      %lt3A_651 = arith.constant 0 : i32
      %lt3A_652 = vector.broadcast %lt3A_651 : i32 to vector<16xi32>
      %lt3A_653 = arith.cmpi slt, %sub3A_650, %lt3A_652 : vector<16xi32>
      %ge3A_654 = arith.constant 50000 : i32
      %ge3A_655 = vector.broadcast %ge3A_654 : i32 to vector<16xi32>
      %ge3A_656 = arith.cmpi sge, %sub3A_650, %ge3A_655 : vector<16xi32>
      %or3A_657 = arith.ori %lt3A_653, %ge3A_656 : vector<16xi1>
      %mul3A_658 = arith.constant 67 : i32
      %mul3A_659 = arith.muli %arg1, %mul3A_658 : i32
      %add3A_660 = arith.constant 144 : i32
      %add3A_661 = arith.addi %add3A_660, %mul3A_659 : i32
      %mul3A_662 = arith.constant 131 : i32
      %mul3A_663 = arith.muli %mul3A_19, %mul3A_662 : i32
      %add3A_664 = arith.addi %add3A_661, %mul3A_663 : i32
      %add3A_665 = vector.broadcast %add3A_664 : i32 to vector<16xi32>
      %add3A_666 = arith.addi %iota3A, %add3A_665 : vector<16xi32>
      %and3A_667 = arith.constant 1023 : i32
      %and3A_668 = vector.broadcast %and3A_667 : i32 to vector<16xi32>
      %and3A_669 = arith.andi %add3A_666, %and3A_668 : vector<16xi32>
      %add3A_670 = arith.constant 50000 : i32
      %add3A_671 = vector.broadcast %add3A_670 : i32 to vector<16xi32>
      %add3A_672 = arith.addi %add3A_671, %and3A_669 : vector<16xi32>
      %select_n3A_673 = arith.select %or3A_657, %add3A_672, %sub3A_650 : vector<16xi1>, vector<16xi32>
      %swap3A_674 = arith.constant 1 : i32
      %swap3A_675 = arith.index_cast %swap3A_674 : i32 to index
      %swap3A_676 = arith.constant 16 : index
      %swap3A_677 = tpu.vector_load %arg11[%swap3A_675, %swap3A_676] {strides = array<i32>} : memref<2x128xi32, #tpu.memory_space<vmem>>, vector<1x16xi32>,
      %swap3A_678 = vector.shape_cast %swap3A_677 : vector<1x16xi32> to vector<16xi32>
      %swap3A_679 = vector.shape_cast %select_n3A_673 : vector<16xi32> to vector<1x16xi32>
      tpu.vector_store %arg11[%swap3A_675, %swap3A_676], %swap3A_679 {strides = array<i32>} : memref<2x128xi32, #tpu.memory_space<vmem>>, vector<1x16xi32>,
      %get3A_680 = arith.constant 160 : index
      %get3A_681 = tpu.vector_load %arg9[%get3A_680] {strides = array<i32>} : memref<256xi32, #tpu.memory_space<vmem>>, vector<16xi32>,
      %get3A_682 = vector.shape_cast %get3A_681 : vector<16xi32> to vector<16xi32>
      %sub3A_683 = vector.broadcast %mul3A_0 : i32 to vector<16xi32>
      %sub3A_684 = arith.subi %get3A_682, %sub3A_683 : vector<16xi32>
      %lt3A_685 = arith.constant 0 : i32
      %lt3A_686 = vector.broadcast %lt3A_685 : i32 to vector<16xi32>
      %lt3A_687 = arith.cmpi slt, %sub3A_684, %lt3A_686 : vector<16xi32>
      %ge3A_688 = arith.constant 50000 : i32
      %ge3A_689 = vector.broadcast %ge3A_688 : i32 to vector<16xi32>
      %ge3A_690 = arith.cmpi sge, %sub3A_684, %ge3A_689 : vector<16xi32>
      %or3A_691 = arith.ori %lt3A_687, %ge3A_690 : vector<16xi1>
      %mul3A_692 = arith.constant 67 : i32
      %mul3A_693 = arith.muli %arg1, %mul3A_692 : i32
      %add3A_694 = arith.constant 160 : i32
      %add3A_695 = arith.addi %add3A_694, %mul3A_693 : i32
      %mul3A_696 = arith.constant 131 : i32
      %mul3A_697 = arith.muli %mul3A_19, %mul3A_696 : i32
      %add3A_698 = arith.addi %add3A_695, %mul3A_697 : i32
      %add3A_699 = vector.broadcast %add3A_698 : i32 to vector<16xi32>
      %add3A_700 = arith.addi %iota3A, %add3A_699 : vector<16xi32>
      %and3A_701 = arith.constant 1023 : i32
      %and3A_702 = vector.broadcast %and3A_701 : i32 to vector<16xi32>
      %and3A_703 = arith.andi %add3A_700, %and3A_702 : vector<16xi32>
      %add3A_704 = arith.constant 50000 : i32
      %add3A_705 = vector.broadcast %add3A_704 : i32 to vector<16xi32>
      %add3A_706 = arith.addi %add3A_705, %and3A_703 : vector<16xi32>
      %select_n3A_707 = arith.select %or3A_691, %add3A_706, %sub3A_684 : vector<16xi1>, vector<16xi32>
      %swap3A_708 = arith.constant 1 : i32
      %swap3A_709 = arith.index_cast %swap3A_708 : i32 to index
      %swap3A_710 = arith.constant 32 : index
      %swap3A_711 = tpu.vector_load %arg11[%swap3A_709, %swap3A_710] {strides = array<i32>} : memref<2x128xi32, #tpu.memory_space<vmem>>, vector<1x16xi32>,
      %swap3A_712 = vector.shape_cast %swap3A_711 : vector<1x16xi32> to vector<16xi32>
      %swap3A_713 = vector.shape_cast %select_n3A_707 : vector<16xi32> to vector<1x16xi32>
      tpu.vector_store %arg11[%swap3A_709, %swap3A_710], %swap3A_713 {strides = array<i32>} : memref<2x128xi32, #tpu.memory_space<vmem>>, vector<1x16xi32>,
      %get3A_714 = arith.constant 176 : index
      %get3A_715 = tpu.vector_load %arg9[%get3A_714] {strides = array<i32>} : memref<256xi32, #tpu.memory_space<vmem>>, vector<16xi32>,
      %get3A_716 = vector.shape_cast %get3A_715 : vector<16xi32> to vector<16xi32>
      %sub3A_717 = vector.broadcast %mul3A_0 : i32 to vector<16xi32>
      %sub3A_718 = arith.subi %get3A_716, %sub3A_717 : vector<16xi32>
      %lt3A_719 = arith.constant 0 : i32
      %lt3A_720 = vector.broadcast %lt3A_719 : i32 to vector<16xi32>
      %lt3A_721 = arith.cmpi slt, %sub3A_718, %lt3A_720 : vector<16xi32>
      %ge3A_722 = arith.constant 50000 : i32
      %ge3A_723 = vector.broadcast %ge3A_722 : i32 to vector<16xi32>
      %ge3A_724 = arith.cmpi sge, %sub3A_718, %ge3A_723 : vector<16xi32>
      %or3A_725 = arith.ori %lt3A_721, %ge3A_724 : vector<16xi1>
      %mul3A_726 = arith.constant 67 : i32
      %mul3A_727 = arith.muli %arg1, %mul3A_726 : i32
      %add3A_728 = arith.constant 176 : i32
      %add3A_729 = arith.addi %add3A_728, %mul3A_727 : i32
      %mul3A_730 = arith.constant 131 : i32
      %mul3A_731 = arith.muli %mul3A_19, %mul3A_730 : i32
      %add3A_732 = arith.addi %add3A_729, %mul3A_731 : i32
      %add3A_733 = vector.broadcast %add3A_732 : i32 to vector<16xi32>
      %add3A_734 = arith.addi %iota3A, %add3A_733 : vector<16xi32>
      %and3A_735 = arith.constant 1023 : i32
      %and3A_736 = vector.broadcast %and3A_735 : i32 to vector<16xi32>
      %and3A_737 = arith.andi %add3A_734, %and3A_736 : vector<16xi32>
      %add3A_738 = arith.constant 50000 : i32
      %add3A_739 = vector.broadcast %add3A_738 : i32 to vector<16xi32>
      %add3A_740 = arith.addi %add3A_739, %and3A_737 : vector<16xi32>
      %select_n3A_741 = arith.select %or3A_725, %add3A_740, %sub3A_718 : vector<16xi1>, vector<16xi32>
      %swap3A_742 = arith.constant 1 : i32
      %swap3A_743 = arith.index_cast %swap3A_742 : i32 to index
      %swap3A_744 = arith.constant 48 : index
      %swap3A_745 = tpu.vector_load %arg11[%swap3A_743, %swap3A_744] {strides = array<i32>} : memref<2x128xi32, #tpu.memory_space<vmem>>, vector<1x16xi32>,
      %swap3A_746 = vector.shape_cast %swap3A_745 : vector<1x16xi32> to vector<16xi32>
      %swap3A_747 = vector.shape_cast %select_n3A_741 : vector<16xi32> to vector<1x16xi32>
      tpu.vector_store %arg11[%swap3A_743, %swap3A_744], %swap3A_747 {strides = array<i32>} : memref<2x128xi32, #tpu.memory_space<vmem>>, vector<1x16xi32>,
      %get3A_748 = arith.constant 192 : index
      %get3A_749 = tpu.vector_load %arg9[%get3A_748] {strides = array<i32>} : memref<256xi32, #tpu.memory_space<vmem>>, vector<16xi32>,
      %get3A_750 = vector.shape_cast %get3A_749 : vector<16xi32> to vector<16xi32>
      %sub3A_751 = vector.broadcast %mul3A_0 : i32 to vector<16xi32>
      %sub3A_752 = arith.subi %get3A_750, %sub3A_751 : vector<16xi32>
      %lt3A_753 = arith.constant 0 : i32
      %lt3A_754 = vector.broadcast %lt3A_753 : i32 to vector<16xi32>
      %lt3A_755 = arith.cmpi slt, %sub3A_752, %lt3A_754 : vector<16xi32>
      %ge3A_756 = arith.constant 50000 : i32
      %ge3A_757 = vector.broadcast %ge3A_756 : i32 to vector<16xi32>
      %ge3A_758 = arith.cmpi sge, %sub3A_752, %ge3A_757 : vector<16xi32>
      %or3A_759 = arith.ori %lt3A_755, %ge3A_758 : vector<16xi1>
      %mul3A_760 = arith.constant 67 : i32
      %mul3A_761 = arith.muli %arg1, %mul3A_760 : i32
      %add3A_762 = arith.constant 192 : i32
      %add3A_763 = arith.addi %add3A_762, %mul3A_761 : i32
      %mul3A_764 = arith.constant 131 : i32
      %mul3A_765 = arith.muli %mul3A_19, %mul3A_764 : i32
      %add3A_766 = arith.addi %add3A_763, %mul3A_765 : i32
      %add3A_767 = vector.broadcast %add3A_766 : i32 to vector<16xi32>
      %add3A_768 = arith.addi %iota3A, %add3A_767 : vector<16xi32>
      %and3A_769 = arith.constant 1023 : i32
      %and3A_770 = vector.broadcast %and3A_769 : i32 to vector<16xi32>
      %and3A_771 = arith.andi %add3A_768, %and3A_770 : vector<16xi32>
      %add3A_772 = arith.constant 50000 : i32
      %add3A_773 = vector.broadcast %add3A_772 : i32 to vector<16xi32>
      %add3A_774 = arith.addi %add3A_773, %and3A_771 : vector<16xi32>
      %select_n3A_775 = arith.select %or3A_759, %add3A_774, %sub3A_752 : vector<16xi1>, vector<16xi32>
      %swap3A_776 = arith.constant 1 : i32
      %swap3A_777 = arith.index_cast %swap3A_776 : i32 to index
      %swap3A_778 = arith.constant 64 : index
      %swap3A_779 = tpu.vector_load %arg11[%swap3A_777, %swap3A_778] {strides = array<i32>} : memref<2x128xi32, #tpu.memory_space<vmem>>, vector<1x16xi32>,
      %swap3A_780 = vector.shape_cast %swap3A_779 : vector<1x16xi32> to vector<16xi32>
      %swap3A_781 = vector.shape_cast %select_n3A_775 : vector<16xi32> to vector<1x16xi32>
      tpu.vector_store %arg11[%swap3A_777, %swap3A_778], %swap3A_781 {strides = array<i32>} : memref<2x128xi32, #tpu.memory_space<vmem>>, vector<1x16xi32>,
      %get3A_782 = arith.constant 208 : index
      %get3A_783 = tpu.vector_load %arg9[%get3A_782] {strides = array<i32>} : memref<256xi32, #tpu.memory_space<vmem>>, vector<16xi32>,
      %get3A_784 = vector.shape_cast %get3A_783 : vector<16xi32> to vector<16xi32>
      %sub3A_785 = vector.broadcast %mul3A_0 : i32 to vector<16xi32>
      %sub3A_786 = arith.subi %get3A_784, %sub3A_785 : vector<16xi32>
      %lt3A_787 = arith.constant 0 : i32
      %lt3A_788 = vector.broadcast %lt3A_787 : i32 to vector<16xi32>
      %lt3A_789 = arith.cmpi slt, %sub3A_786, %lt3A_788 : vector<16xi32>
      %ge3A_790 = arith.constant 50000 : i32
      %ge3A_791 = vector.broadcast %ge3A_790 : i32 to vector<16xi32>
      %ge3A_792 = arith.cmpi sge, %sub3A_786, %ge3A_791 : vector<16xi32>
      %or3A_793 = arith.ori %lt3A_789, %ge3A_792 : vector<16xi1>
      %mul3A_794 = arith.constant 67 : i32
      %mul3A_795 = arith.muli %arg1, %mul3A_794 : i32
      %add3A_796 = arith.constant 208 : i32
      %add3A_797 = arith.addi %add3A_796, %mul3A_795 : i32
      %mul3A_798 = arith.constant 131 : i32
      %mul3A_799 = arith.muli %mul3A_19, %mul3A_798 : i32
      %add3A_800 = arith.addi %add3A_797, %mul3A_799 : i32
      %add3A_801 = vector.broadcast %add3A_800 : i32 to vector<16xi32>
      %add3A_802 = arith.addi %iota3A, %add3A_801 : vector<16xi32>
      %and3A_803 = arith.constant 1023 : i32
      %and3A_804 = vector.broadcast %and3A_803 : i32 to vector<16xi32>
      %and3A_805 = arith.andi %add3A_802, %and3A_804 : vector<16xi32>
      %add3A_806 = arith.constant 50000 : i32
      %add3A_807 = vector.broadcast %add3A_806 : i32 to vector<16xi32>
      %add3A_808 = arith.addi %add3A_807, %and3A_805 : vector<16xi32>
      %select_n3A_809 = arith.select %or3A_793, %add3A_808, %sub3A_786 : vector<16xi1>, vector<16xi32>
      %swap3A_810 = arith.constant 1 : i32
      %swap3A_811 = arith.index_cast %swap3A_810 : i32 to index
      %swap3A_812 = arith.constant 80 : index
      %swap3A_813 = tpu.vector_load %arg11[%swap3A_811, %swap3A_812] {strides = array<i32>} : memref<2x128xi32, #tpu.memory_space<vmem>>, vector<1x16xi32>,
      %swap3A_814 = vector.shape_cast %swap3A_813 : vector<1x16xi32> to vector<16xi32>
      %swap3A_815 = vector.shape_cast %select_n3A_809 : vector<16xi32> to vector<1x16xi32>
      tpu.vector_store %arg11[%swap3A_811, %swap3A_812], %swap3A_815 {strides = array<i32>} : memref<2x128xi32, #tpu.memory_space<vmem>>, vector<1x16xi32>,
      %get3A_816 = arith.constant 224 : index
      %get3A_817 = tpu.vector_load %arg9[%get3A_816] {strides = array<i32>} : memref<256xi32, #tpu.memory_space<vmem>>, vector<16xi32>,
      %get3A_818 = vector.shape_cast %get3A_817 : vector<16xi32> to vector<16xi32>
      %sub3A_819 = vector.broadcast %mul3A_0 : i32 to vector<16xi32>
      %sub3A_820 = arith.subi %get3A_818, %sub3A_819 : vector<16xi32>
      %lt3A_821 = arith.constant 0 : i32
      %lt3A_822 = vector.broadcast %lt3A_821 : i32 to vector<16xi32>
      %lt3A_823 = arith.cmpi slt, %sub3A_820, %lt3A_822 : vector<16xi32>
      %ge3A_824 = arith.constant 50000 : i32
      %ge3A_825 = vector.broadcast %ge3A_824 : i32 to vector<16xi32>
      %ge3A_826 = arith.cmpi sge, %sub3A_820, %ge3A_825 : vector<16xi32>
      %or3A_827 = arith.ori %lt3A_823, %ge3A_826 : vector<16xi1>
      %mul3A_828 = arith.constant 67 : i32
      %mul3A_829 = arith.muli %arg1, %mul3A_828 : i32
      %add3A_830 = arith.constant 224 : i32
      %add3A_831 = arith.addi %add3A_830, %mul3A_829 : i32
      %mul3A_832 = arith.constant 131 : i32
      %mul3A_833 = arith.muli %mul3A_19, %mul3A_832 : i32
      %add3A_834 = arith.addi %add3A_831, %mul3A_833 : i32
      %add3A_835 = vector.broadcast %add3A_834 : i32 to vector<16xi32>
      %add3A_836 = arith.addi %iota3A, %add3A_835 : vector<16xi32>
      %and3A_837 = arith.constant 1023 : i32
      %and3A_838 = vector.broadcast %and3A_837 : i32 to vector<16xi32>
      %and3A_839 = arith.andi %add3A_836, %and3A_838 : vector<16xi32>
      %add3A_840 = arith.constant 50000 : i32
      %add3A_841 = vector.broadcast %add3A_840 : i32 to vector<16xi32>
      %add3A_842 = arith.addi %add3A_841, %and3A_839 : vector<16xi32>
      %select_n3A_843 = arith.select %or3A_827, %add3A_842, %sub3A_820 : vector<16xi1>, vector<16xi32>
      %swap3A_844 = arith.constant 1 : i32
      %swap3A_845 = arith.index_cast %swap3A_844 : i32 to index
      %swap3A_846 = arith.constant 96 : index
      %swap3A_847 = tpu.vector_load %arg11[%swap3A_845, %swap3A_846] {strides = array<i32>} : memref<2x128xi32, #tpu.memory_space<vmem>>, vector<1x16xi32>,
      %swap3A_848 = vector.shape_cast %swap3A_847 : vector<1x16xi32> to vector<16xi32>
      %swap3A_849 = vector.shape_cast %select_n3A_843 : vector<16xi32> to vector<1x16xi32>
      tpu.vector_store %arg11[%swap3A_845, %swap3A_846], %swap3A_849 {strides = array<i32>} : memref<2x128xi32, #tpu.memory_space<vmem>>, vector<1x16xi32>,
      %get3A_850 = arith.constant 240 : index
      %get3A_851 = tpu.vector_load %arg9[%get3A_850] {strides = array<i32>} : memref<256xi32, #tpu.memory_space<vmem>>, vector<16xi32>,
      %get3A_852 = vector.shape_cast %get3A_851 : vector<16xi32> to vector<16xi32>
      %sub3A_853 = vector.broadcast %mul3A_0 : i32 to vector<16xi32>
      %sub3A_854 = arith.subi %get3A_852, %sub3A_853 : vector<16xi32>
      %lt3A_855 = arith.constant 0 : i32
      %lt3A_856 = vector.broadcast %lt3A_855 : i32 to vector<16xi32>
      %lt3A_857 = arith.cmpi slt, %sub3A_854, %lt3A_856 : vector<16xi32>
      %ge3A_858 = arith.constant 50000 : i32
      %ge3A_859 = vector.broadcast %ge3A_858 : i32 to vector<16xi32>
      %ge3A_860 = arith.cmpi sge, %sub3A_854, %ge3A_859 : vector<16xi32>
      %or3A_861 = arith.ori %lt3A_857, %ge3A_860 : vector<16xi1>
      %mul3A_862 = arith.constant 67 : i32
      %mul3A_863 = arith.muli %arg1, %mul3A_862 : i32
      %add3A_864 = arith.constant 240 : i32
      %add3A_865 = arith.addi %add3A_864, %mul3A_863 : i32
      %mul3A_866 = arith.constant 131 : i32
      %mul3A_867 = arith.muli %mul3A_19, %mul3A_866 : i32
      %add3A_868 = arith.addi %add3A_865, %mul3A_867 : i32
      %add3A_869 = vector.broadcast %add3A_868 : i32 to vector<16xi32>
      %add3A_870 = arith.addi %iota3A, %add3A_869 : vector<16xi32>
      %and3A_871 = arith.constant 1023 : i32
      %and3A_872 = vector.broadcast %and3A_871 : i32 to vector<16xi32>
      %and3A_873 = arith.andi %add3A_870, %and3A_872 : vector<16xi32>
      %add3A_874 = arith.constant 50000 : i32
      %add3A_875 = vector.broadcast %add3A_874 : i32 to vector<16xi32>
      %add3A_876 = arith.addi %add3A_875, %and3A_873 : vector<16xi32>
      %select_n3A_877 = arith.select %or3A_861, %add3A_876, %sub3A_854 : vector<16xi1>, vector<16xi32>
      %swap3A_878 = arith.constant 1 : i32
      %swap3A_879 = arith.index_cast %swap3A_878 : i32 to index
      %swap3A_880 = arith.constant 112 : index
      %swap3A_881 = tpu.vector_load %arg11[%swap3A_879, %swap3A_880] {strides = array<i32>} : memref<2x128xi32, #tpu.memory_space<vmem>>, vector<1x16xi32>,
      %swap3A_882 = vector.shape_cast %swap3A_881 : vector<1x16xi32> to vector<16xi32>
      %swap3A_883 = vector.shape_cast %select_n3A_877 : vector<16xi32> to vector<1x16xi32>
      tpu.vector_store %arg11[%swap3A_879, %swap3A_880], %swap3A_883 {strides = array<i32>} : memref<2x128xi32, #tpu.memory_space<vmem>>, vector<1x16xi32>,
      %add3A_884 = arith.constant 1 : i32
      %add3A_885 = arith.addi %mul3A_19, %add3A_884 : i32
      %dma_wait3A_886 = tpu.memref_slice %arg3[%add3A_34] : memref<1605632xi32, #tpu.memory_space<hbm>> -> memref<256xi32, #tpu.memory_space<hbm>>
      %dma_wait3A_887 = tpu.memref_slice %arg3[%add3A_34] : memref<1605632xi32, #tpu.memory_space<hbm>> -> memref<256xi32, #tpu.memory_space<hbm>>
      tpu.wait_dma2 semaphore(%arg21 : memref<!tpu.dma_semaphore, #tpu.memory_space<semaphore_mem>>) src(%dma_wait3A_887 : memref<256xi32, #tpu.memory_space<hbm>>) dst(%arg16 : memref<256xi32, #tpu.memory_space<vmem>>)
      %dma_wait3A_888 = tpu.memref_slice %arg4[%add3A_34] : memref<1605632xi32, #tpu.memory_space<hbm>> -> memref<256xi32, #tpu.memory_space<hbm>>
      %dma_wait3A_889 = tpu.memref_slice %arg4[%add3A_34] : memref<1605632xi32, #tpu.memory_space<hbm>> -> memref<256xi32, #tpu.memory_space<hbm>>
      tpu.wait_dma2 semaphore(%arg21 : memref<!tpu.dma_semaphore, #tpu.memory_space<semaphore_mem>>) src(%dma_wait3A_889 : memref<256xi32, #tpu.memory_space<hbm>>) dst(%arg17 : memref<256xi32, #tpu.memory_space<vmem>>)
      %get3A_890 = arith.constant 0 : index
      %get3A_891 = tpu.vector_load %arg16[%get3A_890] {strides = array<i32>} : memref<256xi32, #tpu.memory_space<vmem>>, vector<16xi32>,
      %get3A_892 = vector.shape_cast %get3A_891 : vector<16xi32> to vector<16xi32>
      %ge3A_893 = arith.constant 50000 : i32
      %ge3A_894 = vector.broadcast %ge3A_893 : i32 to vector<16xi32>
      %ge3A_895 = arith.cmpi sge, %get3A_892, %ge3A_894 : vector<16xi32>
      %jit3A_896 = arith.constant 1200 : i32
      %jit3A_897 = arith.constant 0 : i32
      %broadcast_in_dim3A_898 = vector.broadcast %jit3A_896 : i32 to vector<16xi32>
      %broadcast_in_dim3A_899 = vector.broadcast %jit3A_897 : i32 to vector<16xi32>
      %select_n3A_900 = arith.select %ge3A_895, %broadcast_in_dim3A_898, %broadcast_in_dim3A_899 : vector<16xi1>, vector<16xi32>
      %add3A_901 = arith.addi %get3A_892, %select_n3A_900 : vector<16xi32>
      %swap3A_902 = arith.constant 0 : i32
      %swap3A_903 = arith.index_cast %swap3A_902 : i32 to index
      %swap3A_904 = arith.constant 0 : index
      %swap3A_905 = tpu.vector_load %arg18[%swap3A_903, %swap3A_904] {strides = array<i32>} : memref<2x128xi32, #tpu.memory_space<vmem>>, vector<1x16xi32>,
      %swap3A_906 = vector.shape_cast %swap3A_905 : vector<1x16xi32> to vector<16xi32>
      %swap3A_907 = vector.shape_cast %add3A_901 : vector<16xi32> to vector<1x16xi32>
      tpu.vector_store %arg18[%swap3A_903, %swap3A_904], %swap3A_907 {strides = array<i32>} : memref<2x128xi32, #tpu.memory_space<vmem>>, vector<1x16xi32>,
      %get3A_908 = arith.constant 16 : index
      %get3A_909 = tpu.vector_load %arg16[%get3A_908] {strides = array<i32>} : memref<256xi32, #tpu.memory_space<vmem>>, vector<16xi32>,
      %get3A_910 = vector.shape_cast %get3A_909 : vector<16xi32> to vector<16xi32>
      %ge3A_911 = arith.constant 50000 : i32
      %ge3A_912 = vector.broadcast %ge3A_911 : i32 to vector<16xi32>
      %ge3A_913 = arith.cmpi sge, %get3A_910, %ge3A_912 : vector<16xi32>
      %jit3A_914 = arith.constant 1200 : i32
      %jit3A_915 = arith.constant 0 : i32
      %broadcast_in_dim3A_916 = vector.broadcast %jit3A_914 : i32 to vector<16xi32>
      %broadcast_in_dim3A_917 = vector.broadcast %jit3A_915 : i32 to vector<16xi32>
      %select_n3A_918 = arith.select %ge3A_913, %broadcast_in_dim3A_916, %broadcast_in_dim3A_917 : vector<16xi1>, vector<16xi32>
      %add3A_919 = arith.addi %get3A_910, %select_n3A_918 : vector<16xi32>
      %swap3A_920 = arith.constant 0 : i32
      %swap3A_921 = arith.index_cast %swap3A_920 : i32 to index
      %swap3A_922 = arith.constant 16 : index
      %swap3A_923 = tpu.vector_load %arg18[%swap3A_921, %swap3A_922] {strides = array<i32>} : memref<2x128xi32, #tpu.memory_space<vmem>>, vector<1x16xi32>,
      %swap3A_924 = vector.shape_cast %swap3A_923 : vector<1x16xi32> to vector<16xi32>
      %swap3A_925 = vector.shape_cast %add3A_919 : vector<16xi32> to vector<1x16xi32>
      tpu.vector_store %arg18[%swap3A_921, %swap3A_922], %swap3A_925 {strides = array<i32>} : memref<2x128xi32, #tpu.memory_space<vmem>>, vector<1x16xi32>,
      %get3A_926 = arith.constant 32 : index
      %get3A_927 = tpu.vector_load %arg16[%get3A_926] {strides = array<i32>} : memref<256xi32, #tpu.memory_space<vmem>>, vector<16xi32>,
      %get3A_928 = vector.shape_cast %get3A_927 : vector<16xi32> to vector<16xi32>
      %ge3A_929 = arith.constant 50000 : i32
      %ge3A_930 = vector.broadcast %ge3A_929 : i32 to vector<16xi32>
      %ge3A_931 = arith.cmpi sge, %get3A_928, %ge3A_930 : vector<16xi32>
      %jit3A_932 = arith.constant 1200 : i32
      %jit3A_933 = arith.constant 0 : i32
      %broadcast_in_dim3A_934 = vector.broadcast %jit3A_932 : i32 to vector<16xi32>
      %broadcast_in_dim3A_935 = vector.broadcast %jit3A_933 : i32 to vector<16xi32>
      %select_n3A_936 = arith.select %ge3A_931, %broadcast_in_dim3A_934, %broadcast_in_dim3A_935 : vector<16xi1>, vector<16xi32>
      %add3A_937 = arith.addi %get3A_928, %select_n3A_936 : vector<16xi32>
      %swap3A_938 = arith.constant 0 : i32
      %swap3A_939 = arith.index_cast %swap3A_938 : i32 to index
      %swap3A_940 = arith.constant 32 : index
      %swap3A_941 = tpu.vector_load %arg18[%swap3A_939, %swap3A_940] {strides = array<i32>} : memref<2x128xi32, #tpu.memory_space<vmem>>, vector<1x16xi32>,
      %swap3A_942 = vector.shape_cast %swap3A_941 : vector<1x16xi32> to vector<16xi32>
      %swap3A_943 = vector.shape_cast %add3A_937 : vector<16xi32> to vector<1x16xi32>
      tpu.vector_store %arg18[%swap3A_939, %swap3A_940], %swap3A_943 {strides = array<i32>} : memref<2x128xi32, #tpu.memory_space<vmem>>, vector<1x16xi32>,
      %get3A_944 = arith.constant 48 : index
      %get3A_945 = tpu.vector_load %arg16[%get3A_944] {strides = array<i32>} : memref<256xi32, #tpu.memory_space<vmem>>, vector<16xi32>,
      %get3A_946 = vector.shape_cast %get3A_945 : vector<16xi32> to vector<16xi32>
      %ge3A_947 = arith.constant 50000 : i32
      %ge3A_948 = vector.broadcast %ge3A_947 : i32 to vector<16xi32>
      %ge3A_949 = arith.cmpi sge, %get3A_946, %ge3A_948 : vector<16xi32>
      %jit3A_950 = arith.constant 1200 : i32
      %jit3A_951 = arith.constant 0 : i32
      %broadcast_in_dim3A_952 = vector.broadcast %jit3A_950 : i32 to vector<16xi32>
      %broadcast_in_dim3A_953 = vector.broadcast %jit3A_951 : i32 to vector<16xi32>
      %select_n3A_954 = arith.select %ge3A_949, %broadcast_in_dim3A_952, %broadcast_in_dim3A_953 : vector<16xi1>, vector<16xi32>
      %add3A_955 = arith.addi %get3A_946, %select_n3A_954 : vector<16xi32>
      %swap3A_956 = arith.constant 0 : i32
      %swap3A_957 = arith.index_cast %swap3A_956 : i32 to index
      %swap3A_958 = arith.constant 48 : index
      %swap3A_959 = tpu.vector_load %arg18[%swap3A_957, %swap3A_958] {strides = array<i32>} : memref<2x128xi32, #tpu.memory_space<vmem>>, vector<1x16xi32>,
      %swap3A_960 = vector.shape_cast %swap3A_959 : vector<1x16xi32> to vector<16xi32>
      %swap3A_961 = vector.shape_cast %add3A_955 : vector<16xi32> to vector<1x16xi32>
      tpu.vector_store %arg18[%swap3A_957, %swap3A_958], %swap3A_961 {strides = array<i32>} : memref<2x128xi32, #tpu.memory_space<vmem>>, vector<1x16xi32>,
      %get3A_962 = arith.constant 64 : index
      %get3A_963 = tpu.vector_load %arg16[%get3A_962] {strides = array<i32>} : memref<256xi32, #tpu.memory_space<vmem>>, vector<16xi32>,
      %get3A_964 = vector.shape_cast %get3A_963 : vector<16xi32> to vector<16xi32>
      %ge3A_965 = arith.constant 50000 : i32
      %ge3A_966 = vector.broadcast %ge3A_965 : i32 to vector<16xi32>
      %ge3A_967 = arith.cmpi sge, %get3A_964, %ge3A_966 : vector<16xi32>
      %jit3A_968 = arith.constant 1200 : i32
      %jit3A_969 = arith.constant 0 : i32
      %broadcast_in_dim3A_970 = vector.broadcast %jit3A_968 : i32 to vector<16xi32>
      %broadcast_in_dim3A_971 = vector.broadcast %jit3A_969 : i32 to vector<16xi32>
      %select_n3A_972 = arith.select %ge3A_967, %broadcast_in_dim3A_970, %broadcast_in_dim3A_971 : vector<16xi1>, vector<16xi32>
      %add3A_973 = arith.addi %get3A_964, %select_n3A_972 : vector<16xi32>
      %swap3A_974 = arith.constant 0 : i32
      %swap3A_975 = arith.index_cast %swap3A_974 : i32 to index
      %swap3A_976 = arith.constant 64 : index
      %swap3A_977 = tpu.vector_load %arg18[%swap3A_975, %swap3A_976] {strides = array<i32>} : memref<2x128xi32, #tpu.memory_space<vmem>>, vector<1x16xi32>,
      %swap3A_978 = vector.shape_cast %swap3A_977 : vector<1x16xi32> to vector<16xi32>
      %swap3A_979 = vector.shape_cast %add3A_973 : vector<16xi32> to vector<1x16xi32>
      tpu.vector_store %arg18[%swap3A_975, %swap3A_976], %swap3A_979 {strides = array<i32>} : memref<2x128xi32, #tpu.memory_space<vmem>>, vector<1x16xi32>,
      %get3A_980 = arith.constant 80 : index
      %get3A_981 = tpu.vector_load %arg16[%get3A_980] {strides = array<i32>} : memref<256xi32, #tpu.memory_space<vmem>>, vector<16xi32>,
      %get3A_982 = vector.shape_cast %get3A_981 : vector<16xi32> to vector<16xi32>
      %ge3A_983 = arith.constant 50000 : i32
      %ge3A_984 = vector.broadcast %ge3A_983 : i32 to vector<16xi32>
      %ge3A_985 = arith.cmpi sge, %get3A_982, %ge3A_984 : vector<16xi32>
      %jit3A_986 = arith.constant 1200 : i32
      %jit3A_987 = arith.constant 0 : i32
      %broadcast_in_dim3A_988 = vector.broadcast %jit3A_986 : i32 to vector<16xi32>
      %broadcast_in_dim3A_989 = vector.broadcast %jit3A_987 : i32 to vector<16xi32>
      %select_n3A_990 = arith.select %ge3A_985, %broadcast_in_dim3A_988, %broadcast_in_dim3A_989 : vector<16xi1>, vector<16xi32>
      %add3A_991 = arith.addi %get3A_982, %select_n3A_990 : vector<16xi32>
      %swap3A_992 = arith.constant 0 : i32
      %swap3A_993 = arith.index_cast %swap3A_992 : i32 to index
      %swap3A_994 = arith.constant 80 : index
      %swap3A_995 = tpu.vector_load %arg18[%swap3A_993, %swap3A_994] {strides = array<i32>} : memref<2x128xi32, #tpu.memory_space<vmem>>, vector<1x16xi32>,
      %swap3A_996 = vector.shape_cast %swap3A_995 : vector<1x16xi32> to vector<16xi32>
      %swap3A_997 = vector.shape_cast %add3A_991 : vector<16xi32> to vector<1x16xi32>
      tpu.vector_store %arg18[%swap3A_993, %swap3A_994], %swap3A_997 {strides = array<i32>} : memref<2x128xi32, #tpu.memory_space<vmem>>, vector<1x16xi32>,
      %get3A_998 = arith.constant 96 : index
      %get3A_999 = tpu.vector_load %arg16[%get3A_998] {strides = array<i32>} : memref<256xi32, #tpu.memory_space<vmem>>, vector<16xi32>,
      %get3A_1000 = vector.shape_cast %get3A_999 : vector<16xi32> to vector<16xi32>
      %ge3A_1001 = arith.constant 50000 : i32
      %ge3A_1002 = vector.broadcast %ge3A_1001 : i32 to vector<16xi32>
      %ge3A_1003 = arith.cmpi sge, %get3A_1000, %ge3A_1002 : vector<16xi32>
      %jit3A_1004 = arith.constant 1200 : i32
      %jit3A_1005 = arith.constant 0 : i32
      %broadcast_in_dim3A_1006 = vector.broadcast %jit3A_1004 : i32 to vector<16xi32>
      %broadcast_in_dim3A_1007 = vector.broadcast %jit3A_1005 : i32 to vector<16xi32>
      %select_n3A_1008 = arith.select %ge3A_1003, %broadcast_in_dim3A_1006, %broadcast_in_dim3A_1007 : vector<16xi1>, vector<16xi32>
      %add3A_1009 = arith.addi %get3A_1000, %select_n3A_1008 : vector<16xi32>
      %swap3A_1010 = arith.constant 0 : i32
      %swap3A_1011 = arith.index_cast %swap3A_1010 : i32 to index
      %swap3A_1012 = arith.constant 96 : index
      %swap3A_1013 = tpu.vector_load %arg18[%swap3A_1011, %swap3A_1012] {strides = array<i32>} : memref<2x128xi32, #tpu.memory_space<vmem>>, vector<1x16xi32>,
      %swap3A_1014 = vector.shape_cast %swap3A_1013 : vector<1x16xi32> to vector<16xi32>
      %swap3A_1015 = vector.shape_cast %add3A_1009 : vector<16xi32> to vector<1x16xi32>
      tpu.vector_store %arg18[%swap3A_1011, %swap3A_1012], %swap3A_1015 {strides = array<i32>} : memref<2x128xi32, #tpu.memory_space<vmem>>, vector<1x16xi32>,
      %get3A_1016 = arith.constant 112 : index
      %get3A_1017 = tpu.vector_load %arg16[%get3A_1016] {strides = array<i32>} : memref<256xi32, #tpu.memory_space<vmem>>, vector<16xi32>,
      %get3A_1018 = vector.shape_cast %get3A_1017 : vector<16xi32> to vector<16xi32>
      %ge3A_1019 = arith.constant 50000 : i32
      %ge3A_1020 = vector.broadcast %ge3A_1019 : i32 to vector<16xi32>
      %ge3A_1021 = arith.cmpi sge, %get3A_1018, %ge3A_1020 : vector<16xi32>
      %jit3A_1022 = arith.constant 1200 : i32
      %jit3A_1023 = arith.constant 0 : i32
      %broadcast_in_dim3A_1024 = vector.broadcast %jit3A_1022 : i32 to vector<16xi32>
      %broadcast_in_dim3A_1025 = vector.broadcast %jit3A_1023 : i32 to vector<16xi32>
      %select_n3A_1026 = arith.select %ge3A_1021, %broadcast_in_dim3A_1024, %broadcast_in_dim3A_1025 : vector<16xi1>, vector<16xi32>
      %add3A_1027 = arith.addi %get3A_1018, %select_n3A_1026 : vector<16xi32>
      %swap3A_1028 = arith.constant 0 : i32
      %swap3A_1029 = arith.index_cast %swap3A_1028 : i32 to index
      %swap3A_1030 = arith.constant 112 : index
      %swap3A_1031 = tpu.vector_load %arg18[%swap3A_1029, %swap3A_1030] {strides = array<i32>} : memref<2x128xi32, #tpu.memory_space<vmem>>, vector<1x16xi32>,
      %swap3A_1032 = vector.shape_cast %swap3A_1031 : vector<1x16xi32> to vector<16xi32>
      %swap3A_1033 = vector.shape_cast %add3A_1027 : vector<16xi32> to vector<1x16xi32>
      tpu.vector_store %arg18[%swap3A_1029, %swap3A_1030], %swap3A_1033 {strides = array<i32>} : memref<2x128xi32, #tpu.memory_space<vmem>>, vector<1x16xi32>,
      %get3A_1034 = arith.constant 128 : index
      %get3A_1035 = tpu.vector_load %arg16[%get3A_1034] {strides = array<i32>} : memref<256xi32, #tpu.memory_space<vmem>>, vector<16xi32>,
      %get3A_1036 = vector.shape_cast %get3A_1035 : vector<16xi32> to vector<16xi32>
      %ge3A_1037 = arith.constant 50000 : i32
      %ge3A_1038 = vector.broadcast %ge3A_1037 : i32 to vector<16xi32>
      %ge3A_1039 = arith.cmpi sge, %get3A_1036, %ge3A_1038 : vector<16xi32>
      %jit3A_1040 = arith.constant 1200 : i32
      %jit3A_1041 = arith.constant 0 : i32
      %broadcast_in_dim3A_1042 = vector.broadcast %jit3A_1040 : i32 to vector<16xi32>
      %broadcast_in_dim3A_1043 = vector.broadcast %jit3A_1041 : i32 to vector<16xi32>
      %select_n3A_1044 = arith.select %ge3A_1039, %broadcast_in_dim3A_1042, %broadcast_in_dim3A_1043 : vector<16xi1>, vector<16xi32>
      %add3A_1045 = arith.addi %get3A_1036, %select_n3A_1044 : vector<16xi32>
      %swap3A_1046 = arith.constant 1 : i32
      %swap3A_1047 = arith.index_cast %swap3A_1046 : i32 to index
      %swap3A_1048 = arith.constant 0 : index
      %swap3A_1049 = tpu.vector_load %arg18[%swap3A_1047, %swap3A_1048] {strides = array<i32>} : memref<2x128xi32, #tpu.memory_space<vmem>>, vector<1x16xi32>,
      %swap3A_1050 = vector.shape_cast %swap3A_1049 : vector<1x16xi32> to vector<16xi32>
      %swap3A_1051 = vector.shape_cast %add3A_1045 : vector<16xi32> to vector<1x16xi32>
      tpu.vector_store %arg18[%swap3A_1047, %swap3A_1048], %swap3A_1051 {strides = array<i32>} : memref<2x128xi32, #tpu.memory_space<vmem>>, vector<1x16xi32>,
      %get3A_1052 = arith.constant 144 : index
      %get3A_1053 = tpu.vector_load %arg16[%get3A_1052] {strides = array<i32>} : memref<256xi32, #tpu.memory_space<vmem>>, vector<16xi32>,
      %get3A_1054 = vector.shape_cast %get3A_1053 : vector<16xi32> to vector<16xi32>
      %ge3A_1055 = arith.constant 50000 : i32
      %ge3A_1056 = vector.broadcast %ge3A_1055 : i32 to vector<16xi32>
      %ge3A_1057 = arith.cmpi sge, %get3A_1054, %ge3A_1056 : vector<16xi32>
      %jit3A_1058 = arith.constant 1200 : i32
      %jit3A_1059 = arith.constant 0 : i32
      %broadcast_in_dim3A_1060 = vector.broadcast %jit3A_1058 : i32 to vector<16xi32>
      %broadcast_in_dim3A_1061 = vector.broadcast %jit3A_1059 : i32 to vector<16xi32>
      %select_n3A_1062 = arith.select %ge3A_1057, %broadcast_in_dim3A_1060, %broadcast_in_dim3A_1061 : vector<16xi1>, vector<16xi32>
      %add3A_1063 = arith.addi %get3A_1054, %select_n3A_1062 : vector<16xi32>
      %swap3A_1064 = arith.constant 1 : i32
      %swap3A_1065 = arith.index_cast %swap3A_1064 : i32 to index
      %swap3A_1066 = arith.constant 16 : index
      %swap3A_1067 = tpu.vector_load %arg18[%swap3A_1065, %swap3A_1066] {strides = array<i32>} : memref<2x128xi32, #tpu.memory_space<vmem>>, vector<1x16xi32>,
      %swap3A_1068 = vector.shape_cast %swap3A_1067 : vector<1x16xi32> to vector<16xi32>
      %swap3A_1069 = vector.shape_cast %add3A_1063 : vector<16xi32> to vector<1x16xi32>
      tpu.vector_store %arg18[%swap3A_1065, %swap3A_1066], %swap3A_1069 {strides = array<i32>} : memref<2x128xi32, #tpu.memory_space<vmem>>, vector<1x16xi32>,
      %get3A_1070 = arith.constant 160 : index
      %get3A_1071 = tpu.vector_load %arg16[%get3A_1070] {strides = array<i32>} : memref<256xi32, #tpu.memory_space<vmem>>, vector<16xi32>,
      %get3A_1072 = vector.shape_cast %get3A_1071 : vector<16xi32> to vector<16xi32>
      %ge3A_1073 = arith.constant 50000 : i32
      %ge3A_1074 = vector.broadcast %ge3A_1073 : i32 to vector<16xi32>
      %ge3A_1075 = arith.cmpi sge, %get3A_1072, %ge3A_1074 : vector<16xi32>
      %jit3A_1076 = arith.constant 1200 : i32
      %jit3A_1077 = arith.constant 0 : i32
      %broadcast_in_dim3A_1078 = vector.broadcast %jit3A_1076 : i32 to vector<16xi32>
      %broadcast_in_dim3A_1079 = vector.broadcast %jit3A_1077 : i32 to vector<16xi32>
      %select_n3A_1080 = arith.select %ge3A_1075, %broadcast_in_dim3A_1078, %broadcast_in_dim3A_1079 : vector<16xi1>, vector<16xi32>
      %add3A_1081 = arith.addi %get3A_1072, %select_n3A_1080 : vector<16xi32>
      %swap3A_1082 = arith.constant 1 : i32
      %swap3A_1083 = arith.index_cast %swap3A_1082 : i32 to index
      %swap3A_1084 = arith.constant 32 : index
      %swap3A_1085 = tpu.vector_load %arg18[%swap3A_1083, %swap3A_1084] {strides = array<i32>} : memref<2x128xi32, #tpu.memory_space<vmem>>, vector<1x16xi32>,
      %swap3A_1086 = vector.shape_cast %swap3A_1085 : vector<1x16xi32> to vector<16xi32>
      %swap3A_1087 = vector.shape_cast %add3A_1081 : vector<16xi32> to vector<1x16xi32>
      tpu.vector_store %arg18[%swap3A_1083, %swap3A_1084], %swap3A_1087 {strides = array<i32>} : memref<2x128xi32, #tpu.memory_space<vmem>>, vector<1x16xi32>,
      %get3A_1088 = arith.constant 176 : index
      %get3A_1089 = tpu.vector_load %arg16[%get3A_1088] {strides = array<i32>} : memref<256xi32, #tpu.memory_space<vmem>>, vector<16xi32>,
      %get3A_1090 = vector.shape_cast %get3A_1089 : vector<16xi32> to vector<16xi32>
      %ge3A_1091 = arith.constant 50000 : i32
      %ge3A_1092 = vector.broadcast %ge3A_1091 : i32 to vector<16xi32>
      %ge3A_1093 = arith.cmpi sge, %get3A_1090, %ge3A_1092 : vector<16xi32>
      %jit3A_1094 = arith.constant 1200 : i32
      %jit3A_1095 = arith.constant 0 : i32
      %broadcast_in_dim3A_1096 = vector.broadcast %jit3A_1094 : i32 to vector<16xi32>
      %broadcast_in_dim3A_1097 = vector.broadcast %jit3A_1095 : i32 to vector<16xi32>
      %select_n3A_1098 = arith.select %ge3A_1093, %broadcast_in_dim3A_1096, %broadcast_in_dim3A_1097 : vector<16xi1>, vector<16xi32>
      %add3A_1099 = arith.addi %get3A_1090, %select_n3A_1098 : vector<16xi32>
      %swap3A_1100 = arith.constant 1 : i32
      %swap3A_1101 = arith.index_cast %swap3A_1100 : i32 to index
      %swap3A_1102 = arith.constant 48 : index
      %swap3A_1103 = tpu.vector_load %arg18[%swap3A_1101, %swap3A_1102] {strides = array<i32>} : memref<2x128xi32, #tpu.memory_space<vmem>>, vector<1x16xi32>,
      %swap3A_1104 = vector.shape_cast %swap3A_1103 : vector<1x16xi32> to vector<16xi32>
      %swap3A_1105 = vector.shape_cast %add3A_1099 : vector<16xi32> to vector<1x16xi32>
      tpu.vector_store %arg18[%swap3A_1101, %swap3A_1102], %swap3A_1105 {strides = array<i32>} : memref<2x128xi32, #tpu.memory_space<vmem>>, vector<1x16xi32>,
      %get3A_1106 = arith.constant 192 : index
      %get3A_1107 = tpu.vector_load %arg16[%get3A_1106] {strides = array<i32>} : memref<256xi32, #tpu.memory_space<vmem>>, vector<16xi32>,
      %get3A_1108 = vector.shape_cast %get3A_1107 : vector<16xi32> to vector<16xi32>
      %ge3A_1109 = arith.constant 50000 : i32
      %ge3A_1110 = vector.broadcast %ge3A_1109 : i32 to vector<16xi32>
      %ge3A_1111 = arith.cmpi sge, %get3A_1108, %ge3A_1110 : vector<16xi32>
      %jit3A_1112 = arith.constant 1200 : i32
      %jit3A_1113 = arith.constant 0 : i32
      %broadcast_in_dim3A_1114 = vector.broadcast %jit3A_1112 : i32 to vector<16xi32>
      %broadcast_in_dim3A_1115 = vector.broadcast %jit3A_1113 : i32 to vector<16xi32>
      %select_n3A_1116 = arith.select %ge3A_1111, %broadcast_in_dim3A_1114, %broadcast_in_dim3A_1115 : vector<16xi1>, vector<16xi32>
      %add3A_1117 = arith.addi %get3A_1108, %select_n3A_1116 : vector<16xi32>
      %swap3A_1118 = arith.constant 1 : i32
      %swap3A_1119 = arith.index_cast %swap3A_1118 : i32 to index
      %swap3A_1120 = arith.constant 64 : index
      %swap3A_1121 = tpu.vector_load %arg18[%swap3A_1119, %swap3A_1120] {strides = array<i32>} : memref<2x128xi32, #tpu.memory_space<vmem>>, vector<1x16xi32>,
      %swap3A_1122 = vector.shape_cast %swap3A_1121 : vector<1x16xi32> to vector<16xi32>
      %swap3A_1123 = vector.shape_cast %add3A_1117 : vector<16xi32> to vector<1x16xi32>
      tpu.vector_store %arg18[%swap3A_1119, %swap3A_1120], %swap3A_1123 {strides = array<i32>} : memref<2x128xi32, #tpu.memory_space<vmem>>, vector<1x16xi32>,
      %get3A_1124 = arith.constant 208 : index
      %get3A_1125 = tpu.vector_load %arg16[%get3A_1124] {strides = array<i32>} : memref<256xi32, #tpu.memory_space<vmem>>, vector<16xi32>,
      %get3A_1126 = vector.shape_cast %get3A_1125 : vector<16xi32> to vector<16xi32>
      %ge3A_1127 = arith.constant 50000 : i32
      %ge3A_1128 = vector.broadcast %ge3A_1127 : i32 to vector<16xi32>
      %ge3A_1129 = arith.cmpi sge, %get3A_1126, %ge3A_1128 : vector<16xi32>
      %jit3A_1130 = arith.constant 1200 : i32
      %jit3A_1131 = arith.constant 0 : i32
      %broadcast_in_dim3A_1132 = vector.broadcast %jit3A_1130 : i32 to vector<16xi32>
      %broadcast_in_dim3A_1133 = vector.broadcast %jit3A_1131 : i32 to vector<16xi32>
      %select_n3A_1134 = arith.select %ge3A_1129, %broadcast_in_dim3A_1132, %broadcast_in_dim3A_1133 : vector<16xi1>, vector<16xi32>
      %add3A_1135 = arith.addi %get3A_1126, %select_n3A_1134 : vector<16xi32>
      %swap3A_1136 = arith.constant 1 : i32
      %swap3A_1137 = arith.index_cast %swap3A_1136 : i32 to index
      %swap3A_1138 = arith.constant 80 : index
      %swap3A_1139 = tpu.vector_load %arg18[%swap3A_1137, %swap3A_1138] {strides = array<i32>} : memref<2x128xi32, #tpu.memory_space<vmem>>, vector<1x16xi32>,
      %swap3A_1140 = vector.shape_cast %swap3A_1139 : vector<1x16xi32> to vector<16xi32>
      %swap3A_1141 = vector.shape_cast %add3A_1135 : vector<16xi32> to vector<1x16xi32>
      tpu.vector_store %arg18[%swap3A_1137, %swap3A_1138], %swap3A_1141 {strides = array<i32>} : memref<2x128xi32, #tpu.memory_space<vmem>>, vector<1x16xi32>,
      %get3A_1142 = arith.constant 224 : index
      %get3A_1143 = tpu.vector_load %arg16[%get3A_1142] {strides = array<i32>} : memref<256xi32, #tpu.memory_space<vmem>>, vector<16xi32>,
      %get3A_1144 = vector.shape_cast %get3A_1143 : vector<16xi32> to vector<16xi32>
      %ge3A_1145 = arith.constant 50000 : i32
      %ge3A_1146 = vector.broadcast %ge3A_1145 : i32 to vector<16xi32>
      %ge3A_1147 = arith.cmpi sge, %get3A_1144, %ge3A_1146 : vector<16xi32>
      %jit3A_1148 = arith.constant 1200 : i32
      %jit3A_1149 = arith.constant 0 : i32
      %broadcast_in_dim3A_1150 = vector.broadcast %jit3A_1148 : i32 to vector<16xi32>
      %broadcast_in_dim3A_1151 = vector.broadcast %jit3A_1149 : i32 to vector<16xi32>
      %select_n3A_1152 = arith.select %ge3A_1147, %broadcast_in_dim3A_1150, %broadcast_in_dim3A_1151 : vector<16xi1>, vector<16xi32>
      %add3A_1153 = arith.addi %get3A_1144, %select_n3A_1152 : vector<16xi32>
      %swap3A_1154 = arith.constant 1 : i32
      %swap3A_1155 = arith.index_cast %swap3A_1154 : i32 to index
      %swap3A_1156 = arith.constant 96 : index
      %swap3A_1157 = tpu.vector_load %arg18[%swap3A_1155, %swap3A_1156] {strides = array<i32>} : memref<2x128xi32, #tpu.memory_space<vmem>>, vector<1x16xi32>,
      %swap3A_1158 = vector.shape_cast %swap3A_1157 : vector<1x16xi32> to vector<16xi32>
      %swap3A_1159 = vector.shape_cast %add3A_1153 : vector<16xi32> to vector<1x16xi32>
      tpu.vector_store %arg18[%swap3A_1155, %swap3A_1156], %swap3A_1159 {strides = array<i32>} : memref<2x128xi32, #tpu.memory_space<vmem>>, vector<1x16xi32>,
      %get3A_1160 = arith.constant 240 : index
      %get3A_1161 = tpu.vector_load %arg16[%get3A_1160] {strides = array<i32>} : memref<256xi32, #tpu.memory_space<vmem>>, vector<16xi32>,
      %get3A_1162 = vector.shape_cast %get3A_1161 : vector<16xi32> to vector<16xi32>
      %ge3A_1163 = arith.constant 50000 : i32
      %ge3A_1164 = vector.broadcast %ge3A_1163 : i32 to vector<16xi32>
      %ge3A_1165 = arith.cmpi sge, %get3A_1162, %ge3A_1164 : vector<16xi32>
      %jit3A_1166 = arith.constant 1200 : i32
      %jit3A_1167 = arith.constant 0 : i32
      %broadcast_in_dim3A_1168 = vector.broadcast %jit3A_1166 : i32 to vector<16xi32>
      %broadcast_in_dim3A_1169 = vector.broadcast %jit3A_1167 : i32 to vector<16xi32>
      %select_n3A_1170 = arith.select %ge3A_1165, %broadcast_in_dim3A_1168, %broadcast_in_dim3A_1169 : vector<16xi1>, vector<16xi32>
      %add3A_1171 = arith.addi %get3A_1162, %select_n3A_1170 : vector<16xi32>
      %swap3A_1172 = arith.constant 1 : i32
      %swap3A_1173 = arith.index_cast %swap3A_1172 : i32 to index
      %swap3A_1174 = arith.constant 112 : index
      %swap3A_1175 = tpu.vector_load %arg18[%swap3A_1173, %swap3A_1174] {strides = array<i32>} : memref<2x128xi32, #tpu.memory_space<vmem>>, vector<1x16xi32>,
      %swap3A_1176 = vector.shape_cast %swap3A_1175 : vector<1x16xi32> to vector<16xi32>
      %swap3A_1177 = vector.shape_cast %add3A_1171 : vector<16xi32> to vector<1x16xi32>
      tpu.vector_store %arg18[%swap3A_1173, %swap3A_1174], %swap3A_1177 {strides = array<i32>} : memref<2x128xi32, #tpu.memory_space<vmem>>, vector<1x16xi32>,
      %dma_start3A_1178 = arith.constant 0 : i32
      %dma_start3A_1179 = arith.constant 0 : i32
      %dma_start3A_1180 = arith.constant 0 : i32
      %dma_start3A_1181 = tpu.memref_slice %arg20[%dma_start3A_1179, %dma_start3A_1180] : memref<256x32xf32, #tpu.memory_space<vmem>> -> memref<128x32xf32, #tpu.memory_space<vmem>>
      %dma_start3A_1182 = arith.constant 0 : i32
      %dma_start3A_1183 = tpu.memref_slice %arg18[%dma_start3A_1178, %dma_start3A_1182] : memref<2x128xi32, #tpu.memory_space<vmem>> -> memref<1x128xi32, #tpu.memory_space<vmem>>
      %dma_start3A_1184 = tpu.memref_squeeze %dma_start3A_1183 : memref<1x128xi32, #tpu.memory_space<vmem>> -> memref<128xi32, #tpu.memory_space<vmem>>
      %dma_start3A_1185 = arith.constant 0 : i32
      %dma_start3A_1186 = arith.constant 0 : i32
      %dma_start3A_1187 = tpu.memref_slice %arg2[%dma_start3A_1185, %dma_start3A_1186] : memref<102400x32xf32, #tpu.memory_space<hbm>> -> memref<102400x32xf32, #tpu.memory_space<hbm>>
      tpu.enqueue_indirect_dma source(%dma_start3A_1187 : memref<102400x32xf32, #tpu.memory_space<hbm>>) target(%dma_start3A_1181 : memref<128x32xf32, #tpu.memory_space<vmem>>) offsets(%dma_start3A_1184 : memref<128xi32, #tpu.memory_space<vmem>>) semaphore(%arg22 : memref<!tpu.dma_semaphore, #tpu.memory_space<semaphore_mem>>)
      %dma_start3A_1188 = arith.constant 1 : i32
      %dma_start3A_1189 = arith.constant 128 : i32
      %dma_start3A_1190 = arith.constant 0 : i32
      %dma_start3A_1191 = tpu.memref_slice %arg20[%dma_start3A_1189, %dma_start3A_1190] : memref<256x32xf32, #tpu.memory_space<vmem>> -> memref<128x32xf32, #tpu.memory_space<vmem>>
      %dma_start3A_1192 = arith.constant 0 : i32
      %dma_start3A_1193 = tpu.memref_slice %arg18[%dma_start3A_1188, %dma_start3A_1192] : memref<2x128xi32, #tpu.memory_space<vmem>> -> memref<1x128xi32, #tpu.memory_space<vmem>>
      %dma_start3A_1194 = tpu.memref_squeeze %dma_start3A_1193 : memref<1x128xi32, #tpu.memory_space<vmem>> -> memref<128xi32, #tpu.memory_space<vmem>>
      %dma_start3A_1195 = arith.constant 0 : i32
      %dma_start3A_1196 = arith.constant 0 : i32
      %dma_start3A_1197 = tpu.memref_slice %arg2[%dma_start3A_1195, %dma_start3A_1196] : memref<102400x32xf32, #tpu.memory_space<hbm>> -> memref<102400x32xf32, #tpu.memory_space<hbm>>
      tpu.enqueue_indirect_dma source(%dma_start3A_1197 : memref<102400x32xf32, #tpu.memory_space<hbm>>) target(%dma_start3A_1191 : memref<128x32xf32, #tpu.memory_space<vmem>>) offsets(%dma_start3A_1194 : memref<128xi32, #tpu.memory_space<vmem>>) semaphore(%arg22 : memref<!tpu.dma_semaphore, #tpu.memory_space<semaphore_mem>>)
      %get3A_1198 = arith.constant 0 : index
      %get3A_1199 = tpu.vector_load %arg17[%get3A_1198] {strides = array<i32>} : memref<256xi32, #tpu.memory_space<vmem>>, vector<16xi32>,
      %get3A_1200 = vector.shape_cast %get3A_1199 : vector<16xi32> to vector<16xi32>
      %sub3A_1201 = vector.broadcast %mul3A_0 : i32 to vector<16xi32>
      %sub3A_1202 = arith.subi %get3A_1200, %sub3A_1201 : vector<16xi32>
      %lt3A_1203 = arith.constant 0 : i32
      %lt3A_1204 = vector.broadcast %lt3A_1203 : i32 to vector<16xi32>
      %lt3A_1205 = arith.cmpi slt, %sub3A_1202, %lt3A_1204 : vector<16xi32>
      %ge3A_1206 = arith.constant 50000 : i32
      %ge3A_1207 = vector.broadcast %ge3A_1206 : i32 to vector<16xi32>
      %ge3A_1208 = arith.cmpi sge, %sub3A_1202, %ge3A_1207 : vector<16xi32>
      %or3A_1209 = arith.ori %lt3A_1205, %ge3A_1208 : vector<16xi1>
      %mul3A_1210 = arith.constant 67 : i32
      %mul3A_1211 = arith.muli %arg1, %mul3A_1210 : i32
      %add3A_1212 = arith.constant 0 : i32
      %add3A_1213 = arith.addi %add3A_1212, %mul3A_1211 : i32
      %mul3A_1214 = arith.constant 131 : i32
      %mul3A_1215 = arith.muli %add3A_885, %mul3A_1214 : i32
      %add3A_1216 = arith.addi %add3A_1213, %mul3A_1215 : i32
      %add3A_1217 = vector.broadcast %add3A_1216 : i32 to vector<16xi32>
      %add3A_1218 = arith.addi %iota3A, %add3A_1217 : vector<16xi32>
      %and3A_1219 = arith.constant 1023 : i32
      %and3A_1220 = vector.broadcast %and3A_1219 : i32 to vector<16xi32>
      %and3A_1221 = arith.andi %add3A_1218, %and3A_1220 : vector<16xi32>
      %add3A_1222 = arith.constant 50000 : i32
      %add3A_1223 = vector.broadcast %add3A_1222 : i32 to vector<16xi32>
      %add3A_1224 = arith.addi %add3A_1223, %and3A_1221 : vector<16xi32>
      %select_n3A_1225 = arith.select %or3A_1209, %add3A_1224, %sub3A_1202 : vector<16xi1>, vector<16xi32>
      %swap3A_1226 = arith.constant 0 : i32
      %swap3A_1227 = arith.index_cast %swap3A_1226 : i32 to index
      %swap3A_1228 = arith.constant 0 : index
      %swap3A_1229 = tpu.vector_load %arg19[%swap3A_1227, %swap3A_1228] {strides = array<i32>} : memref<2x128xi32, #tpu.memory_space<vmem>>, vector<1x16xi32>,
      %swap3A_1230 = vector.shape_cast %swap3A_1229 : vector<1x16xi32> to vector<16xi32>
      %swap3A_1231 = vector.shape_cast %select_n3A_1225 : vector<16xi32> to vector<1x16xi32>
      tpu.vector_store %arg19[%swap3A_1227, %swap3A_1228], %swap3A_1231 {strides = array<i32>} : memref<2x128xi32, #tpu.memory_space<vmem>>, vector<1x16xi32>,
      %get3A_1232 = arith.constant 16 : index
      %get3A_1233 = tpu.vector_load %arg17[%get3A_1232] {strides = array<i32>} : memref<256xi32, #tpu.memory_space<vmem>>, vector<16xi32>,
      %get3A_1234 = vector.shape_cast %get3A_1233 : vector<16xi32> to vector<16xi32>
      %sub3A_1235 = vector.broadcast %mul3A_0 : i32 to vector<16xi32>
      %sub3A_1236 = arith.subi %get3A_1234, %sub3A_1235 : vector<16xi32>
      %lt3A_1237 = arith.constant 0 : i32
      %lt3A_1238 = vector.broadcast %lt3A_1237 : i32 to vector<16xi32>
      %lt3A_1239 = arith.cmpi slt, %sub3A_1236, %lt3A_1238 : vector<16xi32>
      %ge3A_1240 = arith.constant 50000 : i32
      %ge3A_1241 = vector.broadcast %ge3A_1240 : i32 to vector<16xi32>
      %ge3A_1242 = arith.cmpi sge, %sub3A_1236, %ge3A_1241 : vector<16xi32>
      %or3A_1243 = arith.ori %lt3A_1239, %ge3A_1242 : vector<16xi1>
      %mul3A_1244 = arith.constant 67 : i32
      %mul3A_1245 = arith.muli %arg1, %mul3A_1244 : i32
      %add3A_1246 = arith.constant 16 : i32
      %add3A_1247 = arith.addi %add3A_1246, %mul3A_1245 : i32
      %mul3A_1248 = arith.constant 131 : i32
      %mul3A_1249 = arith.muli %add3A_885, %mul3A_1248 : i32
      %add3A_1250 = arith.addi %add3A_1247, %mul3A_1249 : i32
      %add3A_1251 = vector.broadcast %add3A_1250 : i32 to vector<16xi32>
      %add3A_1252 = arith.addi %iota3A, %add3A_1251 : vector<16xi32>
      %and3A_1253 = arith.constant 1023 : i32
      %and3A_1254 = vector.broadcast %and3A_1253 : i32 to vector<16xi32>
      %and3A_1255 = arith.andi %add3A_1252, %and3A_1254 : vector<16xi32>
      %add3A_1256 = arith.constant 50000 : i32
      %add3A_1257 = vector.broadcast %add3A_1256 : i32 to vector<16xi32>
      %add3A_1258 = arith.addi %add3A_1257, %and3A_1255 : vector<16xi32>
      %select_n3A_1259 = arith.select %or3A_1243, %add3A_1258, %sub3A_1236 : vector<16xi1>, vector<16xi32>
      %swap3A_1260 = arith.constant 0 : i32
      %swap3A_1261 = arith.index_cast %swap3A_1260 : i32 to index
      %swap3A_1262 = arith.constant 16 : index
      %swap3A_1263 = tpu.vector_load %arg19[%swap3A_1261, %swap3A_1262] {strides = array<i32>} : memref<2x128xi32, #tpu.memory_space<vmem>>, vector<1x16xi32>,
      %swap3A_1264 = vector.shape_cast %swap3A_1263 : vector<1x16xi32> to vector<16xi32>
      %swap3A_1265 = vector.shape_cast %select_n3A_1259 : vector<16xi32> to vector<1x16xi32>
      tpu.vector_store %arg19[%swap3A_1261, %swap3A_1262], %swap3A_1265 {strides = array<i32>} : memref<2x128xi32, #tpu.memory_space<vmem>>, vector<1x16xi32>,
      %get3A_1266 = arith.constant 32 : index
      %get3A_1267 = tpu.vector_load %arg17[%get3A_1266] {strides = array<i32>} : memref<256xi32, #tpu.memory_space<vmem>>, vector<16xi32>,
      %get3A_1268 = vector.shape_cast %get3A_1267 : vector<16xi32> to vector<16xi32>
      %sub3A_1269 = vector.broadcast %mul3A_0 : i32 to vector<16xi32>
      %sub3A_1270 = arith.subi %get3A_1268, %sub3A_1269 : vector<16xi32>
      %lt3A_1271 = arith.constant 0 : i32
      %lt3A_1272 = vector.broadcast %lt3A_1271 : i32 to vector<16xi32>
      %lt3A_1273 = arith.cmpi slt, %sub3A_1270, %lt3A_1272 : vector<16xi32>
      %ge3A_1274 = arith.constant 50000 : i32
      %ge3A_1275 = vector.broadcast %ge3A_1274 : i32 to vector<16xi32>
      %ge3A_1276 = arith.cmpi sge, %sub3A_1270, %ge3A_1275 : vector<16xi32>
      %or3A_1277 = arith.ori %lt3A_1273, %ge3A_1276 : vector<16xi1>
      %mul3A_1278 = arith.constant 67 : i32
      %mul3A_1279 = arith.muli %arg1, %mul3A_1278 : i32
      %add3A_1280 = arith.constant 32 : i32
      %add3A_1281 = arith.addi %add3A_1280, %mul3A_1279 : i32
      %mul3A_1282 = arith.constant 131 : i32
      %mul3A_1283 = arith.muli %add3A_885, %mul3A_1282 : i32
      %add3A_1284 = arith.addi %add3A_1281, %mul3A_1283 : i32
      %add3A_1285 = vector.broadcast %add3A_1284 : i32 to vector<16xi32>
      %add3A_1286 = arith.addi %iota3A, %add3A_1285 : vector<16xi32>
      %and3A_1287 = arith.constant 1023 : i32
      %and3A_1288 = vector.broadcast %and3A_1287 : i32 to vector<16xi32>
      %and3A_1289 = arith.andi %add3A_1286, %and3A_1288 : vector<16xi32>
      %add3A_1290 = arith.constant 50000 : i32
      %add3A_1291 = vector.broadcast %add3A_1290 : i32 to vector<16xi32>
      %add3A_1292 = arith.addi %add3A_1291, %and3A_1289 : vector<16xi32>
      %select_n3A_1293 = arith.select %or3A_1277, %add3A_1292, %sub3A_1270 : vector<16xi1>, vector<16xi32>
      %swap3A_1294 = arith.constant 0 : i32
      %swap3A_1295 = arith.index_cast %swap3A_1294 : i32 to index
      %swap3A_1296 = arith.constant 32 : index
      %swap3A_1297 = tpu.vector_load %arg19[%swap3A_1295, %swap3A_1296] {strides = array<i32>} : memref<2x128xi32, #tpu.memory_space<vmem>>, vector<1x16xi32>,
      %swap3A_1298 = vector.shape_cast %swap3A_1297 : vector<1x16xi32> to vector<16xi32>
      %swap3A_1299 = vector.shape_cast %select_n3A_1293 : vector<16xi32> to vector<1x16xi32>
      tpu.vector_store %arg19[%swap3A_1295, %swap3A_1296], %swap3A_1299 {strides = array<i32>} : memref<2x128xi32, #tpu.memory_space<vmem>>, vector<1x16xi32>,
      %get3A_1300 = arith.constant 48 : index
      %get3A_1301 = tpu.vector_load %arg17[%get3A_1300] {strides = array<i32>} : memref<256xi32, #tpu.memory_space<vmem>>, vector<16xi32>,
      %get3A_1302 = vector.shape_cast %get3A_1301 : vector<16xi32> to vector<16xi32>
      %sub3A_1303 = vector.broadcast %mul3A_0 : i32 to vector<16xi32>
      %sub3A_1304 = arith.subi %get3A_1302, %sub3A_1303 : vector<16xi32>
      %lt3A_1305 = arith.constant 0 : i32
      %lt3A_1306 = vector.broadcast %lt3A_1305 : i32 to vector<16xi32>
      %lt3A_1307 = arith.cmpi slt, %sub3A_1304, %lt3A_1306 : vector<16xi32>
      %ge3A_1308 = arith.constant 50000 : i32
      %ge3A_1309 = vector.broadcast %ge3A_1308 : i32 to vector<16xi32>
      %ge3A_1310 = arith.cmpi sge, %sub3A_1304, %ge3A_1309 : vector<16xi32>
      %or3A_1311 = arith.ori %lt3A_1307, %ge3A_1310 : vector<16xi1>
      %mul3A_1312 = arith.constant 67 : i32
      %mul3A_1313 = arith.muli %arg1, %mul3A_1312 : i32
      %add3A_1314 = arith.constant 48 : i32
      %add3A_1315 = arith.addi %add3A_1314, %mul3A_1313 : i32
      %mul3A_1316 = arith.constant 131 : i32
      %mul3A_1317 = arith.muli %add3A_885, %mul3A_1316 : i32
      %add3A_1318 = arith.addi %add3A_1315, %mul3A_1317 : i32
      %add3A_1319 = vector.broadcast %add3A_1318 : i32 to vector<16xi32>
      %add3A_1320 = arith.addi %iota3A, %add3A_1319 : vector<16xi32>
      %and3A_1321 = arith.constant 1023 : i32
      %and3A_1322 = vector.broadcast %and3A_1321 : i32 to vector<16xi32>
      %and3A_1323 = arith.andi %add3A_1320, %and3A_1322 : vector<16xi32>
      %add3A_1324 = arith.constant 50000 : i32
      %add3A_1325 = vector.broadcast %add3A_1324 : i32 to vector<16xi32>
      %add3A_1326 = arith.addi %add3A_1325, %and3A_1323 : vector<16xi32>
      %select_n3A_1327 = arith.select %or3A_1311, %add3A_1326, %sub3A_1304 : vector<16xi1>, vector<16xi32>
      %swap3A_1328 = arith.constant 0 : i32
      %swap3A_1329 = arith.index_cast %swap3A_1328 : i32 to index
      %swap3A_1330 = arith.constant 48 : index
      %swap3A_1331 = tpu.vector_load %arg19[%swap3A_1329, %swap3A_1330] {strides = array<i32>} : memref<2x128xi32, #tpu.memory_space<vmem>>, vector<1x16xi32>,
      %swap3A_1332 = vector.shape_cast %swap3A_1331 : vector<1x16xi32> to vector<16xi32>
      %swap3A_1333 = vector.shape_cast %select_n3A_1327 : vector<16xi32> to vector<1x16xi32>
      tpu.vector_store %arg19[%swap3A_1329, %swap3A_1330], %swap3A_1333 {strides = array<i32>} : memref<2x128xi32, #tpu.memory_space<vmem>>, vector<1x16xi32>,
      %get3A_1334 = arith.constant 64 : index
      %get3A_1335 = tpu.vector_load %arg17[%get3A_1334] {strides = array<i32>} : memref<256xi32, #tpu.memory_space<vmem>>, vector<16xi32>,
      %get3A_1336 = vector.shape_cast %get3A_1335 : vector<16xi32> to vector<16xi32>
      %sub3A_1337 = vector.broadcast %mul3A_0 : i32 to vector<16xi32>
      %sub3A_1338 = arith.subi %get3A_1336, %sub3A_1337 : vector<16xi32>
      %lt3A_1339 = arith.constant 0 : i32
      %lt3A_1340 = vector.broadcast %lt3A_1339 : i32 to vector<16xi32>
      %lt3A_1341 = arith.cmpi slt, %sub3A_1338, %lt3A_1340 : vector<16xi32>
      %ge3A_1342 = arith.constant 50000 : i32
      %ge3A_1343 = vector.broadcast %ge3A_1342 : i32 to vector<16xi32>
      %ge3A_1344 = arith.cmpi sge, %sub3A_1338, %ge3A_1343 : vector<16xi32>
      %or3A_1345 = arith.ori %lt3A_1341, %ge3A_1344 : vector<16xi1>
      %mul3A_1346 = arith.constant 67 : i32
      %mul3A_1347 = arith.muli %arg1, %mul3A_1346 : i32
      %add3A_1348 = arith.constant 64 : i32
      %add3A_1349 = arith.addi %add3A_1348, %mul3A_1347 : i32
      %mul3A_1350 = arith.constant 131 : i32
      %mul3A_1351 = arith.muli %add3A_885, %mul3A_1350 : i32
      %add3A_1352 = arith.addi %add3A_1349, %mul3A_1351 : i32
      %add3A_1353 = vector.broadcast %add3A_1352 : i32 to vector<16xi32>
      %add3A_1354 = arith.addi %iota3A, %add3A_1353 : vector<16xi32>
      %and3A_1355 = arith.constant 1023 : i32
      %and3A_1356 = vector.broadcast %and3A_1355 : i32 to vector<16xi32>
      %and3A_1357 = arith.andi %add3A_1354, %and3A_1356 : vector<16xi32>
      %add3A_1358 = arith.constant 50000 : i32
      %add3A_1359 = vector.broadcast %add3A_1358 : i32 to vector<16xi32>
      %add3A_1360 = arith.addi %add3A_1359, %and3A_1357 : vector<16xi32>
      %select_n3A_1361 = arith.select %or3A_1345, %add3A_1360, %sub3A_1338 : vector<16xi1>, vector<16xi32>
      %swap3A_1362 = arith.constant 0 : i32
      %swap3A_1363 = arith.index_cast %swap3A_1362 : i32 to index
      %swap3A_1364 = arith.constant 64 : index
      %swap3A_1365 = tpu.vector_load %arg19[%swap3A_1363, %swap3A_1364] {strides = array<i32>} : memref<2x128xi32, #tpu.memory_space<vmem>>, vector<1x16xi32>,
      %swap3A_1366 = vector.shape_cast %swap3A_1365 : vector<1x16xi32> to vector<16xi32>
      %swap3A_1367 = vector.shape_cast %select_n3A_1361 : vector<16xi32> to vector<1x16xi32>
      tpu.vector_store %arg19[%swap3A_1363, %swap3A_1364], %swap3A_1367 {strides = array<i32>} : memref<2x128xi32, #tpu.memory_space<vmem>>, vector<1x16xi32>,
      %get3A_1368 = arith.constant 80 : index
      %get3A_1369 = tpu.vector_load %arg17[%get3A_1368] {strides = array<i32>} : memref<256xi32, #tpu.memory_space<vmem>>, vector<16xi32>,
      %get3A_1370 = vector.shape_cast %get3A_1369 : vector<16xi32> to vector<16xi32>
      %sub3A_1371 = vector.broadcast %mul3A_0 : i32 to vector<16xi32>
      %sub3A_1372 = arith.subi %get3A_1370, %sub3A_1371 : vector<16xi32>
      %lt3A_1373 = arith.constant 0 : i32
      %lt3A_1374 = vector.broadcast %lt3A_1373 : i32 to vector<16xi32>
      %lt3A_1375 = arith.cmpi slt, %sub3A_1372, %lt3A_1374 : vector<16xi32>
      %ge3A_1376 = arith.constant 50000 : i32
      %ge3A_1377 = vector.broadcast %ge3A_1376 : i32 to vector<16xi32>
      %ge3A_1378 = arith.cmpi sge, %sub3A_1372, %ge3A_1377 : vector<16xi32>
      %or3A_1379 = arith.ori %lt3A_1375, %ge3A_1378 : vector<16xi1>
      %mul3A_1380 = arith.constant 67 : i32
      %mul3A_1381 = arith.muli %arg1, %mul3A_1380 : i32
      %add3A_1382 = arith.constant 80 : i32
      %add3A_1383 = arith.addi %add3A_1382, %mul3A_1381 : i32
      %mul3A_1384 = arith.constant 131 : i32
      %mul3A_1385 = arith.muli %add3A_885, %mul3A_1384 : i32
      %add3A_1386 = arith.addi %add3A_1383, %mul3A_1385 : i32
      %add3A_1387 = vector.broadcast %add3A_1386 : i32 to vector<16xi32>
      %add3A_1388 = arith.addi %iota3A, %add3A_1387 : vector<16xi32>
      %and3A_1389 = arith.constant 1023 : i32
      %and3A_1390 = vector.broadcast %and3A_1389 : i32 to vector<16xi32>
      %and3A_1391 = arith.andi %add3A_1388, %and3A_1390 : vector<16xi32>
      %add3A_1392 = arith.constant 50000 : i32
      %add3A_1393 = vector.broadcast %add3A_1392 : i32 to vector<16xi32>
      %add3A_1394 = arith.addi %add3A_1393, %and3A_1391 : vector<16xi32>
      %select_n3A_1395 = arith.select %or3A_1379, %add3A_1394, %sub3A_1372 : vector<16xi1>, vector<16xi32>
      %swap3A_1396 = arith.constant 0 : i32
      %swap3A_1397 = arith.index_cast %swap3A_1396 : i32 to index
      %swap3A_1398 = arith.constant 80 : index
      %swap3A_1399 = tpu.vector_load %arg19[%swap3A_1397, %swap3A_1398] {strides = array<i32>} : memref<2x128xi32, #tpu.memory_space<vmem>>, vector<1x16xi32>,
      %swap3A_1400 = vector.shape_cast %swap3A_1399 : vector<1x16xi32> to vector<16xi32>
      %swap3A_1401 = vector.shape_cast %select_n3A_1395 : vector<16xi32> to vector<1x16xi32>
      tpu.vector_store %arg19[%swap3A_1397, %swap3A_1398], %swap3A_1401 {strides = array<i32>} : memref<2x128xi32, #tpu.memory_space<vmem>>, vector<1x16xi32>,
      %get3A_1402 = arith.constant 96 : index
      %get3A_1403 = tpu.vector_load %arg17[%get3A_1402] {strides = array<i32>} : memref<256xi32, #tpu.memory_space<vmem>>, vector<16xi32>,
      %get3A_1404 = vector.shape_cast %get3A_1403 : vector<16xi32> to vector<16xi32>
      %sub3A_1405 = vector.broadcast %mul3A_0 : i32 to vector<16xi32>
      %sub3A_1406 = arith.subi %get3A_1404, %sub3A_1405 : vector<16xi32>
      %lt3A_1407 = arith.constant 0 : i32
      %lt3A_1408 = vector.broadcast %lt3A_1407 : i32 to vector<16xi32>
      %lt3A_1409 = arith.cmpi slt, %sub3A_1406, %lt3A_1408 : vector<16xi32>
      %ge3A_1410 = arith.constant 50000 : i32
      %ge3A_1411 = vector.broadcast %ge3A_1410 : i32 to vector<16xi32>
      %ge3A_1412 = arith.cmpi sge, %sub3A_1406, %ge3A_1411 : vector<16xi32>
      %or3A_1413 = arith.ori %lt3A_1409, %ge3A_1412 : vector<16xi1>
      %mul3A_1414 = arith.constant 67 : i32
      %mul3A_1415 = arith.muli %arg1, %mul3A_1414 : i32
      %add3A_1416 = arith.constant 96 : i32
      %add3A_1417 = arith.addi %add3A_1416, %mul3A_1415 : i32
      %mul3A_1418 = arith.constant 131 : i32
      %mul3A_1419 = arith.muli %add3A_885, %mul3A_1418 : i32
      %add3A_1420 = arith.addi %add3A_1417, %mul3A_1419 : i32
      %add3A_1421 = vector.broadcast %add3A_1420 : i32 to vector<16xi32>
      %add3A_1422 = arith.addi %iota3A, %add3A_1421 : vector<16xi32>
      %and3A_1423 = arith.constant 1023 : i32
      %and3A_1424 = vector.broadcast %and3A_1423 : i32 to vector<16xi32>
      %and3A_1425 = arith.andi %add3A_1422, %and3A_1424 : vector<16xi32>
      %add3A_1426 = arith.constant 50000 : i32
      %add3A_1427 = vector.broadcast %add3A_1426 : i32 to vector<16xi32>
      %add3A_1428 = arith.addi %add3A_1427, %and3A_1425 : vector<16xi32>
      %select_n3A_1429 = arith.select %or3A_1413, %add3A_1428, %sub3A_1406 : vector<16xi1>, vector<16xi32>
      %swap3A_1430 = arith.constant 0 : i32
      %swap3A_1431 = arith.index_cast %swap3A_1430 : i32 to index
      %swap3A_1432 = arith.constant 96 : index
      %swap3A_1433 = tpu.vector_load %arg19[%swap3A_1431, %swap3A_1432] {strides = array<i32>} : memref<2x128xi32, #tpu.memory_space<vmem>>, vector<1x16xi32>,
      %swap3A_1434 = vector.shape_cast %swap3A_1433 : vector<1x16xi32> to vector<16xi32>
      %swap3A_1435 = vector.shape_cast %select_n3A_1429 : vector<16xi32> to vector<1x16xi32>
      tpu.vector_store %arg19[%swap3A_1431, %swap3A_1432], %swap3A_1435 {strides = array<i32>} : memref<2x128xi32, #tpu.memory_space<vmem>>, vector<1x16xi32>,
      %get3A_1436 = arith.constant 112 : index
      %get3A_1437 = tpu.vector_load %arg17[%get3A_1436] {strides = array<i32>} : memref<256xi32, #tpu.memory_space<vmem>>, vector<16xi32>,
      %get3A_1438 = vector.shape_cast %get3A_1437 : vector<16xi32> to vector<16xi32>
      %sub3A_1439 = vector.broadcast %mul3A_0 : i32 to vector<16xi32>
      %sub3A_1440 = arith.subi %get3A_1438, %sub3A_1439 : vector<16xi32>
      %lt3A_1441 = arith.constant 0 : i32
      %lt3A_1442 = vector.broadcast %lt3A_1441 : i32 to vector<16xi32>
      %lt3A_1443 = arith.cmpi slt, %sub3A_1440, %lt3A_1442 : vector<16xi32>
      %ge3A_1444 = arith.constant 50000 : i32
      %ge3A_1445 = vector.broadcast %ge3A_1444 : i32 to vector<16xi32>
      %ge3A_1446 = arith.cmpi sge, %sub3A_1440, %ge3A_1445 : vector<16xi32>
      %or3A_1447 = arith.ori %lt3A_1443, %ge3A_1446 : vector<16xi1>
      %mul3A_1448 = arith.constant 67 : i32
      %mul3A_1449 = arith.muli %arg1, %mul3A_1448 : i32
      %add3A_1450 = arith.constant 112 : i32
      %add3A_1451 = arith.addi %add3A_1450, %mul3A_1449 : i32
      %mul3A_1452 = arith.constant 131 : i32
      %mul3A_1453 = arith.muli %add3A_885, %mul3A_1452 : i32
      %add3A_1454 = arith.addi %add3A_1451, %mul3A_1453 : i32
      %add3A_1455 = vector.broadcast %add3A_1454 : i32 to vector<16xi32>
      %add3A_1456 = arith.addi %iota3A, %add3A_1455 : vector<16xi32>
      %and3A_1457 = arith.constant 1023 : i32
      %and3A_1458 = vector.broadcast %and3A_1457 : i32 to vector<16xi32>
      %and3A_1459 = arith.andi %add3A_1456, %and3A_1458 : vector<16xi32>
      %add3A_1460 = arith.constant 50000 : i32
      %add3A_1461 = vector.broadcast %add3A_1460 : i32 to vector<16xi32>
      %add3A_1462 = arith.addi %add3A_1461, %and3A_1459 : vector<16xi32>
      %select_n3A_1463 = arith.select %or3A_1447, %add3A_1462, %sub3A_1440 : vector<16xi1>, vector<16xi32>
      %swap3A_1464 = arith.constant 0 : i32
      %swap3A_1465 = arith.index_cast %swap3A_1464 : i32 to index
      %swap3A_1466 = arith.constant 112 : index
      %swap3A_1467 = tpu.vector_load %arg19[%swap3A_1465, %swap3A_1466] {strides = array<i32>} : memref<2x128xi32, #tpu.memory_space<vmem>>, vector<1x16xi32>,
      %swap3A_1468 = vector.shape_cast %swap3A_1467 : vector<1x16xi32> to vector<16xi32>
      %swap3A_1469 = vector.shape_cast %select_n3A_1463 : vector<16xi32> to vector<1x16xi32>
      tpu.vector_store %arg19[%swap3A_1465, %swap3A_1466], %swap3A_1469 {strides = array<i32>} : memref<2x128xi32, #tpu.memory_space<vmem>>, vector<1x16xi32>,
      %get3A_1470 = arith.constant 128 : index
      %get3A_1471 = tpu.vector_load %arg17[%get3A_1470] {strides = array<i32>} : memref<256xi32, #tpu.memory_space<vmem>>, vector<16xi32>,
      %get3A_1472 = vector.shape_cast %get3A_1471 : vector<16xi32> to vector<16xi32>
      %sub3A_1473 = vector.broadcast %mul3A_0 : i32 to vector<16xi32>
      %sub3A_1474 = arith.subi %get3A_1472, %sub3A_1473 : vector<16xi32>
      %lt3A_1475 = arith.constant 0 : i32
      %lt3A_1476 = vector.broadcast %lt3A_1475 : i32 to vector<16xi32>
      %lt3A_1477 = arith.cmpi slt, %sub3A_1474, %lt3A_1476 : vector<16xi32>
      %ge3A_1478 = arith.constant 50000 : i32
      %ge3A_1479 = vector.broadcast %ge3A_1478 : i32 to vector<16xi32>
      %ge3A_1480 = arith.cmpi sge, %sub3A_1474, %ge3A_1479 : vector<16xi32>
      %or3A_1481 = arith.ori %lt3A_1477, %ge3A_1480 : vector<16xi1>
      %mul3A_1482 = arith.constant 67 : i32
      %mul3A_1483 = arith.muli %arg1, %mul3A_1482 : i32
      %add3A_1484 = arith.constant 128 : i32
      %add3A_1485 = arith.addi %add3A_1484, %mul3A_1483 : i32
      %mul3A_1486 = arith.constant 131 : i32
      %mul3A_1487 = arith.muli %add3A_885, %mul3A_1486 : i32
      %add3A_1488 = arith.addi %add3A_1485, %mul3A_1487 : i32
      %add3A_1489 = vector.broadcast %add3A_1488 : i32 to vector<16xi32>
      %add3A_1490 = arith.addi %iota3A, %add3A_1489 : vector<16xi32>
      %and3A_1491 = arith.constant 1023 : i32
      %and3A_1492 = vector.broadcast %and3A_1491 : i32 to vector<16xi32>
      %and3A_1493 = arith.andi %add3A_1490, %and3A_1492 : vector<16xi32>
      %add3A_1494 = arith.constant 50000 : i32
      %add3A_1495 = vector.broadcast %add3A_1494 : i32 to vector<16xi32>
      %add3A_1496 = arith.addi %add3A_1495, %and3A_1493 : vector<16xi32>
      %select_n3A_1497 = arith.select %or3A_1481, %add3A_1496, %sub3A_1474 : vector<16xi1>, vector<16xi32>
      %swap3A_1498 = arith.constant 1 : i32
      %swap3A_1499 = arith.index_cast %swap3A_1498 : i32 to index
      %swap3A_1500 = arith.constant 0 : index
      %swap3A_1501 = tpu.vector_load %arg19[%swap3A_1499, %swap3A_1500] {strides = array<i32>} : memref<2x128xi32, #tpu.memory_space<vmem>>, vector<1x16xi32>,
      %swap3A_1502 = vector.shape_cast %swap3A_1501 : vector<1x16xi32> to vector<16xi32>
      %swap3A_1503 = vector.shape_cast %select_n3A_1497 : vector<16xi32> to vector<1x16xi32>
      tpu.vector_store %arg19[%swap3A_1499, %swap3A_1500], %swap3A_1503 {strides = array<i32>} : memref<2x128xi32, #tpu.memory_space<vmem>>, vector<1x16xi32>,
      %get3A_1504 = arith.constant 144 : index
      %get3A_1505 = tpu.vector_load %arg17[%get3A_1504] {strides = array<i32>} : memref<256xi32, #tpu.memory_space<vmem>>, vector<16xi32>,
      %get3A_1506 = vector.shape_cast %get3A_1505 : vector<16xi32> to vector<16xi32>
      %sub3A_1507 = vector.broadcast %mul3A_0 : i32 to vector<16xi32>
      %sub3A_1508 = arith.subi %get3A_1506, %sub3A_1507 : vector<16xi32>
      %lt3A_1509 = arith.constant 0 : i32
      %lt3A_1510 = vector.broadcast %lt3A_1509 : i32 to vector<16xi32>
      %lt3A_1511 = arith.cmpi slt, %sub3A_1508, %lt3A_1510 : vector<16xi32>
      %ge3A_1512 = arith.constant 50000 : i32
      %ge3A_1513 = vector.broadcast %ge3A_1512 : i32 to vector<16xi32>
      %ge3A_1514 = arith.cmpi sge, %sub3A_1508, %ge3A_1513 : vector<16xi32>
      %or3A_1515 = arith.ori %lt3A_1511, %ge3A_1514 : vector<16xi1>
      %mul3A_1516 = arith.constant 67 : i32
      %mul3A_1517 = arith.muli %arg1, %mul3A_1516 : i32
      %add3A_1518 = arith.constant 144 : i32
      %add3A_1519 = arith.addi %add3A_1518, %mul3A_1517 : i32
      %mul3A_1520 = arith.constant 131 : i32
      %mul3A_1521 = arith.muli %add3A_885, %mul3A_1520 : i32
      %add3A_1522 = arith.addi %add3A_1519, %mul3A_1521 : i32
      %add3A_1523 = vector.broadcast %add3A_1522 : i32 to vector<16xi32>
      %add3A_1524 = arith.addi %iota3A, %add3A_1523 : vector<16xi32>
      %and3A_1525 = arith.constant 1023 : i32
      %and3A_1526 = vector.broadcast %and3A_1525 : i32 to vector<16xi32>
      %and3A_1527 = arith.andi %add3A_1524, %and3A_1526 : vector<16xi32>
      %add3A_1528 = arith.constant 50000 : i32
      %add3A_1529 = vector.broadcast %add3A_1528 : i32 to vector<16xi32>
      %add3A_1530 = arith.addi %add3A_1529, %and3A_1527 : vector<16xi32>
      %select_n3A_1531 = arith.select %or3A_1515, %add3A_1530, %sub3A_1508 : vector<16xi1>, vector<16xi32>
      %swap3A_1532 = arith.constant 1 : i32
      %swap3A_1533 = arith.index_cast %swap3A_1532 : i32 to index
      %swap3A_1534 = arith.constant 16 : index
      %swap3A_1535 = tpu.vector_load %arg19[%swap3A_1533, %swap3A_1534] {strides = array<i32>} : memref<2x128xi32, #tpu.memory_space<vmem>>, vector<1x16xi32>,
      %swap3A_1536 = vector.shape_cast %swap3A_1535 : vector<1x16xi32> to vector<16xi32>
      %swap3A_1537 = vector.shape_cast %select_n3A_1531 : vector<16xi32> to vector<1x16xi32>
      tpu.vector_store %arg19[%swap3A_1533, %swap3A_1534], %swap3A_1537 {strides = array<i32>} : memref<2x128xi32, #tpu.memory_space<vmem>>, vector<1x16xi32>,
      %get3A_1538 = arith.constant 160 : index
      %get3A_1539 = tpu.vector_load %arg17[%get3A_1538] {strides = array<i32>} : memref<256xi32, #tpu.memory_space<vmem>>, vector<16xi32>,
      %get3A_1540 = vector.shape_cast %get3A_1539 : vector<16xi32> to vector<16xi32>
      %sub3A_1541 = vector.broadcast %mul3A_0 : i32 to vector<16xi32>
      %sub3A_1542 = arith.subi %get3A_1540, %sub3A_1541 : vector<16xi32>
      %lt3A_1543 = arith.constant 0 : i32
      %lt3A_1544 = vector.broadcast %lt3A_1543 : i32 to vector<16xi32>
      %lt3A_1545 = arith.cmpi slt, %sub3A_1542, %lt3A_1544 : vector<16xi32>
      %ge3A_1546 = arith.constant 50000 : i32
      %ge3A_1547 = vector.broadcast %ge3A_1546 : i32 to vector<16xi32>
      %ge3A_1548 = arith.cmpi sge, %sub3A_1542, %ge3A_1547 : vector<16xi32>
      %or3A_1549 = arith.ori %lt3A_1545, %ge3A_1548 : vector<16xi1>
      %mul3A_1550 = arith.constant 67 : i32
      %mul3A_1551 = arith.muli %arg1, %mul3A_1550 : i32
      %add3A_1552 = arith.constant 160 : i32
      %add3A_1553 = arith.addi %add3A_1552, %mul3A_1551 : i32
      %mul3A_1554 = arith.constant 131 : i32
      %mul3A_1555 = arith.muli %add3A_885, %mul3A_1554 : i32
      %add3A_1556 = arith.addi %add3A_1553, %mul3A_1555 : i32
      %add3A_1557 = vector.broadcast %add3A_1556 : i32 to vector<16xi32>
      %add3A_1558 = arith.addi %iota3A, %add3A_1557 : vector<16xi32>
      %and3A_1559 = arith.constant 1023 : i32
      %and3A_1560 = vector.broadcast %and3A_1559 : i32 to vector<16xi32>
      %and3A_1561 = arith.andi %add3A_1558, %and3A_1560 : vector<16xi32>
      %add3A_1562 = arith.constant 50000 : i32
      %add3A_1563 = vector.broadcast %add3A_1562 : i32 to vector<16xi32>
      %add3A_1564 = arith.addi %add3A_1563, %and3A_1561 : vector<16xi32>
      %select_n3A_1565 = arith.select %or3A_1549, %add3A_1564, %sub3A_1542 : vector<16xi1>, vector<16xi32>
      %swap3A_1566 = arith.constant 1 : i32
      %swap3A_1567 = arith.index_cast %swap3A_1566 : i32 to index
      %swap3A_1568 = arith.constant 32 : index
      %swap3A_1569 = tpu.vector_load %arg19[%swap3A_1567, %swap3A_1568] {strides = array<i32>} : memref<2x128xi32, #tpu.memory_space<vmem>>, vector<1x16xi32>,
      %swap3A_1570 = vector.shape_cast %swap3A_1569 : vector<1x16xi32> to vector<16xi32>
      %swap3A_1571 = vector.shape_cast %select_n3A_1565 : vector<16xi32> to vector<1x16xi32>
      tpu.vector_store %arg19[%swap3A_1567, %swap3A_1568], %swap3A_1571 {strides = array<i32>} : memref<2x128xi32, #tpu.memory_space<vmem>>, vector<1x16xi32>,
      %get3A_1572 = arith.constant 176 : index
      %get3A_1573 = tpu.vector_load %arg17[%get3A_1572] {strides = array<i32>} : memref<256xi32, #tpu.memory_space<vmem>>, vector<16xi32>,
      %get3A_1574 = vector.shape_cast %get3A_1573 : vector<16xi32> to vector<16xi32>
      %sub3A_1575 = vector.broadcast %mul3A_0 : i32 to vector<16xi32>
      %sub3A_1576 = arith.subi %get3A_1574, %sub3A_1575 : vector<16xi32>
      %lt3A_1577 = arith.constant 0 : i32
      %lt3A_1578 = vector.broadcast %lt3A_1577 : i32 to vector<16xi32>
      %lt3A_1579 = arith.cmpi slt, %sub3A_1576, %lt3A_1578 : vector<16xi32>
      %ge3A_1580 = arith.constant 50000 : i32
      %ge3A_1581 = vector.broadcast %ge3A_1580 : i32 to vector<16xi32>
      %ge3A_1582 = arith.cmpi sge, %sub3A_1576, %ge3A_1581 : vector<16xi32>
      %or3A_1583 = arith.ori %lt3A_1579, %ge3A_1582 : vector<16xi1>
      %mul3A_1584 = arith.constant 67 : i32
      %mul3A_1585 = arith.muli %arg1, %mul3A_1584 : i32
      %add3A_1586 = arith.constant 176 : i32
      %add3A_1587 = arith.addi %add3A_1586, %mul3A_1585 : i32
      %mul3A_1588 = arith.constant 131 : i32
      %mul3A_1589 = arith.muli %add3A_885, %mul3A_1588 : i32
      %add3A_1590 = arith.addi %add3A_1587, %mul3A_1589 : i32
      %add3A_1591 = vector.broadcast %add3A_1590 : i32 to vector<16xi32>
      %add3A_1592 = arith.addi %iota3A, %add3A_1591 : vector<16xi32>
      %and3A_1593 = arith.constant 1023 : i32
      %and3A_1594 = vector.broadcast %and3A_1593 : i32 to vector<16xi32>
      %and3A_1595 = arith.andi %add3A_1592, %and3A_1594 : vector<16xi32>
      %add3A_1596 = arith.constant 50000 : i32
      %add3A_1597 = vector.broadcast %add3A_1596 : i32 to vector<16xi32>
      %add3A_1598 = arith.addi %add3A_1597, %and3A_1595 : vector<16xi32>
      %select_n3A_1599 = arith.select %or3A_1583, %add3A_1598, %sub3A_1576 : vector<16xi1>, vector<16xi32>
      %swap3A_1600 = arith.constant 1 : i32
      %swap3A_1601 = arith.index_cast %swap3A_1600 : i32 to index
      %swap3A_1602 = arith.constant 48 : index
      %swap3A_1603 = tpu.vector_load %arg19[%swap3A_1601, %swap3A_1602] {strides = array<i32>} : memref<2x128xi32, #tpu.memory_space<vmem>>, vector<1x16xi32>,
      %swap3A_1604 = vector.shape_cast %swap3A_1603 : vector<1x16xi32> to vector<16xi32>
      %swap3A_1605 = vector.shape_cast %select_n3A_1599 : vector<16xi32> to vector<1x16xi32>
      tpu.vector_store %arg19[%swap3A_1601, %swap3A_1602], %swap3A_1605 {strides = array<i32>} : memref<2x128xi32, #tpu.memory_space<vmem>>, vector<1x16xi32>,
      %get3A_1606 = arith.constant 192 : index
      %get3A_1607 = tpu.vector_load %arg17[%get3A_1606] {strides = array<i32>} : memref<256xi32, #tpu.memory_space<vmem>>, vector<16xi32>,
      %get3A_1608 = vector.shape_cast %get3A_1607 : vector<16xi32> to vector<16xi32>
      %sub3A_1609 = vector.broadcast %mul3A_0 : i32 to vector<16xi32>
      %sub3A_1610 = arith.subi %get3A_1608, %sub3A_1609 : vector<16xi32>
      %lt3A_1611 = arith.constant 0 : i32
      %lt3A_1612 = vector.broadcast %lt3A_1611 : i32 to vector<16xi32>
      %lt3A_1613 = arith.cmpi slt, %sub3A_1610, %lt3A_1612 : vector<16xi32>
      %ge3A_1614 = arith.constant 50000 : i32
      %ge3A_1615 = vector.broadcast %ge3A_1614 : i32 to vector<16xi32>
      %ge3A_1616 = arith.cmpi sge, %sub3A_1610, %ge3A_1615 : vector<16xi32>
      %or3A_1617 = arith.ori %lt3A_1613, %ge3A_1616 : vector<16xi1>
      %mul3A_1618 = arith.constant 67 : i32
      %mul3A_1619 = arith.muli %arg1, %mul3A_1618 : i32
      %add3A_1620 = arith.constant 192 : i32
      %add3A_1621 = arith.addi %add3A_1620, %mul3A_1619 : i32
      %mul3A_1622 = arith.constant 131 : i32
      %mul3A_1623 = arith.muli %add3A_885, %mul3A_1622 : i32
      %add3A_1624 = arith.addi %add3A_1621, %mul3A_1623 : i32
      %add3A_1625 = vector.broadcast %add3A_1624 : i32 to vector<16xi32>
      %add3A_1626 = arith.addi %iota3A, %add3A_1625 : vector<16xi32>
      %and3A_1627 = arith.constant 1023 : i32
      %and3A_1628 = vector.broadcast %and3A_1627 : i32 to vector<16xi32>
      %and3A_1629 = arith.andi %add3A_1626, %and3A_1628 : vector<16xi32>
      %add3A_1630 = arith.constant 50000 : i32
      %add3A_1631 = vector.broadcast %add3A_1630 : i32 to vector<16xi32>
      %add3A_1632 = arith.addi %add3A_1631, %and3A_1629 : vector<16xi32>
      %select_n3A_1633 = arith.select %or3A_1617, %add3A_1632, %sub3A_1610 : vector<16xi1>, vector<16xi32>
      %swap3A_1634 = arith.constant 1 : i32
      %swap3A_1635 = arith.index_cast %swap3A_1634 : i32 to index
      %swap3A_1636 = arith.constant 64 : index
      %swap3A_1637 = tpu.vector_load %arg19[%swap3A_1635, %swap3A_1636] {strides = array<i32>} : memref<2x128xi32, #tpu.memory_space<vmem>>, vector<1x16xi32>,
      %swap3A_1638 = vector.shape_cast %swap3A_1637 : vector<1x16xi32> to vector<16xi32>
      %swap3A_1639 = vector.shape_cast %select_n3A_1633 : vector<16xi32> to vector<1x16xi32>
      tpu.vector_store %arg19[%swap3A_1635, %swap3A_1636], %swap3A_1639 {strides = array<i32>} : memref<2x128xi32, #tpu.memory_space<vmem>>, vector<1x16xi32>,
      %get3A_1640 = arith.constant 208 : index
      %get3A_1641 = tpu.vector_load %arg17[%get3A_1640] {strides = array<i32>} : memref<256xi32, #tpu.memory_space<vmem>>, vector<16xi32>,
      %get3A_1642 = vector.shape_cast %get3A_1641 : vector<16xi32> to vector<16xi32>
      %sub3A_1643 = vector.broadcast %mul3A_0 : i32 to vector<16xi32>
      %sub3A_1644 = arith.subi %get3A_1642, %sub3A_1643 : vector<16xi32>
      %lt3A_1645 = arith.constant 0 : i32
      %lt3A_1646 = vector.broadcast %lt3A_1645 : i32 to vector<16xi32>
      %lt3A_1647 = arith.cmpi slt, %sub3A_1644, %lt3A_1646 : vector<16xi32>
      %ge3A_1648 = arith.constant 50000 : i32
      %ge3A_1649 = vector.broadcast %ge3A_1648 : i32 to vector<16xi32>
      %ge3A_1650 = arith.cmpi sge, %sub3A_1644, %ge3A_1649 : vector<16xi32>
      %or3A_1651 = arith.ori %lt3A_1647, %ge3A_1650 : vector<16xi1>
      %mul3A_1652 = arith.constant 67 : i32
      %mul3A_1653 = arith.muli %arg1, %mul3A_1652 : i32
      %add3A_1654 = arith.constant 208 : i32
      %add3A_1655 = arith.addi %add3A_1654, %mul3A_1653 : i32
      %mul3A_1656 = arith.constant 131 : i32
      %mul3A_1657 = arith.muli %add3A_885, %mul3A_1656 : i32
      %add3A_1658 = arith.addi %add3A_1655, %mul3A_1657 : i32
      %add3A_1659 = vector.broadcast %add3A_1658 : i32 to vector<16xi32>
      %add3A_1660 = arith.addi %iota3A, %add3A_1659 : vector<16xi32>
      %and3A_1661 = arith.constant 1023 : i32
      %and3A_1662 = vector.broadcast %and3A_1661 : i32 to vector<16xi32>
      %and3A_1663 = arith.andi %add3A_1660, %and3A_1662 : vector<16xi32>
      %add3A_1664 = arith.constant 50000 : i32
      %add3A_1665 = vector.broadcast %add3A_1664 : i32 to vector<16xi32>
      %add3A_1666 = arith.addi %add3A_1665, %and3A_1663 : vector<16xi32>
      %select_n3A_1667 = arith.select %or3A_1651, %add3A_1666, %sub3A_1644 : vector<16xi1>, vector<16xi32>
      %swap3A_1668 = arith.constant 1 : i32
      %swap3A_1669 = arith.index_cast %swap3A_1668 : i32 to index
      %swap3A_1670 = arith.constant 80 : index
      %swap3A_1671 = tpu.vector_load %arg19[%swap3A_1669, %swap3A_1670] {strides = array<i32>} : memref<2x128xi32, #tpu.memory_space<vmem>>, vector<1x16xi32>,
      %swap3A_1672 = vector.shape_cast %swap3A_1671 : vector<1x16xi32> to vector<16xi32>
      %swap3A_1673 = vector.shape_cast %select_n3A_1667 : vector<16xi32> to vector<1x16xi32>
      tpu.vector_store %arg19[%swap3A_1669, %swap3A_1670], %swap3A_1673 {strides = array<i32>} : memref<2x128xi32, #tpu.memory_space<vmem>>, vector<1x16xi32>,
      %get3A_1674 = arith.constant 224 : index
      %get3A_1675 = tpu.vector_load %arg17[%get3A_1674] {strides = array<i32>} : memref<256xi32, #tpu.memory_space<vmem>>, vector<16xi32>,
      %get3A_1676 = vector.shape_cast %get3A_1675 : vector<16xi32> to vector<16xi32>
      %sub3A_1677 = vector.broadcast %mul3A_0 : i32 to vector<16xi32>
      %sub3A_1678 = arith.subi %get3A_1676, %sub3A_1677 : vector<16xi32>
      %lt3A_1679 = arith.constant 0 : i32
      %lt3A_1680 = vector.broadcast %lt3A_1679 : i32 to vector<16xi32>
      %lt3A_1681 = arith.cmpi slt, %sub3A_1678, %lt3A_1680 : vector<16xi32>
      %ge3A_1682 = arith.constant 50000 : i32
      %ge3A_1683 = vector.broadcast %ge3A_1682 : i32 to vector<16xi32>
      %ge3A_1684 = arith.cmpi sge, %sub3A_1678, %ge3A_1683 : vector<16xi32>
      %or3A_1685 = arith.ori %lt3A_1681, %ge3A_1684 : vector<16xi1>
      %mul3A_1686 = arith.constant 67 : i32
      %mul3A_1687 = arith.muli %arg1, %mul3A_1686 : i32
      %add3A_1688 = arith.constant 224 : i32
      %add3A_1689 = arith.addi %add3A_1688, %mul3A_1687 : i32
      %mul3A_1690 = arith.constant 131 : i32
      %mul3A_1691 = arith.muli %add3A_885, %mul3A_1690 : i32
      %add3A_1692 = arith.addi %add3A_1689, %mul3A_1691 : i32
      %add3A_1693 = vector.broadcast %add3A_1692 : i32 to vector<16xi32>
      %add3A_1694 = arith.addi %iota3A, %add3A_1693 : vector<16xi32>
      %and3A_1695 = arith.constant 1023 : i32
      %and3A_1696 = vector.broadcast %and3A_1695 : i32 to vector<16xi32>
      %and3A_1697 = arith.andi %add3A_1694, %and3A_1696 : vector<16xi32>
      %add3A_1698 = arith.constant 50000 : i32
      %add3A_1699 = vector.broadcast %add3A_1698 : i32 to vector<16xi32>
      %add3A_1700 = arith.addi %add3A_1699, %and3A_1697 : vector<16xi32>
      %select_n3A_1701 = arith.select %or3A_1685, %add3A_1700, %sub3A_1678 : vector<16xi1>, vector<16xi32>
      %swap3A_1702 = arith.constant 1 : i32
      %swap3A_1703 = arith.index_cast %swap3A_1702 : i32 to index
      %swap3A_1704 = arith.constant 96 : index
      %swap3A_1705 = tpu.vector_load %arg19[%swap3A_1703, %swap3A_1704] {strides = array<i32>} : memref<2x128xi32, #tpu.memory_space<vmem>>, vector<1x16xi32>,
      %swap3A_1706 = vector.shape_cast %swap3A_1705 : vector<1x16xi32> to vector<16xi32>
      %swap3A_1707 = vector.shape_cast %select_n3A_1701 : vector<16xi32> to vector<1x16xi32>
      tpu.vector_store %arg19[%swap3A_1703, %swap3A_1704], %swap3A_1707 {strides = array<i32>} : memref<2x128xi32, #tpu.memory_space<vmem>>, vector<1x16xi32>,
      %get3A_1708 = arith.constant 240 : index
      %get3A_1709 = tpu.vector_load %arg17[%get3A_1708] {strides = array<i32>} : memref<256xi32, #tpu.memory_space<vmem>>, vector<16xi32>,
      %get3A_1710 = vector.shape_cast %get3A_1709 : vector<16xi32> to vector<16xi32>
      %sub3A_1711 = vector.broadcast %mul3A_0 : i32 to vector<16xi32>
      %sub3A_1712 = arith.subi %get3A_1710, %sub3A_1711 : vector<16xi32>
      %lt3A_1713 = arith.constant 0 : i32
      %lt3A_1714 = vector.broadcast %lt3A_1713 : i32 to vector<16xi32>
      %lt3A_1715 = arith.cmpi slt, %sub3A_1712, %lt3A_1714 : vector<16xi32>
      %ge3A_1716 = arith.constant 50000 : i32
      %ge3A_1717 = vector.broadcast %ge3A_1716 : i32 to vector<16xi32>
      %ge3A_1718 = arith.cmpi sge, %sub3A_1712, %ge3A_1717 : vector<16xi32>
      %or3A_1719 = arith.ori %lt3A_1715, %ge3A_1718 : vector<16xi1>
      %mul3A_1720 = arith.constant 67 : i32
      %mul3A_1721 = arith.muli %arg1, %mul3A_1720 : i32
      %add3A_1722 = arith.constant 240 : i32
      %add3A_1723 = arith.addi %add3A_1722, %mul3A_1721 : i32
      %mul3A_1724 = arith.constant 131 : i32
      %mul3A_1725 = arith.muli %add3A_885, %mul3A_1724 : i32
      %add3A_1726 = arith.addi %add3A_1723, %mul3A_1725 : i32
      %add3A_1727 = vector.broadcast %add3A_1726 : i32 to vector<16xi32>
      %add3A_1728 = arith.addi %iota3A, %add3A_1727 : vector<16xi32>
      %and3A_1729 = arith.constant 1023 : i32
      %and3A_1730 = vector.broadcast %and3A_1729 : i32 to vector<16xi32>
      %and3A_1731 = arith.andi %add3A_1728, %and3A_1730 : vector<16xi32>
      %add3A_1732 = arith.constant 50000 : i32
      %add3A_1733 = vector.broadcast %add3A_1732 : i32 to vector<16xi32>
      %add3A_1734 = arith.addi %add3A_1733, %and3A_1731 : vector<16xi32>
      %select_n3A_1735 = arith.select %or3A_1719, %add3A_1734, %sub3A_1712 : vector<16xi1>, vector<16xi32>
      %swap3A_1736 = arith.constant 1 : i32
      %swap3A_1737 = arith.index_cast %swap3A_1736 : i32 to index
      %swap3A_1738 = arith.constant 112 : index
      %swap3A_1739 = tpu.vector_load %arg19[%swap3A_1737, %swap3A_1738] {strides = array<i32>} : memref<2x128xi32, #tpu.memory_space<vmem>>, vector<1x16xi32>,
      %swap3A_1740 = vector.shape_cast %swap3A_1739 : vector<1x16xi32> to vector<16xi32>
      %swap3A_1741 = vector.shape_cast %select_n3A_1735 : vector<16xi32> to vector<1x16xi32>
      tpu.vector_store %arg19[%swap3A_1737, %swap3A_1738], %swap3A_1741 {strides = array<i32>} : memref<2x128xi32, #tpu.memory_space<vmem>>, vector<1x16xi32>,
      %dma_wait3A_1742 = arith.constant 0 : i32
      %dma_wait3A_1743 = arith.constant 0 : i32
      %dma_wait3A_1744 = arith.constant 0 : i32
      %dma_wait3A_1745 = tpu.memref_slice %arg12[%dma_wait3A_1743, %dma_wait3A_1744] : memref<256x32xf32, #tpu.memory_space<vmem>> -> memref<128x32xf32, #tpu.memory_space<vmem>>
      %dma_wait3A_1746 = arith.constant 0 : i32
      %dma_wait3A_1747 = tpu.memref_slice %arg10[%dma_wait3A_1742, %dma_wait3A_1746] : memref<2x128xi32, #tpu.memory_space<vmem>> -> memref<1x128xi32, #tpu.memory_space<vmem>>
      %dma_wait3A_1748 = tpu.memref_squeeze %dma_wait3A_1747 : memref<1x128xi32, #tpu.memory_space<vmem>> -> memref<128xi32, #tpu.memory_space<vmem>>
      %dma_wait3A_1749 = arith.constant 0 : i32
      %dma_wait3A_1750 = arith.constant 0 : i32
      %dma_wait3A_1751 = tpu.memref_slice %arg2[%dma_wait3A_1749, %dma_wait3A_1750] : memref<102400x32xf32, #tpu.memory_space<hbm>> -> memref<102400x32xf32, #tpu.memory_space<hbm>>
      tpu.wait_indirect_dma semaphore(%arg14 : memref<!tpu.dma_semaphore, #tpu.memory_space<semaphore_mem>>) src(%dma_wait3A_1751 : memref<102400x32xf32, #tpu.memory_space<hbm>>) dst(%dma_wait3A_1745 : memref<128x32xf32, #tpu.memory_space<vmem>>)
      %dma_wait3A_1752 = arith.constant 1 : i32
      %dma_wait3A_1753 = arith.constant 128 : i32
      %dma_wait3A_1754 = arith.constant 0 : i32
      %dma_wait3A_1755 = tpu.memref_slice %arg12[%dma_wait3A_1753, %dma_wait3A_1754] : memref<256x32xf32, #tpu.memory_space<vmem>> -> memref<128x32xf32, #tpu.memory_space<vmem>>
      %dma_wait3A_1756 = arith.constant 0 : i32
      %dma_wait3A_1757 = tpu.memref_slice %arg10[%dma_wait3A_1752, %dma_wait3A_1756] : memref<2x128xi32, #tpu.memory_space<vmem>> -> memref<1x128xi32, #tpu.memory_space<vmem>>
      %dma_wait3A_1758 = tpu.memref_squeeze %dma_wait3A_1757 : memref<1x128xi32, #tpu.memory_space<vmem>> -> memref<128xi32, #tpu.memory_space<vmem>>
      %dma_wait3A_1759 = arith.constant 0 : i32
      %dma_wait3A_1760 = arith.constant 0 : i32
      %dma_wait3A_1761 = tpu.memref_slice %arg2[%dma_wait3A_1759, %dma_wait3A_1760] : memref<102400x32xf32, #tpu.memory_space<hbm>> -> memref<102400x32xf32, #tpu.memory_space<hbm>>
      tpu.wait_indirect_dma semaphore(%arg14 : memref<!tpu.dma_semaphore, #tpu.memory_space<semaphore_mem>>) src(%dma_wait3A_1761 : memref<102400x32xf32, #tpu.memory_space<hbm>>) dst(%dma_wait3A_1755 : memref<128x32xf32, #tpu.memory_space<vmem>>)
      %dma_start3A_1762 = arith.constant 0 : i32
      %dma_start3A_1763 = arith.constant 0 : i32
      %dma_start3A_1764 = arith.constant 0 : i32
      %dma_start3A_1765 = tpu.memref_slice %arg12[%dma_start3A_1763, %dma_start3A_1764] : memref<256x32xf32, #tpu.memory_space<vmem>> -> memref<128x32xf32, #tpu.memory_space<vmem>>
      %dma_start3A_1766 = arith.constant 0 : i32
      %dma_start3A_1767 = tpu.memref_slice %arg11[%dma_start3A_1762, %dma_start3A_1766] : memref<2x128xi32, #tpu.memory_space<vmem>> -> memref<1x128xi32, #tpu.memory_space<vmem>>
      %dma_start3A_1768 = tpu.memref_squeeze %dma_start3A_1767 : memref<1x128xi32, #tpu.memory_space<vmem>> -> memref<128xi32, #tpu.memory_space<vmem>>
      %dma_start3A_1769 = arith.constant 0 : i32
      %dma_start3A_1770 = arith.constant 0 : i32
      %dma_start3A_1771 = tpu.memref_slice %arg7[%dma_start3A_1769, %dma_start3A_1770] : memref<51200x32xf32, #tpu.memory_space<vmem_shared>> -> memref<51200x32xf32, #tpu.memory_space<vmem_shared>>
      tpu.enqueue_indirect_dma source(%dma_start3A_1765 : memref<128x32xf32, #tpu.memory_space<vmem>>) target(%dma_start3A_1771 : memref<51200x32xf32, #tpu.memory_space<vmem_shared>>) offsets(%dma_start3A_1768 : memref<128xi32, #tpu.memory_space<vmem>>) semaphore(%arg15 : memref<!tpu.dma_semaphore, #tpu.memory_space<semaphore_mem>>) {add = true}
      %dma_start3A_1772 = arith.constant 1 : i32
      %dma_start3A_1773 = arith.constant 128 : i32
      %dma_start3A_1774 = arith.constant 0 : i32
      %dma_start3A_1775 = tpu.memref_slice %arg12[%dma_start3A_1773, %dma_start3A_1774] : memref<256x32xf32, #tpu.memory_space<vmem>> -> memref<128x32xf32, #tpu.memory_space<vmem>>
      %dma_start3A_1776 = arith.constant 0 : i32
      %dma_start3A_1777 = tpu.memref_slice %arg11[%dma_start3A_1772, %dma_start3A_1776] : memref<2x128xi32, #tpu.memory_space<vmem>> -> memref<1x128xi32, #tpu.memory_space<vmem>>
      %dma_start3A_1778 = tpu.memref_squeeze %dma_start3A_1777 : memref<1x128xi32, #tpu.memory_space<vmem>> -> memref<128xi32, #tpu.memory_space<vmem>>
      %dma_start3A_1779 = arith.constant 0 : i32
      %dma_start3A_1780 = arith.constant 0 : i32
      %dma_start3A_1781 = tpu.memref_slice %arg7[%dma_start3A_1779, %dma_start3A_1780] : memref<51200x32xf32, #tpu.memory_space<vmem_shared>> -> memref<51200x32xf32, #tpu.memory_space<vmem_shared>>
      tpu.enqueue_indirect_dma source(%dma_start3A_1775 : memref<128x32xf32, #tpu.memory_space<vmem>>) target(%dma_start3A_1781 : memref<51200x32xf32, #tpu.memory_space<vmem_shared>>) offsets(%dma_start3A_1778 : memref<128xi32, #tpu.memory_space<vmem>>) semaphore(%arg15 : memref<!tpu.dma_semaphore, #tpu.memory_space<semaphore_mem>>) {add = true}
      %dma_wait3A_1782 = arith.constant 0 : i32
      %dma_wait3A_1783 = arith.constant 0 : i32
      %dma_wait3A_1784 = arith.constant 0 : i32
      %dma_wait3A_1785 = tpu.memref_slice %arg20[%dma_wait3A_1783, %dma_wait3A_1784] : memref<256x32xf32, #tpu.memory_space<vmem>> -> memref<128x32xf32, #tpu.memory_space<vmem>>
      %dma_wait3A_1786 = arith.constant 0 : i32
      %dma_wait3A_1787 = tpu.memref_slice %arg18[%dma_wait3A_1782, %dma_wait3A_1786] : memref<2x128xi32, #tpu.memory_space<vmem>> -> memref<1x128xi32, #tpu.memory_space<vmem>>
      %dma_wait3A_1788 = tpu.memref_squeeze %dma_wait3A_1787 : memref<1x128xi32, #tpu.memory_space<vmem>> -> memref<128xi32, #tpu.memory_space<vmem>>
      %dma_wait3A_1789 = arith.constant 0 : i32
      %dma_wait3A_1790 = arith.constant 0 : i32
      %dma_wait3A_1791 = tpu.memref_slice %arg2[%dma_wait3A_1789, %dma_wait3A_1790] : memref<102400x32xf32, #tpu.memory_space<hbm>> -> memref<102400x32xf32, #tpu.memory_space<hbm>>
      tpu.wait_indirect_dma semaphore(%arg22 : memref<!tpu.dma_semaphore, #tpu.memory_space<semaphore_mem>>) src(%dma_wait3A_1791 : memref<102400x32xf32, #tpu.memory_space<hbm>>) dst(%dma_wait3A_1785 : memref<128x32xf32, #tpu.memory_space<vmem>>)
      %dma_wait3A_1792 = arith.constant 1 : i32
      %dma_wait3A_1793 = arith.constant 128 : i32
      %dma_wait3A_1794 = arith.constant 0 : i32
      %dma_wait3A_1795 = tpu.memref_slice %arg20[%dma_wait3A_1793, %dma_wait3A_1794] : memref<256x32xf32, #tpu.memory_space<vmem>> -> memref<128x32xf32, #tpu.memory_space<vmem>>
      %dma_wait3A_1796 = arith.constant 0 : i32
      %dma_wait3A_1797 = tpu.memref_slice %arg18[%dma_wait3A_1792, %dma_wait3A_1796] : memref<2x128xi32, #tpu.memory_space<vmem>> -> memref<1x128xi32, #tpu.memory_space<vmem>>
      %dma_wait3A_1798 = tpu.memref_squeeze %dma_wait3A_1797 : memref<1x128xi32, #tpu.memory_space<vmem>> -> memref<128xi32, #tpu.memory_space<vmem>>
      %dma_wait3A_1799 = arith.constant 0 : i32
      %dma_wait3A_1800 = arith.constant 0 : i32
      %dma_wait3A_1801 = tpu.memref_slice %arg2[%dma_wait3A_1799, %dma_wait3A_1800] : memref<102400x32xf32, #tpu.memory_space<hbm>> -> memref<102400x32xf32, #tpu.memory_space<hbm>>
      tpu.wait_indirect_dma semaphore(%arg22 : memref<!tpu.dma_semaphore, #tpu.memory_space<semaphore_mem>>) src(%dma_wait3A_1801 : memref<102400x32xf32, #tpu.memory_space<hbm>>) dst(%dma_wait3A_1795 : memref<128x32xf32, #tpu.memory_space<vmem>>)
      %dma_start3A_1802 = arith.constant 0 : i32
      %dma_start3A_1803 = arith.constant 0 : i32
      %dma_start3A_1804 = arith.constant 0 : i32
      %dma_start3A_1805 = tpu.memref_slice %arg20[%dma_start3A_1803, %dma_start3A_1804] : memref<256x32xf32, #tpu.memory_space<vmem>> -> memref<128x32xf32, #tpu.memory_space<vmem>>
      %dma_start3A_1806 = arith.constant 0 : i32
      %dma_start3A_1807 = tpu.memref_slice %arg19[%dma_start3A_1802, %dma_start3A_1806] : memref<2x128xi32, #tpu.memory_space<vmem>> -> memref<1x128xi32, #tpu.memory_space<vmem>>
      %dma_start3A_1808 = tpu.memref_squeeze %dma_start3A_1807 : memref<1x128xi32, #tpu.memory_space<vmem>> -> memref<128xi32, #tpu.memory_space<vmem>>
      %dma_start3A_1809 = arith.constant 0 : i32
      %dma_start3A_1810 = arith.constant 0 : i32
      %dma_start3A_1811 = tpu.memref_slice %arg7[%dma_start3A_1809, %dma_start3A_1810] : memref<51200x32xf32, #tpu.memory_space<vmem_shared>> -> memref<51200x32xf32, #tpu.memory_space<vmem_shared>>
      tpu.enqueue_indirect_dma source(%dma_start3A_1805 : memref<128x32xf32, #tpu.memory_space<vmem>>) target(%dma_start3A_1811 : memref<51200x32xf32, #tpu.memory_space<vmem_shared>>) offsets(%dma_start3A_1808 : memref<128xi32, #tpu.memory_space<vmem>>) semaphore(%arg23 : memref<!tpu.dma_semaphore, #tpu.memory_space<semaphore_mem>>) {add = true}
      %dma_start3A_1812 = arith.constant 1 : i32
      %dma_start3A_1813 = arith.constant 128 : i32
      %dma_start3A_1814 = arith.constant 0 : i32
      %dma_start3A_1815 = tpu.memref_slice %arg20[%dma_start3A_1813, %dma_start3A_1814] : memref<256x32xf32, #tpu.memory_space<vmem>> -> memref<128x32xf32, #tpu.memory_space<vmem>>
      %dma_start3A_1816 = arith.constant 0 : i32
      %dma_start3A_1817 = tpu.memref_slice %arg19[%dma_start3A_1812, %dma_start3A_1816] : memref<2x128xi32, #tpu.memory_space<vmem>> -> memref<1x128xi32, #tpu.memory_space<vmem>>
      %dma_start3A_1818 = tpu.memref_squeeze %dma_start3A_1817 : memref<1x128xi32, #tpu.memory_space<vmem>> -> memref<128xi32, #tpu.memory_space<vmem>>
      %dma_start3A_1819 = arith.constant 0 : i32
      %dma_start3A_1820 = arith.constant 0 : i32
      %dma_start3A_1821 = tpu.memref_slice %arg7[%dma_start3A_1819, %dma_start3A_1820] : memref<51200x32xf32, #tpu.memory_space<vmem_shared>> -> memref<51200x32xf32, #tpu.memory_space<vmem_shared>>
      tpu.enqueue_indirect_dma source(%dma_start3A_1815 : memref<128x32xf32, #tpu.memory_space<vmem>>) target(%dma_start3A_1821 : memref<51200x32xf32, #tpu.memory_space<vmem_shared>>) offsets(%dma_start3A_1818 : memref<128xi32, #tpu.memory_space<vmem>>) semaphore(%arg23 : memref<!tpu.dma_semaphore, #tpu.memory_space<semaphore_mem>>) {add = true}
      %dma_wait3A_1822 = arith.constant 0 : i32
      %dma_wait3A_1823 = arith.constant 0 : i32
      %dma_wait3A_1824 = arith.constant 0 : i32
      %dma_wait3A_1825 = tpu.memref_slice %arg12[%dma_wait3A_1823, %dma_wait3A_1824] : memref<256x32xf32, #tpu.memory_space<vmem>> -> memref<128x32xf32, #tpu.memory_space<vmem>>
      %dma_wait3A_1826 = arith.constant 0 : i32
      %dma_wait3A_1827 = tpu.memref_slice %arg11[%dma_wait3A_1822, %dma_wait3A_1826] : memref<2x128xi32, #tpu.memory_space<vmem>> -> memref<1x128xi32, #tpu.memory_space<vmem>>
      %dma_wait3A_1828 = tpu.memref_squeeze %dma_wait3A_1827 : memref<1x128xi32, #tpu.memory_space<vmem>> -> memref<128xi32, #tpu.memory_space<vmem>>
      %dma_wait3A_1829 = arith.constant 0 : i32
      %dma_wait3A_1830 = arith.constant 0 : i32
      %dma_wait3A_1831 = tpu.memref_slice %arg7[%dma_wait3A_1829, %dma_wait3A_1830] : memref<51200x32xf32, #tpu.memory_space<vmem_shared>> -> memref<51200x32xf32, #tpu.memory_space<vmem_shared>>
      tpu.wait_indirect_dma semaphore(%arg15 : memref<!tpu.dma_semaphore, #tpu.memory_space<semaphore_mem>>) src(%dma_wait3A_1825 : memref<128x32xf32, #tpu.memory_space<vmem>>) dst(%dma_wait3A_1831 : memref<51200x32xf32, #tpu.memory_space<vmem_shared>>)
      %dma_wait3A_1832 = arith.constant 1 : i32
      %dma_wait3A_1833 = arith.constant 128 : i32
      %dma_wait3A_1834 = arith.constant 0 : i32
      %dma_wait3A_1835 = tpu.memref_slice %arg12[%dma_wait3A_1833, %dma_wait3A_1834] : memref<256x32xf32, #tpu.memory_space<vmem>> -> memref<128x32xf32, #tpu.memory_space<vmem>>
      %dma_wait3A_1836 = arith.constant 0 : i32
      %dma_wait3A_1837 = tpu.memref_slice %arg11[%dma_wait3A_1832, %dma_wait3A_1836] : memref<2x128xi32, #tpu.memory_space<vmem>> -> memref<1x128xi32, #tpu.memory_space<vmem>>
      %dma_wait3A_1838 = tpu.memref_squeeze %dma_wait3A_1837 : memref<1x128xi32, #tpu.memory_space<vmem>> -> memref<128xi32, #tpu.memory_space<vmem>>
      %dma_wait3A_1839 = arith.constant 0 : i32
      %dma_wait3A_1840 = arith.constant 0 : i32
      %dma_wait3A_1841 = tpu.memref_slice %arg7[%dma_wait3A_1839, %dma_wait3A_1840] : memref<51200x32xf32, #tpu.memory_space<vmem_shared>> -> memref<51200x32xf32, #tpu.memory_space<vmem_shared>>
      tpu.wait_indirect_dma semaphore(%arg15 : memref<!tpu.dma_semaphore, #tpu.memory_space<semaphore_mem>>) src(%dma_wait3A_1835 : memref<128x32xf32, #tpu.memory_space<vmem>>) dst(%dma_wait3A_1841 : memref<51200x32xf32, #tpu.memory_space<vmem_shared>>)
      %dma_wait3A_1842 = arith.constant 0 : i32
      %dma_wait3A_1843 = arith.constant 0 : i32
      %dma_wait3A_1844 = arith.constant 0 : i32
      %dma_wait3A_1845 = tpu.memref_slice %arg20[%dma_wait3A_1843, %dma_wait3A_1844] : memref<256x32xf32, #tpu.memory_space<vmem>> -> memref<128x32xf32, #tpu.memory_space<vmem>>
      %dma_wait3A_1846 = arith.constant 0 : i32
      %dma_wait3A_1847 = tpu.memref_slice %arg19[%dma_wait3A_1842, %dma_wait3A_1846] : memref<2x128xi32, #tpu.memory_space<vmem>> -> memref<1x128xi32, #tpu.memory_space<vmem>>
      %dma_wait3A_1848 = tpu.memref_squeeze %dma_wait3A_1847 : memref<1x128xi32, #tpu.memory_space<vmem>> -> memref<128xi32, #tpu.memory_space<vmem>>
      %dma_wait3A_1849 = arith.constant 0 : i32
      %dma_wait3A_1850 = arith.constant 0 : i32
      %dma_wait3A_1851 = tpu.memref_slice %arg7[%dma_wait3A_1849, %dma_wait3A_1850] : memref<51200x32xf32, #tpu.memory_space<vmem_shared>> -> memref<51200x32xf32, #tpu.memory_space<vmem_shared>>
      tpu.wait_indirect_dma semaphore(%arg23 : memref<!tpu.dma_semaphore, #tpu.memory_space<semaphore_mem>>) src(%dma_wait3A_1845 : memref<128x32xf32, #tpu.memory_space<vmem>>) dst(%dma_wait3A_1851 : memref<51200x32xf32, #tpu.memory_space<vmem_shared>>)
      %dma_wait3A_1852 = arith.constant 1 : i32
      %dma_wait3A_1853 = arith.constant 128 : i32
      %dma_wait3A_1854 = arith.constant 0 : i32
      %dma_wait3A_1855 = tpu.memref_slice %arg20[%dma_wait3A_1853, %dma_wait3A_1854] : memref<256x32xf32, #tpu.memory_space<vmem>> -> memref<128x32xf32, #tpu.memory_space<vmem>>
      %dma_wait3A_1856 = arith.constant 0 : i32
      %dma_wait3A_1857 = tpu.memref_slice %arg19[%dma_wait3A_1852, %dma_wait3A_1856] : memref<2x128xi32, #tpu.memory_space<vmem>> -> memref<1x128xi32, #tpu.memory_space<vmem>>
      %dma_wait3A_1858 = tpu.memref_squeeze %dma_wait3A_1857 : memref<1x128xi32, #tpu.memory_space<vmem>> -> memref<128xi32, #tpu.memory_space<vmem>>
      %dma_wait3A_1859 = arith.constant 0 : i32
      %dma_wait3A_1860 = arith.constant 0 : i32
      %dma_wait3A_1861 = tpu.memref_slice %arg7[%dma_wait3A_1859, %dma_wait3A_1860] : memref<51200x32xf32, #tpu.memory_space<vmem_shared>> -> memref<51200x32xf32, #tpu.memory_space<vmem_shared>>
      tpu.wait_indirect_dma semaphore(%arg23 : memref<!tpu.dma_semaphore, #tpu.memory_space<semaphore_mem>>) src(%dma_wait3A_1855 : memref<128x32xf32, #tpu.memory_space<vmem>>) dst(%dma_wait3A_1861 : memref<51200x32xf32, #tpu.memory_space<vmem_shared>>)
    }
    %scan3A_9 = arith.constant 196 : i32
    %barrier3A_10 = arith.constant 0 : index
    tpu.barrier barrier_id(%barrier3A_10)
    %mul3A_11 = arith.constant 3200 : i32
    %mul3A_12 = arith.muli %arg1, %mul3A_11 : i32
    %mul3A_13 = arith.constant 51200 : i32
    %mul3A_14 = arith.muli %arg0, %mul3A_13 : i32
    %mul3A_15 = arith.constant 3200 : i32
    %mul3A_16 = arith.muli %arg1, %mul3A_15 : i32
    %add3A = arith.addi %mul3A_14, %mul3A_16 : i32
    "tpu.region"() ({
      %run_scoped3A = tpu.sem_alloc : memref<!tpu.dma_semaphore, #tpu.memory_space<semaphore_mem>>
      %dma_start3A = arith.constant 0 : i32
      %dma_start3A_17 = tpu.memref_slice %arg6[%add3A, %dma_start3A] : memref<102400x32xf32, #tpu.memory_space<hbm>> -> memref<3200x32xf32, #tpu.memory_space<hbm>>
      %dma_start3A_18 = arith.constant 0 : i32
      %dma_start3A_19 = tpu.memref_slice %arg7[%mul3A_12, %dma_start3A_18] : memref<51200x32xf32, #tpu.memory_space<vmem_shared>> -> memref<3200x32xf32, #tpu.memory_space<vmem_shared>>
      tpu.enqueue_dma source(%dma_start3A_19 : memref<3200x32xf32, #tpu.memory_space<vmem_shared>>) target(%dma_start3A_17 : memref<3200x32xf32, #tpu.memory_space<hbm>>) target_semaphore(%run_scoped3A : memref<!tpu.dma_semaphore, #tpu.memory_space<semaphore_mem>>)
      %dma_wait3A = arith.constant 0 : i32
      %dma_wait3A_20 = tpu.memref_slice %arg6[%add3A, %dma_wait3A] : memref<102400x32xf32, #tpu.memory_space<hbm>> -> memref<3200x32xf32, #tpu.memory_space<hbm>>
      %dma_wait3A_21 = arith.constant 0 : i32
      %dma_wait3A_22 = tpu.memref_slice %arg7[%mul3A_12, %dma_wait3A_21] : memref<51200x32xf32, #tpu.memory_space<vmem_shared>> -> memref<3200x32xf32, #tpu.memory_space<vmem_shared>>
      tpu.wait_dma2 semaphore(%run_scoped3A : memref<!tpu.dma_semaphore, #tpu.memory_space<semaphore_mem>>) src(%dma_wait3A_22 : memref<3200x32xf32, #tpu.memory_space<vmem_shared>>) dst(%dma_wait3A_20 : memref<3200x32xf32, #tpu.memory_space<hbm>>)
      tpu.yield
    }) : () -> ()
    return
  }
}

module attributes {stable_mosaic.version = 14 : i64} {
  func.func @_embed_body(%arg0: i32, %arg1: memref<4000x1xf32, #tpu.memory_space<vmem>>, %arg2: memref<1x32xf32, #tpu.memory_space<vmem>>, %arg3: memref<1x32xf32, #tpu.memory_space<vmem>>, %arg4: memref<4000x32xf32, #tpu.memory_space<vmem>>) attributes {dimension_semantics = [#tpu.dimension_semantics<arbitrary>], iteration_bounds = array<i64: 25>, scalar_prefetch = 0 : i64, scratch_operands = 0 : i64, tpu.core_type = #tpu.core_type<tc>, window_params = [{transform_indices = @transform_0, window_bounds = array<i64: 4000, 1>}, {pipeline_mode = #tpu.pipeline_mode<synchronous>, transform_indices = @transform_1, window_bounds = array<i64: 1, 32>}, {pipeline_mode = #tpu.pipeline_mode<synchronous>, transform_indices = @transform_2, window_bounds = array<i64: 1, 32>}, {transform_indices = @transform_3, window_bounds = array<i64: 4000, 32>}]} {
    %get3A = arith.constant 0 : index
    %get3A_0 = arith.constant 0 : index
    %get3A_1 = vector.load %arg1[%get3A, %get3A_0] : memref<4000x1xf32, #tpu.memory_space<vmem>>, vector<4000x1xf32>
    %get3A_2 = arith.constant 0 : index
    %get3A_3 = arith.constant 0 : index
    %get3A_4 = vector.load %arg2[%get3A_2, %get3A_3] : memref<1x32xf32, #tpu.memory_space<vmem>>, vector<1x32xf32>
    %mul3A = vector.broadcast %get3A_1 : vector<4000x1xf32> to vector<4000x32xf32>
    %mul3A_5 = vector.broadcast %get3A_4 : vector<1x32xf32> to vector<4000x32xf32>
    %mul3A_6 = arith.mulf %mul3A, %mul3A_5 : vector<4000x32xf32>
    %get3A_7 = arith.constant 0 : index
    %get3A_8 = arith.constant 0 : index
    %get3A_9 = vector.load %arg3[%get3A_7, %get3A_8] : memref<1x32xf32, #tpu.memory_space<vmem>>, vector<1x32xf32>
    %add3A = vector.broadcast %get3A_9 : vector<1x32xf32> to vector<4000x32xf32>
    %add3A_10 = arith.addf %mul3A_6, %add3A : vector<4000x32xf32>
    %tanh3A = math.tanh %add3A_10 : vector<4000x32xf32>
    %swap3A = arith.constant 0 : index
    %swap3A_11 = arith.constant 0 : index
    %swap3A_12 = vector.load %arg4[%swap3A, %swap3A_11] : memref<4000x32xf32, #tpu.memory_space<vmem>>, vector<4000x32xf32>
    tpu.vector_store %arg4[%swap3A, %swap3A_11], %tanh3A {strides = array<i32>} : memref<4000x32xf32, #tpu.memory_space<vmem>>, vector<4000x32xf32>,
    return
  }
  func.func @transform_0(%arg0: i32) -> (i32, i32) {
    %c0_i32 = arith.constant 0 : i32
    %c0_i32_0 = arith.constant 0 : i32
    return %arg0, %c0_i32 : i32, i32
  }
  func.func @transform_1(%arg0: i32) -> (i32, i32) {
    %c0_i32 = arith.constant 0 : i32
    %c0_i32_0 = arith.constant 0 : i32
    %c0_i32_1 = arith.constant 0 : i32
    return %c0_i32, %c0_i32_0 : i32, i32
  }
  func.func @transform_2(%arg0: i32) -> (i32, i32) {
    %c0_i32 = arith.constant 0 : i32
    %c0_i32_0 = arith.constant 0 : i32
    %c0_i32_1 = arith.constant 0 : i32
    return %c0_i32, %c0_i32_0 : i32, i32
  }
  func.func @transform_3(%arg0: i32) -> (i32, i32) {
    %c0_i32 = arith.constant 0 : i32
    %c0_i32_0 = arith.constant 0 : i32
    return %arg0, %c0_i32 : i32, i32
  }
}

module attributes {stable_mosaic.version = 14 : i64} {
  func.func @_dense_body(%arg0: i32, %arg1: memref<3200x32xf32, #tpu.memory_space<vmem>>, %arg2: memref<3200x1xf32, #tpu.memory_space<vmem>>, %arg3: memref<32x32xf32, #tpu.memory_space<vmem>>, %arg4: memref<1x32xf32, #tpu.memory_space<vmem>>, %arg5: memref<3200x32xf32, #tpu.memory_space<vmem>>) attributes {dimension_semantics = [#tpu.dimension_semantics<arbitrary>], iteration_bounds = array<i64: 32>, scalar_prefetch = 0 : i64, scratch_operands = 0 : i64, tpu.core_type = #tpu.core_type<tc>, window_params = [{transform_indices = @transform_0, window_bounds = array<i64: 3200, 32>}, {transform_indices = @transform_1, window_bounds = array<i64: 3200, 1>}, {pipeline_mode = #tpu.pipeline_mode<synchronous>, transform_indices = @transform_2, window_bounds = array<i64: 32, 32>}, {pipeline_mode = #tpu.pipeline_mode<synchronous>, transform_indices = @transform_3, window_bounds = array<i64: 1, 32>}, {transform_indices = @transform_4, window_bounds = array<i64: 3200, 32>}]} {
    %get3A = arith.constant 0 : index
    %get3A_0 = arith.constant 0 : index
    %get3A_1 = vector.load %arg1[%get3A, %get3A_0] : memref<3200x32xf32, #tpu.memory_space<vmem>>, vector<3200x32xf32>
    %get3A_2 = arith.constant 0 : index
    %get3A_3 = arith.constant 0 : index
    %get3A_4 = vector.load %arg2[%get3A_2, %get3A_3] : memref<3200x1xf32, #tpu.memory_space<vmem>>, vector<3200x1xf32>
    %max3A = arith.constant 1.000000e+00 : f32
    %max3A_5 = vector.broadcast %max3A : f32 to vector<3200x1xf32>
    %max3A_6 = arith.maximumf %get3A_4, %max3A_5 : vector<3200x1xf32>
    %div3A = vector.broadcast %max3A_6 : vector<3200x1xf32> to vector<3200x32xf32>
    %div3A_7 = arith.divf %get3A_1, %div3A : vector<3200x32xf32>
    %get3A_8 = arith.constant 0 : index
    %get3A_9 = arith.constant 0 : index
    %get3A_10 = vector.load %arg3[%get3A_8, %get3A_9] : memref<32x32xf32, #tpu.memory_space<vmem>>, vector<32x32xf32>
    %dot_general3A = arith.constant dense<0.000000e+00> : vector<3200x32xf32>
    %dot_general3A_11 = tpu.matmul %div3A_7, %get3A_10, %dot_general3A {dimension_numbers = #tpu.dot_dimension_numbers<[1], [0], [0], [1], [0, 0, 1, 1], [], []>, transpose_lhs_hint = false} : vector<3200x32xf32>, vector<32x32xf32>, vector<3200x32xf32> -> vector<3200x32xf32>
    %get3A_12 = arith.constant 0 : index
    %get3A_13 = arith.constant 0 : index
    %get3A_14 = vector.load %arg4[%get3A_12, %get3A_13] : memref<1x32xf32, #tpu.memory_space<vmem>>, vector<1x32xf32>
    %add3A = vector.broadcast %get3A_14 : vector<1x32xf32> to vector<3200x32xf32>
    %add3A_15 = arith.addf %dot_general3A_11, %add3A : vector<3200x32xf32>
    %max3A_16 = arith.constant 0.000000e+00 : f32
    %max3A_17 = vector.broadcast %max3A_16 : f32 to vector<3200x32xf32>
    %max3A_18 = arith.maximumf %add3A_15, %max3A_17 : vector<3200x32xf32>
    %swap3A = arith.constant 0 : index
    %swap3A_19 = arith.constant 0 : index
    %swap3A_20 = vector.load %arg5[%swap3A, %swap3A_19] : memref<3200x32xf32, #tpu.memory_space<vmem>>, vector<3200x32xf32>
    tpu.vector_store %arg5[%swap3A, %swap3A_19], %max3A_18 {strides = array<i32>} : memref<3200x32xf32, #tpu.memory_space<vmem>>, vector<3200x32xf32>,
    return
  }
  func.func @transform_0(%arg0: i32) -> (i32, i32) {
    %c0_i32 = arith.constant 0 : i32
    %c0_i32_0 = arith.constant 0 : i32
    return %arg0, %c0_i32 : i32, i32
  }
  func.func @transform_1(%arg0: i32) -> (i32, i32) {
    %c0_i32 = arith.constant 0 : i32
    %c0_i32_0 = arith.constant 0 : i32
    return %arg0, %c0_i32 : i32, i32
  }
  func.func @transform_2(%arg0: i32) -> (i32, i32) {
    %c0_i32 = arith.constant 0 : i32
    %c0_i32_0 = arith.constant 0 : i32
    %c0_i32_1 = arith.constant 0 : i32
    return %c0_i32, %c0_i32_0 : i32, i32
  }
  func.func @transform_3(%arg0: i32) -> (i32, i32) {
    %c0_i32 = arith.constant 0 : i32
    %c0_i32_0 = arith.constant 0 : i32
    %c0_i32_1 = arith.constant 0 : i32
    return %c0_i32, %c0_i32_0 : i32, i32
  }
  func.func @transform_4(%arg0: i32) -> (i32, i32) {
    %c0_i32 = arith.constant 0 : i32
    %c0_i32_0 = arith.constant 0 : i32
    return %arg0, %c0_i32 : i32, i32
  }
}

module attributes {stable_mosaic.version = 14 : i64} {
  func.func @_dense_val_body(%arg0: i32, %arg1: memref<3200x32xf32, #tpu.memory_space<vmem>>, %arg2: memref<3200x1xf32, #tpu.memory_space<vmem>>, %arg3: memref<32x32xf32, #tpu.memory_space<vmem>>, %arg4: memref<1x32xf32, #tpu.memory_space<vmem>>, %arg5: memref<32x1xf32, #tpu.memory_space<vmem>>, %arg6: memref<1x1xf32, #tpu.memory_space<vmem>>, %arg7: memref<3200x32xf32, #tpu.memory_space<vmem>>, %arg8: memref<1x1xf32, #tpu.memory_space<vmem>>, %arg9: memref<1x32xf32, #tpu.memory_space<vmem>>) attributes {dimension_semantics = [#tpu.dimension_semantics<arbitrary>], iteration_bounds = array<i64: 32>, scalar_prefetch = 0 : i64, scratch_operands = 1 : i64, tpu.core_type = #tpu.core_type<tc>, window_params = [{transform_indices = @transform_0, window_bounds = array<i64: 3200, 32>}, {transform_indices = @transform_1, window_bounds = array<i64: 3200, 1>}, {pipeline_mode = #tpu.pipeline_mode<synchronous>, transform_indices = @transform_2, window_bounds = array<i64: 32, 32>}, {pipeline_mode = #tpu.pipeline_mode<synchronous>, transform_indices = @transform_3, window_bounds = array<i64: 1, 32>}, {pipeline_mode = #tpu.pipeline_mode<synchronous>, transform_indices = @transform_4, window_bounds = array<i64: 32, 1>}, {pipeline_mode = #tpu.pipeline_mode<synchronous>, transform_indices = @transform_5, window_bounds = array<i64: 1, 1>}, {transform_indices = @transform_6, window_bounds = array<i64: 3200, 32>}, {pipeline_mode = #tpu.pipeline_mode<synchronous>, transform_indices = @transform_7, window_bounds = array<i64: 1, 1>}]} {
    %get3A = arith.constant 0 : index
    %get3A_0 = arith.constant 0 : index
    %get3A_1 = vector.load %arg1[%get3A, %get3A_0] : memref<3200x32xf32, #tpu.memory_space<vmem>>, vector<3200x32xf32>
    %get3A_2 = arith.constant 0 : index
    %get3A_3 = arith.constant 0 : index
    %get3A_4 = vector.load %arg2[%get3A_2, %get3A_3] : memref<3200x1xf32, #tpu.memory_space<vmem>>, vector<3200x1xf32>
    %max3A = arith.constant 1.000000e+00 : f32
    %max3A_5 = vector.broadcast %max3A : f32 to vector<3200x1xf32>
    %max3A_6 = arith.maximumf %get3A_4, %max3A_5 : vector<3200x1xf32>
    %div3A = vector.broadcast %max3A_6 : vector<3200x1xf32> to vector<3200x32xf32>
    %div3A_7 = arith.divf %get3A_1, %div3A : vector<3200x32xf32>
    %get3A_8 = arith.constant 0 : index
    %get3A_9 = arith.constant 0 : index
    %get3A_10 = vector.load %arg3[%get3A_8, %get3A_9] : memref<32x32xf32, #tpu.memory_space<vmem>>, vector<32x32xf32>
    %dot_general3A = arith.constant dense<0.000000e+00> : vector<3200x32xf32>
    %dot_general3A_11 = tpu.matmul %div3A_7, %get3A_10, %dot_general3A {dimension_numbers = #tpu.dot_dimension_numbers<[1], [0], [0], [1], [0, 0, 1, 1], [], []>, transpose_lhs_hint = false} : vector<3200x32xf32>, vector<32x32xf32>, vector<3200x32xf32> -> vector<3200x32xf32>
    %get3A_12 = arith.constant 0 : index
    %get3A_13 = arith.constant 0 : index
    %get3A_14 = vector.load %arg4[%get3A_12, %get3A_13] : memref<1x32xf32, #tpu.memory_space<vmem>>, vector<1x32xf32>
    %add3A = vector.broadcast %get3A_14 : vector<1x32xf32> to vector<3200x32xf32>
    %add3A_15 = arith.addf %dot_general3A_11, %add3A : vector<3200x32xf32>
    %max3A_16 = arith.constant 0.000000e+00 : f32
    %max3A_17 = vector.broadcast %max3A_16 : f32 to vector<3200x32xf32>
    %max3A_18 = arith.maximumf %add3A_15, %max3A_17 : vector<3200x32xf32>
    %swap3A = arith.constant 0 : index
    %swap3A_19 = arith.constant 0 : index
    %swap3A_20 = vector.load %arg7[%swap3A, %swap3A_19] : memref<3200x32xf32, #tpu.memory_space<vmem>>, vector<3200x32xf32>
    tpu.vector_store %arg7[%swap3A, %swap3A_19], %max3A_18 {strides = array<i32>} : memref<3200x32xf32, #tpu.memory_space<vmem>>, vector<3200x32xf32>,
    %eq3A = arith.constant 0 : i32
    %eq3A_21 = arith.cmpi eq, %arg0, %eq3A : i32
    %convert_element_type3A = arith.extui %eq3A_21 : i1 to i32
    %cond3A = arith.constant 0 : i32
    %cond3A_22 = arith.cmpi ne, %convert_element_type3A, %cond3A : i32
    scf.if %cond3A_22 {
      %broadcast_in_dim3A_58 = arith.constant 0.000000e+00 : f32
      %broadcast_in_dim3A_59 = vector.broadcast %broadcast_in_dim3A_58 : f32 to vector<1x32xf32>
      %swap3A_60 = arith.constant 0 : index
      %swap3A_61 = arith.constant 0 : index
      %swap3A_62 = vector.load %arg9[%swap3A_60, %swap3A_61] : memref<1x32xf32, #tpu.memory_space<vmem>>, vector<1x32xf32>
      tpu.vector_store %arg9[%swap3A_60, %swap3A_61], %broadcast_in_dim3A_59 {strides = array<i32>} : memref<1x32xf32, #tpu.memory_space<vmem>>, vector<1x32xf32>,
    } else {
    }
    %jit3A = arith.constant 16 : i32
    %eq3A_23 = arith.constant 0 : i32
    %eq3A_24 = arith.cmpi eq, %jit3A, %eq3A_23 : i32
    %jit3A_25 = arith.constant 1 : i32
    %select_n3A = arith.select %eq3A_24, %jit3A_25, %jit3A : i32
    %rem3A = arith.remsi %arg0, %select_n3A : i32
    %ne3A = arith.constant 0 : i32
    %ne3A_26 = arith.cmpi ne, %rem3A, %ne3A : i32
    %lt3A = arith.constant 0 : i32
    %lt3A_27 = arith.cmpi slt, %rem3A, %lt3A : i32
    %lt3A_28 = arith.constant 0 : i32
    %lt3A_29 = arith.cmpi slt, %select_n3A, %lt3A_28 : i32
    %ne3A_30 = arith.xori %lt3A_27, %lt3A_29 : i1
    %and3A = arith.andi %ne3A_30, %ne3A_26 : i1
    %add3A_31 = arith.addi %rem3A, %select_n3A : i32
    %select_n3A_32 = arith.select %and3A, %add3A_31, %rem3A : i32
    %mul3A = arith.constant 3200 : i32
    %mul3A_33 = arith.muli %select_n3A_32, %mul3A : i32
    %sub3A = arith.constant 50000 : i32
    %sub3A_34 = arith.subi %sub3A, %mul3A_33 : i32
    %max3A_35 = arith.constant 0 : i32
    %max3A_36 = arith.maxsi %sub3A_34, %max3A_35 : i32
    %min3A = arith.constant 3200 : i32
    %min3A_37 = arith.minsi %max3A_36, %min3A : i32
    %iota3A = tpu.iota {dimensions = array<i32: 0>} : vector<3200x1xi32>
    %lt3A_38 = vector.broadcast %min3A_37 : i32 to vector<3200x1xi32>
    %lt3A_39 = arith.cmpi slt, %iota3A, %lt3A_38 : vector<3200x1xi32>
    %jit3A_40 = arith.constant 0.000000e+00 : f32
    %broadcast_in_dim3A = vector.shape_cast %lt3A_39 : vector<3200x1xi1> to vector<3200x1xi1>
    %broadcast_in_dim3A_41 = vector.broadcast %broadcast_in_dim3A : vector<3200x1xi1> to vector<3200x32xi1>
    %broadcast_in_dim3A_42 = vector.broadcast %jit3A_40 : f32 to vector<3200x32xf32>
    %select_n3A_43 = arith.select %broadcast_in_dim3A_41, %max3A_18, %broadcast_in_dim3A_42 : vector<3200x32xi1>, vector<3200x32xf32>
    %get3A_44 = arith.constant 0 : index
    %get3A_45 = arith.constant 0 : index
    %get3A_46 = vector.load %arg9[%get3A_44, %get3A_45] : memref<1x32xf32, #tpu.memory_space<vmem>>, vector<1x32xf32>
    %reduce_sum3A = arith.constant dense<0.000000e+00> : vector<32xf32>
    %reduce_sum3A_47 = vector.multi_reduction <add>, %select_n3A_43, %reduce_sum3A [0] : vector<3200x32xf32> to vector<32xf32>
    %broadcast_in_dim3A_48 = vector.shape_cast %reduce_sum3A_47 : vector<32xf32> to vector<1x32xf32>
    %add3A_49 = arith.addf %get3A_46, %broadcast_in_dim3A_48 : vector<1x32xf32>
    %swap3A_50 = arith.constant 0 : index
    %swap3A_51 = arith.constant 0 : index
    %swap3A_52 = vector.load %arg9[%swap3A_50, %swap3A_51] : memref<1x32xf32, #tpu.memory_space<vmem>>, vector<1x32xf32>
    tpu.vector_store %arg9[%swap3A_50, %swap3A_51], %add3A_49 {strides = array<i32>} : memref<1x32xf32, #tpu.memory_space<vmem>>, vector<1x32xf32>,
    %eq3A_53 = arith.constant 31 : i32
    %eq3A_54 = arith.cmpi eq, %arg0, %eq3A_53 : i32
    %convert_element_type3A_55 = arith.extui %eq3A_54 : i1 to i32
    %cond3A_56 = arith.constant 0 : i32
    %cond3A_57 = arith.cmpi ne, %convert_element_type3A_55, %cond3A_56 : i32
    scf.if %cond3A_57 {
      %get3A_58 = arith.constant 0 : index
      %get3A_59 = arith.constant 0 : index
      %get3A_60 = vector.load %arg9[%get3A_58, %get3A_59] : memref<1x32xf32, #tpu.memory_space<vmem>>, vector<1x32xf32>
      %div3A_61 = arith.constant 1.000000e+05 : f32
      %div3A_62 = vector.broadcast %div3A_61 : f32 to vector<1x32xf32>
      %div3A_63 = arith.divf %get3A_60, %div3A_62 : vector<1x32xf32>
      %get3A_64 = arith.constant 0 : index
      %get3A_65 = arith.constant 0 : index
      %get3A_66 = vector.load %arg5[%get3A_64, %get3A_65] : memref<32x1xf32, #tpu.memory_space<vmem>>, vector<32x1xf32>
      %dot_general3A_67 = arith.constant dense<0.000000e+00> : vector<1x1xf32>
      %dot_general3A_68 = tpu.matmul %div3A_63, %get3A_66, %dot_general3A_67 {dimension_numbers = #tpu.dot_dimension_numbers<[1], [0], [0], [1], [0, 0, 1, 1], [], []>, transpose_lhs_hint = false} : vector<1x32xf32>, vector<32x1xf32>, vector<1x1xf32> -> vector<1x1xf32>
      %get3A_69 = arith.constant 0 : index
      %get3A_70 = arith.constant 0 : index
      %get3A_71 = vector.load %arg6[%get3A_69, %get3A_70] : memref<1x1xf32, #tpu.memory_space<vmem>>, vector<1x1xf32>
      %add3A_72 = arith.addf %dot_general3A_68, %get3A_71 : vector<1x1xf32>
      %swap3A_73 = arith.constant 0 : index
      %swap3A_74 = arith.constant 0 : index
      %swap3A_75 = vector.load %arg8[%swap3A_73, %swap3A_74] : memref<1x1xf32, #tpu.memory_space<vmem>>, vector<1x1xf32>
      tpu.vector_store %arg8[%swap3A_73, %swap3A_74], %add3A_72 {strides = array<i32>} : memref<1x1xf32, #tpu.memory_space<vmem>>, vector<1x1xf32>,
    } else {
    }
    return
  }
  func.func @transform_0(%arg0: i32) -> (i32, i32) {
    %c0_i32 = arith.constant 0 : i32
    %c0_i32_0 = arith.constant 0 : i32
    return %arg0, %c0_i32 : i32, i32
  }
  func.func @transform_1(%arg0: i32) -> (i32, i32) {
    %c0_i32 = arith.constant 0 : i32
    %c0_i32_0 = arith.constant 0 : i32
    return %arg0, %c0_i32 : i32, i32
  }
  func.func @transform_2(%arg0: i32) -> (i32, i32) {
    %c0_i32 = arith.constant 0 : i32
    %c0_i32_0 = arith.constant 0 : i32
    %c0_i32_1 = arith.constant 0 : i32
    return %c0_i32, %c0_i32_0 : i32, i32
  }
  func.func @transform_3(%arg0: i32) -> (i32, i32) {
    %c0_i32 = arith.constant 0 : i32
    %c0_i32_0 = arith.constant 0 : i32
    %c0_i32_1 = arith.constant 0 : i32
    return %c0_i32, %c0_i32_0 : i32, i32
  }
  func.func @transform_4(%arg0: i32) -> (i32, i32) {
    %c0_i32 = arith.constant 0 : i32
    %c0_i32_0 = arith.constant 0 : i32
    %c0_i32_1 = arith.constant 0 : i32
    return %c0_i32, %c0_i32_0 : i32, i32
  }
  func.func @transform_5(%arg0: i32) -> (i32, i32) {
    %c0_i32 = arith.constant 0 : i32
    %c0_i32_0 = arith.constant 0 : i32
    %c0_i32_1 = arith.constant 0 : i32
    return %c0_i32, %c0_i32_0 : i32, i32
  }
  func.func @transform_6(%arg0: i32) -> (i32, i32) {
    %c0_i32 = arith.constant 0 : i32
    %c0_i32_0 = arith.constant 0 : i32
    return %arg0, %c0_i32 : i32, i32
  }
  func.func @transform_7(%arg0: i32) -> (i32, i32) {
    %c0_i32 = arith.constant 0 : i32
    %c0_i32_0 = arith.constant 0 : i32
    %c0_i32_1 = arith.constant 0 : i32
    return %c0_i32, %c0_i32_0 : i32, i32
  }
}

module attributes {stable_mosaic.version = 14 : i64} {
  func.func @_pol_body(%arg0: memref<128x32xf32, #tpu.memory_space<vmem>>, %arg1: memref<32x1xf32, #tpu.memory_space<vmem>>, %arg2: memref<128x1xf32, #tpu.memory_space<vmem>>, %arg3: memref<128x1xf32, #tpu.memory_space<vmem>>) attributes {dimension_semantics = [], scalar_prefetch = 0 : i64, scratch_operands = 0 : i64, tpu.core_type = #tpu.core_type<tc>} {
    %get3A = arith.constant 0 : index
    %get3A_0 = arith.constant 0 : index
    %get3A_1 = vector.load %arg0[%get3A, %get3A_0] : memref<128x32xf32, #tpu.memory_space<vmem>>, vector<128x32xf32>
    %get3A_2 = arith.constant 0 : index
    %get3A_3 = arith.constant 0 : index
    %get3A_4 = vector.load %arg1[%get3A_2, %get3A_3] : memref<32x1xf32, #tpu.memory_space<vmem>>, vector<32x1xf32>
    %dot_general3A = arith.constant dense<0.000000e+00> : vector<128x1xf32>
    %dot_general3A_5 = tpu.matmul %get3A_1, %get3A_4, %dot_general3A {dimension_numbers = #tpu.dot_dimension_numbers<[1], [0], [0], [1], [0, 0, 1, 1], [], []>, transpose_lhs_hint = false} : vector<128x32xf32>, vector<32x1xf32>, vector<128x1xf32> -> vector<128x1xf32>
    %get3A_6 = arith.constant 0 : index
    %get3A_7 = arith.constant 0 : index
    %get3A_8 = vector.load %arg2[%get3A_6, %get3A_7] : memref<128x1xf32, #tpu.memory_space<vmem>>, vector<128x1xf32>
    %add3A = arith.addf %dot_general3A_5, %get3A_8 : vector<128x1xf32>
    %swap3A = arith.constant 0 : index
    %swap3A_9 = arith.constant 0 : index
    %swap3A_10 = vector.load %arg3[%swap3A, %swap3A_9] : memref<128x1xf32, #tpu.memory_space<vmem>>, vector<128x1xf32>
    tpu.vector_store %arg3[%swap3A, %swap3A_9], %add3A {strides = array<i32>} : memref<128x1xf32, #tpu.memory_space<vmem>>, vector<128x1xf32>,
    return
  }
}

</mosaic_0001>

<sc_bundles>
// kernel: kernel.12.cloned.1.call-start
scs
__scs_entry_jumppad:
0x0: {  	(pc) =	sbr.rel $0x88, $3  }
0x1: {  	(tag) =	ssettag $0x0;
	lr =	simm.s32 $0x1  }
0x2: {  	[smem:$0x3F93] =	sst lr;
	_ =	strace $0xD0000000  }
0x3: {  	_ = 	snop  }
0x4: {  	_ = 	snop  }
0x5: {  	_ = 	snop  }
0x6: {  	_ = 	snop  }
0x7: {  	_ = 	snop  }
__scs_overlays_trampoline_lowered:
0x8: {  	[smem:$0x3FA2] =	sst s0  }
0x9: {  	[smem:$0x3FA3] =	sst s1  }
0xa: {  	[smem:$0x3FA4] =	sst s2  }
0xb: {  	[smem:$0x3FA5] =	sst s3  }
0xc: {  	[smem:$0x3FA6] =	sst s4  }
0xd: {  	[smem:$0x3FA7] =	sst s5  }
0xe: {  	[smem:$0x3FA8] =	sst s6  }
0xf: {  	[smem:$0x3FA9] =	sst s7  }
0x10: {  	[smem:$0x3FAA] =	sst s8  }
0x11: {  	[smem:$0x3FAB] =	sst s9;
	s0 =	simm.s32 @!p0 $0x0  }
0x12: {  	s1 =	sld [smem:$0x3F91];
	s0 =	simm.s32 @p0 $0x1  }
0x13: {  	[smem:$0x3FAC] =	sst s0;
	s0 =	simm.s32 @!p1 $0x0  }
0x14: {  	s2 =	sld [smem:$0x3F90];
	s0 =	simm.s32 @p1 $0x1  }
0x15: {  	[smem:$0x3FAD] =	sst s0;
	s0 =	simm.s32 @!p2 $0x0  }
0x16: {  	s3 =	sld [smem:$0x3FDB];
	s0 =	simm.s32 @p2 $0x1  }
0x17: {  	s4 =	simm.s32 $0x1BF5;
	[smem:$0x3FAF] =	sst s0  }
0x18: {  	s0 =	sld [smem:$0x3F92];
	_ =	swait.ge [sflag:s4], $0x0  }
0x19: {  	s7 =	sld [smem:$0x3F93]  }
0x1a: {  	s8 =	sadd.s32 $0xFFFFE003, lr  }
0x1b: {  	s9 =	sadd.s32 $0xFFFFFEF7, lr;
	s5 =	simm.s32 $0xFFFFFFFF;
	p2 =	slt.u32 s8, $0xFFFFF086  }
0x1c: {  	p1 =	slt.u32 s9, $0xF7A;
	s5 =	simm.s32 @!p2 $0x0  }
0x1d: {  	s5 =	simm.s32 @p1 $0x1;
	p0 =	seq.s32 s7, s2  }
0x1e: {  	s7 =	smul.u32 @!p0 $0xF7A, s2;
	p2 =	seq.s32 @!p0 s5, $0x0  }
0x1f: {  	s9 =	smul.u32 $0xF7A, s1;
	s8 =	simm.s32 @!p0 $0x1BF5;
	p2 =	por !p2, p0  }
0x20: {  	[sflag:s8] =	ssyncset.s32 @!p0 $0xFFFFF086;
	s6 =	sadd.s32 @!p0 s3, s7;
	s7 =	simm.s32 @!p0 $0x108  }
0x21: {  	s3 =	sadd.s32 s3, s9;
	s6 =	sadd.s32 @!p0 $0x88, s6;
	s7 =	simm.s32 @p2 $0x1082  }
0x22: {  	[simem:s7], [sflag:s8] =	dma.local @!p0 [hbm:s6], $0xF7A  }
0x23: {  	s9 =	sor.u32 $0xD0000000, s2;
	s6 =	simm.s32 $0x108;
	_ =	swait.ge @!p0 [sflag:s8], $0x0  }
0x24: {  	s3 =	sadd.s32 $0x88, s3;
	s6 =	simm.s32 @!p1 $0x1082;
	[sflag:s4] =	ssyncset.s32 $0xFFFFF086  }
0x25: {  	[simem:s6], [sflag:s4] =	dma.local [hbm:s3], $0xF7A  }
0x26: {  	[smem:$0x3F93] =	sst s1;
	(tag) =	ssettag s2;
	_ =	strace s9  }
0x27: {  	s1 =	sld [smem:$0x3FA3]  }
0x28: {  	s2 =	sld [smem:$0x3FA4]  }
0x29: {  	s4 =	sld [smem:$0x3FA6]  }
0x2a: {  	p0 =	seq.s32 s5, $0x0;
	s5 =	sld [smem:$0x3FA7]  }
0x2b: {  	s6 =	sld [smem:$0x3FA8]  }
0x2c: {  	s7 =	sld [smem:$0x3FA9]  }
0x2d: {  	s3 =	simm.s32 $0x108;
	s8 =	sld [smem:$0x3FAA]  }
0x2e: {  	s3 =	simm.s32 @!p0 $0x1082;
	s9 =	sld [smem:$0x3FAB]  }
0x2f: {  	lr =	sadd.s32 s0, s3;
	s0 =	sld [smem:$0x3FA2]  }
0x30: {  	s3 =	sld [smem:$0x3FA5]  }
0x31: {  	[smem:$0x3FAE] =	sst s10  }
0x32: {  	s10 =	sld [smem:$0x3FAC];
	_ =	sdelay $0x3  }
0x33: {  	p0 =	seq.s32 s10, $0x1;
	s10 =	sld [smem:$0x3FAE];
	_ =	sdelay $0x3  }
0x34: {  	[smem:$0x3FAE] =	sst s10  }
0x35: {  	s10 =	sld [smem:$0x3FAD];
	_ =	sdelay $0x3  }
0x36: {  	p1 =	seq.s32 s10, $0x1;
	s10 =	sld [smem:$0x3FAE];
	_ =	sdelay $0x3  }
0x37: {  	[smem:$0x3FAE] =	sst s10  }
0x38: {  	s10 =	sld [smem:$0x3FAF]  }
0x39: {  	_ = 	snop;
	(pc) =	sbr.ind lr, $3  }
0x3a: {  	_ = 	snop  }
0x3b: {  	_ = 	snop  }
0x3c: {  	p2 =	seq.s32 s10, $0x1;
	s10 =	sld [smem:$0x3FAE]  }
0x3d: {  	_ =	shalt  }
0x3e: {  	_ =	shalt  }
0x3f: {  	_ =	shalt  }
0x40: {  	_ =	shalt  }
0x41: {  	_ =	shalt  }
0x42: {  	_ =	shalt  }
0x43: {  	_ =	shalt  }
0x44: {  	_ =	shalt  }
0x45: {  	_ =	shalt  }
0x46: {  	_ =	shalt  }
0x47: {  	_ =	shalt  }
0x48: {  	_ =	shalt  }
0x49: {  	_ =	shalt  }
0x4a: {  	_ =	shalt  }
0x4b: {  	_ =	shalt  }
0x4c: {  	_ =	shalt  }
0x4d: {  	_ =	shalt  }
0x4e: {  	_ =	shalt  }
0x4f: {  	_ =	shalt  }
0x50: {  	_ =	shalt  }
0x51: {  	_ =	shalt  }
0x52: {  	_ =	shalt  }
0x53: {  	_ =	shalt  }
0x54: {  	_ =	shalt  }
0x55: {  	_ =	shalt  }
0x56: {  	_ =	shalt  }
0x57: {  	_ =	shalt  }
0x58: {  	_ =	shalt  }
0x59: {  	_ =	shalt  }
0x5a: {  	_ =	shalt  }
0x5b: {  	_ =	shalt  }
0x5c: {  	_ =	shalt  }
0x5d: {  	_ =	shalt  }
0x5e: {  	_ =	shalt  }
0x5f: {  	_ =	shalt  }
0x60: {  	_ =	shalt  }
0x61: {  	_ =	shalt  }
0x62: {  	_ =	shalt  }
0x63: {  	_ =	shalt  }
0x64: {  	_ =	shalt  }
0x65: {  	_ =	shalt  }
0x66: {  	_ =	shalt  }
0x67: {  	_ =	shalt  }
0x68: {  	_ =	shalt  }
0x69: {  	_ =	shalt  }
0x6a: {  	_ =	shalt  }
0x6b: {  	_ =	shalt  }
0x6c: {  	_ =	shalt  }
0x6d: {  	_ =	shalt  }
0x6e: {  	_ =	shalt  }
0x6f: {  	_ =	shalt  }
0x70: {  	_ =	shalt  }
0x71: {  	_ =	shalt  }
0x72: {  	_ =	shalt  }
0x73: {  	_ =	shalt  }
0x74: {  	_ =	shalt  }
0x75: {  	_ =	shalt  }
0x76: {  	_ =	shalt  }
0x77: {  	_ =	shalt  }
0x78: {  	_ =	shalt  }
0x79: {  	_ =	shalt  }
0x7a: {  	_ =	shalt  }
0x7b: {  	_ =	shalt  }
0x7c: {  	_ =	shalt  }
0x7d: {  	_ =	shalt  }
0x7e: {  	_ =	shalt  }
0x7f: {  	_ =	shalt  }
0x80: {  	_ =	shalt  }
0x81: {  	_ =	shalt  }
0x82: {  	_ =	shalt  }
0x83: {  	_ =	shalt  }
0x84: {  	_ =	shalt  }
0x85: {  	_ =	shalt  }
0x86: {  	_ =	shalt  }
0x87: {  	_ =	shalt  }
.Lfunc_end0:
.L_simem_size_0:
called_computation.1_lowered:
.L_overlay_start_0:
0x88: {  	s2 =	sld [smem:$0x3FD9]  }
0x89: {  	s3 =	sld [smem:$0x3FFE];
	_ =	sdelay $0x1  }
0x8a: {  	s1 =	srdreg.scid  }
0x8b: {  	s0 =	sand.u32 $0x1, s1  }
0x8c: {  	s16 =	sshll.u32 s0, $0xA;
	s2 =	sadd.s32 s3, s2  }
0x8d: {  	s2 =	sadd.s32 s2, s16  }
0x8e: {  	[smem:$0x3FBA] =	sst s2  }
0x8f: {  	_ = 	snop  }
0x90: {  	(tm) =	ssettm $0x1  }
0x91: {  	s17 =	sld [smem:$0x3FFB];
	_ =	sdelay $0x3  }
0x92: {  	_ =	strace s17  }
0x93: {  	s2 =	sld [smem:$0x3FFC];
	_ =	sdelay $0x3  }
0x94: {  	_ =	strace s2  }
0x95: {  	s2 =	sld [smem:$0x3FFD];
	_ =	sdelay $0x3  }
0x96: {  	_ =	strace s2  }
0x97: {  	_ =	strace $0x8FFFFFFF  }
0x98: {  	s18 =	sld [smem:$0x3FDB];
	_ =	sdelay $0x1  }
0x99: {  	s19 =	simm.s32 $_scs_section_size  }
0x9a: {  	s4 =	simm.s32 $_size__tile_overlayer_lowered;
	s5 =	simm.s32 $_tile_overlayer_lowered  }
0x9b: {  	s22 =	simm.s32 $0x1BFF;
	s21 =	sshll.u32 s5, $0x1;
	s2 =	sadd.s32 s19, s18  }
0x9c: {  	s6 =	simm.s32 $0x0;
	s20 =	sshll.u32 s4, $0x1;
	s4 =	sadd.s32 s21, s2  }
0x9d: {  	[timem:s6], [sflag:s22] =	dma.local [hbm:s4], s20  }
0x9e: {  	_ =	swait.ge [sflag:s22], s20  }
0x9f: {  	s3 =	ssub.s32 $0x0, s20;
	[sflag:s22] =	ssyncset.done $0x0  }
0xa0: {  	[sflag:s22] =	ssyncadd.s32 s3;
	_ =	sdelay $0x1  }
0xa1: {  	s23 =	simm.s32 $0x1B8B  }
0xa2: {  	_ =	swait.ge [sflag:s23], $0x1  }
0xa3: {  	[sflag:s23] =	ssyncset.done $0x0  }
0xa4: {  	s25 =	simm.s32 $0x1B8E;
	s24 =	sld [smem:$0x3FFE];
	[sflag:s23] =	ssyncadd.s32 $0xFFFFFFFF  }
0xa5: {  	s26 =	simm.s32 $execute0_lowered;
	[smem:$0x3FD2] =	sst s25  }
0xa6: {  	s4 =	sshll.u32 s26, $0x1;
	_ =	strace $0x80000049;
	[dreg:$0x1] =	wrdreg $0xFFFFFFFF  }
0xa7: {  	s28 =	simm.s32 $_size_execute0_lowered;
	s2 =	sadd.s32 s2, s4;
	[dreg:$0x0] =	wrdreg $0x0  }
0xa8: {  	s4 =	sshll.u32 s28, $0x1;
	[dreg:$0x2] =	wrdreg s2  }
0xa9: {  	[dreg:$0x3] =	wrdreg s4  }
0xaa: {  	[dreg:$0x4] =	wrdreg $0xC0  }
0xab: {  	_ =	task [dreg:s6], $0x5FFFF  }
0xac: {  	[dreg:$0x1] =	wrdreg $0xFFFFFFFF  }
0xad: {  	[dreg:$0x0] =	wrdreg $0x60  }
0xae: {  	[dreg:$0x2] =	wrdreg s24  }
0xaf: {  	[dreg:$0x3] =	wrdreg $0x0  }
0xb0: {  	[dreg:$0x4] =	wrdreg $0x9  }
0xb1: {  	_ =	task.clear_ibuf [dreg:s6], $0x5FFFF;
	_ =	strace $0x90000049  }
0xb2: {  	s29 =	simm.s32 $0x9;
	_ =	strace $0x8000004B  }
0xb3: {  	_ =	swait.ge [sflag:s29], $0x1  }
0xb4: {  	[sflag:s29] =	ssyncadd.s32 $0xFFFFFFFF  }
0xb5: {  	_ =	strace $0x9000004B  }
0xb6: {  	_ =	sfence  }
0xb7: {  	s30 =	sld [smem:$0x0];
	_ =	sdelay $0x2  }
0xb8: {  	s31 =	sshll.u32 s1, $0xD;
	s1 =	sshrl.u32 s1, $0x2  }
0xb9: {  	s3 =	sand.u32 $0x4000, s31;
	s1 =	sadd.s32 s1, s30  }
0xba: {  	s0 =	sor.u32 s3, s0;
	s1 =	sshll.u32 s1, $0x11  }
0xbb: {  	s0 =	sor.u32 s1, s0  }
0xbc: {  	s0 =	sadd.s32 $0x8F2B, s0  }
0xbd: {  	[sflag:s0] =	ssyncadd.remote.s32 $0x1  }
0xbe: {  	_ =	sfence.sel $0xFFFF  }
0xbf: {  	[dreg:$0x0] =	wrdreg $0xFFFFFFFF;
	(pc) =	sbr.abs _section_cstart, $3  }
0xc0: {  	[dreg:$0x1] =	wrdreg $0xFFFFFFFF  }
0xc1: {  	_ =	task.clear_ibuf [dreg:s6], $0x2FFFF;
	_ =	strace $0x9FFFFFFF  }
0xc2: {  	(tm) =	ssettm $0x7FFFFFFF  }
0xc3: {  	_ =	shalt  }
tec
execute0_lowered:
.L_overlay_start_1:
0x0: {  	(tag) =	ssettag $0x1  }
0x1: {  	s5 =	rddreg [dreg:$0x0]  }
0x2: {  	s2 =	rddreg [dreg:$0x1]  }
0x3: {  	s1 =	stileid.u32;
	s0 =	rddreg [dreg:$0x2];
	s3 =	simm.s32 $0x0  }
0x4: {  	s4 =	srdreg.scid;
	s28 =	simm.s32 $0x19000;
	s29 =	simm.s32 $0x19100  }
0x5: {  	s30 =	simm.s32 $0x1B400;
	s31 =	simm.s32 $0x1B500;
	s14 =	simm.s32 $0x19200  }
0x6: {  	s15 =	simm.s32 $0x19280;
	s16 =	simm.s32 $0x1B600;
	[smem:$0x7FF] =	sst s3  }
0x7: {  	s17 =	simm.s32 $0x1B680;
	_ =	strace $0x8000004A;
	[dreg:$0x4] =	wrdreg s28  }
0x8: {  	s18 =	simm.s32 $0x19300;
	s19 =	simm.s32 $0x19380;
	[dreg:$0x5] =	wrdreg s29  }
0x9: {  	s20 =	simm.s32 $0x1B700;
	s6 =	smul.u32 $0x3100, s1;
	[dreg:$0x6] =	wrdreg s30  }
0xa: {  	s21 =	simm.s32 $0x5;
	s7 =	smul.u32 $0x19000, s1;
	[dreg:$0x7] =	wrdreg s31  }
0xb: {  	s8 =	sand.u32 $0x1, s4;
	s9 =	smul.u32 $0x3200, s1;
	[dreg:$0x8] =	wrdreg s14  }
0xc: {  	s4 =	sadd.s32 $0xF7600, s5;
	s25 =	smul.u32 $0x43, s1;
	[dreg:$0x9] =	wrdreg s15  }
0xd: {  	s26 =	sshll.u32 s1, $0x6;
	s10 =	smul.u32 $0x32000, s8;
	[dreg:$0xa] =	wrdreg s16  }
0xe: {  	s12 =	ssub.s32 $0x2, s8;
	s22 =	smul.u32 $0xC350, s8;
	[dreg:$0xb] =	wrdreg s17  }
0xf: {  	s14 =	simm.s32 $0x80;
	s15 =	simm.s32 $0x19400;
	[dreg:$0xc] =	wrdreg s18  }
0x10: {  	s16 =	simm.s32 $0x1A400;
	s17 =	simm.s32 $0x4;
	[dreg:$0xd] =	wrdreg s19  }
0x11: {  	s18 =	simm.s32 $0x1B800;
	s19 =	simm.s32 $0x1C800;
	[dreg:$0xe] =	wrdreg s20  }
0x12: {  	s20 =	simm.s32 $0x2;
	s11 =	sadd.s32 s6, s5;
	s23 =	sshrl.u32 s7, $0x3  }
0x13: {  	s24 =	sshrl.u32 s12, $0x1;
	s13 =	sadd.s32 s7, s2;
	[dreg:$0x3] =	wrdreg s25  }
0x14: {  	s6 =	sadd.s32 s23, s5;
	s9 =	sadd.s32 s9, s10;
	s10 =	ssub.s32 s12, s24  }
0x15: {  	s12 =	simm.s32 $0x7;
	s23 =	simm.s32 $0x1B780;
	v0 =	vmov s22;
	s22 =	simm.s32 $0x3  }
0x16: {  	s24 =	simm.s32 $0x0;
	s9 =	sadd.s32 s9, s5;
	s5 =	sadd.s32 $0xC5600, s6  }
0x17: {  	s6 =	sor.u32 $0x1C07, s26;
	s8 =	smax.u32 s10, $0x1;
	s10 =	sadd.s32 $0x63600, s11  }
0x18: {  	[dreg:$0xf] =	wrdreg s23;
	s23 =	simm.s32 $0x6;
	s7 =	sadd.s32 $0x2F0200, s9  }
0x19: {  	v1 =	vimm.s32 $0x0;
	v2 =	vlaneseq.u32;
	s9 =	sadd.s32 $0x94600, s11;
	s11 =	sshrl.u32 s13, $0x3;
	s13 =	simm.s32 $0x1  }
.LBB2_1:
0x1a: {  	[spmem:s11], [sflag:s6] =	dma.local [hbm:s5], $0x3200  }
0x1b: {  	_ =	swait.ge [sflag:s12], $0x3200  }
0x1c: {  	[sflag:s12] =	ssyncset.done $0x0  }
0x1d: {  	s25 =	simm.s32 $0x0;
	[sflag:s12] =	ssyncadd.s32 $0xFFFFCE00  }
0x1e: {  	s26 =	smov.u32 s10;
	s28 =	smov.u32 s9;
	[bflag:$0x0] =	sbarrier.arrive $0xFFFF  }
.LBB2_2:
0x1f: {  	s29 =	rddreg [dreg:$0x4]  }
0x20: {  	[tilespmem:s29], [sflag:$0x1] =	stream.linear.gather [hbm4b:s26+s3], $0x100, $0x38;
	[tilespmem:$0x1D800] =	vst v63  }
0x21: {  	s30 =	rddreg [dreg:$0x5]  }
0x22: {  	[tilespmem:s30], [sflag:$0x1] =	stream.linear.gather [hbm4b:s28+s3], $0x100, $0x38;
	[tilespmem:$0x1D800] =	vst v63  }
0x23: {  	s29 =	rddreg [dreg:$0x6];
	s30 =	sadd.s32 $0x20, s26  }
0x24: {  	[tilespmem:s29], [sflag:$0x4] =	stream.linear.gather [hbm4b:s30+s3], $0x100, $0x38;
	[tilespmem:$0x1D800] =	vst v63  }
0x25: {  	s31 =	rddreg [dreg:$0x7];
	s30 =	sadd.s32 $0x20, s28  }
0x26: {  	[tilespmem:s31], [sflag:$0x4] =	stream.linear.gather [hbm4b:s30+s3], $0x100, $0x38;
	[tilespmem:$0x1D800] =	vst v63  }
0x27: {  	_ =	swait.ge [sflag:s13], $0x100  }
0x28: {  	[sflag:s13] =	ssyncset.done $0x0  }
0x29: {  	[sflag:s13] =	ssyncadd.s32 $0xFFFFFF00  }
0x2a: {  	_ =	swait.ge [sflag:s13], $0x100  }
0x2b: {  	[sflag:s13] =	ssyncset.done $0x0  }
0x2c: {  	[sflag:s13] =	ssyncadd.s32 $0xFFFFFF00  }
0x2d: {  	v3 =	vld [tilespmem:$0x19000]  }
0x2e: {  	v4 =	vld [tilespmem:$0x19010]  }
0x2f: {  	v5 =	vld [tilespmem:$0x19020]  }
0x30: {  	v6 =	vld [tilespmem:$0x19030]  }
0x31: {  	v7 =	vld [tilespmem:$0x19040]  }
0x32: {  	v8 =	vld [tilespmem:$0x19050];
	vm0 =	vgt.s32 v3, $0xC34F  }
0x33: {  	v10 =	vld [tilespmem:$0x19060];
	vm13 =	vgt.s32 v4, $0xC34F;
	v9 =	vsel vm0, $0x4B0, v1  }
0x34: {  	v11 =	vld [tilespmem:$0x19070];
	vm14 =	vgt.s32 v5, $0xC34F;
	v16 =	vsel vm13, $0x4B0, v1;
	v3 =	vadd.s32 v3, v9  }
0x35: {  	v18 =	vld [tilespmem:$0x19080];
	vm15 =	vgt.s32 v6, $0xC34F;
	v17 =	vsel vm14, $0x4B0, v1;
	[tilespmem:$0x19200] =	vst v3;
	v3 =	vadd.s32 v4, v16  }
0x36: {  	v20 =	vld [tilespmem:$0x19090];
	vm4 =	vgt.s32 v7, $0xC34F;
	v19 =	vsel vm15, $0x4B0, v1;
	[tilespmem:$0x19210] =	vst v3;
	v3 =	vadd.s32 v5, v17  }
0x37: {  	v22 =	vld [tilespmem:$0x190A0];
	vm5 =	vgt.s32 v8, $0xC34F;
	v21 =	vsel vm4, $0x4B0, v1;
	[tilespmem:$0x19220] =	vst v3;
	v3 =	vadd.s32 v6, v19  }
0x38: {  	v24 =	vld [tilespmem:$0x190B0];
	vm6 =	vgt.s32 v10, $0xC34F;
	v23 =	vsel vm5, $0x4B0, v1;
	[tilespmem:$0x19230] =	vst v3;
	v3 =	vadd.s32 v7, v21  }
0x39: {  	v26 =	vld [tilespmem:$0x190C0];
	vm7 =	vgt.s32 v11, $0xC34F;
	v25 =	vsel vm6, $0x4B0, v1;
	[tilespmem:$0x19240] =	vst v3;
	v3 =	vadd.s32 v8, v23  }
0x3a: {  	v28 =	vld [tilespmem:$0x190D0];
	vm8 =	vgt.s32 v18, $0xC34F;
	v27 =	vsel vm7, $0x4B0, v1;
	[tilespmem:$0x19250] =	vst v3;
	v3 =	vadd.s32 v10, v25  }
0x3b: {  	v30 =	vld [tilespmem:$0x190E0];
	vm9 =	vgt.s32 v20, $0xC34F;
	v29 =	vsel vm8, $0x4B0, v1;
	[tilespmem:$0x19260] =	vst v3;
	v3 =	vadd.s32 v11, v27  }
0x3c: {  	v32 =	vld [tilespmem:$0x190F0];
	vm10 =	vgt.s32 v22, $0xC34F;
	v31 =	vsel vm9, $0x4B0, v1;
	[tilespmem:$0x19270] =	vst v3;
	v3 =	vadd.s32 v18, v29  }
0x3d: {  	vm11 =	vgt.s32 v24, $0xC34F;
	v33 =	vsel vm10, $0x4B0, v1;
	[tilespmem:$0x19280] =	vst v3;
	v3 =	vadd.s32 v20, v31  }
0x3e: {  	vm12 =	vgt.s32 v26, $0xC34F;
	v34 =	vsel vm11, $0x4B0, v1;
	[tilespmem:$0x19290] =	vst v3;
	v3 =	vadd.s32 v22, v33  }
0x3f: {  	v35 =	vsel vm12, $0x4B0, v1;
	vm13 =	vgt.s32 v28, $0xC34F;
	[tilespmem:$0x192A0] =	vst v3;
	v3 =	vadd.s32 v24, v34  }
0x40: {  	vm14 =	vgt.s32 v30, $0xC34F;
	v36 =	vsel vm13, $0x4B0, v1;
	[tilespmem:$0x192B0] =	vst v3;
	v3 =	vadd.s32 v26, v35  }
0x41: {  	vm15 =	vgt.s32 v32, $0xC34F;
	v37 =	vsel vm14, $0x4B0, v1;
	[tilespmem:$0x192C0] =	vst v3;
	v3 =	vadd.s32 v28, v36  }
0x42: {  	v38 =	vsel vm15, $0x4B0, v1;
	[tilespmem:$0x192D0] =	vst v3;
	v3 =	vadd.s32 v30, v37  }
0x43: {  	[tilespmem:$0x192E0] =	vst v3;
	v3 =	vadd.s32 v32, v38  }
0x44: {  	s29 =	rddreg [dreg:$0x8];
	[tilespmem:$0x192F0] =	vst v3  }
0x45: {  	[tilespmem:s15], [sflag:$0x2] =	stream.indirect.gather [hbm4b:s4+s14], $0x20, s29, s14, $0xb8;
	[tilespmem:$0x1D800] =	vst v63  }
0x46: {  	s31 =	rddreg [dreg:$0x9]  }
0x47: {  	[tilespmem:s16], [sflag:$0x2] =	stream.indirect.gather [hbm4b:s4+s14], $0x20, s31, s14, $0xb8;
	[tilespmem:$0x1D800] =	vst v63  }
0x48: {  	v3 =	vld [tilespmem:$0x19100]  }
0x49: {  	v39 =	vld [tilespmem:$0x19110]  }
0x4a: {  	v40 =	vld [tilespmem:$0x19120]  }
0x4b: {  	v43 =	vld [tilespmem:$0x19130]  }
0x4c: {  	v45 =	vld [tilespmem:$0x19140]  }
0x4d: {  	v48 =	vld [tilespmem:$0x19150]  }
0x4e: {  	s30 =	rddreg [dreg:$0x3];
	v50 =	vld [tilespmem:$0x19160]  }
0x4f: {  	s29 =	sadd.s32 s25, s30;
	v12 =	vld [tilespmem:$0x19170]  }
0x50: {  	s31 =	sadd.s32 $0x10, s29;
	v14 =	vld [tilespmem:$0x19190]  }
0x51: {  	v42 =	vadd.s32 s31, v2;
	s31 =	sadd.s32 $0x20, s29;
	v57 =	vld [tilespmem:$0x191A0]  }
0x52: {  	v41 =	vadd.s32 s29, v2;
	v16 =	vld [tilespmem:$0x191B0];
	v46 =	vadd.s32 s31, v2;
	s31 =	sadd.s32 $0x30, s29  }
0x53: {  	v6 =	vand.u32 $0x3FF, v41;
	v62 =	vld [tilespmem:$0x191C0];
	v47 =	vadd.s32 s31, v2  }
0x54: {  	v6 =	vadd.s32 $0xC350, v6;
	v20 =	vld [tilespmem:$0x191D0];
	v7 =	vand.u32 $0x3FF, v42;
	s31 =	sadd.s32 $0x40, s29;
	v9 =	vand.u32 $0x3FF, v47  }
0x55: {  	v23 =	vld [tilespmem:$0x191E0];
	v44 =	vadd.s32 $0xC350, v7;
	v51 =	vadd.s32 s31, v2;
	s31 =	sadd.s32 $0x50, s29;
	v49 =	vadd.s32 $0xC350, v9  }
0x56: {  	v27 =	vld [tilespmem:$0x191F0];
	v52 =	vadd.s32 s31, v2;
	v3 =	vsub.s32 v3, v0;
	v4 =	vsub.s32 v39, v0  }
0x57: {  	v5 =	vsub.s32 v40, v0;
	v8 =	vsub.s32 v43, v0;
	v7 =	vsub.s32 v45, v0  }
0x58: {  	s31 =	sadd.s32 $0x60, s29;
	v10 =	vsub.s32 v48, v0;
	v11 =	vand.u32 $0x3FF, v52;
	v9 =	vsub.s32 v50, v0  }
0x59: {  	v55 =	vadd.s32 s31, v2;
	v12 =	vsub.s32 v12, v0;
	v59 =	vsub.s32 v14, v0  }
0x5a: {  	v54 =	vld [tilespmem:$0x19180];
	v63 =	vsub.s32 v57, v0;
	v21 =	vsub.s32 v16, v0;
	v24 =	vsub.s32 v62, v0  }
0x5b: {  	v28 =	vsub.s32 v20, v0;
	v30 =	vsub.s32 v23, v0;
	v34 =	vsub.s32 v27, v0  }
0x5c: {  	vm4 =	vgt.u32 v3, $0xC34F;
	vm5 =	vgt.u32 v4, $0xC34F;
	vm6 =	vgt.u32 v5, $0xC34F  }
0x5d: {  	s31 =	sadd.s32 $0x70, s29;
	vm7 =	vgt.u32 v8, $0xC34F;
	vm8 =	vgt.u32 v7, $0xC34F;
	vm9 =	vgt.u32 v10, $0xC34F  }
0x5e: {  	v53 =	vadd.s32 $0xC350, v11;
	vm10 =	vgt.u32 v9, $0xC34F;
	v13 =	vadd.s32 s31, v2  }
0x5f: {  	vm11 =	vgt.u32 v12, $0xC34F;
	v11 =	vsub.s32 v54, v0;
	vm13 =	vgt.u32 v59, $0xC34F  }
0x60: {  	vm14 =	vgt.u32 v63, $0xC34F;
	vm15 =	vgt.u32 v21, $0xC34F;
	v3 =	vsel vm4, v6, v3  }
0x61: {  	s31 =	sadd.s32 $0x80, s29;
	v4 =	vsel vm5, v44, v4;
	v6 =	vand.u32 $0x3FF, v46;
	v13 =	vand.u32 $0x3FF, v13  }
0x62: {  	v58 =	vadd.s32 s31, v2;
	vm12 =	vgt.u32 v11, $0xC34F;
	vm4 =	vgt.u32 v24, $0xC34F  }
0x63: {  	s31 =	sadd.s32 $0x90, s29;
	vm5 =	vgt.u32 v28, $0xC34F;
	v6 =	vadd.s32 $0xC350, v6;
	v56 =	vadd.s32 $0xC350, v13  }
0x64: {  	v15 =	vadd.s32 s31, v2;
	[tilespmem:$0x19300] =	vst v3;
	s31 =	sadd.s32 $0xA0, s29;
	v5 =	vsel vm6, v6, v5;
	v6 =	vsel vm7, v49, v8  }
0x65: {  	[tilespmem:$0x19310] =	vst v4;
	v8 =	vand.u32 $0x3FF, v51;
	v60 =	vand.u32 $0x3FF, v15;
	v17 =	vadd.s32 s31, v2  }
0x66: {  	s31 =	sadd.s32 $0xB0, s29;
	vm6 =	vgt.u32 v30, $0xC34F;
	v8 =	vadd.s32 $0xC350, v8;
	v61 =	vadd.s32 $0xC350, v60;
	[tilespmem:$0x19320] =	vst v5  }
0x67: {  	[tilespmem:$0x19330] =	vst v6;
	v18 =	vand.u32 $0x3FF, v17;
	v19 =	vadd.s32 s31, v2;
	v7 =	vsel vm8, v8, v7  }
0x68: {  	s31 =	sadd.s32 $0xC0, s29;
	v8 =	vsel vm9, v53, v10;
	v10 =	vand.u32 $0x3FF, v55;
	v4 =	vsel vm13, v61, v59;
	[tilespmem:$0x19340] =	vst v7  }
0x69: {  	v6 =	vadd.s32 $0xC350, v18;
	v25 =	vadd.s32 s31, v2;
	s31 =	sadd.s32 $0xD0, s29;
	v10 =	vadd.s32 $0xC350, v10;
	[tilespmem:$0x19350] =	vst v8  }
0x6a: {  	v5 =	vsel vm14, v6, v63;
	v26 =	vadd.s32 s31, v2;
	[tilespmem:$0x19390] =	vst v4;
	s31 =	sadd.s32 $0xE0, s29;
	v9 =	vsel vm10, v10, v9  }
0x6b: {  	v10 =	vsel vm11, v56, v12;
	v12 =	vand.u32 $0x3FF, v58;
	[tilespmem:$0x193A0] =	vst v5;
	v31 =	vadd.s32 s31, v2  }
0x6c: {  	v3 =	vadd.s32 $0xC350, v12;
	v12 =	vand.u32 $0x3FF, v19;
	[tilespmem:$0x19360] =	vst v9;
	v9 =	vand.u32 $0x3FF, v25  }
0x6d: {  	[tilespmem:$0x19370] =	vst v10;
	v10 =	vand.u32 $0x3FF, v26;
	v3 =	vsel vm12, v3, v11;
	v22 =	vadd.s32 $0xC350, v12  }
0x6e: {  	s31 =	sadd.s32 $0xF0, s29;
	v32 =	vand.u32 $0x3FF, v31;
	v6 =	vsel vm15, v22, v21;
	[tilespmem:$0x19380] =	vst v3;
	v3 =	vadd.s32 $0xC350, v9  }
0x6f: {  	v33 =	vadd.s32 s31, v2;
	v29 =	vadd.s32 $0xC350, v10;
	v3 =	vsel vm4, v3, v24;
	[tilespmem:$0x193B0] =	vst v6  }
0x70: {  	v7 =	vand.u32 $0x3FF, v33;
	v4 =	vsel vm5, v29, v28;
	[tilespmem:$0x193C0] =	vst v3;
	v3 =	vadd.s32 $0xC350, v32  }
0x71: {  	vm7 =	vgt.u32 v34, $0xC34F;
	v35 =	vadd.s32 $0xC350, v7;
	[tilespmem:$0x193D0] =	vst v4;
	v3 =	vsel vm6, v3, v30  }
0x72: {  	[tilespmem:$0x193E0] =	vst v3;
	v3 =	vsel vm7, v35, v34  }
0x73: {  	[tilespmem:$0x193F0] =	vst v3  }
0x74: {  	_ =	swait.ge [sflag:s17], $0x100  }
0x75: {  	[sflag:s17] =	ssyncset.done $0x0  }
0x76: {  	[sflag:s17] =	ssyncadd.s32 $0xFFFFFF00  }
0x77: {  	_ =	swait.ge [sflag:s17], $0x100  }
0x78: {  	[sflag:s17] =	ssyncset.done $0x0  }
0x79: {  	[sflag:s17] =	ssyncadd.s32 $0xFFFFFF00  }
0x7a: {  	v3 =	vld [tilespmem:$0x1B400]  }
0x7b: {  	v36 =	vld [tilespmem:$0x1B410]  }
0x7c: {  	v37 =	vld [tilespmem:$0x1B420]  }
0x7d: {  	v38 =	vld [tilespmem:$0x1B430]  }
0x7e: {  	v39 =	vld [tilespmem:$0x1B440]  }
0x7f: {  	v40 =	vld [tilespmem:$0x1B450];
	vm8 =	vgt.s32 v3, $0xC34F  }
0x80: {  	v42 =	vld [tilespmem:$0x1B460];
	vm9 =	vgt.s32 v36, $0xC34F;
	v41 =	vsel vm8, $0x4B0, v1  }
0x81: {  	v44 =	vld [tilespmem:$0x1B470];
	vm10 =	vgt.s32 v37, $0xC34F;
	v43 =	vsel vm9, $0x4B0, v1;
	v3 =	vadd.s32 v3, v41  }
0x82: {  	v46 =	vld [tilespmem:$0x1B480];
	vm11 =	vgt.s32 v38, $0xC34F;
	v45 =	vsel vm10, $0x4B0, v1;
	[tilespmem:$0x1B600] =	vst v3;
	v3 =	vadd.s32 v36, v43  }
0x83: {  	v48 =	vld [tilespmem:$0x1B490];
	vm12 =	vgt.s32 v39, $0xC34F;
	v47 =	vsel vm11, $0x4B0, v1;
	[tilespmem:$0x1B610] =	vst v3;
	v3 =	vadd.s32 v37, v45  }
0x84: {  	v50 =	vld [tilespmem:$0x1B4A0];
	vm13 =	vgt.s32 v40, $0xC34F;
	v49 =	vsel vm12, $0x4B0, v1;
	[tilespmem:$0x1B620] =	vst v3;
	v3 =	vadd.s32 v38, v47  }
0x85: {  	v52 =	vld [tilespmem:$0x1B4B0];
	vm14 =	vgt.s32 v42, $0xC34F;
	v51 =	vsel vm13, $0x4B0, v1;
	[tilespmem:$0x1B630] =	vst v3;
	v3 =	vadd.s32 v39, v49  }
0x86: {  	v54 =	vld [tilespmem:$0x1B4C0];
	vm15 =	vgt.s32 v44, $0xC34F;
	v53 =	vsel vm14, $0x4B0, v1;
	[tilespmem:$0x1B640] =	vst v3;
	v3 =	vadd.s32 v40, v51  }
0x87: {  	v56 =	vld [tilespmem:$0x1B4D0];
	vm4 =	vgt.s32 v46, $0xC34F;
	v55 =	vsel vm15, $0x4B0, v1;
	[tilespmem:$0x1B650] =	vst v3;
	v3 =	vadd.s32 v42, v53  }
0x88: {  	v58 =	vld [tilespmem:$0x1B4E0];
	vm5 =	vgt.s32 v48, $0xC34F;
	v57 =	vsel vm4, $0x4B0, v1;
	[tilespmem:$0x1B660] =	vst v3;
	v3 =	vadd.s32 v44, v55  }
0x89: {  	v60 =	vld [tilespmem:$0x1B4F0];
	vm6 =	vgt.s32 v50, $0xC34F;
	v59 =	vsel vm5, $0x4B0, v1;
	[tilespmem:$0x1B670] =	vst v3;
	v3 =	vadd.s32 v46, v57  }
0x8a: {  	vm7 =	vgt.s32 v52, $0xC34F;
	v61 =	vsel vm6, $0x4B0, v1;
	[tilespmem:$0x1B680] =	vst v3;
	v3 =	vadd.s32 v48, v59  }
0x8b: {  	v62 =	vsel vm7, $0x4B0, v1;
	vm8 =	vgt.s32 v54, $0xC34F;
	[tilespmem:$0x1B690] =	vst v3;
	v3 =	vadd.s32 v50, v61  }
0x8c: {  	vm9 =	vgt.s32 v56, $0xC34F;
	v63 =	vsel vm8, $0x4B0, v1;
	[tilespmem:$0x1B6A0] =	vst v3;
	v3 =	vadd.s32 v52, v62  }
0x8d: {  	vm10 =	vgt.s32 v58, $0xC34F;
	v12 =	vsel vm9, $0x4B0, v1;
	[tilespmem:$0x1B6B0] =	vst v3;
	v3 =	vadd.s32 v54, v63  }
0x8e: {  	vm11 =	vgt.s32 v60, $0xC34F;
	v13 =	vsel vm10, $0x4B0, v1;
	[tilespmem:$0x1B6C0] =	vst v3;
	v3 =	vadd.s32 v56, v12  }
0x8f: {  	v14 =	vsel vm11, $0x4B0, v1;
	[tilespmem:$0x1B6D0] =	vst v3;
	v3 =	vadd.s32 v58, v13  }
0x90: {  	[tilespmem:$0x1B6E0] =	vst v3;
	v3 =	vadd.s32 v60, v14  }
0x91: {  	s30 =	rddreg [dreg:$0xa];
	[tilespmem:$0x1B6F0] =	vst v3  }
0x92: {  	[tilespmem:s18], [sflag:$0x5] =	stream.indirect.gather [hbm4b:s4+s14], $0x20, s30, s14, $0xb8;
	[tilespmem:$0x1D800] =	vst v63  }
0x93: {  	s31 =	rddreg [dreg:$0xb]  }
0x94: {  	[tilespmem:s19], [sflag:$0x5] =	stream.indirect.gather [hbm4b:s4+s14], $0x20, s31, s14, $0xb8;
	[tilespmem:$0x1D800] =	vst v63  }
0x95: {  	v3 =	vld [tilespmem:$0x1B500]  }
0x96: {  	v15 =	vld [tilespmem:$0x1B510]  }
0x97: {  	v16 =	vld [tilespmem:$0x1B520]  }
0x98: {  	v19 =	vld [tilespmem:$0x1B530]  }
0x99: {  	v21 =	vld [tilespmem:$0x1B540]  }
0x9a: {  	v24 =	vld [tilespmem:$0x1B550]  }
0x9b: {  	v26 =	vld [tilespmem:$0x1B560]  }
0x9c: {  	v29 =	vld [tilespmem:$0x1B570]  }
0x9d: {  	s31 =	sadd.s32 $0x83, s29;
	v34 =	vld [tilespmem:$0x1B590]  }
0x9e: {  	v17 =	vadd.s32 s31, v2;
	s31 =	sadd.s32 $0x93, s29;
	v36 =	vld [tilespmem:$0x1B5A0]  }
0x9f: {  	v39 =	vld [tilespmem:$0x1B5B0];
	v18 =	vadd.s32 s31, v2;
	s31 =	sadd.s32 $0xA3, s29  }
0xa0: {  	v43 =	vld [tilespmem:$0x1B5C0];
	v6 =	vand.u32 $0x3FF, v17;
	v7 =	vand.u32 $0x3FF, v18;
	v22 =	vadd.s32 s31, v2;
	s31 =	sadd.s32 $0xB3, s29  }
0xa1: {  	v48 =	vld [tilespmem:$0x1B5D0];
	v6 =	vadd.s32 $0xC350, v6;
	v20 =	vadd.s32 $0xC350, v7;
	v23 =	vadd.s32 s31, v2;
	s31 =	sadd.s32 $0xC3, s29  }
0xa2: {  	v51 =	vld [tilespmem:$0x1B5E0];
	v9 =	vand.u32 $0x3FF, v23;
	v27 =	vadd.s32 s31, v2;
	v3 =	vsub.s32 v3, v0  }
0xa3: {  	v55 =	vld [tilespmem:$0x1B5F0];
	s31 =	sadd.s32 $0xD3, s29;
	v4 =	vsub.s32 v15, v0;
	v5 =	vsub.s32 v16, v0;
	v8 =	vsub.s32 v19, v0  }
0xa4: {  	v25 =	vadd.s32 $0xC350, v9;
	v7 =	vsub.s32 v21, v0;
	v28 =	vadd.s32 s31, v2  }
0xa5: {  	v10 =	vsub.s32 v24, v0;
	v9 =	vsub.s32 v26, v0;
	v12 =	vsub.s32 v29, v0  }
0xa6: {  	v40 =	vsub.s32 v34, v0;
	v44 =	vsub.s32 v36, v0;
	v49 =	vsub.s32 v39, v0  }
0xa7: {  	v52 =	vsub.s32 v43, v0;
	v56 =	vsub.s32 v48, v0;
	v58 =	vsub.s32 v51, v0  }
0xa8: {  	v62 =	vsub.s32 v55, v0;
	vm12 =	vgt.u32 v3, $0xC34F;
	vm13 =	vgt.u32 v4, $0xC34F  }
0xa9: {  	v31 =	vld [tilespmem:$0x1B580];
	s31 =	sadd.s32 $0xE3, s29;
	vm14 =	vgt.u32 v5, $0xC34F;
	vm15 =	vgt.u32 v8, $0xC34F;
	vm4 =	vgt.u32 v7, $0xC34F  }
0xaa: {  	v11 =	vand.u32 $0x3FF, v28;
	vm5 =	vgt.u32 v10, $0xC34F;
	v32 =	vadd.s32 s31, v2  }
0xab: {  	vm6 =	vgt.u32 v9, $0xC34F;
	vm7 =	vgt.u32 v12, $0xC34F;
	vm9 =	vgt.u32 v40, $0xC34F  }
0xac: {  	vm10 =	vgt.u32 v44, $0xC34F;
	vm11 =	vgt.u32 v49, $0xC34F;
	v3 =	vsel vm12, v6, v3  }
0xad: {  	s31 =	sadd.s32 $0xF3, s29;
	v4 =	vsel vm13, v20, v4;
	v6 =	vand.u32 $0x3FF, v22;
	v30 =	vadd.s32 $0xC350, v11  }
0xae: {  	v33 =	vadd.s32 s31, v2;
	v11 =	vsub.s32 v31, v0;
	vm12 =	vgt.u32 v52, $0xC34F  }
0xaf: {  	s31 =	sadd.s32 $0x103, s29;
	vm13 =	vgt.u32 v56, $0xC34F;
	v6 =	vadd.s32 $0xC350, v6;
	v13 =	vand.u32 $0x3FF, v33  }
0xb0: {  	v37 =	vadd.s32 s31, v2;
	vm8 =	vgt.u32 v11, $0xC34F;
	v5 =	vsel vm14, v6, v5  }
0xb1: {  	s31 =	sadd.s32 $0x113, s29;
	[tilespmem:$0x1B700] =	vst v3;
	v6 =	vsel vm15, v25, v8;
	v8 =	vand.u32 $0x3FF, v27;
	v35 =	vadd.s32 $0xC350, v13  }
0xb2: {  	[tilespmem:$0x1B710] =	vst v4;
	v38 =	vadd.s32 s31, v2;
	s31 =	sadd.s32 $0x123, s29;
	vm14 =	vgt.u32 v58, $0xC34F;
	v8 =	vadd.s32 $0xC350, v8  }
0xb3: {  	v41 =	vand.u32 $0x3FF, v38;
	[tilespmem:$0x1B720] =	vst v5;
	v45 =	vadd.s32 s31, v2;
	v7 =	vsel vm4, v8, v7  }
0xb4: {  	s31 =	sadd.s32 $0x133, s29;
	[tilespmem:$0x1B730] =	vst v6;
	v8 =	vsel vm5, v30, v10;
	v10 =	vand.u32 $0x3FF, v32;
	v42 =	vadd.s32 $0xC350, v41  }
0xb5: {  	v46 =	vand.u32 $0x3FF, v45;
	v47 =	vadd.s32 s31, v2;
	s31 =	sadd.s32 $0x143, s29;
	v10 =	vadd.s32 $0xC350, v10;
	[tilespmem:$0x1B740] =	vst v7  }
0xb6: {  	v4 =	vsel vm9, v42, v40;
	v6 =	vadd.s32 $0xC350, v46;
	[tilespmem:$0x1B750] =	vst v8;
	v53 =	vadd.s32 s31, v2  }
0xb7: {  	s31 =	sadd.s32 $0x153, s29;
	v9 =	vsel vm6, v10, v9;
	v10 =	vsel vm7, v35, v12;
	v12 =	vand.u32 $0x3FF, v37;
	[tilespmem:$0x1B790] =	vst v4  }
0xb8: {  	v5 =	vsel vm10, v6, v44;
	v54 =	vadd.s32 s31, v2;
	v3 =	vadd.s32 $0xC350, v12;
	[tilespmem:$0x1B760] =	vst v9  }
0xb9: {  	s31 =	sadd.s32 $0x163, s29;
	v12 =	vand.u32 $0x3FF, v47;
	[tilespmem:$0x1B770] =	vst v10;
	v9 =	vand.u32 $0x3FF, v53;
	v10 =	vand.u32 $0x3FF, v54  }
0xba: {  	s29 =	sadd.s32 $0x173, s29;
	[tilespmem:$0x1B7A0] =	vst v5;
	v59 =	vadd.s32 s31, v2;
	v3 =	vsel vm8, v3, v11;
	v50 =	vadd.s32 $0xC350, v12  }
0xbb: {  	v61 =	vadd.s32 s29, v2;
	v6 =	vsel vm11, v50, v49;
	[tilespmem:$0x1B780] =	vst v3;
	v3 =	vadd.s32 $0xC350, v9  }
0xbc: {  	v57 =	vadd.s32 $0xC350, v10;
	v60 =	vand.u32 $0x3FF, v59;
	v3 =	vsel vm12, v3, v52;
	[tilespmem:$0x1B7B0] =	vst v6  }
0xbd: {  	v7 =	vand.u32 $0x3FF, v61;
	v4 =	vsel vm13, v57, v56;
	[tilespmem:$0x1B7C0] =	vst v3;
	v3 =	vadd.s32 $0xC350, v60  }
0xbe: {  	vm15 =	vgt.u32 v62, $0xC34F;
	v63 =	vadd.s32 $0xC350, v7;
	[tilespmem:$0x1B7D0] =	vst v4;
	v3 =	vsel vm14, v3, v58  }
0xbf: {  	[tilespmem:$0x1B7E0] =	vst v3;
	v3 =	vsel vm15, v63, v62  }
0xc0: {  	[tilespmem:$0x1B7F0] =	vst v3  }
0xc1: {  	_ =	swait.ge [sflag:s20], $0x1000  }
0xc2: {  	[sflag:s20] =	ssyncset.done $0x0  }
0xc3: {  	[sflag:s20] =	ssyncadd.s32 $0xFFFFF000  }
0xc4: {  	_ =	swait.ge [sflag:s20], $0x1000  }
0xc5: {  	[sflag:s20] =	ssyncset.done $0x0  }
0xc6: {  	s29 =	rddreg [dreg:$0xc];
	[sflag:s20] =	ssyncadd.s32 $0xFFFFF000  }
0xc7: {  	[spmem:s2] =	stream.indirect.scatter.add.f32 [tilespmem:s15], [sflag:$0x3], $0x20, s29, s14, $0xb8;
	[tilespmem:$0x1D800] =	vst v63  }
0xc8: {  	s31 =	rddreg [dreg:$0xd]  }
0xc9: {  	[spmem:s2] =	stream.indirect.scatter.add.f32 [tilespmem:s16], [sflag:$0x3], $0x20, s31, s14, $0xb8;
	[tilespmem:$0x1D800] =	vst v63  }
0xca: {  	_ =	swait.ge [sflag:s21], $0x1000  }
0xcb: {  	[sflag:s21] =	ssyncset.done $0x0  }
0xcc: {  	[sflag:s21] =	ssyncadd.s32 $0xFFFFF000  }
0xcd: {  	_ =	swait.ge [sflag:s21], $0x1000  }
0xce: {  	[sflag:s21] =	ssyncset.done $0x0  }
0xcf: {  	s29 =	rddreg [dreg:$0xe];
	[sflag:s21] =	ssyncadd.s32 $0xFFFFF000  }
0xd0: {  	[spmem:s2] =	stream.indirect.scatter.add.f32 [tilespmem:s18], [sflag:$0x6], $0x20, s29, s14, $0xb8;
	[tilespmem:$0x1D800] =	vst v63  }
0xd1: {  	s31 =	rddreg [dreg:$0xf]  }
0xd2: {  	[spmem:s2] =	stream.indirect.scatter.add.f32 [tilespmem:s19], [sflag:$0x6], $0x20, s31, s14, $0xb8;
	[tilespmem:$0x1D800] =	vst v63  }
0xd3: {  	_ =	swait.ge [sflag:s22], $0x1000  }
0xd4: {  	[sflag:s22] =	ssyncset.done $0x0  }
0xd5: {  	[sflag:s22] =	ssyncadd.s32 $0xFFFFF000  }
0xd6: {  	_ =	swait.ge [sflag:s22], $0x1000  }
0xd7: {  	[sflag:s22] =	ssyncset.done $0x0  }
0xd8: {  	[sflag:s22] =	ssyncadd.s32 $0xFFFFF000  }
0xd9: {  	p0 =	sne.s32 s25, $0xC792;
	_ =	swait.ge [sflag:s23], $0x1000  }
.Ltmp0:
0xda: {  	[sflag:s23] =	ssyncset.done $0x0;
	(pc) =	sbr.rel @p0 .LBB2_2-.Ltmp0, $4  }
0xdb: {  	[sflag:s23] =	ssyncadd.s32 $0xFFFFF000  }
0xdc: {  	_ =	swait.ge [sflag:s23], $0x1000  }
0xdd: {  	s26 =	sadd.s32 $0x40, s26;
	[sflag:s23] =	ssyncset.done $0x0  }
0xde: {  	s28 =	sadd.s32 $0x40, s28;
	s25 =	sadd.s32 $0x106, s25;
	[sflag:s23] =	ssyncadd.s32 $0xFFFFF000  }
0xdf: {  	s24 =	sadd.s32 $0x1, s24  }
0xe0: {  	p0 =	sne.s32 s24, s8  }
.Ltmp1:
0xe1: {  	[bflag:$0x0] =	sbarrier.arrive $0xFFFF;
	(pc) =	sbr.rel @p0 .LBB2_1-.Ltmp1, $4  }
0xe2: {  	[hbm:s7], [sflag:s6] =	dma.local [spmem:s11], $0x3200  }
0xe3: {  	_ =	swait.ge [sflag:s12], $0x3200  }
0xe4: {  	[sflag:s12] =	ssyncset.done $0x0  }
0xe5: {  	[sflag:s12] =	ssyncadd.s32 $0xFFFFCE00  }
0xe6: {  	_ =	sfence.sel $0x180000  }
0xe7: {  	[bflag:$0x0] =	sbarrier.arrive $0xFFFF  }
0xe8: {  	p0 =	sne.s32 s1, $0x0;
	_ =	strace $0x9000004A  }
0xe9: {  	s0 =	sadd.s32 @!p0 $0x100000, s0;
	[bflag:$0x2] =	sbarrier.arrive $0xFFFF  }
0xea: {  	[sflag:s0] =	ssyncadd.tile.s32 @!p0 $0x1;
	_ =	shalt  }
.Lfunc_end2:
_tile_overlayer_lowered:
.L_overlay_start_2:
0xeb: {  	(tag) =	ssettag $0x2  }
0xec: {  	s0 =	rddreg [dreg:$0x0];
	s2 =	stileid.u32  }
0xed: {  	s1 =	rddreg [dreg:$0x1];
	p0 =	sne.s32 s2, $0x0  }
0xee: {  	s3 =	rddreg [dreg:$0x2];
	[bflag:$0x3] =	sbarrier.arrive $0xFFFF;
	s2 =	simm.s32 @!p0 $0x1C07  }
0xef: {  	[timem:s3], [sflag:s2] =	dma.local @!p0 [hbm:s0], s1  }
0xf0: {  	s0 =	simm.s32 @!p0 $0x7  }
0xf1: {  	_ =	swait.ge @!p0 [sflag:s0], s1  }
0xf2: {  	s1 =	ssub.s32 @!p0 $0x0, s1;
	[sflag:s0] =	ssyncset.done @!p0 $0x0  }
0xf3: {  	[sflag:s0] =	ssyncadd.s32 @!p0 s1  }
0xf4: {  	[bflag:$0x3] =	sbarrier.arrive $0xFFFF  }
0xf5: {  	_ =	shalt  }

// kernel: kernel.15.cloned.1.call-start
scs
__scs_entry_jumppad:
0x0: {  	(pc) =	sbr.rel $0x88, $3  }
0x1: {  	(tag) =	ssettag $0x0;
	lr =	simm.s32 $0x1  }
0x2: {  	[smem:$0x3F93] =	sst lr;
	_ =	strace $0xD0000000  }
0x3: {  	_ = 	snop  }
0x4: {  	_ = 	snop  }
0x5: {  	_ = 	snop  }
0x6: {  	_ = 	snop  }
0x7: {  	_ = 	snop  }
__scs_overlays_trampoline_lowered:
0x8: {  	[smem:$0x3FA2] =	sst s0  }
0x9: {  	[smem:$0x3FA3] =	sst s1  }
0xa: {  	[smem:$0x3FA4] =	sst s2  }
0xb: {  	[smem:$0x3FA5] =	sst s3  }
0xc: {  	[smem:$0x3FA6] =	sst s4  }
0xd: {  	[smem:$0x3FA7] =	sst s5  }
0xe: {  	[smem:$0x3FA8] =	sst s6  }
0xf: {  	[smem:$0x3FA9] =	sst s7  }
0x10: {  	[smem:$0x3FAA] =	sst s8  }
0x11: {  	[smem:$0x3FAB] =	sst s9;
	s0 =	simm.s32 @!p0 $0x0  }
0x12: {  	s1 =	sld [smem:$0x3F91];
	s0 =	simm.s32 @p0 $0x1  }
0x13: {  	[smem:$0x3FAC] =	sst s0;
	s0 =	simm.s32 @!p1 $0x0  }
0x14: {  	s2 =	sld [smem:$0x3F90];
	s0 =	simm.s32 @p1 $0x1  }
0x15: {  	[smem:$0x3FAD] =	sst s0;
	s0 =	simm.s32 @!p2 $0x0  }
0x16: {  	s3 =	sld [smem:$0x3FDB];
	s0 =	simm.s32 @p2 $0x1  }
0x17: {  	s4 =	simm.s32 $0x1BF5;
	[smem:$0x3FAF] =	sst s0  }
0x18: {  	s0 =	sld [smem:$0x3F92];
	_ =	swait.ge [sflag:s4], $0x0  }
0x19: {  	s7 =	sld [smem:$0x3F93]  }
0x1a: {  	s8 =	sadd.s32 $0xFFFFE003, lr  }
0x1b: {  	s9 =	sadd.s32 $0xFFFFFEF7, lr;
	s5 =	simm.s32 $0xFFFFFFFF;
	p2 =	slt.u32 s8, $0xFFFFF086  }
0x1c: {  	p1 =	slt.u32 s9, $0xF7A;
	s5 =	simm.s32 @!p2 $0x0  }
0x1d: {  	s5 =	simm.s32 @p1 $0x1;
	p0 =	seq.s32 s7, s2  }
0x1e: {  	s7 =	smul.u32 @!p0 $0xF7A, s2;
	p2 =	seq.s32 @!p0 s5, $0x0  }
0x1f: {  	s9 =	smul.u32 $0xF7A, s1;
	s8 =	simm.s32 @!p0 $0x1BF5;
	p2 =	por !p2, p0  }
0x20: {  	[sflag:s8] =	ssyncset.s32 @!p0 $0xFFFFF086;
	s6 =	sadd.s32 @!p0 s3, s7;
	s7 =	simm.s32 @!p0 $0x108  }
0x21: {  	s3 =	sadd.s32 s3, s9;
	s6 =	sadd.s32 @!p0 $0x88, s6;
	s7 =	simm.s32 @p2 $0x1082  }
0x22: {  	[simem:s7], [sflag:s8] =	dma.local @!p0 [hbm:s6], $0xF7A  }
0x23: {  	s9 =	sor.u32 $0xD0000000, s2;
	s6 =	simm.s32 $0x108;
	_ =	swait.ge @!p0 [sflag:s8], $0x0  }
0x24: {  	s3 =	sadd.s32 $0x88, s3;
	s6 =	simm.s32 @!p1 $0x1082;
	[sflag:s4] =	ssyncset.s32 $0xFFFFF086  }
0x25: {  	[simem:s6], [sflag:s4] =	dma.local [hbm:s3], $0xF7A  }
0x26: {  	[smem:$0x3F93] =	sst s1;
	(tag) =	ssettag s2;
	_ =	strace s9  }
0x27: {  	s1 =	sld [smem:$0x3FA3]  }
0x28: {  	s2 =	sld [smem:$0x3FA4]  }
0x29: {  	s4 =	sld [smem:$0x3FA6]  }
0x2a: {  	p0 =	seq.s32 s5, $0x0;
	s5 =	sld [smem:$0x3FA7]  }
0x2b: {  	s6 =	sld [smem:$0x3FA8]  }
0x2c: {  	s7 =	sld [smem:$0x3FA9]  }
0x2d: {  	s3 =	simm.s32 $0x108;
	s8 =	sld [smem:$0x3FAA]  }
0x2e: {  	s3 =	simm.s32 @!p0 $0x1082;
	s9 =	sld [smem:$0x3FAB]  }
0x2f: {  	lr =	sadd.s32 s0, s3;
	s0 =	sld [smem:$0x3FA2]  }
0x30: {  	s3 =	sld [smem:$0x3FA5]  }
0x31: {  	[smem:$0x3FAE] =	sst s10  }
0x32: {  	s10 =	sld [smem:$0x3FAC];
	_ =	sdelay $0x3  }
0x33: {  	p0 =	seq.s32 s10, $0x1;
	s10 =	sld [smem:$0x3FAE];
	_ =	sdelay $0x3  }
0x34: {  	[smem:$0x3FAE] =	sst s10  }
0x35: {  	s10 =	sld [smem:$0x3FAD];
	_ =	sdelay $0x3  }
0x36: {  	p1 =	seq.s32 s10, $0x1;
	s10 =	sld [smem:$0x3FAE];
	_ =	sdelay $0x3  }
0x37: {  	[smem:$0x3FAE] =	sst s10  }
0x38: {  	s10 =	sld [smem:$0x3FAF]  }
0x39: {  	_ = 	snop;
	(pc) =	sbr.ind lr, $3  }
0x3a: {  	_ = 	snop  }
0x3b: {  	_ = 	snop  }
0x3c: {  	p2 =	seq.s32 s10, $0x1;
	s10 =	sld [smem:$0x3FAE]  }
0x3d: {  	_ =	shalt  }
0x3e: {  	_ =	shalt  }
0x3f: {  	_ =	shalt  }
0x40: {  	_ =	shalt  }
0x41: {  	_ =	shalt  }
0x42: {  	_ =	shalt  }
0x43: {  	_ =	shalt  }
0x44: {  	_ =	shalt  }
0x45: {  	_ =	shalt  }
0x46: {  	_ =	shalt  }
0x47: {  	_ =	shalt  }
0x48: {  	_ =	shalt  }
0x49: {  	_ =	shalt  }
0x4a: {  	_ =	shalt  }
0x4b: {  	_ =	shalt  }
0x4c: {  	_ =	shalt  }
0x4d: {  	_ =	shalt  }
0x4e: {  	_ =	shalt  }
0x4f: {  	_ =	shalt  }
0x50: {  	_ =	shalt  }
0x51: {  	_ =	shalt  }
0x52: {  	_ =	shalt  }
0x53: {  	_ =	shalt  }
0x54: {  	_ =	shalt  }
0x55: {  	_ =	shalt  }
0x56: {  	_ =	shalt  }
0x57: {  	_ =	shalt  }
0x58: {  	_ =	shalt  }
0x59: {  	_ =	shalt  }
0x5a: {  	_ =	shalt  }
0x5b: {  	_ =	shalt  }
0x5c: {  	_ =	shalt  }
0x5d: {  	_ =	shalt  }
0x5e: {  	_ =	shalt  }
0x5f: {  	_ =	shalt  }
0x60: {  	_ =	shalt  }
0x61: {  	_ =	shalt  }
0x62: {  	_ =	shalt  }
0x63: {  	_ =	shalt  }
0x64: {  	_ =	shalt  }
0x65: {  	_ =	shalt  }
0x66: {  	_ =	shalt  }
0x67: {  	_ =	shalt  }
0x68: {  	_ =	shalt  }
0x69: {  	_ =	shalt  }
0x6a: {  	_ =	shalt  }
0x6b: {  	_ =	shalt  }
0x6c: {  	_ =	shalt  }
0x6d: {  	_ =	shalt  }
0x6e: {  	_ =	shalt  }
0x6f: {  	_ =	shalt  }
0x70: {  	_ =	shalt  }
0x71: {  	_ =	shalt  }
0x72: {  	_ =	shalt  }
0x73: {  	_ =	shalt  }
0x74: {  	_ =	shalt  }
0x75: {  	_ =	shalt  }
0x76: {  	_ =	shalt  }
0x77: {  	_ =	shalt  }
0x78: {  	_ =	shalt  }
0x79: {  	_ =	shalt  }
0x7a: {  	_ =	shalt  }
0x7b: {  	_ =	shalt  }
0x7c: {  	_ =	shalt  }
0x7d: {  	_ =	shalt  }
0x7e: {  	_ =	shalt  }
0x7f: {  	_ =	shalt  }
0x80: {  	_ =	shalt  }
0x81: {  	_ =	shalt  }
0x82: {  	_ =	shalt  }
0x83: {  	_ =	shalt  }
0x84: {  	_ =	shalt  }
0x85: {  	_ =	shalt  }
0x86: {  	_ =	shalt  }
0x87: {  	_ =	shalt  }
.Lfunc_end0:
.L_simem_size_0:
called_computation.2_lowered:
.L_overlay_start_0:
0x88: {  	s2 =	sld [smem:$0x3FD9]  }
0x89: {  	s3 =	sld [smem:$0x3FFE];
	_ =	sdelay $0x1  }
0x8a: {  	s1 =	srdreg.scid  }
0x8b: {  	s0 =	sand.u32 $0x1, s1  }
0x8c: {  	s17 =	sshll.u32 s0, $0xA;
	s2 =	sadd.s32 s3, s2  }
0x8d: {  	s2 =	sadd.s32 s2, s17  }
0x8e: {  	[smem:$0x3FBA] =	sst s2  }
0x8f: {  	_ = 	snop  }
0x90: {  	s2 =	sld [smem:$0x3FC6];
	(tm) =	ssettm $0x1  }
0x91: {  	s18 =	sld [smem:$0x3FFB];
	_ =	sdelay $0x3  }
0x92: {  	_ =	strace s18  }
0x93: {  	s3 =	sld [smem:$0x3FFC];
	_ =	sdelay $0x3  }
0x94: {  	_ =	strace s3  }
0x95: {  	s3 =	sld [smem:$0x3FFD];
	_ =	sdelay $0x3  }
0x96: {  	_ =	strace s3  }
0x97: {  	_ =	strace $0x8FFFFFFF  }
0x98: {  	s19 =	sld [smem:$0x3FDB];
	_ =	sdelay $0x1  }
0x99: {  	s4 =	simm.s32 $_scs_section_size  }
0x9a: {  	s5 =	simm.s32 $_size__tile_overlayer_lowered;
	s6 =	simm.s32 $_tile_overlayer_lowered  }
0x9b: {  	s22 =	simm.s32 $0x1BFF;
	s21 =	sshll.u32 s6, $0x1;
	s3 =	sadd.s32 s4, s19  }
0x9c: {  	s7 =	simm.s32 $0x0;
	s20 =	sshll.u32 s5, $0x1;
	s5 =	sadd.s32 s21, s3  }
0x9d: {  	[timem:s7], [sflag:s22] =	dma.local [hbm:s5], s20  }
0x9e: {  	_ =	swait.ge [sflag:s22], s20  }
0x9f: {  	s4 =	ssub.s32 $0x0, s20;
	[sflag:s22] =	ssyncset.done $0x0  }
0xa0: {  	[sflag:s22] =	ssyncadd.s32 s4;
	_ =	sdelay $0x1  }
0xa1: {  	s23 =	simm.s32 $0x1B8B  }
0xa2: {  	_ =	swait.ge [sflag:s23], $0x1  }
0xa3: {  	[sflag:s23] =	ssyncset.done $0x0  }
0xa4: {  	s25 =	simm.s32 $0x1B8E;
	s24 =	sld [smem:$0x3FFE];
	[sflag:s23] =	ssyncadd.s32 $0xFFFFFFFF  }
0xa5: {  	s26 =	simm.s32 $execute0_lowered;
	[smem:$0x3FD2] =	sst s25  }
0xa6: {  	s5 =	sshll.u32 s26, $0x1;
	_ =	strace $0x8000004C;
	[dreg:$0x1] =	wrdreg $0xFFFFFFFF  }
0xa7: {  	s28 =	simm.s32 $_size_execute0_lowered;
	s3 =	sadd.s32 s3, s5;
	[dreg:$0x0] =	wrdreg $0x0  }
0xa8: {  	s5 =	sshll.u32 s28, $0x1;
	[dreg:$0x2] =	wrdreg s3  }
0xa9: {  	[dreg:$0x3] =	wrdreg s5  }
0xaa: {  	[dreg:$0x4] =	wrdreg $0xC0  }
0xab: {  	_ =	task [dreg:s7], $0x5FFFF  }
0xac: {  	[dreg:$0x1] =	wrdreg $0xFFFFFFFF  }
0xad: {  	[dreg:$0x0] =	wrdreg $0x60  }
0xae: {  	[dreg:$0x2] =	wrdreg s24  }
0xaf: {  	[dreg:$0x3] =	wrdreg s2  }
0xb0: {  	[dreg:$0x4] =	wrdreg $0x9  }
0xb1: {  	_ =	task.clear_ibuf [dreg:s7], $0x5FFFF;
	_ =	strace $0x9000004C  }
0xb2: {  	s29 =	simm.s32 $0x9;
	_ =	strace $0x8000004E  }
0xb3: {  	_ =	swait.ge [sflag:s29], $0x1  }
0xb4: {  	[sflag:s29] =	ssyncadd.s32 $0xFFFFFFFF  }
0xb5: {  	_ =	strace $0x9000004E  }
0xb6: {  	_ =	sfence  }
0xb7: {  	s30 =	sld [smem:$0x0];
	_ =	sdelay $0x2  }
0xb8: {  	s31 =	sshll.u32 s1, $0xD;
	s1 =	sshrl.u32 s1, $0x2  }
0xb9: {  	s3 =	sand.u32 $0x4000, s31;
	s1 =	sadd.s32 s1, s30  }
0xba: {  	s0 =	sor.u32 s3, s0;
	s1 =	sshll.u32 s1, $0x11  }
0xbb: {  	s0 =	sor.u32 s1, s0  }
0xbc: {  	s0 =	sadd.s32 $0x8F2B, s0  }
0xbd: {  	[sflag:s0] =	ssyncadd.remote.s32 $0x1  }
0xbe: {  	_ =	sfence.sel $0xFFFF  }
0xbf: {  	[dreg:$0x0] =	wrdreg $0xFFFFFFFF;
	(pc) =	sbr.abs _section_cstart, $3  }
0xc0: {  	[dreg:$0x1] =	wrdreg $0xFFFFFFFF  }
0xc1: {  	_ =	task.clear_ibuf [dreg:s7], $0x2FFFF;
	_ =	strace $0x9FFFFFFF  }
0xc2: {  	(tm) =	ssettm $0x7FFFFFFF  }
0xc3: {  	_ =	shalt  }
tec
execute0_lowered:
.L_overlay_start_1:
0x0: {  	(tag) =	ssettag $0x1  }
0x1: {  	s0 =	srdreg.scid  }
0x2: {  	s5 =	sand.u32 $0x1, s0;
	s0 =	stileid.u32  }
0x3: {  	s2 =	sor.u32 s0, s5  }
0x4: {  	p0 =	sne.s32 s2, $0x0  }
.Ltmp0:
0x5: {  	_ = 	snop;
	(pc) =	sbr.rel @p0 .LBB2_4-.Ltmp0, $4  }
0x6: {  	_ = 	snop  }
0x7: {  	s4 =	rddreg [dreg:$0x0]  }
0x8: {  	s9 =	rddreg [dreg:$0x1]  }
0x9: {  	s1 =	rddreg [dreg:$0x2];
	_ =	strace $0x8000004D  }
0xa: {  	s3 =	simm.s32 $0x0;
	s6 =	ssub.s32 $0x2, s5  }
0xb: {  	[tilespmem:s3], [sflag:$0x2] =	stream.linear.gather [hbm4b:s9+s3], $0x80, $0x38;
	[tilespmem:$0x1100] =	vst v63  }
0xc: {  	s2 =	simm.s32 $0x2;
	s7 =	sshrl.u32 s6, $0x1  }
0xd: {  	_ =	swait.ge [sflag:s2], $0x80;
	s10 =	ssub.s32 s6, s7  }
0xe: {  	[sflag:s2] =	ssyncset.done $0x0;
	p0 =	sne.s32 s10, $0x1  }
.Ltmp1:
0xf: {  	[sflag:s2] =	ssyncadd.s32 $0xFFFFFF80;
	(pc) =	sbr.rel @!p0 .LBB2_3-.Ltmp1, $4  }
0x10: {  	v1 =	vld [tilespmem:$0x40]  }
0x11: {  	v3 =	vld [tilespmem:$0x30]  }
0x12: {  	s5 =	sadd.s32 $0x1A00, s4;
	s4 =	sadd.s32 $0x65A00, s4;
	s8 =	simm.s32 $0x1;
	v4 =	vld [tilespmem:$0x0]  }
0x13: {  	v0 =	vimm.s32 $0x0;
	s6 =	simm.s32 $0x80;
	s7 =	simm.s32 $0x100;
	s10 =	sadd.s32 $0xFFFFFFFF, s10;
	v2 =	vld [tilespmem:$0x70]  }
.LBB2_2:
0x14: {  	p0 =	sne.s32 s10, $0x1;
	s10 =	sadd.s32 $0xFFFFFFFF, s10;
	v5 =	vld [tilespmem:$0x50]  }
0x15: {  	v6 =	vld [tilespmem:$0x10]  }
0x16: {  	vm0 =	vgt.s32 v3, $0xC34F;
	v7 =	vld [tilespmem:$0x60]  }
0x17: {  	vm1 =	vgt.s32 v4, $0xC34F;
	v8 =	vld [tilespmem:$0x20];
	v9 =	vsel vm0, $0x4B0, v0;
	vm0 =	vgt.s32 v1, $0xC34F  }
0x18: {  	v10 =	vsel vm1, $0x4B0, v0;
	v3 =	vadd.s32 v3, v9;
	v9 =	vsel vm0, $0x4B0, v0  }
0x19: {  	vm1 =	vgt.s32 v2, $0xC34F;
	v4 =	vadd.s32 v4, v10;
	[tilespmem:$0xB0] =	vst v3;
	vm0 =	vgt.s32 v5, $0xC34F  }
0x1a: {  	v1 =	vadd.s32 v1, v9;
	v3 =	vsel vm1, $0x4B0, v0;
	[tilespmem:$0x80] =	vst v4;
	vm2 =	vgt.s32 v6, $0xC34F  }
0x1b: {  	v4 =	vsel vm2, $0x4B0, v0;
	[tilespmem:$0xC0] =	vst v1;
	vm1 =	vgt.s32 v7, $0xC34F;
	v1 =	vadd.s32 v2, v3  }
0x1c: {  	v3 =	vsel vm0, $0x4B0, v0;
	v2 =	vadd.s32 v6, v4;
	v4 =	vsel vm1, $0x4B0, v0;
	[tilespmem:$0xF0] =	vst v1  }
0x1d: {  	vm0 =	vgt.s32 v8, $0xC34F;
	v1 =	vadd.s32 v5, v3;
	[tilespmem:$0x90] =	vst v2;
	v2 =	vadd.s32 v7, v4  }
0x1e: {  	v3 =	vsel vm0, $0x4B0, v0;
	[tilespmem:$0xD0] =	vst v1  }
0x1f: {  	v1 =	vadd.s32 v8, v3;
	[tilespmem:$0xE0] =	vst v2  }
0x20: {  	[tilespmem:$0xA0] =	vst v1  }
0x21: {  	[tilespmem:s7], [sflag:$0x1] =	stream.indirect.gather [hbm4b:s5+s6], $0x20, s6, s6, $0xb8;
	[tilespmem:$0x1100] =	vst v63  }
0x22: {  	_ =	swait.ge [sflag:s8], $0x1000  }
0x23: {  	[sflag:s8] =	ssyncset.done $0x0  }
0x24: {  	[sflag:s8] =	ssyncadd.s32 $0xFFFFF000  }
0x25: {  	[hbm4b:s4+s3] =	stream.linear.scatter [tilespmem:s7], [sflag:$0x2], $0x1000, $0x38;
	[tilespmem:$0x1100] =	vst v63  }
0x26: {  	_ =	swait.ge [sflag:s2], $0x1000  }
0x27: {  	[sflag:s2] =	ssyncset.done $0x0  }
0x28: {  	[sflag:s2] =	ssyncadd.s32 $0xFFFFF000  }
0x29: {  	[tilespmem:s3], [sflag:$0x2] =	stream.linear.gather [hbm4b:s9+s3], $0x80, $0x38;
	[tilespmem:$0x1100] =	vst v63  }
0x2a: {  	_ =	swait.ge [sflag:s2], $0x80  }
0x2b: {  	[sflag:s2] =	ssyncset.done $0x0  }
.Ltmp2:
0x2c: {  	[sflag:s2] =	ssyncadd.s32 $0xFFFFFF80;
	(pc) =	sbr.rel @p0 .LBB2_2-.Ltmp2, $4  }
0x2d: {  	v1 =	vld [tilespmem:$0x40]  }
0x2e: {  	v3 =	vld [tilespmem:$0x30]  }
0x2f: {  	v4 =	vld [tilespmem:$0x0]  }
0x30: {  	v2 =	vld [tilespmem:$0x70]  }
.LBB2_3:
0x31: {  	v5 =	vld [tilespmem:$0x10]  }
0x32: {  	v6 =	vld [tilespmem:$0x50];
	vm10 =	vgt.s32 v1, $0xC34F  }
0x33: {  	v7 =	vld [tilespmem:$0x60];
	vm0 =	vgt.s32 v3, $0xC34F;
	v53 =	vsel vm10, $0x4B0, v0  }
0x34: {  	v9 =	vld [tilespmem:$0x20];
	vm1 =	vgt.s32 v4, $0xC34F;
	v8 =	vsel vm0, $0x4B0, v0;
	v55 =	vadd.s32 v1, v53  }
0x35: {  	v10 =	vsel vm1, $0x4B0, v0;
	v52 =	vadd.s32 v3, v8;
	vm11 =	vgt.s32 v2, $0xC34F;
	[tilespmem:$0xC0] =	vst v55  }
0x36: {  	v54 =	vadd.s32 v4, v10;
	[tilespmem:$0xB0] =	vst v52;
	vm12 =	vgt.s32 v5, $0xC34F;
	v56 =	vsel vm11, $0x4B0, v0  }
0x37: {  	vm13 =	vgt.s32 v6, $0xC34F;
	[tilespmem:$0x80] =	vst v54;
	v57 =	vsel vm12, $0x4B0, v0;
	v58 =	vadd.s32 v2, v56  }
0x38: {  	vm14 =	vgt.s32 v7, $0xC34F;
	v60 =	vsel vm13, $0x4B0, v0;
	v59 =	vadd.s32 v5, v57;
	[tilespmem:$0xF0] =	vst v58  }
0x39: {  	vm15 =	vgt.s32 v9, $0xC34F;
	v61 =	vsel vm14, $0x4B0, v0;
	v62 =	vadd.s32 v6, v60;
	[tilespmem:$0x90] =	vst v59  }
0x3a: {  	v63 =	vsel vm15, $0x4B0, v0;
	v1 =	vadd.s32 v7, v61;
	[tilespmem:$0xD0] =	vst v62  }
0x3b: {  	v0 =	vadd.s32 v9, v63;
	[tilespmem:$0xE0] =	vst v1  }
0x3c: {  	[tilespmem:$0xA0] =	vst v0  }
0x3d: {  	[tilespmem:s7], [sflag:$0x1] =	stream.indirect.gather [hbm4b:s5+s6], $0x20, s6, s6, $0xb8;
	[tilespmem:$0x1100] =	vst v63  }
0x3e: {  	_ =	swait.ge [sflag:s8], $0x1000  }
0x3f: {  	[sflag:s8] =	ssyncset.done $0x0  }
0x40: {  	[sflag:s8] =	ssyncadd.s32 $0xFFFFF000  }
0x41: {  	[hbm4b:s4+s3] =	stream.linear.scatter [tilespmem:s7], [sflag:$0x2], $0x1000, $0x38;
	[tilespmem:$0x1100] =	vst v63  }
0x42: {  	_ =	swait.ge [sflag:s2], $0x1000  }
0x43: {  	[sflag:s2] =	ssyncset.done $0x0  }
0x44: {  	[sflag:s2] =	ssyncadd.s32 $0xFFFFF000  }
.LBB2_4:
0x45: {  	_ =	sfence.sel $0x180000  }
0x46: {  	[bflag:$0x0] =	sbarrier.arrive $0xFFFF  }
0x47: {  	p0 =	sne.s32 s0, $0x0;
	_ =	strace $0x9000004D  }
0x48: {  	s0 =	sadd.s32 @!p0 $0x100000, s1;
	[bflag:$0x2] =	sbarrier.arrive $0xFFFF  }
0x49: {  	[sflag:s0] =	ssyncadd.tile.s32 @!p0 $0x1;
	_ =	shalt  }
.Lfunc_end2:
_tile_overlayer_lowered:
.L_overlay_start_2:
0x4a: {  	(tag) =	ssettag $0x2  }
0x4b: {  	s0 =	rddreg [dreg:$0x0];
	s2 =	stileid.u32  }
0x4c: {  	s1 =	rddreg [dreg:$0x1];
	p0 =	sne.s32 s2, $0x0  }
0x4d: {  	s3 =	rddreg [dreg:$0x2];
	[bflag:$0x3] =	sbarrier.arrive $0xFFFF;
	s2 =	simm.s32 @!p0 $0x1C02  }
0x4e: {  	[timem:s3], [sflag:s2] =	dma.local @!p0 [hbm:s0], s1  }
0x4f: {  	s0 =	simm.s32 @!p0 $0x2  }
0x50: {  	_ =	swait.ge @!p0 [sflag:s0], s1  }
0x51: {  	s1 =	ssub.s32 @!p0 $0x0, s1;
	[sflag:s0] =	ssyncset.done @!p0 $0x0  }
0x52: {  	[sflag:s0] =	ssyncadd.s32 @!p0 s1  }
0x53: {  	[bflag:$0x3] =	sbarrier.arrive $0xFFFF  }
0x54: {  	_ =	shalt  }

// kernel: kernel.9.cloned.1.call-start
scs
__scs_entry_jumppad:
0x0: {  	(pc) =	sbr.rel $0x88, $3  }
0x1: {  	(tag) =	ssettag $0x0;
	lr =	simm.s32 $0x1  }
0x2: {  	[smem:$0x3F93] =	sst lr;
	_ =	strace $0xD0000000  }
0x3: {  	_ = 	snop  }
0x4: {  	_ = 	snop  }
0x5: {  	_ = 	snop  }
0x6: {  	_ = 	snop  }
0x7: {  	_ = 	snop  }
__scs_overlays_trampoline_lowered:
0x8: {  	[smem:$0x3FA2] =	sst s0  }
0x9: {  	[smem:$0x3FA3] =	sst s1  }
0xa: {  	[smem:$0x3FA4] =	sst s2  }
0xb: {  	[smem:$0x3FA5] =	sst s3  }
0xc: {  	[smem:$0x3FA6] =	sst s4  }
0xd: {  	[smem:$0x3FA7] =	sst s5  }
0xe: {  	[smem:$0x3FA8] =	sst s6  }
0xf: {  	[smem:$0x3FA9] =	sst s7  }
0x10: {  	[smem:$0x3FAA] =	sst s8  }
0x11: {  	[smem:$0x3FAB] =	sst s9;
	s0 =	simm.s32 @!p0 $0x0  }
0x12: {  	s1 =	sld [smem:$0x3F91];
	s0 =	simm.s32 @p0 $0x1  }
0x13: {  	[smem:$0x3FAC] =	sst s0;
	s0 =	simm.s32 @!p1 $0x0  }
0x14: {  	s2 =	sld [smem:$0x3F90];
	s0 =	simm.s32 @p1 $0x1  }
0x15: {  	[smem:$0x3FAD] =	sst s0;
	s0 =	simm.s32 @!p2 $0x0  }
0x16: {  	s3 =	sld [smem:$0x3FDB];
	s0 =	simm.s32 @p2 $0x1  }
0x17: {  	s4 =	simm.s32 $0x1BF5;
	[smem:$0x3FAF] =	sst s0  }
0x18: {  	s0 =	sld [smem:$0x3F92];
	_ =	swait.ge [sflag:s4], $0x0  }
0x19: {  	s7 =	sld [smem:$0x3F93]  }
0x1a: {  	s8 =	sadd.s32 $0xFFFFE003, lr  }
0x1b: {  	s9 =	sadd.s32 $0xFFFFFEF7, lr;
	s5 =	simm.s32 $0xFFFFFFFF;
	p2 =	slt.u32 s8, $0xFFFFF086  }
0x1c: {  	p1 =	slt.u32 s9, $0xF7A;
	s5 =	simm.s32 @!p2 $0x0  }
0x1d: {  	s5 =	simm.s32 @p1 $0x1;
	p0 =	seq.s32 s7, s2  }
0x1e: {  	s7 =	smul.u32 @!p0 $0xF7A, s2;
	p2 =	seq.s32 @!p0 s5, $0x0  }
0x1f: {  	s9 =	smul.u32 $0xF7A, s1;
	s8 =	simm.s32 @!p0 $0x1BF5;
	p2 =	por !p2, p0  }
0x20: {  	[sflag:s8] =	ssyncset.s32 @!p0 $0xFFFFF086;
	s6 =	sadd.s32 @!p0 s3, s7;
	s7 =	simm.s32 @!p0 $0x108  }
0x21: {  	s3 =	sadd.s32 s3, s9;
	s6 =	sadd.s32 @!p0 $0x88, s6;
	s7 =	simm.s32 @p2 $0x1082  }
0x22: {  	[simem:s7], [sflag:s8] =	dma.local @!p0 [hbm:s6], $0xF7A  }
0x23: {  	s9 =	sor.u32 $0xD0000000, s2;
	s6 =	simm.s32 $0x108;
	_ =	swait.ge @!p0 [sflag:s8], $0x0  }
0x24: {  	s3 =	sadd.s32 $0x88, s3;
	s6 =	simm.s32 @!p1 $0x1082;
	[sflag:s4] =	ssyncset.s32 $0xFFFFF086  }
0x25: {  	[simem:s6], [sflag:s4] =	dma.local [hbm:s3], $0xF7A  }
0x26: {  	[smem:$0x3F93] =	sst s1;
	(tag) =	ssettag s2;
	_ =	strace s9  }
0x27: {  	s1 =	sld [smem:$0x3FA3]  }
0x28: {  	s2 =	sld [smem:$0x3FA4]  }
0x29: {  	s4 =	sld [smem:$0x3FA6]  }
0x2a: {  	p0 =	seq.s32 s5, $0x0;
	s5 =	sld [smem:$0x3FA7]  }
0x2b: {  	s6 =	sld [smem:$0x3FA8]  }
0x2c: {  	s7 =	sld [smem:$0x3FA9]  }
0x2d: {  	s3 =	simm.s32 $0x108;
	s8 =	sld [smem:$0x3FAA]  }
0x2e: {  	s3 =	simm.s32 @!p0 $0x1082;
	s9 =	sld [smem:$0x3FAB]  }
0x2f: {  	lr =	sadd.s32 s0, s3;
	s0 =	sld [smem:$0x3FA2]  }
0x30: {  	s3 =	sld [smem:$0x3FA5]  }
0x31: {  	[smem:$0x3FAE] =	sst s10  }
0x32: {  	s10 =	sld [smem:$0x3FAC];
	_ =	sdelay $0x3  }
0x33: {  	p0 =	seq.s32 s10, $0x1;
	s10 =	sld [smem:$0x3FAE];
	_ =	sdelay $0x3  }
0x34: {  	[smem:$0x3FAE] =	sst s10  }
0x35: {  	s10 =	sld [smem:$0x3FAD];
	_ =	sdelay $0x3  }
0x36: {  	p1 =	seq.s32 s10, $0x1;
	s10 =	sld [smem:$0x3FAE];
	_ =	sdelay $0x3  }
0x37: {  	[smem:$0x3FAE] =	sst s10  }
0x38: {  	s10 =	sld [smem:$0x3FAF]  }
0x39: {  	_ = 	snop;
	(pc) =	sbr.ind lr, $3  }
0x3a: {  	_ = 	snop  }
0x3b: {  	_ = 	snop  }
0x3c: {  	p2 =	seq.s32 s10, $0x1;
	s10 =	sld [smem:$0x3FAE]  }
0x3d: {  	_ =	shalt  }
0x3e: {  	_ =	shalt  }
0x3f: {  	_ =	shalt  }
0x40: {  	_ =	shalt  }
0x41: {  	_ =	shalt  }
0x42: {  	_ =	shalt  }
0x43: {  	_ =	shalt  }
0x44: {  	_ =	shalt  }
0x45: {  	_ =	shalt  }
0x46: {  	_ =	shalt  }
0x47: {  	_ =	shalt  }
0x48: {  	_ =	shalt  }
0x49: {  	_ =	shalt  }
0x4a: {  	_ =	shalt  }
0x4b: {  	_ =	shalt  }
0x4c: {  	_ =	shalt  }
0x4d: {  	_ =	shalt  }
0x4e: {  	_ =	shalt  }
0x4f: {  	_ =	shalt  }
0x50: {  	_ =	shalt  }
0x51: {  	_ =	shalt  }
0x52: {  	_ =	shalt  }
0x53: {  	_ =	shalt  }
0x54: {  	_ =	shalt  }
0x55: {  	_ =	shalt  }
0x56: {  	_ =	shalt  }
0x57: {  	_ =	shalt  }
0x58: {  	_ =	shalt  }
0x59: {  	_ =	shalt  }
0x5a: {  	_ =	shalt  }
0x5b: {  	_ =	shalt  }
0x5c: {  	_ =	shalt  }
0x5d: {  	_ =	shalt  }
0x5e: {  	_ =	shalt  }
0x5f: {  	_ =	shalt  }
0x60: {  	_ =	shalt  }
0x61: {  	_ =	shalt  }
0x62: {  	_ =	shalt  }
0x63: {  	_ =	shalt  }
0x64: {  	_ =	shalt  }
0x65: {  	_ =	shalt  }
0x66: {  	_ =	shalt  }
0x67: {  	_ =	shalt  }
0x68: {  	_ =	shalt  }
0x69: {  	_ =	shalt  }
0x6a: {  	_ =	shalt  }
0x6b: {  	_ =	shalt  }
0x6c: {  	_ =	shalt  }
0x6d: {  	_ =	shalt  }
0x6e: {  	_ =	shalt  }
0x6f: {  	_ =	shalt  }
0x70: {  	_ =	shalt  }
0x71: {  	_ =	shalt  }
0x72: {  	_ =	shalt  }
0x73: {  	_ =	shalt  }
0x74: {  	_ =	shalt  }
0x75: {  	_ =	shalt  }
0x76: {  	_ =	shalt  }
0x77: {  	_ =	shalt  }
0x78: {  	_ =	shalt  }
0x79: {  	_ =	shalt  }
0x7a: {  	_ =	shalt  }
0x7b: {  	_ =	shalt  }
0x7c: {  	_ =	shalt  }
0x7d: {  	_ =	shalt  }
0x7e: {  	_ =	shalt  }
0x7f: {  	_ =	shalt  }
0x80: {  	_ =	shalt  }
0x81: {  	_ =	shalt  }
0x82: {  	_ =	shalt  }
0x83: {  	_ =	shalt  }
0x84: {  	_ =	shalt  }
0x85: {  	_ =	shalt  }
0x86: {  	_ =	shalt  }
0x87: {  	_ =	shalt  }
.Lfunc_end0:
.L_simem_size_0:
called_computation_lowered:
.L_overlay_start_0:
0x88: {  	s2 =	sld [smem:$0x3FD9]  }
0x89: {  	s3 =	sld [smem:$0x3FFE];
	_ =	sdelay $0x1  }
0x8a: {  	s1 =	srdreg.scid  }
0x8b: {  	s0 =	sand.u32 $0x1, s1  }
0x8c: {  	s16 =	sshll.u32 s0, $0xA;
	s2 =	sadd.s32 s3, s2  }
0x8d: {  	s2 =	sadd.s32 s2, s16  }
0x8e: {  	[smem:$0x3FBA] =	sst s2  }
0x8f: {  	_ = 	snop  }
0x90: {  	(tm) =	ssettm $0x1  }
0x91: {  	s17 =	sld [smem:$0x3FFB];
	_ =	sdelay $0x3  }
0x92: {  	_ =	strace s17  }
0x93: {  	s2 =	sld [smem:$0x3FFC];
	_ =	sdelay $0x3  }
0x94: {  	_ =	strace s2  }
0x95: {  	s2 =	sld [smem:$0x3FFD];
	_ =	sdelay $0x3  }
0x96: {  	_ =	strace s2  }
0x97: {  	_ =	strace $0x8FFFFFFF  }
0x98: {  	s18 =	sld [smem:$0x3FDB];
	_ =	sdelay $0x1  }
0x99: {  	s19 =	simm.s32 $_scs_section_size  }
0x9a: {  	s4 =	simm.s32 $_size__tile_overlayer_lowered;
	s5 =	simm.s32 $_tile_overlayer_lowered  }
0x9b: {  	s22 =	simm.s32 $0x1BFF;
	s21 =	sshll.u32 s5, $0x1;
	s2 =	sadd.s32 s19, s18  }
0x9c: {  	s6 =	simm.s32 $0x0;
	s20 =	sshll.u32 s4, $0x1;
	s4 =	sadd.s32 s21, s2  }
0x9d: {  	[timem:s6], [sflag:s22] =	dma.local [hbm:s4], s20  }
0x9e: {  	_ =	swait.ge [sflag:s22], s20  }
0x9f: {  	s3 =	ssub.s32 $0x0, s20;
	[sflag:s22] =	ssyncset.done $0x0  }
0xa0: {  	[sflag:s22] =	ssyncadd.s32 s3;
	_ =	sdelay $0x1  }
0xa1: {  	s23 =	simm.s32 $0x1B8B  }
0xa2: {  	_ =	swait.ge [sflag:s23], $0x1  }
0xa3: {  	[sflag:s23] =	ssyncset.done $0x0  }
0xa4: {  	s25 =	simm.s32 $0x1B8E;
	s24 =	sld [smem:$0x3FFE];
	[sflag:s23] =	ssyncadd.s32 $0xFFFFFFFF  }
0xa5: {  	s26 =	simm.s32 $execute0_lowered;
	[smem:$0x3FD2] =	sst s25  }
0xa6: {  	s4 =	sshll.u32 s26, $0x1;
	_ =	strace $0x80000046;
	[dreg:$0x1] =	wrdreg $0xFFFFFFFF  }
0xa7: {  	s28 =	simm.s32 $_size_execute0_lowered;
	s2 =	sadd.s32 s2, s4;
	[dreg:$0x0] =	wrdreg $0x0  }
0xa8: {  	s4 =	sshll.u32 s28, $0x1;
	[dreg:$0x2] =	wrdreg s2  }
0xa9: {  	[dreg:$0x3] =	wrdreg s4  }
0xaa: {  	[dreg:$0x4] =	wrdreg $0xC0  }
0xab: {  	_ =	task [dreg:s6], $0x5FFFF  }
0xac: {  	[dreg:$0x1] =	wrdreg $0xFFFFFFFF  }
0xad: {  	[dreg:$0x0] =	wrdreg $0x60  }
0xae: {  	[dreg:$0x2] =	wrdreg s24  }
0xaf: {  	[dreg:$0x3] =	wrdreg $0x0  }
0xb0: {  	[dreg:$0x4] =	wrdreg $0x190000  }
0xb1: {  	[dreg:$0x5] =	wrdreg $0x9  }
0xb2: {  	_ =	task.clear_ibuf [dreg:s6], $0x6FFFF;
	_ =	strace $0x90000046  }
0xb3: {  	s29 =	simm.s32 $0x9;
	_ =	strace $0x80000048  }
0xb4: {  	_ =	swait.ge [sflag:s29], $0x1  }
0xb5: {  	[sflag:s29] =	ssyncadd.s32 $0xFFFFFFFF  }
0xb6: {  	_ =	strace $0x90000048  }
0xb7: {  	_ =	sfence  }
0xb8: {  	s30 =	sld [smem:$0x0];
	_ =	sdelay $0x2  }
0xb9: {  	s31 =	sshll.u32 s1, $0xD;
	s1 =	sshrl.u32 s1, $0x2  }
0xba: {  	s3 =	sand.u32 $0x4000, s31;
	s1 =	sadd.s32 s1, s30  }
0xbb: {  	s0 =	sor.u32 s3, s0;
	s1 =	sshll.u32 s1, $0x11  }
0xbc: {  	s0 =	sor.u32 s1, s0  }
0xbd: {  	s0 =	sadd.s32 $0x8F2B, s0  }
0xbe: {  	[sflag:s0] =	ssyncadd.remote.s32 $0x1  }
0xbf: {  	_ =	sfence.sel $0xFFFF  }
0xc0: {  	[dreg:$0x0] =	wrdreg $0xFFFFFFFF;
	(pc) =	sbr.abs _section_cstart, $3  }
0xc1: {  	[dreg:$0x1] =	wrdreg $0xFFFFFFFF  }
0xc2: {  	_ =	task.clear_ibuf [dreg:s6], $0x2FFFF;
	_ =	strace $0x9FFFFFFF  }
0xc3: {  	(tm) =	ssettm $0x7FFFFFFF  }
tec
execute0_lowered:
.L_overlay_start_1:
0x0: {  	(tag) =	ssettag $0x1  }
0x1: {  	s0 =	rddreg [dreg:$0x0]  }
0x2: {  	s2 =	rddreg [dreg:$0x1]  }
0x3: {  	s3 =	rddreg [dreg:$0x2]  }
0x4: {  	s14 =	stileid.u32;
	s4 =	simm.s32 $0x0;
	s5 =	srdreg.scid  }
0x5: {  	s19 =	simm.s32 $0x19C80;
	s20 =	simm.s32 $0x19D80;
	s21 =	simm.s32 $0x1C080  }
0x6: {  	s22 =	simm.s32 $0x1C180;
	s23 =	simm.s32 $0x19E80;
	s24 =	simm.s32 $0x19F00  }
0x7: {  	s28 =	simm.s32 $0x1E480;
	s29 =	simm.s32 $0x5;
	[smem:$0x7FF] =	sst s4  }
0x8: {  	s1 =	smul.u32 $0x3100, s14;
	_ =	strace $0x80000047;
	[dreg:$0x5] =	wrdreg s19  }
0x9: {  	s30 =	simm.s32 $0x1C380;
	s6 =	smul.u32 $0x19000, s14;
	[dreg:$0x6] =	wrdreg s20  }
0xa: {  	s31 =	simm.s32 $0x1C400;
	s8 =	smul.u32 $0xC80, s14;
	[dreg:$0x7] =	wrdreg s21  }
0xb: {  	s7 =	sand.u32 $0x1, s5;
	s15 =	smul.u32 $0x43, s14;
	[dreg:$0x8] =	wrdreg s22  }
0xc: {  	s5 =	sadd.s32 $0x1A00, s0;
	s9 =	smul.u32 $0xC800, s7;
	[dreg:$0x9] =	wrdreg s23  }
0xd: {  	s13 =	ssub.s32 $0x2, s7;
	s19 =	simm.s32 $0x1A080;
	[dreg:$0xa] =	wrdreg s24  }
0xe: {  	s20 =	simm.s32 $0x1B080;
	s21 =	simm.s32 $0x4;
	s22 =	simm.s32 $0x1C480  }
0xf: {  	s23 =	simm.s32 $0x1D480;
	s24 =	simm.s32 $0x2;
	s1 =	sadd.s32 s1, s0  }
0x10: {  	s10 =	sshrl.u32 s6, $0x3;
	s11 =	sshrl.u32 s8, $0x3;
	s25 =	sshrl.u32 s13, $0x1  }
0x11: {  	s6 =	sadd.s32 s6, s2;
	[dreg:$0x4] =	wrdreg s15;
	s15 =	simm.s32 $0x7  }
0x12: {  	s10 =	sadd.s32 s10, s0;
	s11 =	sadd.s32 s11, s0;
	s9 =	sadd.s32 s8, s9  }
0x13: {  	s8 =	sadd.s32 s8, s3;
	s18 =	sadd.s32 $0x94600, s1;
	s1 =	sadd.s32 $0x63600, s1  }
0x14: {  	s12 =	sshll.u32 s9, $0x2;
	s9 =	sshrl.u32 s9, $0x3;
	s26 =	sadd.s32 $0xC5600, s10  }
0x15: {  	s10 =	sshll.u32 s14, $0x6;
	s11 =	sadd.s32 $0xF7600, s11;
	[dreg:$0x12] =	wrdreg s18  }
0x16: {  	[dreg:$0x13] =	wrdreg s1;
	s14 =	sshrl.u32 s6, $0x3;
	s18 =	simm.s32 $0x80  }
0x17: {  	s12 =	sadd.s32 s12, s0;
	s0 =	sadd.s32 s9, s0;
	[dreg:$0xd] =	wrdreg s26  }
0x18: {  	s9 =	ssub.s32 s13, s25;
	[dreg:$0xe] =	wrdreg s11;
	s25 =	simm.s32 $0x1C280  }
0x19: {  	s1 =	simm.s32 $0x6;
	s26 =	simm.s32 $0x1C300;
	[dreg:$0xb] =	wrdreg s25  }
0x1a: {  	s6 =	simm.s32 $0x0;
	s16 =	sadd.s32 $0xFC200, s12;
	[dreg:$0xc] =	wrdreg s26  }
0x1b: {  	s13 =	smul.u32 $0xC350, s7;
	s0 =	sadd.s32 $0xF9000, s0;
	[dreg:$0xf] =	wrdreg s16  }
0x1c: {  	s7 =	sor.u32 $0x1C07, s10;
	s17 =	smax.u32 s9, $0x1;
	[dreg:$0x10] =	wrdreg s0  }
0x1d: {  	s25 =	simm.s32 $0x19F80;
	s26 =	simm.s32 $0x1A000;
	[dreg:$0x11] =	wrdreg s17  }
0x1e: {  	v1 =	vimm.f32 $1.000000000e+00;
	v2 =	vlaneseq.u32;
	s16 =	sshrl.u32 s8, $0x3;
	s17 =	simm.s32 $0x1;
	v0 =	vmov s13;
	s0 =	simm.s32 $0x3  }
.LBB2_1:
0x1f: {  	s8 =	rddreg [dreg:$0xd]  }
0x20: {  	[spmem:s14], [sflag:s7] =	dma.local [hbm:s8], $0x3200  }
0x21: {  	_ =	swait.ge [sflag:s15], $0x3200  }
0x22: {  	[sflag:s15] =	ssyncset.done $0x0  }
0x23: {  	s13 =	rddreg [dreg:$0xe];
	[sflag:s15] =	ssyncadd.s32 $0xFFFFCE00  }
0x24: {  	[spmem:s16], [sflag:s7] =	dma.local [hbm:s13], $0x190  }
0x25: {  	_ =	swait.ge [sflag:s15], $0x190  }
0x26: {  	[sflag:s15] =	ssyncset.done $0x0  }
0x27: {  	[sflag:s15] =	ssyncadd.s32 $0xFFFFFE70  }
0x28: {  	[tilespmem:$0x1E480] =	vst v1  }
0x29: {  	[tilespmem:$0x1E490] =	vst v1  }
0x2a: {  	[tilespmem:$0x1E4A0] =	vst v1  }
0x2b: {  	[tilespmem:$0x1E4B0] =	vst v1  }
0x2c: {  	[tilespmem:$0x1E4C0] =	vst v1  }
0x2d: {  	[tilespmem:$0x1E4D0] =	vst v1  }
0x2e: {  	[tilespmem:$0x1E4E0] =	vst v1  }
0x2f: {  	[tilespmem:$0x1E4F0] =	vst v1  }
0x30: {  	[bflag:$0x0] =	sbarrier.arrive $0xFFFF  }
0x31: {  	s13 =	rddreg [dreg:$0x13]  }
0x32: {  	s8 =	simm.s32 $0x0;
	s12 =	rddreg [dreg:$0x12]  }
.LBB2_2:
0x33: {  	s11 =	rddreg [dreg:$0x5]  }
0x34: {  	[tilespmem:s11], [sflag:$0x1] =	stream.linear.gather [hbm4b:s13+s4], $0x100, $0x38;
	[tilespmem:$0x1E500] =	vst v63  }
0x35: {  	s10 =	rddreg [dreg:$0x6]  }
0x36: {  	[tilespmem:s10], [sflag:$0x1] =	stream.linear.gather [hbm4b:s12+s4], $0x100, $0x38;
	[tilespmem:$0x1E500] =	vst v63  }
0x37: {  	s11 =	rddreg [dreg:$0x7];
	s10 =	sadd.s32 $0x20, s13  }
0x38: {  	[tilespmem:s11], [sflag:$0x4] =	stream.linear.gather [hbm4b:s10+s4], $0x100, $0x38;
	[tilespmem:$0x1E500] =	vst v63  }
0x39: {  	s9 =	rddreg [dreg:$0x8];
	s11 =	sadd.s32 $0x20, s12  }
0x3a: {  	[tilespmem:s9], [sflag:$0x4] =	stream.linear.gather [hbm4b:s11+s4], $0x100, $0x38;
	[tilespmem:$0x1E500] =	vst v63  }
0x3b: {  	_ =	swait.ge [sflag:s17], $0x100  }
0x3c: {  	[sflag:s17] =	ssyncset.done $0x0  }
0x3d: {  	[sflag:s17] =	ssyncadd.s32 $0xFFFFFF00  }
0x3e: {  	_ =	swait.ge [sflag:s17], $0x100  }
0x3f: {  	[sflag:s17] =	ssyncset.done $0x0  }
0x40: {  	[sflag:s17] =	ssyncadd.s32 $0xFFFFFF00  }
0x41: {  	v3 =	vld [tilespmem:$0x19C80]  }
0x42: {  	v4 =	vld [tilespmem:$0x19C90]  }
0x43: {  	v5 =	vld [tilespmem:$0x19CA0]  }
0x44: {  	v6 =	vld [tilespmem:$0x19CB0]  }
0x45: {  	v7 =	vld [tilespmem:$0x19CC0]  }
0x46: {  	[tilespmem:$0x19E80] =	vst v3;
	v3 =	vld [tilespmem:$0x19CD0]  }
0x47: {  	v10 =	vld [tilespmem:$0x19CE0];
	[tilespmem:$0x19E90] =	vst v4  }
0x48: {  	v11 =	vld [tilespmem:$0x19CF0];
	[tilespmem:$0x19EA0] =	vst v5  }
0x49: {  	v12 =	vld [tilespmem:$0x19D00];
	[tilespmem:$0x19EB0] =	vst v6  }
0x4a: {  	v13 =	vld [tilespmem:$0x19D10];
	[tilespmem:$0x19EC0] =	vst v7  }
0x4b: {  	[tilespmem:$0x19ED0] =	vst v3;
	v3 =	vld [tilespmem:$0x19D20]  }
0x4c: {  	v14 =	vld [tilespmem:$0x19D30];
	[tilespmem:$0x19EE0] =	vst v10  }
0x4d: {  	v15 =	vld [tilespmem:$0x19D40];
	[tilespmem:$0x19EF0] =	vst v11  }
0x4e: {  	v16 =	vld [tilespmem:$0x19D50];
	[tilespmem:$0x19F00] =	vst v12  }
0x4f: {  	v17 =	vld [tilespmem:$0x19D60];
	[tilespmem:$0x19F10] =	vst v13  }
0x50: {  	[tilespmem:$0x19F20] =	vst v3;
	v3 =	vld [tilespmem:$0x19D70]  }
0x51: {  	[tilespmem:$0x19F30] =	vst v14  }
0x52: {  	[tilespmem:$0x19F40] =	vst v15  }
0x53: {  	[tilespmem:$0x19F50] =	vst v16  }
0x54: {  	[tilespmem:$0x19F60] =	vst v17  }
0x55: {  	s10 =	rddreg [dreg:$0x9];
	[tilespmem:$0x19F70] =	vst v3  }
0x56: {  	[tilespmem:s19], [sflag:$0x2] =	stream.indirect.gather [hbm4b:s5+s18], $0x20, s10, s18, $0xb8;
	[tilespmem:$0x1E500] =	vst v63  }
0x57: {  	s11 =	rddreg [dreg:$0xa]  }
0x58: {  	[tilespmem:s20], [sflag:$0x2] =	stream.indirect.gather [hbm4b:s5+s18], $0x20, s11, s18, $0xb8;
	[tilespmem:$0x1E500] =	vst v63  }
0x59: {  	v3 =	vld [tilespmem:$0x19D80]  }
0x5a: {  	v18 =	vld [tilespmem:$0x19D90]  }
0x5b: {  	v19 =	vld [tilespmem:$0x19DA0]  }
0x5c: {  	v8 =	vld [tilespmem:$0x19DB0]  }
0x5d: {  	v23 =	vld [tilespmem:$0x19DC0]  }
0x5e: {  	v10 =	vld [tilespmem:$0x19DD0]  }
0x5f: {  	v26 =	vld [tilespmem:$0x19DE0]  }
0x60: {  	s11 =	rddreg [dreg:$0x4];
	v12 =	vld [tilespmem:$0x19DF0]  }
0x61: {  	s11 =	sadd.s32 s8, s11;
	v14 =	vld [tilespmem:$0x19E10]  }
0x62: {  	v32 =	vld [tilespmem:$0x19E20];
	s9 =	sadd.s32 $0x10, s11  }
0x63: {  	v16 =	vld [tilespmem:$0x19E30];
	v20 =	vadd.s32 s11, v2;
	s10 =	sadd.s32 $0x20, s11;
	v21 =	vadd.s32 s9, v2  }
0x64: {  	v37 =	vld [tilespmem:$0x19E40];
	v6 =	vand.u32 $0x3FF, v20;
	v24 =	vadd.s32 s10, v2;
	s10 =	sadd.s32 $0x30, s11;
	v7 =	vand.u32 $0x3FF, v21  }
0x65: {  	v42 =	vld [tilespmem:$0x19E50];
	v6 =	vadd.s32 $0xC350, v6;
	v9 =	vadd.s32 s10, v2;
	s10 =	sadd.s32 $0x40, s11;
	v22 =	vadd.s32 $0xC350, v7  }
0x66: {  	v45 =	vld [tilespmem:$0x19E60];
	v9 =	vand.u32 $0x3FF, v9;
	v27 =	vadd.s32 s10, v2;
	v3 =	vsub.s32 v3, v0  }
0x67: {  	v49 =	vld [tilespmem:$0x19E70];
	s10 =	sadd.s32 $0x50, s11;
	v4 =	vsub.s32 v18, v0;
	v5 =	vsub.s32 v19, v0;
	v8 =	vsub.s32 v8, v0  }
0x68: {  	v25 =	vadd.s32 $0xC350, v9;
	v7 =	vsub.s32 v23, v0;
	v11 =	vadd.s32 s10, v2  }
0x69: {  	v10 =	vsub.s32 v10, v0;
	v9 =	vsub.s32 v26, v0;
	v12 =	vsub.s32 v12, v0  }
0x6a: {  	v34 =	vsub.s32 v14, v0;
	v38 =	vsub.s32 v32, v0;
	v43 =	vsub.s32 v16, v0  }
0x6b: {  	v46 =	vsub.s32 v37, v0;
	v50 =	vsub.s32 v42, v0;
	v52 =	vsub.s32 v45, v0  }
0x6c: {  	v56 =	vsub.s32 v49, v0;
	vm0 =	vgt.u32 v3, $0xC34F;
	vm9 =	vgt.u32 v4, $0xC34F  }
0x6d: {  	v29 =	vld [tilespmem:$0x19E00];
	s10 =	sadd.s32 $0x60, s11;
	vm10 =	vgt.u32 v5, $0xC34F;
	vm11 =	vgt.u32 v8, $0xC34F;
	vm12 =	vgt.u32 v7, $0xC34F  }
0x6e: {  	v11 =	vand.u32 $0x3FF, v11;
	vm13 =	vgt.u32 v10, $0xC34F;
	v30 =	vadd.s32 s10, v2  }
0x6f: {  	vm14 =	vgt.u32 v9, $0xC34F;
	vm15 =	vgt.u32 v12, $0xC34F;
	vm5 =	vgt.u32 v34, $0xC34F  }
0x70: {  	vm6 =	vgt.u32 v38, $0xC34F;
	vm7 =	vgt.u32 v43, $0xC34F;
	vm8 =	vgt.u32 v46, $0xC34F  }
0x71: {  	s10 =	sadd.s32 $0x70, s11;
	v3 =	vsel vm0, v6, v3;
	v4 =	vsel vm9, v22, v4;
	v6 =	vand.u32 $0x3FF, v24  }
0x72: {  	v28 =	vadd.s32 $0xC350, v11;
	v13 =	vadd.s32 s10, v2;
	v11 =	vsub.s32 v29, v0  }
0x73: {  	s10 =	sadd.s32 $0x80, s11;
	vm9 =	vgt.u32 v50, $0xC34F;
	v6 =	vadd.s32 $0xC350, v6;
	v13 =	vand.u32 $0x3FF, v13  }
0x74: {  	v33 =	vadd.s32 s10, v2;
	vm4 =	vgt.u32 v11, $0xC34F;
	v5 =	vsel vm10, v6, v5  }
0x75: {  	s10 =	sadd.s32 $0x90, s11;
	[tilespmem:$0x19F80] =	vst v3;
	v6 =	vsel vm11, v25, v8;
	v8 =	vand.u32 $0x3FF, v27;
	v31 =	vadd.s32 $0xC350, v13  }
0x76: {  	[tilespmem:$0x19F90] =	vst v4;
	v15 =	vadd.s32 s10, v2;
	s10 =	sadd.s32 $0xA0, s11;
	vm10 =	vgt.u32 v52, $0xC34F;
	v8 =	vadd.s32 $0xC350, v8  }
0x77: {  	v35 =	vand.u32 $0x3FF, v15;
	[tilespmem:$0x19FA0] =	vst v5;
	v39 =	vadd.s32 s10, v2;
	v7 =	vsel vm12, v8, v7  }
0x78: {  	s10 =	sadd.s32 $0xB0, s11;
	[tilespmem:$0x19FB0] =	vst v6;
	v8 =	vsel vm13, v28, v10;
	v10 =	vand.u32 $0x3FF, v30;
	v36 =	vadd.s32 $0xC350, v35  }
0x79: {  	v40 =	vand.u32 $0x3FF, v39;
	v41 =	vadd.s32 s10, v2;
	s10 =	sadd.s32 $0xC0, s11;
	v10 =	vadd.s32 $0xC350, v10;
	[tilespmem:$0x19FC0] =	vst v7  }
0x7a: {  	v4 =	vsel vm5, v36, v34;
	v6 =	vadd.s32 $0xC350, v40;
	[tilespmem:$0x19FD0] =	vst v8;
	v47 =	vadd.s32 s10, v2  }
0x7b: {  	s10 =	sadd.s32 $0xD0, s11;
	v9 =	vsel vm14, v10, v9;
	v10 =	vsel vm15, v31, v12;
	v12 =	vand.u32 $0x3FF, v33;
	[tilespmem:$0x1A010] =	vst v4  }
0x7c: {  	v5 =	vsel vm6, v6, v38;
	v48 =	vadd.s32 s10, v2;
	v3 =	vadd.s32 $0xC350, v12;
	[tilespmem:$0x19FE0] =	vst v9  }
0x7d: {  	s10 =	sadd.s32 $0xE0, s11;
	v12 =	vand.u32 $0x3FF, v41;
	[tilespmem:$0x19FF0] =	vst v10;
	v9 =	vand.u32 $0x3FF, v47;
	v10 =	vand.u32 $0x3FF, v48  }
0x7e: {  	[tilespmem:$0x1A020] =	vst v5;
	v53 =	vadd.s32 s10, v2;
	v3 =	vsel vm4, v3, v11;
	v44 =	vadd.s32 $0xC350, v12  }
0x7f: {  	s10 =	sadd.s32 $0xF0, s11;
	v51 =	vadd.s32 $0xC350, v10;
	v6 =	vsel vm7, v44, v43;
	[tilespmem:$0x1A000] =	vst v3;
	v3 =	vadd.s32 $0xC350, v9  }
0x80: {  	v54 =	vand.u32 $0x3FF, v53;
	v55 =	vadd.s32 s10, v2;
	v3 =	vsel vm8, v3, v46;
	[tilespmem:$0x1A030] =	vst v6  }
0x81: {  	v4 =	vsel vm9, v51, v50;
	v7 =	vand.u32 $0x3FF, v55;
	[tilespmem:$0x1A040] =	vst v3;
	v3 =	vadd.s32 $0xC350, v54  }
0x82: {  	vm11 =	vgt.u32 v56, $0xC34F;
	[tilespmem:$0x1A050] =	vst v4;
	v57 =	vadd.s32 $0xC350, v7;
	v3 =	vsel vm10, v3, v52  }
0x83: {  	[tilespmem:$0x1A060] =	vst v3;
	v3 =	vsel vm11, v57, v56  }
0x84: {  	[tilespmem:$0x1A070] =	vst v3  }
0x85: {  	_ =	swait.ge [sflag:s21], $0x100  }
0x86: {  	[sflag:s21] =	ssyncset.done $0x0  }
0x87: {  	[sflag:s21] =	ssyncadd.s32 $0xFFFFFF00  }
0x88: {  	_ =	swait.ge [sflag:s21], $0x100  }
0x89: {  	[sflag:s21] =	ssyncset.done $0x0  }
0x8a: {  	[sflag:s21] =	ssyncadd.s32 $0xFFFFFF00  }
0x8b: {  	v3 =	vld [tilespmem:$0x1C080]  }
0x8c: {  	v58 =	vld [tilespmem:$0x1C090]  }
0x8d: {  	v59 =	vld [tilespmem:$0x1C0A0]  }
0x8e: {  	v60 =	vld [tilespmem:$0x1C0B0]  }
0x8f: {  	v61 =	vld [tilespmem:$0x1C0C0]  }
0x90: {  	[tilespmem:$0x1C280] =	vst v3;
	v3 =	vld [tilespmem:$0x1C0D0]  }
0x91: {  	v62 =	vld [tilespmem:$0x1C0E0];
	[tilespmem:$0x1C290] =	vst v58  }
0x92: {  	v63 =	vld [tilespmem:$0x1C0F0];
	[tilespmem:$0x1C2A0] =	vst v59  }
0x93: {  	v9 =	vld [tilespmem:$0x1C100];
	[tilespmem:$0x1C2B0] =	vst v60  }
0x94: {  	v10 =	vld [tilespmem:$0x1C110];
	[tilespmem:$0x1C2C0] =	vst v61  }
0x95: {  	[tilespmem:$0x1C2D0] =	vst v3;
	v3 =	vld [tilespmem:$0x1C120]  }
0x96: {  	v11 =	vld [tilespmem:$0x1C130];
	[tilespmem:$0x1C2E0] =	vst v62  }
0x97: {  	v12 =	vld [tilespmem:$0x1C140];
	[tilespmem:$0x1C2F0] =	vst v63  }
0x98: {  	v13 =	vld [tilespmem:$0x1C150];
	[tilespmem:$0x1C300] =	vst v9  }
0x99: {  	v14 =	vld [tilespmem:$0x1C160];
	[tilespmem:$0x1C310] =	vst v10  }
0x9a: {  	[tilespmem:$0x1C320] =	vst v3;
	v3 =	vld [tilespmem:$0x1C170]  }
0x9b: {  	[tilespmem:$0x1C330] =	vst v11  }
0x9c: {  	[tilespmem:$0x1C340] =	vst v12  }
0x9d: {  	[tilespmem:$0x1C350] =	vst v13  }
0x9e: {  	[tilespmem:$0x1C360] =	vst v14  }
0x9f: {  	s9 =	rddreg [dreg:$0xb];
	[tilespmem:$0x1C370] =	vst v3  }
0xa0: {  	[tilespmem:s22], [sflag:$0x5] =	stream.indirect.gather [hbm4b:s5+s18], $0x20, s9, s18, $0xb8;
	[tilespmem:$0x1E500] =	vst v63  }
0xa1: {  	s10 =	rddreg [dreg:$0xc]  }
0xa2: {  	[tilespmem:s23], [sflag:$0x5] =	stream.indirect.gather [hbm4b:s5+s18], $0x20, s10, s18, $0xb8;
	[tilespmem:$0x1E500] =	vst v63  }
0xa3: {  	v3 =	vld [tilespmem:$0x1C180]  }
0xa4: {  	v15 =	vld [tilespmem:$0x1C190]  }
0xa5: {  	v16 =	vld [tilespmem:$0x1C1A0]  }
0xa6: {  	v19 =	vld [tilespmem:$0x1C1B0]  }
0xa7: {  	v21 =	vld [tilespmem:$0x1C1C0]  }
0xa8: {  	v24 =	vld [tilespmem:$0x1C1D0]  }
0xa9: {  	v26 =	vld [tilespmem:$0x1C1E0]  }
0xaa: {  	v29 =	vld [tilespmem:$0x1C1F0]  }
0xab: {  	s10 =	sadd.s32 $0x83, s11;
	v34 =	vld [tilespmem:$0x1C210]  }
0xac: {  	v17 =	vadd.s32 s10, v2;
	s10 =	sadd.s32 $0x93, s11;
	v36 =	vld [tilespmem:$0x1C220]  }
0xad: {  	v39 =	vld [tilespmem:$0x1C230];
	v18 =	vadd.s32 s10, v2;
	s10 =	sadd.s32 $0xA3, s11  }
0xae: {  	v43 =	vld [tilespmem:$0x1C240];
	v6 =	vand.u32 $0x3FF, v17;
	v7 =	vand.u32 $0x3FF, v18;
	v22 =	vadd.s32 s10, v2;
	s10 =	sadd.s32 $0xB3, s11  }
0xaf: {  	v48 =	vld [tilespmem:$0x1C250];
	v6 =	vadd.s32 $0xC350, v6;
	v20 =	vadd.s32 $0xC350, v7;
	v23 =	vadd.s32 s10, v2;
	s10 =	sadd.s32 $0xC3, s11  }
0xb0: {  	v51 =	vld [tilespmem:$0x1C260];
	v9 =	vand.u32 $0x3FF, v23;
	v27 =	vadd.s32 s10, v2;
	v3 =	vsub.s32 v3, v0  }
0xb1: {  	v55 =	vld [tilespmem:$0x1C270];
	s10 =	sadd.s32 $0xD3, s11;
	v4 =	vsub.s32 v15, v0;
	v5 =	vsub.s32 v16, v0;
	v8 =	vsub.s32 v19, v0  }
0xb2: {  	v25 =	vadd.s32 $0xC350, v9;
	v7 =	vsub.s32 v21, v0;
	v28 =	vadd.s32 s10, v2  }
0xb3: {  	v10 =	vsub.s32 v24, v0;
	v9 =	vsub.s32 v26, v0;
	v12 =	vsub.s32 v29, v0  }
0xb4: {  	v40 =	vsub.s32 v34, v0;
	v44 =	vsub.s32 v36, v0;
	v49 =	vsub.s32 v39, v0  }
0xb5: {  	v52 =	vsub.s32 v43, v0;
	v56 =	vsub.s32 v48, v0;
	v58 =	vsub.s32 v51, v0  }
0xb6: {  	v62 =	vsub.s32 v55, v0;
	vm12 =	vgt.u32 v3, $0xC34F;
	vm13 =	vgt.u32 v4, $0xC34F  }
0xb7: {  	v31 =	vld [tilespmem:$0x1C200];
	s10 =	sadd.s32 $0xE3, s11;
	vm14 =	vgt.u32 v5, $0xC34F;
	vm15 =	vgt.u32 v8, $0xC34F;
	vm4 =	vgt.u32 v7, $0xC34F  }
0xb8: {  	v11 =	vand.u32 $0x3FF, v28;
	vm5 =	vgt.u32 v10, $0xC34F;
	v32 =	vadd.s32 s10, v2  }
0xb9: {  	vm6 =	vgt.u32 v9, $0xC34F;
	vm7 =	vgt.u32 v12, $0xC34F;
	vm9 =	vgt.u32 v40, $0xC34F  }
0xba: {  	vm10 =	vgt.u32 v44, $0xC34F;
	vm11 =	vgt.u32 v49, $0xC34F;
	v3 =	vsel vm12, v6, v3  }
0xbb: {  	s10 =	sadd.s32 $0xF3, s11;
	v4 =	vsel vm13, v20, v4;
	v6 =	vand.u32 $0x3FF, v22;
	v30 =	vadd.s32 $0xC350, v11  }
0xbc: {  	v33 =	vadd.s32 s10, v2;
	v11 =	vsub.s32 v31, v0;
	vm12 =	vgt.u32 v52, $0xC34F  }
0xbd: {  	s10 =	sadd.s32 $0x103, s11;
	vm13 =	vgt.u32 v56, $0xC34F;
	v6 =	vadd.s32 $0xC350, v6;
	v13 =	vand.u32 $0x3FF, v33  }
0xbe: {  	v37 =	vadd.s32 s10, v2;
	vm8 =	vgt.u32 v11, $0xC34F;
	v5 =	vsel vm14, v6, v5  }
0xbf: {  	s10 =	sadd.s32 $0x113, s11;
	[tilespmem:$0x1C380] =	vst v3;
	v6 =	vsel vm15, v25, v8;
	v8 =	vand.u32 $0x3FF, v27;
	v35 =	vadd.s32 $0xC350, v13  }
0xc0: {  	[tilespmem:$0x1C390] =	vst v4;
	v38 =	vadd.s32 s10, v2;
	s10 =	sadd.s32 $0x123, s11;
	vm14 =	vgt.u32 v58, $0xC34F;
	v8 =	vadd.s32 $0xC350, v8  }
0xc1: {  	v41 =	vand.u32 $0x3FF, v38;
	[tilespmem:$0x1C3A0] =	vst v5;
	v45 =	vadd.s32 s10, v2;
	v7 =	vsel vm4, v8, v7  }
0xc2: {  	s10 =	sadd.s32 $0x133, s11;
	[tilespmem:$0x1C3B0] =	vst v6;
	v8 =	vsel vm5, v30, v10;
	v10 =	vand.u32 $0x3FF, v32;
	v42 =	vadd.s32 $0xC350, v41  }
0xc3: {  	v46 =	vand.u32 $0x3FF, v45;
	v47 =	vadd.s32 s10, v2;
	s10 =	sadd.s32 $0x143, s11;
	v10 =	vadd.s32 $0xC350, v10;
	[tilespmem:$0x1C3C0] =	vst v7  }
0xc4: {  	v4 =	vsel vm9, v42, v40;
	v6 =	vadd.s32 $0xC350, v46;
	[tilespmem:$0x1C3D0] =	vst v8;
	v53 =	vadd.s32 s10, v2  }
0xc5: {  	s10 =	sadd.s32 $0x153, s11;
	v9 =	vsel vm6, v10, v9;
	v10 =	vsel vm7, v35, v12;
	v12 =	vand.u32 $0x3FF, v37;
	[tilespmem:$0x1C410] =	vst v4  }
0xc6: {  	v5 =	vsel vm10, v6, v44;
	v54 =	vadd.s32 s10, v2;
	v3 =	vadd.s32 $0xC350, v12;
	[tilespmem:$0x1C3E0] =	vst v9  }
0xc7: {  	s10 =	sadd.s32 $0x163, s11;
	v12 =	vand.u32 $0x3FF, v47;
	[tilespmem:$0x1C3F0] =	vst v10;
	v9 =	vand.u32 $0x3FF, v53;
	v10 =	vand.u32 $0x3FF, v54  }
0xc8: {  	s11 =	sadd.s32 $0x173, s11;
	[tilespmem:$0x1C420] =	vst v5;
	v59 =	vadd.s32 s10, v2;
	v3 =	vsel vm8, v3, v11;
	v50 =	vadd.s32 $0xC350, v12  }
0xc9: {  	v61 =	vadd.s32 s11, v2;
	v6 =	vsel vm11, v50, v49;
	[tilespmem:$0x1C400] =	vst v3;
	v3 =	vadd.s32 $0xC350, v9  }
0xca: {  	v57 =	vadd.s32 $0xC350, v10;
	v60 =	vand.u32 $0x3FF, v59;
	v3 =	vsel vm12, v3, v52;
	[tilespmem:$0x1C430] =	vst v6  }
0xcb: {  	v7 =	vand.u32 $0x3FF, v61;
	v4 =	vsel vm13, v57, v56;
	[tilespmem:$0x1C440] =	vst v3;
	v3 =	vadd.s32 $0xC350, v60  }
0xcc: {  	vm15 =	vgt.u32 v62, $0xC34F;
	v63 =	vadd.s32 $0xC350, v7;
	[tilespmem:$0x1C450] =	vst v4;
	v3 =	vsel vm14, v3, v58  }
0xcd: {  	[tilespmem:$0x1C460] =	vst v3;
	v3 =	vsel vm15, v63, v62  }
0xce: {  	[tilespmem:$0x1C470] =	vst v3  }
0xcf: {  	_ =	swait.ge [sflag:s24], $0x1000  }
0xd0: {  	[sflag:s24] =	ssyncset.done $0x0  }
0xd1: {  	[sflag:s24] =	ssyncadd.s32 $0xFFFFF000  }
0xd2: {  	_ =	swait.ge [sflag:s24], $0x1000  }
0xd3: {  	[sflag:s24] =	ssyncset.done $0x0  }
0xd4: {  	[sflag:s24] =	ssyncadd.s32 $0xFFFFF000  }
0xd5: {  	[spmem:s2] =	stream.indirect.scatter.add.f32 [tilespmem:s19], [sflag:$0x3], $0x20, s25, s18, $0xb8;
	[tilespmem:$0x1E500] =	vst v63  }
0xd6: {  	_ = 	snop  }
0xd7: {  	[spmem:s2] =	stream.indirect.scatter.add.f32 [tilespmem:s20], [sflag:$0x3], $0x20, s26, s18, $0xb8;
	[tilespmem:$0x1E500] =	vst v63  }
0xd8: {  	_ = 	snop  }
0xd9: {  	[spmem:s3] =	stream.indirect.scatter.add.f32 [tilespmem:s28], [sflag:$0x3], $0x1, s25, s18, $0xb8;
	[tilespmem:$0x1E500] =	vst v63  }
0xda: {  	_ = 	snop  }
0xdb: {  	[spmem:s3] =	stream.indirect.scatter.add.f32 [tilespmem:s28], [sflag:$0x3], $0x1, s26, s18, $0xb8;
	[tilespmem:$0x1E500] =	vst v63  }
0xdc: {  	_ =	swait.ge [sflag:s29], $0x1000  }
0xdd: {  	[sflag:s29] =	ssyncset.done $0x0  }
0xde: {  	[sflag:s29] =	ssyncadd.s32 $0xFFFFF000  }
0xdf: {  	_ =	swait.ge [sflag:s29], $0x1000  }
0xe0: {  	[sflag:s29] =	ssyncset.done $0x0  }
0xe1: {  	[sflag:s29] =	ssyncadd.s32 $0xFFFFF000  }
0xe2: {  	[spmem:s2] =	stream.indirect.scatter.add.f32 [tilespmem:s22], [sflag:$0x6], $0x20, s30, s18, $0xb8;
	[tilespmem:$0x1E500] =	vst v63  }
0xe3: {  	_ = 	snop  }
0xe4: {  	[spmem:s2] =	stream.indirect.scatter.add.f32 [tilespmem:s23], [sflag:$0x6], $0x20, s31, s18, $0xb8;
	[tilespmem:$0x1E500] =	vst v63  }
0xe5: {  	_ = 	snop  }
0xe6: {  	[spmem:s3] =	stream.indirect.scatter.add.f32 [tilespmem:s28], [sflag:$0x6], $0x1, s30, s18, $0xb8;
	[tilespmem:$0x1E500] =	vst v63  }
0xe7: {  	_ = 	snop  }
0xe8: {  	[spmem:s3] =	stream.indirect.scatter.add.f32 [tilespmem:s28], [sflag:$0x6], $0x1, s31, s18, $0xb8;
	[tilespmem:$0x1E500] =	vst v63  }
0xe9: {  	_ =	swait.ge [sflag:s0], $0x1000  }
0xea: {  	[sflag:s0] =	ssyncset.done $0x0  }
0xeb: {  	[sflag:s0] =	ssyncadd.s32 $0xFFFFF000  }
0xec: {  	_ =	swait.ge [sflag:s0], $0x1000  }
0xed: {  	[sflag:s0] =	ssyncset.done $0x0  }
0xee: {  	[sflag:s0] =	ssyncadd.s32 $0xFFFFF000  }
0xef: {  	_ =	swait.ge [sflag:s0], $0x80  }
0xf0: {  	[sflag:s0] =	ssyncset.done $0x0  }
0xf1: {  	[sflag:s0] =	ssyncadd.s32 $0xFFFFFF80  }
0xf2: {  	_ =	swait.ge [sflag:s0], $0x80  }
0xf3: {  	[sflag:s0] =	ssyncset.done $0x0  }
0xf4: {  	[sflag:s0] =	ssyncadd.s32 $0xFFFFFF80  }
0xf5: {  	_ =	swait.ge [sflag:s1], $0x1000  }
0xf6: {  	[sflag:s1] =	ssyncset.done $0x0  }
0xf7: {  	[sflag:s1] =	ssyncadd.s32 $0xFFFFF000  }
0xf8: {  	_ =	swait.ge [sflag:s1], $0x1000  }
0xf9: {  	[sflag:s1] =	ssyncset.done $0x0  }
0xfa: {  	[sflag:s1] =	ssyncadd.s32 $0xFFFFF000  }
0xfb: {  	p0 =	sne.s32 s8, $0xC792;
	_ =	swait.ge [sflag:s1], $0x80  }
.Ltmp0:
0xfc: {  	[sflag:s1] =	ssyncset.done $0x0;
	(pc) =	sbr.rel @p0 .LBB2_2-.Ltmp0, $4  }
0xfd: {  	[sflag:s1] =	ssyncadd.s32 $0xFFFFFF80  }
0xfe: {  	_ =	swait.ge [sflag:s1], $0x80  }
0xff: {  	s13 =	sadd.s32 $0x40, s13;
	[sflag:s1] =	ssyncset.done $0x0  }
0x100: {  	s12 =	sadd.s32 $0x40, s12;
	s8 =	sadd.s32 $0x106, s8;
	[sflag:s1] =	ssyncadd.s32 $0xFFFFFF80  }
0x101: {  	[bflag:$0x0] =	sbarrier.arrive $0xFFFF  }
0x102: {  	s8 =	rddreg [dreg:$0xf]  }
0x103: {  	[hbm:s8], [sflag:s7] =	dma.local [spmem:s14], $0x3200  }
0x104: {  	_ =	swait.ge [sflag:s15], $0x3200  }
0x105: {  	[sflag:s15] =	ssyncset.done $0x0  }
0x106: {  	s12 =	rddreg [dreg:$0x10];
	[sflag:s15] =	ssyncadd.s32 $0xFFFFCE00  }
0x107: {  	[hbm:s12], [sflag:s7] =	dma.local [spmem:s16], $0x190  }
0x108: {  	_ =	swait.ge [sflag:s15], $0x190  }
0x109: {  	s6 =	sadd.s32 $0x1, s6;
	s13 =	rddreg [dreg:$0x11]  }
0x10a: {  	p0 =	sne.s32 s6, s13  }
.Ltmp1:
0x10b: {  	_ = 	snop;
	(pc) =	sbr.rel @p0 .LBB2_1-.Ltmp1, $3  }
0x10c: {  	_ =	sdelay $0x1  }
0x10d: {  	[sflag:s15] =	ssyncset.done $0x0  }
0x10e: {  	[sflag:s15] =	ssyncadd.s32 $0xFFFFFE70  }
0x10f: {  	_ =	sfence.sel $0x180000  }
0x110: {  	[bflag:$0x0] =	sbarrier.arrive $0xFFFF  }
0x111: {  	_ =	strace $0x90000047  }
0x112: {  	s0 =	stileid.u32;
	[bflag:$0x2] =	sbarrier.arrive $0xFFFF  }
0x113: {  	p0 =	sne.s32 s0, $0x0;
	s0 =	rddreg [dreg:$0x3]  }
0x114: {  	s0 =	sadd.s32 @!p0 $0x100000, s0  }
0x115: {  	[sflag:s0] =	ssyncadd.tile.s32 @!p0 $0x1;
	_ =	shalt  }
.Lfunc_end2:
_tile_overlayer_lowered:
.L_overlay_start_2:
0x116: {  	(tag) =	ssettag $0x2  }
0x117: {  	s0 =	rddreg [dreg:$0x0];
	s2 =	stileid.u32  }
0x118: {  	s1 =	rddreg [dreg:$0x1];
	p0 =	sne.s32 s2, $0x0  }
0x119: {  	s3 =	rddreg [dreg:$0x2];
	[bflag:$0x3] =	sbarrier.arrive $0xFFFF;
	s2 =	simm.s32 @!p0 $0x1C07  }
0x11a: {  	[timem:s3], [sflag:s2] =	dma.local @!p0 [hbm:s0], s1  }
0x11b: {  	s0 =	simm.s32 @!p0 $0x7  }
0x11c: {  	_ =	swait.ge @!p0 [sflag:s0], s1  }
0x11d: {  	s1 =	ssub.s32 @!p0 $0x0, s1;
	[sflag:s0] =	ssyncset.done @!p0 $0x0  }
0x11e: {  	[sflag:s0] =	ssyncadd.s32 @!p0 s1  }
0x11f: {  	[bflag:$0x3] =	sbarrier.arrive $0xFFFF  }
0x120: {  	_ =	shalt  }

</sc_bundles>
